<compile_context>
chip_gen: v7x
topology: tpu7x:2x2x1
jax: 0.10.2.dev20260603
libtpu: 0.0.44.dev20260713+nightly
codegen_flags: <defaults>
</compile_context>

<pallas_src>
import functools

import jax
import jax.numpy as jnp
from jax import lax
from jax.experimental import pallas as pl
from jax.experimental.pallas import tpu as pltpu
import jax.experimental.pallas.tpu_sc as plsc

N = 10000
E = 160000
SUB = 1000
G = 64
FEAT = 16
CS = 5

NPAD = 10240
NC = 2
NS = 16
NW = NC * NS
EPT = E // NW
CH = 1000
NCHUNK = EPT // CH
RPT = NPAD // NS


def _elu(v):
    return jnp.where(v > 0, v, jnp.exp(v) - 1.0)



def _sc_gather(table, idx, d):
    mesh = plsc.VectorSubcoreMesh(core_axis_name="c", subcore_axis_name="s")

    @functools.partial(
        pl.kernel,
        out_type=jax.ShapeDtypeStruct((E, d), jnp.float32),
        mesh=mesh,
        scratch_types=[
            pltpu.VMEM((EPT,), jnp.int32),
            pltpu.VMEM((2, CH, d), jnp.float32),
            pltpu.SemaphoreType.DMA,
            pltpu.SemaphoreType.DMA,
            pltpu.SemaphoreType.DMA,
            pltpu.SemaphoreType.DMA,
        ],
        compiler_params=pltpu.CompilerParams(use_tc_tiling_on_sc=False),
    )
    def k(table_hbm, idx_hbm, out_hbm, idx_v, rows_v, g0, g1, s0, s1):
        wid = lax.axis_index("s") * NC + lax.axis_index("c")
        base = wid * EPT
        gsem = (g0, g1)
        ssem = (s0, s1)
        pltpu.sync_copy(idx_hbm.at[pl.ds(base, EPT)], idx_v)
        gathers = [pltpu.async_copy(
            table_hbm.at[idx_v.at[pl.ds(0, CH)]], rows_v.at[0], gsem[0])]
        stores = []
        for j in range(NCHUNK):
            b = j % 2
            gathers[j].wait()
            if j >= 1:
                stores[j - 1].wait()
            if j + 1 < NCHUNK:
                gathers.append(pltpu.async_copy(
                    table_hbm.at[idx_v.at[pl.ds((j + 1) * CH, CH)]],
                    rows_v.at[1 - b], gsem[1 - b]))
            stores.append(pltpu.async_copy(
                rows_v.at[b], out_hbm.at[pl.ds(base + j * CH, CH)], ssem[b]))
        stores[NCHUNK - 1].wait()

    return k(table, idx)


def _sc_scatter_add(msg, dst, zeros, d):
    nbuf = 2 if d <= 32 else 1
    mesh = plsc.VectorSubcoreMesh(core_axis_name="c", subcore_axis_name="s")

    @functools.partial(
        pl.kernel,
        out_type=jax.ShapeDtypeStruct((NC, NPAD, d), jnp.float32),
        mesh=mesh,
        scratch_types=[
            pltpu.VMEM((nbuf, CH), jnp.int32),
            pltpu.VMEM((nbuf, CH, d), jnp.float32),
            pltpu.VMEM_SHARED((NPAD, d), jnp.float32),
            pltpu.SemaphoreType.DMA,
            pltpu.SemaphoreType.DMA,
            pltpu.SemaphoreType.DMA,
        ],
        compiler_params=pltpu.CompilerParams(use_tc_tiling_on_sc=False),
    )
    def k(msg_hbm, dst_hbm, z_hbm, out_hbm, idx_v, rows_v, acc, isem, l0, l1):
        c = lax.axis_index("c")
        s = lax.axis_index("s")
        rbase = s * RPT
        lsem = (l0, l1)
        zcp = pltpu.async_copy(z_hbm.at[pl.ds(rbase, RPT)],
                               acc.at[pl.ds(rbase, RPT)], isem)
        base = (s * NC + c) * EPT
        iloads = [pltpu.async_copy(
            dst_hbm.at[pl.ds(base, CH)], idx_v.at[0], lsem[0])]
        loads = [pltpu.async_copy(
            msg_hbm.at[pl.ds(base, CH)], rows_v.at[0], lsem[0])]
        zcp.wait()
        plsc.subcore_barrier()
        for j in range(NCHUNK):
            b = (j % 2) if nbuf == 2 else 0
            nb = 1 - b if nbuf == 2 else 0
            iloads[j].wait()
            loads[j].wait()
            if nbuf == 1:
                pltpu.sync_copy(rows_v.at[b], acc.at[idx_v.at[b]], add=True)
            if j + 1 < NCHUNK:
                iloads.append(pltpu.async_copy(
                    dst_hbm.at[pl.ds(base + (j + 1) * CH, CH)],
                    idx_v.at[nb], lsem[nb]))
                loads.append(pltpu.async_copy(
                    msg_hbm.at[pl.ds(base + (j + 1) * CH, CH)],
                    rows_v.at[nb], lsem[nb]))
            if nbuf == 2:
                pltpu.sync_copy(rows_v.at[b], acc.at[idx_v.at[b]], add=True)
        plsc.subcore_barrier()
        pltpu.sync_copy(acc.at[pl.ds(rbase, RPT)], out_hbm.at[c, pl.ds(rbase, RPT)])

    return k(msg, dst, zeros)



def _msg_body(m_in, m_out, eat_ref, xj_ref, w1t_ref, w2t_ref, b2t_ref, o_ref):
    h_t = jnp.maximum(jnp.dot(w1t_ref[...], eat_ref[...],
                              preferred_element_type=jnp.float32), 0.0)
    we_t = jnp.dot(w2t_ref[...], h_t.astype(jnp.bfloat16),
                   preferred_element_type=jnp.float32)
    xj_t = jnp.transpose(xj_ref[...])[:m_in, :]
    acc = jnp.dot(b2t_ref[...], xj_t, preferred_element_type=jnp.float32)
    for i in range(m_in):
        acc = acc + xj_t[i:i + 1, :] * we_t[i * m_out:(i + 1) * m_out, :]
    o_ref[...] = jnp.transpose(acc)


def _tc_msg(ea_aug_t, xj, w1, b1, w2, b2, m_in, m_out, blk):
    grid = E // blk
    w1t = jnp.concatenate([w1.T, b1.reshape(-1, 1)], axis=1)
    w2t = w2.T.astype(jnp.bfloat16)
    b2t = b2.reshape(m_in, m_out).T
    return pl.pallas_call(
        functools.partial(_msg_body, m_in, m_out),
        grid=(grid,),
        in_specs=[
            pl.BlockSpec((6, blk), lambda i: (0, i)),
            pl.BlockSpec((blk, xj.shape[1]), lambda i: (i, 0)),
            pl.BlockSpec(w1t.shape, lambda i: (0, 0)),
            pl.BlockSpec(w2t.shape, lambda i: (0, 0)),
            pl.BlockSpec(b2t.shape, lambda i: (0, 0)),
        ],
        out_specs=pl.BlockSpec((blk, m_out), lambda i: (i, 0)),
        out_shape=jax.ShapeDtypeStruct((E, m_out), jnp.float32),
    )(ea_aug_t, xj, w1t, w2t, b2t)


def _h1_body(agg_ref, x5_ref, root_ref, bias_ref, o_ref):
    a = agg_ref[0] + agg_ref[1]
    v = a + jnp.dot(x5_ref[...], root_ref[...],
                    preferred_element_type=jnp.float32) + bias_ref[...]
    o_ref[...] = _elu(v)


def _tc_h1(agg, x5, root, bias):
    blk = 1024
    grid = NPAD // blk
    return pl.pallas_call(
        _h1_body,
        grid=(grid,),
        in_specs=[
            pl.BlockSpec((NC, blk, 32), lambda i: (0, i, 0)),
            pl.BlockSpec((blk, 5), lambda i: (i, 0)),
            pl.BlockSpec((5, 32), lambda i: (0, 0)),
            pl.BlockSpec((1, 32), lambda i: (0, 0)),
        ],
        out_specs=pl.BlockSpec((blk, 32), lambda i: (i, 0)),
        out_shape=jax.ShapeDtypeStruct((NPAD, 32), jnp.float32),
    )(agg, x5, root, bias.reshape(1, 32))


def _pool1_body(agg_ref, h1_ref, root_ref, bias_ref, xc_ref, seg_ref, o_ref):
    i = pl.program_id(0)
    a = agg_ref[0] + agg_ref[1]
    h2 = _elu(a + jnp.dot(h1_ref[...], root_ref[...],
                          preferred_element_type=jnp.float32) + bias_ref[...])
    bn = h2.shape[0]
    ones = jnp.ones((bn, 1), jnp.float32)
    feat = jnp.concatenate([h2, xc_ref[...], ones], axis=1)
    seg = seg_ref[0]
    iota = lax.broadcasted_iota(jnp.int32, (SUB, bn), 0)
    oh = (iota == seg).astype(jnp.float32)

    @pl.when(i == 0)
    def _():
        o_ref[...] = jnp.zeros_like(o_ref)

    o_ref[...] += jnp.dot(oh, feat, preferred_element_type=jnp.float32)


def _tc_pool1(agg2, h1, root2, bias2, xc, seg3d):
    blk = 1024
    grid = NPAD // blk
    return pl.pallas_call(
        _pool1_body,
        grid=(grid,),
        in_specs=[
            pl.BlockSpec((NC, blk, 64), lambda i: (0, i, 0)),
            pl.BlockSpec((blk, 32), lambda i: (i, 0)),
            pl.BlockSpec((32, 64), lambda i: (0, 0)),
            pl.BlockSpec((1, 64), lambda i: (0, 0)),
            pl.BlockSpec((blk, 11), lambda i: (i, 0)),
            pl.BlockSpec((1, 1, blk), lambda i: (i, 0, 0)),
        ],
        out_specs=pl.BlockSpec((SUB, 76), lambda i: (0, 0)),
        out_shape=jax.ShapeDtypeStruct((SUB, 76), jnp.float32),
    )(agg2, h1, root2, bias2.reshape(1, 64), xc, seg3d)


def _final_body(ss_ref, s2g_ref, w1_ref, b1_ref, w2_ref, b2_ref, w3_ref, b3_ref,
                o_ref):
    ss = ss_ref[...]
    cnt1 = ss[:, 75:76]
    mean1 = ss / jnp.maximum(cnt1, 1.0)
    s2g = s2g_ref[...]
    iota = lax.broadcasted_iota(jnp.int32, (G, SUB), 0)
    oh = (iota == s2g).astype(jnp.float32)
    gsum = jnp.dot(oh, mean1, preferred_element_type=jnp.float32)
    cnt2 = jnp.sum(oh, axis=1, keepdims=True)
    gmean = gsum / jnp.maximum(cnt2, 1.0)
    h = gmean[:, :75]
    h = _elu(jnp.dot(h, w1_ref[...], preferred_element_type=jnp.float32) + b1_ref[...])
    h = _elu(jnp.dot(h, w2_ref[...], preferred_element_type=jnp.float32) + b2_ref[...])
    o_ref[...] = jnp.dot(h, w3_ref[...], preferred_element_type=jnp.float32) + b3_ref[...]


def _tc_final(sub_sums, s2g, fc1_W, fc1_b, fc2_W, fc2_b, fc3_W, fc3_b):
    return pl.pallas_call(
        _final_body,
        out_shape=jax.ShapeDtypeStruct((G, 1), jnp.float32),
    )(sub_sums, s2g.reshape(1, SUB), fc1_W, fc1_b.reshape(1, 32),
      fc2_W, fc2_b.reshape(1, 16), fc3_W, fc3_b.reshape(1, 1))



def kernel(x, edge_index, edge_attr, node_to_subgraph, subgraph_to_graph,
           nn1_W1, nn1_b1, nn1_W2, nn1_b2, root1, bias1,
           nn2_W1, nn2_b1, nn2_W2, nn2_b2, root2, bias2,
           fc1_W, fc1_b, fc2_W, fc2_b, fc3_W, fc3_b):
    src = edge_index[0]
    dst = edge_index[1]
    x_pad = jnp.pad(x, ((0, NPAD - N), (0, 0)))
    x5 = x_pad[:, :CS]
    xc = x_pad[:, CS:]
    ea_aug_t = jnp.concatenate(
        [edge_attr.T, jnp.ones((1, E), jnp.float32)], axis=0)

    xj1 = _sc_gather(x_pad, src, FEAT)
    msg1 = _tc_msg(ea_aug_t, xj1, nn1_W1, nn1_b1, nn1_W2, nn1_b2, CS, 32, 6400)
    agg1 = _sc_scatter_add(msg1, dst, jnp.zeros((NPAD, 32), jnp.float32), 32)
    h1 = _tc_h1(agg1, x5, root1, bias1)

    xj2 = _sc_gather(h1, src, 32)
    msg2 = _tc_msg(ea_aug_t, xj2, nn2_W1, nn2_b1, nn2_W2, nn2_b2, 32, 64, 3200)
    agg2 = _sc_scatter_add(msg2, dst, jnp.zeros((NPAD, 64), jnp.float32), 64)

    seg = jnp.concatenate(
        [node_to_subgraph, jnp.full((NPAD - N,), SUB, jnp.int32)]).reshape(
            NPAD // 1024, 1, 1024)
    sub_sums = _tc_pool1(agg2, h1, root2, bias2, xc, seg)
    out = _tc_final(sub_sums, subgraph_to_graph,
                    fc1_W, fc1_b, fc2_W, fc2_b, fc3_W, fc3_b)
    return out.reshape(-1)

# --- scband reference (transcript-rebuilt; emitter-appended) ---
"""Pipeline reference for scband-k1-gnn-sub-sep-87729001988946 (READ-ONLY COPY).

The authoritative reference and input builder live on the scoring server;
editing this copy changes nothing except your own understanding.
"""

import jax, jax.numpy as jnp
import numpy as np

N = 10000
E = 160000
NUM_SUB = 1000
NUM_GRAPH = 64
NUM_FEAT = 16
CONT_START = 5


def _nnconv(x, src, dst, edge_attr, W1, b1, W2, b2, Wroot, bias, m_in, m_out):
    h = jax.nn.relu(edge_attr @ W1 + b1)
    We = (h @ W2 + b2).reshape(-1, m_in, m_out)
    xj = jnp.take(x, src, axis=0)
    msg = jnp.einsum('ei,eio->eo', xj, We)
    agg = jax.ops.segment_sum(msg, dst, num_segments=N)
    return agg + x @ Wroot + bias


def _mean_pool(x, seg, num_segments):
    s = jax.ops.segment_sum(x, seg, num_segments=num_segments)
    cnt = jax.ops.segment_sum(jnp.ones((x.shape[0],), x.dtype), seg, num_segments=num_segments)
    return s / jnp.clip(cnt, 1.0, None)[:, None]


def setup_inputs(seed: int = 0):
    key = jax.random.key(seed)
    ks = jax.random.split(key, 20)

    def w(k, shape, fan_in):
        return (jax.random.normal(k, shape, jnp.float32) / np.sqrt(fan_in)).astype(jnp.float32)

    inp = {}
    inp['x'] = jax.random.normal(ks[0], (N, NUM_FEAT), jnp.float32)
    inp['edge_index'] = jax.random.randint(ks[1], (2, E), 0, N, dtype=jnp.int32)
    inp['edge_attr'] = jax.random.normal(ks[2], (E, 5), jnp.float32)
    inp['node_to_subgraph'] = jnp.sort(jax.random.randint(ks[3], (N,), 0, NUM_SUB, dtype=jnp.int32))
    inp['subgraph_to_graph'] = jnp.sort(jax.random.randint(ks[4], (NUM_SUB,), 0, NUM_GRAPH, dtype=jnp.int32))
    inp['nn1_W1'] = w(ks[5], (5, 128), 5)
    inp['nn1_b1'] = jnp.zeros((128,), jnp.float32)
    inp['nn1_W2'] = w(ks[6], (128, 5 * 32), 128)
    inp['nn1_b2'] = jnp.zeros((5 * 32,), jnp.float32)
    inp['root1'] = w(ks[7], (5, 32), 5)
    inp['bias1'] = jnp.zeros((32,), jnp.float32)
    inp['nn2_W1'] = w(ks[8], (5, 128), 5)
    inp['nn2_b1'] = jnp.zeros((128,), jnp.float32)
    inp['nn2_W2'] = w(ks[9], (128, 32 * 64), 128)
    inp['nn2_b2'] = jnp.zeros((32 * 64,), jnp.float32)
    inp['root2'] = w(ks[10], (32, 64), 32)
    inp['bias2'] = jnp.zeros((64,), jnp.float32)
    inp['fc1_W'] = w(ks[11], (64 + NUM_FEAT - CONT_START, 32), 75)
    inp['fc1_b'] = jnp.zeros((32,), jnp.float32)
    inp['fc2_W'] = w(ks[12], (32, 16), 32)
    inp['fc2_b'] = jnp.zeros((16,), jnp.float32)
    inp['fc3_W'] = w(ks[13], (16, 1), 16)
    inp['fc3_b'] = jnp.zeros((1,), jnp.float32)
    return inp


def reference(x, edge_index, edge_attr, node_to_subgraph, subgraph_to_graph,
              nn1_W1, nn1_b1, nn1_W2, nn1_b2, root1, bias1,
              nn2_W1, nn2_b1, nn2_W2, nn2_b2, root2, bias2,
              fc1_W, fc1_b, fc2_W, fc2_b, fc3_W, fc3_b):
    src = edge_index[0]
    dst = edge_index[1]
    h = x[:, :CONT_START]
    h = jax.nn.elu(_nnconv(h, src, dst, edge_attr, nn1_W1, nn1_b1, nn1_W2, nn1_b2, root1, bias1, 5, 32))
    h = jax.nn.elu(_nnconv(h, src, dst, edge_attr, nn2_W1, nn2_b1, nn2_W2, nn2_b2, root2, bias2, 32, 64))
    x_cont = x[:, CONT_START:]
    h = jnp.concatenate([h, x_cont], axis=1)
    h = _mean_pool(h, node_to_subgraph, NUM_SUB)
    h = _mean_pool(h, subgraph_to_graph, NUM_GRAPH)
    h = jax.nn.elu(h @ fc1_W + fc1_b)
    h = jax.nn.elu(h @ fc2_W + fc2_b)
    h = h @ fc3_W + fc3_b
    return h.reshape(-1)

if __name__ == "__main__":
    import jax
    _d = setup_inputs()
    print(jax.jit(kernel)(*tuple(_d.values())))

</pallas_src>

<mosaic_0001>
#map = affine_map<(d0, d1) -> (0, 0)>
#map1 = affine_map<(d0, d1) -> (0)>
module attributes {stable_mosaic.version = 14 : i64} {
  func.func @k(%arg0: i32, %arg1: i32, %arg2: memref<10240x16xf32, #tpu.memory_space<hbm>>, %arg3: memref<160000xi32, #tpu.memory_space<hbm>>, %arg4: memref<160000x16xf32, #tpu.memory_space<hbm>>, %arg5: memref<5000xi32, #tpu.memory_space<vmem>>, %arg6: memref<2x1000x16xf32, #tpu.memory_space<vmem>>, %arg7: memref<!tpu.dma_semaphore, #tpu.memory_space<semaphore_mem>>, %arg8: memref<!tpu.dma_semaphore, #tpu.memory_space<semaphore_mem>>, %arg9: memref<!tpu.dma_semaphore, #tpu.memory_space<semaphore_mem>>, %arg10: memref<!tpu.dma_semaphore, #tpu.memory_space<semaphore_mem>>) attributes {dimension_semantics = [#tpu.dimension_semantics<core_parallel>, #tpu.dimension_semantics<subcore_parallel>], iteration_bounds = array<i64: 2, 16>, scalar_prefetch = 0 : i64, scratch_operands = 6 : i64, tpu.core_type = #tpu.core_type<sc_vector_subcore>, window_params = [{transform_indices = #map}, {transform_indices = #map1}, {transform_indices = #map}]} {
    %mul3A = arith.constant 2 : i32
    %mul3A_0 = arith.muli %arg1, %mul3A : i32
    %add3A = arith.addi %mul3A_0, %arg0 : i32
    %mul3A_1 = arith.constant 5000 : i32
    %mul3A_2 = arith.muli %add3A, %mul3A_1 : i32
    "tpu.region"() ({
      %run_scoped3A = tpu.sem_alloc : memref<!tpu.dma_semaphore, #tpu.memory_space<semaphore_mem>>
      %dma_start3A_241 = tpu.memref_slice %arg3[%mul3A_2] : memref<160000xi32, #tpu.memory_space<hbm>> -> memref<5000xi32, #tpu.memory_space<hbm>>
      %dma_start3A_242 = tpu.memref_slice %arg3[%mul3A_2] : memref<160000xi32, #tpu.memory_space<hbm>> -> memref<5000xi32, #tpu.memory_space<hbm>>
      tpu.enqueue_dma source(%dma_start3A_242 : memref<5000xi32, #tpu.memory_space<hbm>>) target(%arg5 : memref<5000xi32, #tpu.memory_space<vmem>>) target_semaphore(%run_scoped3A : memref<!tpu.dma_semaphore, #tpu.memory_space<semaphore_mem>>)
      %dma_wait3A_243 = tpu.memref_slice %arg3[%mul3A_2] : memref<160000xi32, #tpu.memory_space<hbm>> -> memref<5000xi32, #tpu.memory_space<hbm>>
      %dma_wait3A_244 = tpu.memref_slice %arg3[%mul3A_2] : memref<160000xi32, #tpu.memory_space<hbm>> -> memref<5000xi32, #tpu.memory_space<hbm>>
      tpu.wait_dma2 semaphore(%run_scoped3A : memref<!tpu.dma_semaphore, #tpu.memory_space<semaphore_mem>>) src(%dma_wait3A_244 : memref<5000xi32, #tpu.memory_space<hbm>>) dst(%arg5 : memref<5000xi32, #tpu.memory_space<vmem>>)
      tpu.yield
    }) : () -> ()
    %dma_start3A = arith.constant 0 : i32
    %dma_start3A_3 = arith.constant 0 : i32
    %dma_start3A_4 = arith.constant 0 : i32
    %dma_start3A_5 = tpu.memref_slice %arg6[%dma_start3A, %dma_start3A_3, %dma_start3A_4] : memref<2x1000x16xf32, #tpu.memory_space<vmem>> -> memref<1x1000x16xf32, #tpu.memory_space<vmem>>
    %dma_start3A_6 = tpu.memref_squeeze %dma_start3A_5 : memref<1x1000x16xf32, #tpu.memory_space<vmem>> -> memref<1000x16xf32, #tpu.memory_space<vmem>>
    %dma_start3A_7 = arith.constant 0 : i32
    %dma_start3A_8 = tpu.memref_slice %arg5[%dma_start3A_7] : memref<5000xi32, #tpu.memory_space<vmem>> -> memref<1000xi32, #tpu.memory_space<vmem>>
    %dma_start3A_9 = arith.constant 0 : i32
    %dma_start3A_10 = arith.constant 0 : i32
    %dma_start3A_11 = tpu.memref_slice %arg2[%dma_start3A_9, %dma_start3A_10] : memref<10240x16xf32, #tpu.memory_space<hbm>> -> memref<10240x16xf32, #tpu.memory_space<hbm>>
    tpu.enqueue_indirect_dma source(%dma_start3A_11 : memref<10240x16xf32, #tpu.memory_space<hbm>>) target(%dma_start3A_6 : memref<1000x16xf32, #tpu.memory_space<vmem>>) offsets(%dma_start3A_8 : memref<1000xi32, #tpu.memory_space<vmem>>) semaphore(%arg7 : memref<!tpu.dma_semaphore, #tpu.memory_space<semaphore_mem>>)
    %dma_wait3A = arith.constant 0 : i32
    %dma_wait3A_12 = arith.constant 0 : i32
    %dma_wait3A_13 = arith.constant 0 : i32
    %dma_wait3A_14 = tpu.memref_slice %arg6[%dma_wait3A, %dma_wait3A_12, %dma_wait3A_13] : memref<2x1000x16xf32, #tpu.memory_space<vmem>> -> memref<1x1000x16xf32, #tpu.memory_space<vmem>>
    %dma_wait3A_15 = tpu.memref_squeeze %dma_wait3A_14 : memref<1x1000x16xf32, #tpu.memory_space<vmem>> -> memref<1000x16xf32, #tpu.memory_space<vmem>>
    %dma_wait3A_16 = arith.constant 0 : i32
    %dma_wait3A_17 = tpu.memref_slice %arg5[%dma_wait3A_16] : memref<5000xi32, #tpu.memory_space<vmem>> -> memref<1000xi32, #tpu.memory_space<vmem>>
    %dma_wait3A_18 = arith.constant 0 : i32
    %dma_wait3A_19 = arith.constant 0 : i32
    %dma_wait3A_20 = tpu.memref_slice %arg2[%dma_wait3A_18, %dma_wait3A_19] : memref<10240x16xf32, #tpu.memory_space<hbm>> -> memref<10240x16xf32, #tpu.memory_space<hbm>>
    tpu.wait_indirect_dma semaphore(%arg7 : memref<!tpu.dma_semaphore, #tpu.memory_space<semaphore_mem>>) src(%dma_wait3A_20 : memref<10240x16xf32, #tpu.memory_space<hbm>>) dst(%dma_wait3A_15 : memref<1000x16xf32, #tpu.memory_space<vmem>>)
    %dma_start3A_21 = arith.constant 1 : i32
    %dma_start3A_22 = arith.constant 0 : i32
    %dma_start3A_23 = arith.constant 0 : i32
    %dma_start3A_24 = tpu.memref_slice %arg6[%dma_start3A_21, %dma_start3A_22, %dma_start3A_23] : memref<2x1000x16xf32, #tpu.memory_space<vmem>> -> memref<1x1000x16xf32, #tpu.memory_space<vmem>>
    %dma_start3A_25 = tpu.memref_squeeze %dma_start3A_24 : memref<1x1000x16xf32, #tpu.memory_space<vmem>> -> memref<1000x16xf32, #tpu.memory_space<vmem>>
    %dma_start3A_26 = arith.constant 1000 : i32
    %dma_start3A_27 = tpu.memref_slice %arg5[%dma_start3A_26] : memref<5000xi32, #tpu.memory_space<vmem>> -> memref<1000xi32, #tpu.memory_space<vmem>>
    %dma_start3A_28 = arith.constant 0 : i32
    %dma_start3A_29 = arith.constant 0 : i32
    %dma_start3A_30 = tpu.memref_slice %arg2[%dma_start3A_28, %dma_start3A_29] : memref<10240x16xf32, #tpu.memory_space<hbm>> -> memref<10240x16xf32, #tpu.memory_space<hbm>>
    tpu.enqueue_indirect_dma source(%dma_start3A_30 : memref<10240x16xf32, #tpu.memory_space<hbm>>) target(%dma_start3A_25 : memref<1000x16xf32, #tpu.memory_space<vmem>>) offsets(%dma_start3A_27 : memref<1000xi32, #tpu.memory_space<vmem>>) semaphore(%arg8 : memref<!tpu.dma_semaphore, #tpu.memory_space<semaphore_mem>>)
    %add3A_31 = arith.constant 0 : i32
    %add3A_32 = arith.addi %mul3A_2, %add3A_31 : i32
    %dma_start3A_33 = arith.constant 0 : i32
    %dma_start3A_34 = arith.constant 0 : i32
    %dma_start3A_35 = arith.constant 0 : i32
    %dma_start3A_36 = tpu.memref_slice %arg6[%dma_start3A_33, %dma_start3A_34, %dma_start3A_35] : memref<2x1000x16xf32, #tpu.memory_space<vmem>> -> memref<1x1000x16xf32, #tpu.memory_space<vmem>>
    %dma_start3A_37 = tpu.memref_squeeze %dma_start3A_36 : memref<1x1000x16xf32, #tpu.memory_space<vmem>> -> memref<1000x16xf32, #tpu.memory_space<vmem>>
    %dma_start3A_38 = arith.constant 0 : i32
    %dma_start3A_39 = tpu.memref_slice %arg4[%add3A_32, %dma_start3A_38] : memref<160000x16xf32, #tpu.memory_space<hbm>> -> memref<1000x16xf32, #tpu.memory_space<hbm>>
    %dma_start3A_40 = arith.constant 0 : i32
    %dma_start3A_41 = tpu.memref_slice %arg4[%add3A_32, %dma_start3A_40] : memref<160000x16xf32, #tpu.memory_space<hbm>> -> memref<1000x16xf32, #tpu.memory_space<hbm>>
    %dma_start3A_42 = arith.constant 0 : i32
    %dma_start3A_43 = arith.constant 0 : i32
    %dma_start3A_44 = tpu.memref_slice %arg6[%dma_start3A_33, %dma_start3A_42, %dma_start3A_43] : memref<2x1000x16xf32, #tpu.memory_space<vmem>> -> memref<1x1000x16xf32, #tpu.memory_space<vmem>>
    %dma_start3A_45 = tpu.memref_squeeze %dma_start3A_44 : memref<1x1000x16xf32, #tpu.memory_space<vmem>> -> memref<1000x16xf32, #tpu.memory_space<vmem>>
    tpu.enqueue_dma source(%dma_start3A_45 : memref<1000x16xf32, #tpu.memory_space<vmem>>) target(%dma_start3A_41 : memref<1000x16xf32, #tpu.memory_space<hbm>>) target_semaphore(%arg9 : memref<!tpu.dma_semaphore, #tpu.memory_space<semaphore_mem>>)
    %dma_wait3A_46 = arith.constant 1 : i32
    %dma_wait3A_47 = arith.constant 0 : i32
    %dma_wait3A_48 = arith.constant 0 : i32
    %dma_wait3A_49 = tpu.memref_slice %arg6[%dma_wait3A_46, %dma_wait3A_47, %dma_wait3A_48] : memref<2x1000x16xf32, #tpu.memory_space<vmem>> -> memref<1x1000x16xf32, #tpu.memory_space<vmem>>
    %dma_wait3A_50 = tpu.memref_squeeze %dma_wait3A_49 : memref<1x1000x16xf32, #tpu.memory_space<vmem>> -> memref<1000x16xf32, #tpu.memory_space<vmem>>
    %dma_wait3A_51 = arith.constant 1000 : i32
    %dma_wait3A_52 = tpu.memref_slice %arg5[%dma_wait3A_51] : memref<5000xi32, #tpu.memory_space<vmem>> -> memref<1000xi32, #tpu.memory_space<vmem>>
    %dma_wait3A_53 = arith.constant 0 : i32
    %dma_wait3A_54 = arith.constant 0 : i32
    %dma_wait3A_55 = tpu.memref_slice %arg2[%dma_wait3A_53, %dma_wait3A_54] : memref<10240x16xf32, #tpu.memory_space<hbm>> -> memref<10240x16xf32, #tpu.memory_space<hbm>>
    tpu.wait_indirect_dma semaphore(%arg8 : memref<!tpu.dma_semaphore, #tpu.memory_space<semaphore_mem>>) src(%dma_wait3A_55 : memref<10240x16xf32, #tpu.memory_space<hbm>>) dst(%dma_wait3A_50 : memref<1000x16xf32, #tpu.memory_space<vmem>>)
    %dma_wait3A_56 = arith.constant 0 : i32
    %dma_wait3A_57 = arith.constant 0 : i32
    %dma_wait3A_58 = arith.constant 0 : i32
    %dma_wait3A_59 = tpu.memref_slice %arg6[%dma_wait3A_56, %dma_wait3A_57, %dma_wait3A_58] : memref<2x1000x16xf32, #tpu.memory_space<vmem>> -> memref<1x1000x16xf32, #tpu.memory_space<vmem>>
    %dma_wait3A_60 = tpu.memref_squeeze %dma_wait3A_59 : memref<1x1000x16xf32, #tpu.memory_space<vmem>> -> memref<1000x16xf32, #tpu.memory_space<vmem>>
    %dma_wait3A_61 = arith.constant 0 : i32
    %dma_wait3A_62 = tpu.memref_slice %arg4[%add3A_32, %dma_wait3A_61] : memref<160000x16xf32, #tpu.memory_space<hbm>> -> memref<1000x16xf32, #tpu.memory_space<hbm>>
    %dma_wait3A_63 = arith.constant 0 : i32
    %dma_wait3A_64 = tpu.memref_slice %arg4[%add3A_32, %dma_wait3A_63] : memref<160000x16xf32, #tpu.memory_space<hbm>> -> memref<1000x16xf32, #tpu.memory_space<hbm>>
    %dma_wait3A_65 = arith.constant 0 : i32
    %dma_wait3A_66 = arith.constant 0 : i32
    %dma_wait3A_67 = tpu.memref_slice %arg6[%dma_wait3A_56, %dma_wait3A_65, %dma_wait3A_66] : memref<2x1000x16xf32, #tpu.memory_space<vmem>> -> memref<1x1000x16xf32, #tpu.memory_space<vmem>>
    %dma_wait3A_68 = tpu.memref_squeeze %dma_wait3A_67 : memref<1x1000x16xf32, #tpu.memory_space<vmem>> -> memref<1000x16xf32, #tpu.memory_space<vmem>>
    tpu.wait_dma2 semaphore(%arg9 : memref<!tpu.dma_semaphore, #tpu.memory_space<semaphore_mem>>) src(%dma_wait3A_68 : memref<1000x16xf32, #tpu.memory_space<vmem>>) dst(%dma_wait3A_64 : memref<1000x16xf32, #tpu.memory_space<hbm>>)
    %dma_start3A_69 = arith.constant 0 : i32
    %dma_start3A_70 = arith.constant 0 : i32
    %dma_start3A_71 = arith.constant 0 : i32
    %dma_start3A_72 = tpu.memref_slice %arg6[%dma_start3A_69, %dma_start3A_70, %dma_start3A_71] : memref<2x1000x16xf32, #tpu.memory_space<vmem>> -> memref<1x1000x16xf32, #tpu.memory_space<vmem>>
    %dma_start3A_73 = tpu.memref_squeeze %dma_start3A_72 : memref<1x1000x16xf32, #tpu.memory_space<vmem>> -> memref<1000x16xf32, #tpu.memory_space<vmem>>
    %dma_start3A_74 = arith.constant 2000 : i32
    %dma_start3A_75 = tpu.memref_slice %arg5[%dma_start3A_74] : memref<5000xi32, #tpu.memory_space<vmem>> -> memref<1000xi32, #tpu.memory_space<vmem>>
    %dma_start3A_76 = arith.constant 0 : i32
    %dma_start3A_77 = arith.constant 0 : i32
    %dma_start3A_78 = tpu.memref_slice %arg2[%dma_start3A_76, %dma_start3A_77] : memref<10240x16xf32, #tpu.memory_space<hbm>> -> memref<10240x16xf32, #tpu.memory_space<hbm>>
    tpu.enqueue_indirect_dma source(%dma_start3A_78 : memref<10240x16xf32, #tpu.memory_space<hbm>>) target(%dma_start3A_73 : memref<1000x16xf32, #tpu.memory_space<vmem>>) offsets(%dma_start3A_75 : memref<1000xi32, #tpu.memory_space<vmem>>) semaphore(%arg7 : memref<!tpu.dma_semaphore, #tpu.memory_space<semaphore_mem>>)
    %add3A_79 = arith.constant 1000 : i32
    %add3A_80 = arith.addi %mul3A_2, %add3A_79 : i32
    %dma_start3A_81 = arith.constant 1 : i32
    %dma_start3A_82 = arith.constant 0 : i32
    %dma_start3A_83 = arith.constant 0 : i32
    %dma_start3A_84 = tpu.memref_slice %arg6[%dma_start3A_81, %dma_start3A_82, %dma_start3A_83] : memref<2x1000x16xf32, #tpu.memory_space<vmem>> -> memref<1x1000x16xf32, #tpu.memory_space<vmem>>
    %dma_start3A_85 = tpu.memref_squeeze %dma_start3A_84 : memref<1x1000x16xf32, #tpu.memory_space<vmem>> -> memref<1000x16xf32, #tpu.memory_space<vmem>>
    %dma_start3A_86 = arith.constant 0 : i32
    %dma_start3A_87 = tpu.memref_slice %arg4[%add3A_80, %dma_start3A_86] : memref<160000x16xf32, #tpu.memory_space<hbm>> -> memref<1000x16xf32, #tpu.memory_space<hbm>>
    %dma_start3A_88 = arith.constant 0 : i32
    %dma_start3A_89 = tpu.memref_slice %arg4[%add3A_80, %dma_start3A_88] : memref<160000x16xf32, #tpu.memory_space<hbm>> -> memref<1000x16xf32, #tpu.memory_space<hbm>>
    %dma_start3A_90 = arith.constant 0 : i32
    %dma_start3A_91 = arith.constant 0 : i32
    %dma_start3A_92 = tpu.memref_slice %arg6[%dma_start3A_81, %dma_start3A_90, %dma_start3A_91] : memref<2x1000x16xf32, #tpu.memory_space<vmem>> -> memref<1x1000x16xf32, #tpu.memory_space<vmem>>
    %dma_start3A_93 = tpu.memref_squeeze %dma_start3A_92 : memref<1x1000x16xf32, #tpu.memory_space<vmem>> -> memref<1000x16xf32, #tpu.memory_space<vmem>>
    tpu.enqueue_dma source(%dma_start3A_93 : memref<1000x16xf32, #tpu.memory_space<vmem>>) target(%dma_start3A_89 : memref<1000x16xf32, #tpu.memory_space<hbm>>) target_semaphore(%arg10 : memref<!tpu.dma_semaphore, #tpu.memory_space<semaphore_mem>>)
    %dma_wait3A_94 = arith.constant 0 : i32
    %dma_wait3A_95 = arith.constant 0 : i32
    %dma_wait3A_96 = arith.constant 0 : i32
    %dma_wait3A_97 = tpu.memref_slice %arg6[%dma_wait3A_94, %dma_wait3A_95, %dma_wait3A_96] : memref<2x1000x16xf32, #tpu.memory_space<vmem>> -> memref<1x1000x16xf32, #tpu.memory_space<vmem>>
    %dma_wait3A_98 = tpu.memref_squeeze %dma_wait3A_97 : memref<1x1000x16xf32, #tpu.memory_space<vmem>> -> memref<1000x16xf32, #tpu.memory_space<vmem>>
    %dma_wait3A_99 = arith.constant 2000 : i32
    %dma_wait3A_100 = tpu.memref_slice %arg5[%dma_wait3A_99] : memref<5000xi32, #tpu.memory_space<vmem>> -> memref<1000xi32, #tpu.memory_space<vmem>>
    %dma_wait3A_101 = arith.constant 0 : i32
    %dma_wait3A_102 = arith.constant 0 : i32
    %dma_wait3A_103 = tpu.memref_slice %arg2[%dma_wait3A_101, %dma_wait3A_102] : memref<10240x16xf32, #tpu.memory_space<hbm>> -> memref<10240x16xf32, #tpu.memory_space<hbm>>
    tpu.wait_indirect_dma semaphore(%arg7 : memref<!tpu.dma_semaphore, #tpu.memory_space<semaphore_mem>>) src(%dma_wait3A_103 : memref<10240x16xf32, #tpu.memory_space<hbm>>) dst(%dma_wait3A_98 : memref<1000x16xf32, #tpu.memory_space<vmem>>)
    %dma_wait3A_104 = arith.constant 1 : i32
    %dma_wait3A_105 = arith.constant 0 : i32
    %dma_wait3A_106 = arith.constant 0 : i32
    %dma_wait3A_107 = tpu.memref_slice %arg6[%dma_wait3A_104, %dma_wait3A_105, %dma_wait3A_106] : memref<2x1000x16xf32, #tpu.memory_space<vmem>> -> memref<1x1000x16xf32, #tpu.memory_space<vmem>>
    %dma_wait3A_108 = tpu.memref_squeeze %dma_wait3A_107 : memref<1x1000x16xf32, #tpu.memory_space<vmem>> -> memref<1000x16xf32, #tpu.memory_space<vmem>>
    %dma_wait3A_109 = arith.constant 0 : i32
    %dma_wait3A_110 = tpu.memref_slice %arg4[%add3A_80, %dma_wait3A_109] : memref<160000x16xf32, #tpu.memory_space<hbm>> -> memref<1000x16xf32, #tpu.memory_space<hbm>>
    %dma_wait3A_111 = arith.constant 0 : i32
    %dma_wait3A_112 = tpu.memref_slice %arg4[%add3A_80, %dma_wait3A_111] : memref<160000x16xf32, #tpu.memory_space<hbm>> -> memref<1000x16xf32, #tpu.memory_space<hbm>>
    %dma_wait3A_113 = arith.constant 0 : i32
    %dma_wait3A_114 = arith.constant 0 : i32
    %dma_wait3A_115 = tpu.memref_slice %arg6[%dma_wait3A_104, %dma_wait3A_113, %dma_wait3A_114] : memref<2x1000x16xf32, #tpu.memory_space<vmem>> -> memref<1x1000x16xf32, #tpu.memory_space<vmem>>
    %dma_wait3A_116 = tpu.memref_squeeze %dma_wait3A_115 : memref<1x1000x16xf32, #tpu.memory_space<vmem>> -> memref<1000x16xf32, #tpu.memory_space<vmem>>
    tpu.wait_dma2 semaphore(%arg10 : memref<!tpu.dma_semaphore, #tpu.memory_space<semaphore_mem>>) src(%dma_wait3A_116 : memref<1000x16xf32, #tpu.memory_space<vmem>>) dst(%dma_wait3A_112 : memref<1000x16xf32, #tpu.memory_space<hbm>>)
    %dma_start3A_117 = arith.constant 1 : i32
    %dma_start3A_118 = arith.constant 0 : i32
    %dma_start3A_119 = arith.constant 0 : i32
    %dma_start3A_120 = tpu.memref_slice %arg6[%dma_start3A_117, %dma_start3A_118, %dma_start3A_119] : memref<2x1000x16xf32, #tpu.memory_space<vmem>> -> memref<1x1000x16xf32, #tpu.memory_space<vmem>>
    %dma_start3A_121 = tpu.memref_squeeze %dma_start3A_120 : memref<1x1000x16xf32, #tpu.memory_space<vmem>> -> memref<1000x16xf32, #tpu.memory_space<vmem>>
    %dma_start3A_122 = arith.constant 3000 : i32
    %dma_start3A_123 = tpu.memref_slice %arg5[%dma_start3A_122] : memref<5000xi32, #tpu.memory_space<vmem>> -> memref<1000xi32, #tpu.memory_space<vmem>>
    %dma_start3A_124 = arith.constant 0 : i32
    %dma_start3A_125 = arith.constant 0 : i32
    %dma_start3A_126 = tpu.memref_slice %arg2[%dma_start3A_124, %dma_start3A_125] : memref<10240x16xf32, #tpu.memory_space<hbm>> -> memref<10240x16xf32, #tpu.memory_space<hbm>>
    tpu.enqueue_indirect_dma source(%dma_start3A_126 : memref<10240x16xf32, #tpu.memory_space<hbm>>) target(%dma_start3A_121 : memref<1000x16xf32, #tpu.memory_space<vmem>>) offsets(%dma_start3A_123 : memref<1000xi32, #tpu.memory_space<vmem>>) semaphore(%arg8 : memref<!tpu.dma_semaphore, #tpu.memory_space<semaphore_mem>>)
    %add3A_127 = arith.constant 2000 : i32
    %add3A_128 = arith.addi %mul3A_2, %add3A_127 : i32
    %dma_start3A_129 = arith.constant 0 : i32
    %dma_start3A_130 = arith.constant 0 : i32
    %dma_start3A_131 = arith.constant 0 : i32
    %dma_start3A_132 = tpu.memref_slice %arg6[%dma_start3A_129, %dma_start3A_130, %dma_start3A_131] : memref<2x1000x16xf32, #tpu.memory_space<vmem>> -> memref<1x1000x16xf32, #tpu.memory_space<vmem>>
    %dma_start3A_133 = tpu.memref_squeeze %dma_start3A_132 : memref<1x1000x16xf32, #tpu.memory_space<vmem>> -> memref<1000x16xf32, #tpu.memory_space<vmem>>
    %dma_start3A_134 = arith.constant 0 : i32
    %dma_start3A_135 = tpu.memref_slice %arg4[%add3A_128, %dma_start3A_134] : memref<160000x16xf32, #tpu.memory_space<hbm>> -> memref<1000x16xf32, #tpu.memory_space<hbm>>
    %dma_start3A_136 = arith.constant 0 : i32
    %dma_start3A_137 = tpu.memref_slice %arg4[%add3A_128, %dma_start3A_136] : memref<160000x16xf32, #tpu.memory_space<hbm>> -> memref<1000x16xf32, #tpu.memory_space<hbm>>
    %dma_start3A_138 = arith.constant 0 : i32
    %dma_start3A_139 = arith.constant 0 : i32
    %dma_start3A_140 = tpu.memref_slice %arg6[%dma_start3A_129, %dma_start3A_138, %dma_start3A_139] : memref<2x1000x16xf32, #tpu.memory_space<vmem>> -> memref<1x1000x16xf32, #tpu.memory_space<vmem>>
    %dma_start3A_141 = tpu.memref_squeeze %dma_start3A_140 : memref<1x1000x16xf32, #tpu.memory_space<vmem>> -> memref<1000x16xf32, #tpu.memory_space<vmem>>
    tpu.enqueue_dma source(%dma_start3A_141 : memref<1000x16xf32, #tpu.memory_space<vmem>>) target(%dma_start3A_137 : memref<1000x16xf32, #tpu.memory_space<hbm>>) target_semaphore(%arg9 : memref<!tpu.dma_semaphore, #tpu.memory_space<semaphore_mem>>)
    %dma_wait3A_142 = arith.constant 1 : i32
    %dma_wait3A_143 = arith.constant 0 : i32
    %dma_wait3A_144 = arith.constant 0 : i32
    %dma_wait3A_145 = tpu.memref_slice %arg6[%dma_wait3A_142, %dma_wait3A_143, %dma_wait3A_144] : memref<2x1000x16xf32, #tpu.memory_space<vmem>> -> memref<1x1000x16xf32, #tpu.memory_space<vmem>>
    %dma_wait3A_146 = tpu.memref_squeeze %dma_wait3A_145 : memref<1x1000x16xf32, #tpu.memory_space<vmem>> -> memref<1000x16xf32, #tpu.memory_space<vmem>>
    %dma_wait3A_147 = arith.constant 3000 : i32
    %dma_wait3A_148 = tpu.memref_slice %arg5[%dma_wait3A_147] : memref<5000xi32, #tpu.memory_space<vmem>> -> memref<1000xi32, #tpu.memory_space<vmem>>
    %dma_wait3A_149 = arith.constant 0 : i32
    %dma_wait3A_150 = arith.constant 0 : i32
    %dma_wait3A_151 = tpu.memref_slice %arg2[%dma_wait3A_149, %dma_wait3A_150] : memref<10240x16xf32, #tpu.memory_space<hbm>> -> memref<10240x16xf32, #tpu.memory_space<hbm>>
    tpu.wait_indirect_dma semaphore(%arg8 : memref<!tpu.dma_semaphore, #tpu.memory_space<semaphore_mem>>) src(%dma_wait3A_151 : memref<10240x16xf32, #tpu.memory_space<hbm>>) dst(%dma_wait3A_146 : memref<1000x16xf32, #tpu.memory_space<vmem>>)
    %dma_wait3A_152 = arith.constant 0 : i32
    %dma_wait3A_153 = arith.constant 0 : i32
    %dma_wait3A_154 = arith.constant 0 : i32
    %dma_wait3A_155 = tpu.memref_slice %arg6[%dma_wait3A_152, %dma_wait3A_153, %dma_wait3A_154] : memref<2x1000x16xf32, #tpu.memory_space<vmem>> -> memref<1x1000x16xf32, #tpu.memory_space<vmem>>
    %dma_wait3A_156 = tpu.memref_squeeze %dma_wait3A_155 : memref<1x1000x16xf32, #tpu.memory_space<vmem>> -> memref<1000x16xf32, #tpu.memory_space<vmem>>
    %dma_wait3A_157 = arith.constant 0 : i32
    %dma_wait3A_158 = tpu.memref_slice %arg4[%add3A_128, %dma_wait3A_157] : memref<160000x16xf32, #tpu.memory_space<hbm>> -> memref<1000x16xf32, #tpu.memory_space<hbm>>
    %dma_wait3A_159 = arith.constant 0 : i32
    %dma_wait3A_160 = tpu.memref_slice %arg4[%add3A_128, %dma_wait3A_159] : memref<160000x16xf32, #tpu.memory_space<hbm>> -> memref<1000x16xf32, #tpu.memory_space<hbm>>
    %dma_wait3A_161 = arith.constant 0 : i32
    %dma_wait3A_162 = arith.constant 0 : i32
    %dma_wait3A_163 = tpu.memref_slice %arg6[%dma_wait3A_152, %dma_wait3A_161, %dma_wait3A_162] : memref<2x1000x16xf32, #tpu.memory_space<vmem>> -> memref<1x1000x16xf32, #tpu.memory_space<vmem>>
    %dma_wait3A_164 = tpu.memref_squeeze %dma_wait3A_163 : memref<1x1000x16xf32, #tpu.memory_space<vmem>> -> memref<1000x16xf32, #tpu.memory_space<vmem>>
    tpu.wait_dma2 semaphore(%arg9 : memref<!tpu.dma_semaphore, #tpu.memory_space<semaphore_mem>>) src(%dma_wait3A_164 : memref<1000x16xf32, #tpu.memory_space<vmem>>) dst(%dma_wait3A_160 : memref<1000x16xf32, #tpu.memory_space<hbm>>)
    %dma_start3A_165 = arith.constant 0 : i32
    %dma_start3A_166 = arith.constant 0 : i32
    %dma_start3A_167 = arith.constant 0 : i32
    %dma_start3A_168 = tpu.memref_slice %arg6[%dma_start3A_165, %dma_start3A_166, %dma_start3A_167] : memref<2x1000x16xf32, #tpu.memory_space<vmem>> -> memref<1x1000x16xf32, #tpu.memory_space<vmem>>
    %dma_start3A_169 = tpu.memref_squeeze %dma_start3A_168 : memref<1x1000x16xf32, #tpu.memory_space<vmem>> -> memref<1000x16xf32, #tpu.memory_space<vmem>>
    %dma_start3A_170 = arith.constant 4000 : i32
    %dma_start3A_171 = tpu.memref_slice %arg5[%dma_start3A_170] : memref<5000xi32, #tpu.memory_space<vmem>> -> memref<1000xi32, #tpu.memory_space<vmem>>
    %dma_start3A_172 = arith.constant 0 : i32
    %dma_start3A_173 = arith.constant 0 : i32
    %dma_start3A_174 = tpu.memref_slice %arg2[%dma_start3A_172, %dma_start3A_173] : memref<10240x16xf32, #tpu.memory_space<hbm>> -> memref<10240x16xf32, #tpu.memory_space<hbm>>
    tpu.enqueue_indirect_dma source(%dma_start3A_174 : memref<10240x16xf32, #tpu.memory_space<hbm>>) target(%dma_start3A_169 : memref<1000x16xf32, #tpu.memory_space<vmem>>) offsets(%dma_start3A_171 : memref<1000xi32, #tpu.memory_space<vmem>>) semaphore(%arg7 : memref<!tpu.dma_semaphore, #tpu.memory_space<semaphore_mem>>)
    %add3A_175 = arith.constant 3000 : i32
    %add3A_176 = arith.addi %mul3A_2, %add3A_175 : i32
    %dma_start3A_177 = arith.constant 1 : i32
    %dma_start3A_178 = arith.constant 0 : i32
    %dma_start3A_179 = arith.constant 0 : i32
    %dma_start3A_180 = tpu.memref_slice %arg6[%dma_start3A_177, %dma_start3A_178, %dma_start3A_179] : memref<2x1000x16xf32, #tpu.memory_space<vmem>> -> memref<1x1000x16xf32, #tpu.memory_space<vmem>>
    %dma_start3A_181 = tpu.memref_squeeze %dma_start3A_180 : memref<1x1000x16xf32, #tpu.memory_space<vmem>> -> memref<1000x16xf32, #tpu.memory_space<vmem>>
    %dma_start3A_182 = arith.constant 0 : i32
    %dma_start3A_183 = tpu.memref_slice %arg4[%add3A_176, %dma_start3A_182] : memref<160000x16xf32, #tpu.memory_space<hbm>> -> memref<1000x16xf32, #tpu.memory_space<hbm>>
    %dma_start3A_184 = arith.constant 0 : i32
    %dma_start3A_185 = tpu.memref_slice %arg4[%add3A_176, %dma_start3A_184] : memref<160000x16xf32, #tpu.memory_space<hbm>> -> memref<1000x16xf32, #tpu.memory_space<hbm>>
    %dma_start3A_186 = arith.constant 0 : i32
    %dma_start3A_187 = arith.constant 0 : i32
    %dma_start3A_188 = tpu.memref_slice %arg6[%dma_start3A_177, %dma_start3A_186, %dma_start3A_187] : memref<2x1000x16xf32, #tpu.memory_space<vmem>> -> memref<1x1000x16xf32, #tpu.memory_space<vmem>>
    %dma_start3A_189 = tpu.memref_squeeze %dma_start3A_188 : memref<1x1000x16xf32, #tpu.memory_space<vmem>> -> memref<1000x16xf32, #tpu.memory_space<vmem>>
    tpu.enqueue_dma source(%dma_start3A_189 : memref<1000x16xf32, #tpu.memory_space<vmem>>) target(%dma_start3A_185 : memref<1000x16xf32, #tpu.memory_space<hbm>>) target_semaphore(%arg10 : memref<!tpu.dma_semaphore, #tpu.memory_space<semaphore_mem>>)
    %dma_wait3A_190 = arith.constant 0 : i32
    %dma_wait3A_191 = arith.constant 0 : i32
    %dma_wait3A_192 = arith.constant 0 : i32
    %dma_wait3A_193 = tpu.memref_slice %arg6[%dma_wait3A_190, %dma_wait3A_191, %dma_wait3A_192] : memref<2x1000x16xf32, #tpu.memory_space<vmem>> -> memref<1x1000x16xf32, #tpu.memory_space<vmem>>
    %dma_wait3A_194 = tpu.memref_squeeze %dma_wait3A_193 : memref<1x1000x16xf32, #tpu.memory_space<vmem>> -> memref<1000x16xf32, #tpu.memory_space<vmem>>
    %dma_wait3A_195 = arith.constant 4000 : i32
    %dma_wait3A_196 = tpu.memref_slice %arg5[%dma_wait3A_195] : memref<5000xi32, #tpu.memory_space<vmem>> -> memref<1000xi32, #tpu.memory_space<vmem>>
    %dma_wait3A_197 = arith.constant 0 : i32
    %dma_wait3A_198 = arith.constant 0 : i32
    %dma_wait3A_199 = tpu.memref_slice %arg2[%dma_wait3A_197, %dma_wait3A_198] : memref<10240x16xf32, #tpu.memory_space<hbm>> -> memref<10240x16xf32, #tpu.memory_space<hbm>>
    tpu.wait_indirect_dma semaphore(%arg7 : memref<!tpu.dma_semaphore, #tpu.memory_space<semaphore_mem>>) src(%dma_wait3A_199 : memref<10240x16xf32, #tpu.memory_space<hbm>>) dst(%dma_wait3A_194 : memref<1000x16xf32, #tpu.memory_space<vmem>>)
    %dma_wait3A_200 = arith.constant 1 : i32
    %dma_wait3A_201 = arith.constant 0 : i32
    %dma_wait3A_202 = arith.constant 0 : i32
    %dma_wait3A_203 = tpu.memref_slice %arg6[%dma_wait3A_200, %dma_wait3A_201, %dma_wait3A_202] : memref<2x1000x16xf32, #tpu.memory_space<vmem>> -> memref<1x1000x16xf32, #tpu.memory_space<vmem>>
    %dma_wait3A_204 = tpu.memref_squeeze %dma_wait3A_203 : memref<1x1000x16xf32, #tpu.memory_space<vmem>> -> memref<1000x16xf32, #tpu.memory_space<vmem>>
    %dma_wait3A_205 = arith.constant 0 : i32
    %dma_wait3A_206 = tpu.memref_slice %arg4[%add3A_176, %dma_wait3A_205] : memref<160000x16xf32, #tpu.memory_space<hbm>> -> memref<1000x16xf32, #tpu.memory_space<hbm>>
    %dma_wait3A_207 = arith.constant 0 : i32
    %dma_wait3A_208 = tpu.memref_slice %arg4[%add3A_176, %dma_wait3A_207] : memref<160000x16xf32, #tpu.memory_space<hbm>> -> memref<1000x16xf32, #tpu.memory_space<hbm>>
    %dma_wait3A_209 = arith.constant 0 : i32
    %dma_wait3A_210 = arith.constant 0 : i32
    %dma_wait3A_211 = tpu.memref_slice %arg6[%dma_wait3A_200, %dma_wait3A_209, %dma_wait3A_210] : memref<2x1000x16xf32, #tpu.memory_space<vmem>> -> memref<1x1000x16xf32, #tpu.memory_space<vmem>>
    %dma_wait3A_212 = tpu.memref_squeeze %dma_wait3A_211 : memref<1x1000x16xf32, #tpu.memory_space<vmem>> -> memref<1000x16xf32, #tpu.memory_space<vmem>>
    tpu.wait_dma2 semaphore(%arg10 : memref<!tpu.dma_semaphore, #tpu.memory_space<semaphore_mem>>) src(%dma_wait3A_212 : memref<1000x16xf32, #tpu.memory_space<vmem>>) dst(%dma_wait3A_208 : memref<1000x16xf32, #tpu.memory_space<hbm>>)
    %add3A_213 = arith.constant 4000 : i32
    %add3A_214 = arith.addi %mul3A_2, %add3A_213 : i32
    %dma_start3A_215 = arith.constant 0 : i32
    %dma_start3A_216 = arith.constant 0 : i32
    %dma_start3A_217 = arith.constant 0 : i32
    %dma_start3A_218 = tpu.memref_slice %arg6[%dma_start3A_215, %dma_start3A_216, %dma_start3A_217] : memref<2x1000x16xf32, #tpu.memory_space<vmem>> -> memref<1x1000x16xf32, #tpu.memory_space<vmem>>
    %dma_start3A_219 = tpu.memref_squeeze %dma_start3A_218 : memref<1x1000x16xf32, #tpu.memory_space<vmem>> -> memref<1000x16xf32, #tpu.memory_space<vmem>>
    %dma_start3A_220 = arith.constant 0 : i32
    %dma_start3A_221 = tpu.memref_slice %arg4[%add3A_214, %dma_start3A_220] : memref<160000x16xf32, #tpu.memory_space<hbm>> -> memref<1000x16xf32, #tpu.memory_space<hbm>>
    %dma_start3A_222 = arith.constant 0 : i32
    %dma_start3A_223 = tpu.memref_slice %arg4[%add3A_214, %dma_start3A_222] : memref<160000x16xf32, #tpu.memory_space<hbm>> -> memref<1000x16xf32, #tpu.memory_space<hbm>>
    %dma_start3A_224 = arith.constant 0 : i32
    %dma_start3A_225 = arith.constant 0 : i32
    %dma_start3A_226 = tpu.memref_slice %arg6[%dma_start3A_215, %dma_start3A_224, %dma_start3A_225] : memref<2x1000x16xf32, #tpu.memory_space<vmem>> -> memref<1x1000x16xf32, #tpu.memory_space<vmem>>
    %dma_start3A_227 = tpu.memref_squeeze %dma_start3A_226 : memref<1x1000x16xf32, #tpu.memory_space<vmem>> -> memref<1000x16xf32, #tpu.memory_space<vmem>>
    tpu.enqueue_dma source(%dma_start3A_227 : memref<1000x16xf32, #tpu.memory_space<vmem>>) target(%dma_start3A_223 : memref<1000x16xf32, #tpu.memory_space<hbm>>) target_semaphore(%arg9 : memref<!tpu.dma_semaphore, #tpu.memory_space<semaphore_mem>>)
    %dma_wait3A_228 = arith.constant 0 : i32
    %dma_wait3A_229 = arith.constant 0 : i32
    %dma_wait3A_230 = arith.constant 0 : i32
    %dma_wait3A_231 = tpu.memref_slice %arg6[%dma_wait3A_228, %dma_wait3A_229, %dma_wait3A_230] : memref<2x1000x16xf32, #tpu.memory_space<vmem>> -> memref<1x1000x16xf32, #tpu.memory_space<vmem>>
    %dma_wait3A_232 = tpu.memref_squeeze %dma_wait3A_231 : memref<1x1000x16xf32, #tpu.memory_space<vmem>> -> memref<1000x16xf32, #tpu.memory_space<vmem>>
    %dma_wait3A_233 = arith.constant 0 : i32
    %dma_wait3A_234 = tpu.memref_slice %arg4[%add3A_214, %dma_wait3A_233] : memref<160000x16xf32, #tpu.memory_space<hbm>> -> memref<1000x16xf32, #tpu.memory_space<hbm>>
    %dma_wait3A_235 = arith.constant 0 : i32
    %dma_wait3A_236 = tpu.memref_slice %arg4[%add3A_214, %dma_wait3A_235] : memref<160000x16xf32, #tpu.memory_space<hbm>> -> memref<1000x16xf32, #tpu.memory_space<hbm>>
    %dma_wait3A_237 = arith.constant 0 : i32
    %dma_wait3A_238 = arith.constant 0 : i32
    %dma_wait3A_239 = tpu.memref_slice %arg6[%dma_wait3A_228, %dma_wait3A_237, %dma_wait3A_238] : memref<2x1000x16xf32, #tpu.memory_space<vmem>> -> memref<1x1000x16xf32, #tpu.memory_space<vmem>>
    %dma_wait3A_240 = tpu.memref_squeeze %dma_wait3A_239 : memref<1x1000x16xf32, #tpu.memory_space<vmem>> -> memref<1000x16xf32, #tpu.memory_space<vmem>>
    tpu.wait_dma2 semaphore(%arg9 : memref<!tpu.dma_semaphore, #tpu.memory_space<semaphore_mem>>) src(%dma_wait3A_240 : memref<1000x16xf32, #tpu.memory_space<vmem>>) dst(%dma_wait3A_236 : memref<1000x16xf32, #tpu.memory_space<hbm>>)
    return
  }
}

#map = affine_map<(d0, d1) -> (0, 0)>
#map1 = affine_map<(d0, d1) -> (0)>
#map2 = affine_map<(d0, d1) -> (0, 0, 0)>
module attributes {stable_mosaic.version = 14 : i64} {
  func.func @k(%arg0: i32, %arg1: i32, %arg2: memref<160000x64xf32, #tpu.memory_space<hbm>>, %arg3: memref<160000xi32, #tpu.memory_space<hbm>>, %arg4: memref<10240x64xf32, #tpu.memory_space<hbm>>, %arg5: memref<2x10240x64xf32, #tpu.memory_space<hbm>>, %arg6: memref<1x1000xi32, #tpu.memory_space<vmem>>, %arg7: memref<1x1000x64xf32, #tpu.memory_space<vmem>>, %arg8: memref<10240x64xf32, #tpu.memory_space<vmem_shared>>, %arg9: memref<!tpu.dma_semaphore, #tpu.memory_space<semaphore_mem>>, %arg10: memref<!tpu.dma_semaphore, #tpu.memory_space<semaphore_mem>>, %arg11: memref<!tpu.dma_semaphore, #tpu.memory_space<semaphore_mem>>) attributes {dimension_semantics = [#tpu.dimension_semantics<core_parallel>, #tpu.dimension_semantics<subcore_parallel>], iteration_bounds = array<i64: 2, 16>, scalar_prefetch = 0 : i64, scratch_operands = 6 : i64, tpu.core_type = #tpu.core_type<sc_vector_subcore>, window_params = [{transform_indices = #map}, {transform_indices = #map1}, {transform_indices = #map}, {transform_indices = #map2}]} {
    %mul3A = arith.constant 640 : i32
    %mul3A_0 = arith.muli %arg1, %mul3A : i32
    %dma_start3A = arith.constant 0 : i32
    %dma_start3A_1 = tpu.memref_slice %arg8[%mul3A_0, %dma_start3A] : memref<10240x64xf32, #tpu.memory_space<vmem_shared>> -> memref<640x64xf32, #tpu.memory_space<vmem_shared>>
    %dma_start3A_2 = arith.constant 0 : i32
    %dma_start3A_3 = tpu.memref_slice %arg4[%mul3A_0, %dma_start3A_2] : memref<10240x64xf32, #tpu.memory_space<hbm>> -> memref<640x64xf32, #tpu.memory_space<hbm>>
    tpu.enqueue_dma source(%dma_start3A_3 : memref<640x64xf32, #tpu.memory_space<hbm>>) target(%dma_start3A_1 : memref<640x64xf32, #tpu.memory_space<vmem_shared>>) target_semaphore(%arg9 : memref<!tpu.dma_semaphore, #tpu.memory_space<semaphore_mem>>)
    %mul3A_4 = arith.constant 2 : i32
    %mul3A_5 = arith.muli %arg1, %mul3A_4 : i32
    %add3A = arith.addi %mul3A_5, %arg0 : i32
    %mul3A_6 = arith.constant 5000 : i32
    %mul3A_7 = arith.muli %add3A, %mul3A_6 : i32
    %dma_start3A_8 = arith.constant 0 : i32
    %dma_start3A_9 = arith.constant 0 : i32
    %dma_start3A_10 = tpu.memref_slice %arg6[%dma_start3A_8, %dma_start3A_9] : memref<1x1000xi32, #tpu.memory_space<vmem>> -> memref<1x1000xi32, #tpu.memory_space<vmem>>
    %dma_start3A_11 = tpu.memref_squeeze %dma_start3A_10 : memref<1x1000xi32, #tpu.memory_space<vmem>> -> memref<1000xi32, #tpu.memory_space<vmem>>
    %dma_start3A_12 = tpu.memref_slice %arg3[%mul3A_7] : memref<160000xi32, #tpu.memory_space<hbm>> -> memref<1000xi32, #tpu.memory_space<hbm>>
    %dma_start3A_13 = arith.constant 0 : i32
    %dma_start3A_14 = tpu.memref_slice %arg6[%dma_start3A_8, %dma_start3A_13] : memref<1x1000xi32, #tpu.memory_space<vmem>> -> memref<1x1000xi32, #tpu.memory_space<vmem>>
    %dma_start3A_15 = tpu.memref_squeeze %dma_start3A_14 : memref<1x1000xi32, #tpu.memory_space<vmem>> -> memref<1000xi32, #tpu.memory_space<vmem>>
    %dma_start3A_16 = tpu.memref_slice %arg3[%mul3A_7] : memref<160000xi32, #tpu.memory_space<hbm>> -> memref<1000xi32, #tpu.memory_space<hbm>>
    tpu.enqueue_dma source(%dma_start3A_16 : memref<1000xi32, #tpu.memory_space<hbm>>) target(%dma_start3A_15 : memref<1000xi32, #tpu.memory_space<vmem>>) target_semaphore(%arg10 : memref<!tpu.dma_semaphore, #tpu.memory_space<semaphore_mem>>)
    %dma_start3A_17 = arith.constant 0 : i32
    %dma_start3A_18 = arith.constant 0 : i32
    %dma_start3A_19 = arith.constant 0 : i32
    %dma_start3A_20 = tpu.memref_slice %arg7[%dma_start3A_17, %dma_start3A_18, %dma_start3A_19] : memref<1x1000x64xf32, #tpu.memory_space<vmem>> -> memref<1x1000x64xf32, #tpu.memory_space<vmem>>
    %dma_start3A_21 = tpu.memref_squeeze %dma_start3A_20 : memref<1x1000x64xf32, #tpu.memory_space<vmem>> -> memref<1000x64xf32, #tpu.memory_space<vmem>>
    %dma_start3A_22 = arith.constant 0 : i32
    %dma_start3A_23 = tpu.memref_slice %arg2[%mul3A_7, %dma_start3A_22] : memref<160000x64xf32, #tpu.memory_space<hbm>> -> memref<1000x64xf32, #tpu.memory_space<hbm>>
    %dma_start3A_24 = arith.constant 0 : i32
    %dma_start3A_25 = arith.constant 0 : i32
    %dma_start3A_26 = tpu.memref_slice %arg7[%dma_start3A_17, %dma_start3A_24, %dma_start3A_25] : memref<1x1000x64xf32, #tpu.memory_space<vmem>> -> memref<1x1000x64xf32, #tpu.memory_space<vmem>>
    %dma_start3A_27 = tpu.memref_squeeze %dma_start3A_26 : memref<1x1000x64xf32, #tpu.memory_space<vmem>> -> memref<1000x64xf32, #tpu.memory_space<vmem>>
    %dma_start3A_28 = arith.constant 0 : i32
    %dma_start3A_29 = tpu.memref_slice %arg2[%mul3A_7, %dma_start3A_28] : memref<160000x64xf32, #tpu.memory_space<hbm>> -> memref<1000x64xf32, #tpu.memory_space<hbm>>
    tpu.enqueue_dma source(%dma_start3A_29 : memref<1000x64xf32, #tpu.memory_space<hbm>>) target(%dma_start3A_27 : memref<1000x64xf32, #tpu.memory_space<vmem>>) target_semaphore(%arg10 : memref<!tpu.dma_semaphore, #tpu.memory_space<semaphore_mem>>)
    %dma_wait3A = arith.constant 0 : i32
    %dma_wait3A_30 = tpu.memref_slice %arg8[%mul3A_0, %dma_wait3A] : memref<10240x64xf32, #tpu.memory_space<vmem_shared>> -> memref<640x64xf32, #tpu.memory_space<vmem_shared>>
    %dma_wait3A_31 = arith.constant 0 : i32
    %dma_wait3A_32 = tpu.memref_slice %arg4[%mul3A_0, %dma_wait3A_31] : memref<10240x64xf32, #tpu.memory_space<hbm>> -> memref<640x64xf32, #tpu.memory_space<hbm>>
    tpu.wait_dma2 semaphore(%arg9 : memref<!tpu.dma_semaphore, #tpu.memory_space<semaphore_mem>>) src(%dma_wait3A_32 : memref<640x64xf32, #tpu.memory_space<hbm>>) dst(%dma_wait3A_30 : memref<640x64xf32, #tpu.memory_space<vmem_shared>>)
    %barrier3A = arith.constant 0 : index
    tpu.barrier barrier_id(%barrier3A)
    %dma_wait3A_33 = arith.constant 0 : i32
    %dma_wait3A_34 = arith.constant 0 : i32
    %dma_wait3A_35 = tpu.memref_slice %arg6[%dma_wait3A_33, %dma_wait3A_34] : memref<1x1000xi32, #tpu.memory_space<vmem>> -> memref<1x1000xi32, #tpu.memory_space<vmem>>
    %dma_wait3A_36 = tpu.memref_squeeze %dma_wait3A_35 : memref<1x1000xi32, #tpu.memory_space<vmem>> -> memref<1000xi32, #tpu.memory_space<vmem>>
    %dma_wait3A_37 = tpu.memref_slice %arg3[%mul3A_7] : memref<160000xi32, #tpu.memory_space<hbm>> -> memref<1000xi32, #tpu.memory_space<hbm>>
    %dma_wait3A_38 = arith.constant 0 : i32
    %dma_wait3A_39 = tpu.memref_slice %arg6[%dma_wait3A_33, %dma_wait3A_38] : memref<1x1000xi32, #tpu.memory_space<vmem>> -> memref<1x1000xi32, #tpu.memory_space<vmem>>
    %dma_wait3A_40 = tpu.memref_squeeze %dma_wait3A_39 : memref<1x1000xi32, #tpu.memory_space<vmem>> -> memref<1000xi32, #tpu.memory_space<vmem>>
    %dma_wait3A_41 = tpu.memref_slice %arg3[%mul3A_7] : memref<160000xi32, #tpu.memory_space<hbm>> -> memref<1000xi32, #tpu.memory_space<hbm>>
    tpu.wait_dma2 semaphore(%arg10 : memref<!tpu.dma_semaphore, #tpu.memory_space<semaphore_mem>>) src(%dma_wait3A_41 : memref<1000xi32, #tpu.memory_space<hbm>>) dst(%dma_wait3A_40 : memref<1000xi32, #tpu.memory_space<vmem>>)
    %dma_wait3A_42 = arith.constant 0 : i32
    %dma_wait3A_43 = arith.constant 0 : i32
    %dma_wait3A_44 = arith.constant 0 : i32
    %dma_wait3A_45 = tpu.memref_slice %arg7[%dma_wait3A_42, %dma_wait3A_43, %dma_wait3A_44] : memref<1x1000x64xf32, #tpu.memory_space<vmem>> -> memref<1x1000x64xf32, #tpu.memory_space<vmem>>
    %dma_wait3A_46 = tpu.memref_squeeze %dma_wait3A_45 : memref<1x1000x64xf32, #tpu.memory_space<vmem>> -> memref<1000x64xf32, #tpu.memory_space<vmem>>
    %dma_wait3A_47 = arith.constant 0 : i32
    %dma_wait3A_48 = tpu.memref_slice %arg2[%mul3A_7, %dma_wait3A_47] : memref<160000x64xf32, #tpu.memory_space<hbm>> -> memref<1000x64xf32, #tpu.memory_space<hbm>>
    %dma_wait3A_49 = arith.constant 0 : i32
    %dma_wait3A_50 = arith.constant 0 : i32
    %dma_wait3A_51 = tpu.memref_slice %arg7[%dma_wait3A_42, %dma_wait3A_49, %dma_wait3A_50] : memref<1x1000x64xf32, #tpu.memory_space<vmem>> -> memref<1x1000x64xf32, #tpu.memory_space<vmem>>
    %dma_wait3A_52 = tpu.memref_squeeze %dma_wait3A_51 : memref<1x1000x64xf32, #tpu.memory_space<vmem>> -> memref<1000x64xf32, #tpu.memory_space<vmem>>
    %dma_wait3A_53 = arith.constant 0 : i32
    %dma_wait3A_54 = tpu.memref_slice %arg2[%mul3A_7, %dma_wait3A_53] : memref<160000x64xf32, #tpu.memory_space<hbm>> -> memref<1000x64xf32, #tpu.memory_space<hbm>>
    tpu.wait_dma2 semaphore(%arg10 : memref<!tpu.dma_semaphore, #tpu.memory_space<semaphore_mem>>) src(%dma_wait3A_54 : memref<1000x64xf32, #tpu.memory_space<hbm>>) dst(%dma_wait3A_52 : memref<1000x64xf32, #tpu.memory_space<vmem>>)
    %run_scoped3A = arith.constant 0 : i32
    %run_scoped3A_55 = arith.constant 0 : i32
    "tpu.region"() ({
      %run_scoped3A_257 = tpu.sem_alloc : memref<!tpu.dma_semaphore, #tpu.memory_space<semaphore_mem>>
      %dma_start3A_258 = arith.constant 0 : i32
      %dma_start3A_259 = arith.constant 0 : i32
      %dma_start3A_260 = tpu.memref_slice %arg7[%run_scoped3A, %dma_start3A_258, %dma_start3A_259] : memref<1x1000x64xf32, #tpu.memory_space<vmem>> -> memref<1x1000x64xf32, #tpu.memory_space<vmem>>
      %dma_start3A_261 = tpu.memref_squeeze %dma_start3A_260 : memref<1x1000x64xf32, #tpu.memory_space<vmem>> -> memref<1000x64xf32, #tpu.memory_space<vmem>>
      %dma_start3A_262 = arith.constant 0 : i32
      %dma_start3A_263 = tpu.memref_slice %arg6[%run_scoped3A_55, %dma_start3A_262] : memref<1x1000xi32, #tpu.memory_space<vmem>> -> memref<1x1000xi32, #tpu.memory_space<vmem>>
      %dma_start3A_264 = tpu.memref_squeeze %dma_start3A_263 : memref<1x1000xi32, #tpu.memory_space<vmem>> -> memref<1000xi32, #tpu.memory_space<vmem>>
      %dma_start3A_265 = arith.constant 0 : i32
      %dma_start3A_266 = arith.constant 0 : i32
      %dma_start3A_267 = tpu.memref_slice %arg8[%dma_start3A_265, %dma_start3A_266] : memref<10240x64xf32, #tpu.memory_space<vmem_shared>> -> memref<10240x64xf32, #tpu.memory_space<vmem_shared>>
      tpu.enqueue_indirect_dma source(%dma_start3A_261 : memref<1000x64xf32, #tpu.memory_space<vmem>>) target(%dma_start3A_267 : memref<10240x64xf32, #tpu.memory_space<vmem_shared>>) offsets(%dma_start3A_264 : memref<1000xi32, #tpu.memory_space<vmem>>) semaphore(%run_scoped3A_257 : memref<!tpu.dma_semaphore, #tpu.memory_space<semaphore_mem>>) {add = true}
      %dma_wait3A_268 = arith.constant 0 : i32
      %dma_wait3A_269 = arith.constant 0 : i32
      %dma_wait3A_270 = tpu.memref_slice %arg7[%run_scoped3A, %dma_wait3A_268, %dma_wait3A_269] : memref<1x1000x64xf32, #tpu.memory_space<vmem>> -> memref<1x1000x64xf32, #tpu.memory_space<vmem>>
      %dma_wait3A_271 = tpu.memref_squeeze %dma_wait3A_270 : memref<1x1000x64xf32, #tpu.memory_space<vmem>> -> memref<1000x64xf32, #tpu.memory_space<vmem>>
      %dma_wait3A_272 = arith.constant 0 : i32
      %dma_wait3A_273 = tpu.memref_slice %arg6[%run_scoped3A_55, %dma_wait3A_272] : memref<1x1000xi32, #tpu.memory_space<vmem>> -> memref<1x1000xi32, #tpu.memory_space<vmem>>
      %dma_wait3A_274 = tpu.memref_squeeze %dma_wait3A_273 : memref<1x1000xi32, #tpu.memory_space<vmem>> -> memref<1000xi32, #tpu.memory_space<vmem>>
      %dma_wait3A_275 = arith.constant 0 : i32
      %dma_wait3A_276 = arith.constant 0 : i32
      %dma_wait3A_277 = tpu.memref_slice %arg8[%dma_wait3A_275, %dma_wait3A_276] : memref<10240x64xf32, #tpu.memory_space<vmem_shared>> -> memref<10240x64xf32, #tpu.memory_space<vmem_shared>>
      tpu.wait_indirect_dma semaphore(%run_scoped3A_257 : memref<!tpu.dma_semaphore, #tpu.memory_space<semaphore_mem>>) src(%dma_wait3A_271 : memref<1000x64xf32, #tpu.memory_space<vmem>>) dst(%dma_wait3A_277 : memref<10240x64xf32, #tpu.memory_space<vmem_shared>>)
      tpu.yield
    }) : () -> ()
    %add3A_56 = arith.constant 1000 : i32
    %add3A_57 = arith.addi %mul3A_7, %add3A_56 : i32
    %dma_start3A_58 = arith.constant 0 : i32
    %dma_start3A_59 = arith.constant 0 : i32
    %dma_start3A_60 = tpu.memref_slice %arg6[%dma_start3A_58, %dma_start3A_59] : memref<1x1000xi32, #tpu.memory_space<vmem>> -> memref<1x1000xi32, #tpu.memory_space<vmem>>
    %dma_start3A_61 = tpu.memref_squeeze %dma_start3A_60 : memref<1x1000xi32, #tpu.memory_space<vmem>> -> memref<1000xi32, #tpu.memory_space<vmem>>
    %dma_start3A_62 = tpu.memref_slice %arg3[%add3A_57] : memref<160000xi32, #tpu.memory_space<hbm>> -> memref<1000xi32, #tpu.memory_space<hbm>>
    %dma_start3A_63 = arith.constant 0 : i32
    %dma_start3A_64 = tpu.memref_slice %arg6[%dma_start3A_58, %dma_start3A_63] : memref<1x1000xi32, #tpu.memory_space<vmem>> -> memref<1x1000xi32, #tpu.memory_space<vmem>>
    %dma_start3A_65 = tpu.memref_squeeze %dma_start3A_64 : memref<1x1000xi32, #tpu.memory_space<vmem>> -> memref<1000xi32, #tpu.memory_space<vmem>>
    %dma_start3A_66 = tpu.memref_slice %arg3[%add3A_57] : memref<160000xi32, #tpu.memory_space<hbm>> -> memref<1000xi32, #tpu.memory_space<hbm>>
    tpu.enqueue_dma source(%dma_start3A_66 : memref<1000xi32, #tpu.memory_space<hbm>>) target(%dma_start3A_65 : memref<1000xi32, #tpu.memory_space<vmem>>) target_semaphore(%arg10 : memref<!tpu.dma_semaphore, #tpu.memory_space<semaphore_mem>>)
    %add3A_67 = arith.constant 1000 : i32
    %add3A_68 = arith.addi %mul3A_7, %add3A_67 : i32
    %dma_start3A_69 = arith.constant 0 : i32
    %dma_start3A_70 = arith.constant 0 : i32
    %dma_start3A_71 = arith.constant 0 : i32
    %dma_start3A_72 = tpu.memref_slice %arg7[%dma_start3A_69, %dma_start3A_70, %dma_start3A_71] : memref<1x1000x64xf32, #tpu.memory_space<vmem>> -> memref<1x1000x64xf32, #tpu.memory_space<vmem>>
    %dma_start3A_73 = tpu.memref_squeeze %dma_start3A_72 : memref<1x1000x64xf32, #tpu.memory_space<vmem>> -> memref<1000x64xf32, #tpu.memory_space<vmem>>
    %dma_start3A_74 = arith.constant 0 : i32
    %dma_start3A_75 = tpu.memref_slice %arg2[%add3A_68, %dma_start3A_74] : memref<160000x64xf32, #tpu.memory_space<hbm>> -> memref<1000x64xf32, #tpu.memory_space<hbm>>
    %dma_start3A_76 = arith.constant 0 : i32
    %dma_start3A_77 = arith.constant 0 : i32
    %dma_start3A_78 = tpu.memref_slice %arg7[%dma_start3A_69, %dma_start3A_76, %dma_start3A_77] : memref<1x1000x64xf32, #tpu.memory_space<vmem>> -> memref<1x1000x64xf32, #tpu.memory_space<vmem>>
    %dma_start3A_79 = tpu.memref_squeeze %dma_start3A_78 : memref<1x1000x64xf32, #tpu.memory_space<vmem>> -> memref<1000x64xf32, #tpu.memory_space<vmem>>
    %dma_start3A_80 = arith.constant 0 : i32
    %dma_start3A_81 = tpu.memref_slice %arg2[%add3A_68, %dma_start3A_80] : memref<160000x64xf32, #tpu.memory_space<hbm>> -> memref<1000x64xf32, #tpu.memory_space<hbm>>
    tpu.enqueue_dma source(%dma_start3A_81 : memref<1000x64xf32, #tpu.memory_space<hbm>>) target(%dma_start3A_79 : memref<1000x64xf32, #tpu.memory_space<vmem>>) target_semaphore(%arg10 : memref<!tpu.dma_semaphore, #tpu.memory_space<semaphore_mem>>)
    %dma_wait3A_82 = arith.constant 0 : i32
    %dma_wait3A_83 = arith.constant 0 : i32
    %dma_wait3A_84 = tpu.memref_slice %arg6[%dma_wait3A_82, %dma_wait3A_83] : memref<1x1000xi32, #tpu.memory_space<vmem>> -> memref<1x1000xi32, #tpu.memory_space<vmem>>
    %dma_wait3A_85 = tpu.memref_squeeze %dma_wait3A_84 : memref<1x1000xi32, #tpu.memory_space<vmem>> -> memref<1000xi32, #tpu.memory_space<vmem>>
    %dma_wait3A_86 = tpu.memref_slice %arg3[%add3A_57] : memref<160000xi32, #tpu.memory_space<hbm>> -> memref<1000xi32, #tpu.memory_space<hbm>>
    %dma_wait3A_87 = arith.constant 0 : i32
    %dma_wait3A_88 = tpu.memref_slice %arg6[%dma_wait3A_82, %dma_wait3A_87] : memref<1x1000xi32, #tpu.memory_space<vmem>> -> memref<1x1000xi32, #tpu.memory_space<vmem>>
    %dma_wait3A_89 = tpu.memref_squeeze %dma_wait3A_88 : memref<1x1000xi32, #tpu.memory_space<vmem>> -> memref<1000xi32, #tpu.memory_space<vmem>>
    %dma_wait3A_90 = tpu.memref_slice %arg3[%add3A_57] : memref<160000xi32, #tpu.memory_space<hbm>> -> memref<1000xi32, #tpu.memory_space<hbm>>
    tpu.wait_dma2 semaphore(%arg10 : memref<!tpu.dma_semaphore, #tpu.memory_space<semaphore_mem>>) src(%dma_wait3A_90 : memref<1000xi32, #tpu.memory_space<hbm>>) dst(%dma_wait3A_89 : memref<1000xi32, #tpu.memory_space<vmem>>)
    %dma_wait3A_91 = arith.constant 0 : i32
    %dma_wait3A_92 = arith.constant 0 : i32
    %dma_wait3A_93 = arith.constant 0 : i32
    %dma_wait3A_94 = tpu.memref_slice %arg7[%dma_wait3A_91, %dma_wait3A_92, %dma_wait3A_93] : memref<1x1000x64xf32, #tpu.memory_space<vmem>> -> memref<1x1000x64xf32, #tpu.memory_space<vmem>>
    %dma_wait3A_95 = tpu.memref_squeeze %dma_wait3A_94 : memref<1x1000x64xf32, #tpu.memory_space<vmem>> -> memref<1000x64xf32, #tpu.memory_space<vmem>>
    %dma_wait3A_96 = arith.constant 0 : i32
    %dma_wait3A_97 = tpu.memref_slice %arg2[%add3A_68, %dma_wait3A_96] : memref<160000x64xf32, #tpu.memory_space<hbm>> -> memref<1000x64xf32, #tpu.memory_space<hbm>>
    %dma_wait3A_98 = arith.constant 0 : i32
    %dma_wait3A_99 = arith.constant 0 : i32
    %dma_wait3A_100 = tpu.memref_slice %arg7[%dma_wait3A_91, %dma_wait3A_98, %dma_wait3A_99] : memref<1x1000x64xf32, #tpu.memory_space<vmem>> -> memref<1x1000x64xf32, #tpu.memory_space<vmem>>
    %dma_wait3A_101 = tpu.memref_squeeze %dma_wait3A_100 : memref<1x1000x64xf32, #tpu.memory_space<vmem>> -> memref<1000x64xf32, #tpu.memory_space<vmem>>
    %dma_wait3A_102 = arith.constant 0 : i32
    %dma_wait3A_103 = tpu.memref_slice %arg2[%add3A_68, %dma_wait3A_102] : memref<160000x64xf32, #tpu.memory_space<hbm>> -> memref<1000x64xf32, #tpu.memory_space<hbm>>
    tpu.wait_dma2 semaphore(%arg10 : memref<!tpu.dma_semaphore, #tpu.memory_space<semaphore_mem>>) src(%dma_wait3A_103 : memref<1000x64xf32, #tpu.memory_space<hbm>>) dst(%dma_wait3A_101 : memref<1000x64xf32, #tpu.memory_space<vmem>>)
    %run_scoped3A_104 = arith.constant 0 : i32
    %run_scoped3A_105 = arith.constant 0 : i32
    "tpu.region"() ({
      %run_scoped3A_257 = tpu.sem_alloc : memref<!tpu.dma_semaphore, #tpu.memory_space<semaphore_mem>>
      %dma_start3A_258 = arith.constant 0 : i32
      %dma_start3A_259 = arith.constant 0 : i32
      %dma_start3A_260 = tpu.memref_slice %arg7[%run_scoped3A_104, %dma_start3A_258, %dma_start3A_259] : memref<1x1000x64xf32, #tpu.memory_space<vmem>> -> memref<1x1000x64xf32, #tpu.memory_space<vmem>>
      %dma_start3A_261 = tpu.memref_squeeze %dma_start3A_260 : memref<1x1000x64xf32, #tpu.memory_space<vmem>> -> memref<1000x64xf32, #tpu.memory_space<vmem>>
      %dma_start3A_262 = arith.constant 0 : i32
      %dma_start3A_263 = tpu.memref_slice %arg6[%run_scoped3A_105, %dma_start3A_262] : memref<1x1000xi32, #tpu.memory_space<vmem>> -> memref<1x1000xi32, #tpu.memory_space<vmem>>
      %dma_start3A_264 = tpu.memref_squeeze %dma_start3A_263 : memref<1x1000xi32, #tpu.memory_space<vmem>> -> memref<1000xi32, #tpu.memory_space<vmem>>
      %dma_start3A_265 = arith.constant 0 : i32
      %dma_start3A_266 = arith.constant 0 : i32
      %dma_start3A_267 = tpu.memref_slice %arg8[%dma_start3A_265, %dma_start3A_266] : memref<10240x64xf32, #tpu.memory_space<vmem_shared>> -> memref<10240x64xf32, #tpu.memory_space<vmem_shared>>
      tpu.enqueue_indirect_dma source(%dma_start3A_261 : memref<1000x64xf32, #tpu.memory_space<vmem>>) target(%dma_start3A_267 : memref<10240x64xf32, #tpu.memory_space<vmem_shared>>) offsets(%dma_start3A_264 : memref<1000xi32, #tpu.memory_space<vmem>>) semaphore(%run_scoped3A_257 : memref<!tpu.dma_semaphore, #tpu.memory_space<semaphore_mem>>) {add = true}
      %dma_wait3A_268 = arith.constant 0 : i32
      %dma_wait3A_269 = arith.constant 0 : i32
      %dma_wait3A_270 = tpu.memref_slice %arg7[%run_scoped3A_104, %dma_wait3A_268, %dma_wait3A_269] : memref<1x1000x64xf32, #tpu.memory_space<vmem>> -> memref<1x1000x64xf32, #tpu.memory_space<vmem>>
      %dma_wait3A_271 = tpu.memref_squeeze %dma_wait3A_270 : memref<1x1000x64xf32, #tpu.memory_space<vmem>> -> memref<1000x64xf32, #tpu.memory_space<vmem>>
      %dma_wait3A_272 = arith.constant 0 : i32
      %dma_wait3A_273 = tpu.memref_slice %arg6[%run_scoped3A_105, %dma_wait3A_272] : memref<1x1000xi32, #tpu.memory_space<vmem>> -> memref<1x1000xi32, #tpu.memory_space<vmem>>
      %dma_wait3A_274 = tpu.memref_squeeze %dma_wait3A_273 : memref<1x1000xi32, #tpu.memory_space<vmem>> -> memref<1000xi32, #tpu.memory_space<vmem>>
      %dma_wait3A_275 = arith.constant 0 : i32
      %dma_wait3A_276 = arith.constant 0 : i32
      %dma_wait3A_277 = tpu.memref_slice %arg8[%dma_wait3A_275, %dma_wait3A_276] : memref<10240x64xf32, #tpu.memory_space<vmem_shared>> -> memref<10240x64xf32, #tpu.memory_space<vmem_shared>>
      tpu.wait_indirect_dma semaphore(%run_scoped3A_257 : memref<!tpu.dma_semaphore, #tpu.memory_space<semaphore_mem>>) src(%dma_wait3A_271 : memref<1000x64xf32, #tpu.memory_space<vmem>>) dst(%dma_wait3A_277 : memref<10240x64xf32, #tpu.memory_space<vmem_shared>>)
      tpu.yield
    }) : () -> ()
    %add3A_106 = arith.constant 2000 : i32
    %add3A_107 = arith.addi %mul3A_7, %add3A_106 : i32
    %dma_start3A_108 = arith.constant 0 : i32
    %dma_start3A_109 = arith.constant 0 : i32
    %dma_start3A_110 = tpu.memref_slice %arg6[%dma_start3A_108, %dma_start3A_109] : memref<1x1000xi32, #tpu.memory_space<vmem>> -> memref<1x1000xi32, #tpu.memory_space<vmem>>
    %dma_start3A_111 = tpu.memref_squeeze %dma_start3A_110 : memref<1x1000xi32, #tpu.memory_space<vmem>> -> memref<1000xi32, #tpu.memory_space<vmem>>
    %dma_start3A_112 = tpu.memref_slice %arg3[%add3A_107] : memref<160000xi32, #tpu.memory_space<hbm>> -> memref<1000xi32, #tpu.memory_space<hbm>>
    %dma_start3A_113 = arith.constant 0 : i32
    %dma_start3A_114 = tpu.memref_slice %arg6[%dma_start3A_108, %dma_start3A_113] : memref<1x1000xi32, #tpu.memory_space<vmem>> -> memref<1x1000xi32, #tpu.memory_space<vmem>>
    %dma_start3A_115 = tpu.memref_squeeze %dma_start3A_114 : memref<1x1000xi32, #tpu.memory_space<vmem>> -> memref<1000xi32, #tpu.memory_space<vmem>>
    %dma_start3A_116 = tpu.memref_slice %arg3[%add3A_107] : memref<160000xi32, #tpu.memory_space<hbm>> -> memref<1000xi32, #tpu.memory_space<hbm>>
    tpu.enqueue_dma source(%dma_start3A_116 : memref<1000xi32, #tpu.memory_space<hbm>>) target(%dma_start3A_115 : memref<1000xi32, #tpu.memory_space<vmem>>) target_semaphore(%arg10 : memref<!tpu.dma_semaphore, #tpu.memory_space<semaphore_mem>>)
    %add3A_117 = arith.constant 2000 : i32
    %add3A_118 = arith.addi %mul3A_7, %add3A_117 : i32
    %dma_start3A_119 = arith.constant 0 : i32
    %dma_start3A_120 = arith.constant 0 : i32
    %dma_start3A_121 = arith.constant 0 : i32
    %dma_start3A_122 = tpu.memref_slice %arg7[%dma_start3A_119, %dma_start3A_120, %dma_start3A_121] : memref<1x1000x64xf32, #tpu.memory_space<vmem>> -> memref<1x1000x64xf32, #tpu.memory_space<vmem>>
    %dma_start3A_123 = tpu.memref_squeeze %dma_start3A_122 : memref<1x1000x64xf32, #tpu.memory_space<vmem>> -> memref<1000x64xf32, #tpu.memory_space<vmem>>
    %dma_start3A_124 = arith.constant 0 : i32
    %dma_start3A_125 = tpu.memref_slice %arg2[%add3A_118, %dma_start3A_124] : memref<160000x64xf32, #tpu.memory_space<hbm>> -> memref<1000x64xf32, #tpu.memory_space<hbm>>
    %dma_start3A_126 = arith.constant 0 : i32
    %dma_start3A_127 = arith.constant 0 : i32
    %dma_start3A_128 = tpu.memref_slice %arg7[%dma_start3A_119, %dma_start3A_126, %dma_start3A_127] : memref<1x1000x64xf32, #tpu.memory_space<vmem>> -> memref<1x1000x64xf32, #tpu.memory_space<vmem>>
    %dma_start3A_129 = tpu.memref_squeeze %dma_start3A_128 : memref<1x1000x64xf32, #tpu.memory_space<vmem>> -> memref<1000x64xf32, #tpu.memory_space<vmem>>
    %dma_start3A_130 = arith.constant 0 : i32
    %dma_start3A_131 = tpu.memref_slice %arg2[%add3A_118, %dma_start3A_130] : memref<160000x64xf32, #tpu.memory_space<hbm>> -> memref<1000x64xf32, #tpu.memory_space<hbm>>
    tpu.enqueue_dma source(%dma_start3A_131 : memref<1000x64xf32, #tpu.memory_space<hbm>>) target(%dma_start3A_129 : memref<1000x64xf32, #tpu.memory_space<vmem>>) target_semaphore(%arg10 : memref<!tpu.dma_semaphore, #tpu.memory_space<semaphore_mem>>)
    %dma_wait3A_132 = arith.constant 0 : i32
    %dma_wait3A_133 = arith.constant 0 : i32
    %dma_wait3A_134 = tpu.memref_slice %arg6[%dma_wait3A_132, %dma_wait3A_133] : memref<1x1000xi32, #tpu.memory_space<vmem>> -> memref<1x1000xi32, #tpu.memory_space<vmem>>
    %dma_wait3A_135 = tpu.memref_squeeze %dma_wait3A_134 : memref<1x1000xi32, #tpu.memory_space<vmem>> -> memref<1000xi32, #tpu.memory_space<vmem>>
    %dma_wait3A_136 = tpu.memref_slice %arg3[%add3A_107] : memref<160000xi32, #tpu.memory_space<hbm>> -> memref<1000xi32, #tpu.memory_space<hbm>>
    %dma_wait3A_137 = arith.constant 0 : i32
    %dma_wait3A_138 = tpu.memref_slice %arg6[%dma_wait3A_132, %dma_wait3A_137] : memref<1x1000xi32, #tpu.memory_space<vmem>> -> memref<1x1000xi32, #tpu.memory_space<vmem>>
    %dma_wait3A_139 = tpu.memref_squeeze %dma_wait3A_138 : memref<1x1000xi32, #tpu.memory_space<vmem>> -> memref<1000xi32, #tpu.memory_space<vmem>>
    %dma_wait3A_140 = tpu.memref_slice %arg3[%add3A_107] : memref<160000xi32, #tpu.memory_space<hbm>> -> memref<1000xi32, #tpu.memory_space<hbm>>
    tpu.wait_dma2 semaphore(%arg10 : memref<!tpu.dma_semaphore, #tpu.memory_space<semaphore_mem>>) src(%dma_wait3A_140 : memref<1000xi32, #tpu.memory_space<hbm>>) dst(%dma_wait3A_139 : memref<1000xi32, #tpu.memory_space<vmem>>)
    %dma_wait3A_141 = arith.constant 0 : i32
    %dma_wait3A_142 = arith.constant 0 : i32
    %dma_wait3A_143 = arith.constant 0 : i32
    %dma_wait3A_144 = tpu.memref_slice %arg7[%dma_wait3A_141, %dma_wait3A_142, %dma_wait3A_143] : memref<1x1000x64xf32, #tpu.memory_space<vmem>> -> memref<1x1000x64xf32, #tpu.memory_space<vmem>>
    %dma_wait3A_145 = tpu.memref_squeeze %dma_wait3A_144 : memref<1x1000x64xf32, #tpu.memory_space<vmem>> -> memref<1000x64xf32, #tpu.memory_space<vmem>>
    %dma_wait3A_146 = arith.constant 0 : i32
    %dma_wait3A_147 = tpu.memref_slice %arg2[%add3A_118, %dma_wait3A_146] : memref<160000x64xf32, #tpu.memory_space<hbm>> -> memref<1000x64xf32, #tpu.memory_space<hbm>>
    %dma_wait3A_148 = arith.constant 0 : i32
    %dma_wait3A_149 = arith.constant 0 : i32
    %dma_wait3A_150 = tpu.memref_slice %arg7[%dma_wait3A_141, %dma_wait3A_148, %dma_wait3A_149] : memref<1x1000x64xf32, #tpu.memory_space<vmem>> -> memref<1x1000x64xf32, #tpu.memory_space<vmem>>
    %dma_wait3A_151 = tpu.memref_squeeze %dma_wait3A_150 : memref<1x1000x64xf32, #tpu.memory_space<vmem>> -> memref<1000x64xf32, #tpu.memory_space<vmem>>
    %dma_wait3A_152 = arith.constant 0 : i32
    %dma_wait3A_153 = tpu.memref_slice %arg2[%add3A_118, %dma_wait3A_152] : memref<160000x64xf32, #tpu.memory_space<hbm>> -> memref<1000x64xf32, #tpu.memory_space<hbm>>
    tpu.wait_dma2 semaphore(%arg10 : memref<!tpu.dma_semaphore, #tpu.memory_space<semaphore_mem>>) src(%dma_wait3A_153 : memref<1000x64xf32, #tpu.memory_space<hbm>>) dst(%dma_wait3A_151 : memref<1000x64xf32, #tpu.memory_space<vmem>>)
    %run_scoped3A_154 = arith.constant 0 : i32
    %run_scoped3A_155 = arith.constant 0 : i32
    "tpu.region"() ({
      %run_scoped3A_257 = tpu.sem_alloc : memref<!tpu.dma_semaphore, #tpu.memory_space<semaphore_mem>>
      %dma_start3A_258 = arith.constant 0 : i32
      %dma_start3A_259 = arith.constant 0 : i32
      %dma_start3A_260 = tpu.memref_slice %arg7[%run_scoped3A_154, %dma_start3A_258, %dma_start3A_259] : memref<1x1000x64xf32, #tpu.memory_space<vmem>> -> memref<1x1000x64xf32, #tpu.memory_space<vmem>>
      %dma_start3A_261 = tpu.memref_squeeze %dma_start3A_260 : memref<1x1000x64xf32, #tpu.memory_space<vmem>> -> memref<1000x64xf32, #tpu.memory_space<vmem>>
      %dma_start3A_262 = arith.constant 0 : i32
      %dma_start3A_263 = tpu.memref_slice %arg6[%run_scoped3A_155, %dma_start3A_262] : memref<1x1000xi32, #tpu.memory_space<vmem>> -> memref<1x1000xi32, #tpu.memory_space<vmem>>
      %dma_start3A_264 = tpu.memref_squeeze %dma_start3A_263 : memref<1x1000xi32, #tpu.memory_space<vmem>> -> memref<1000xi32, #tpu.memory_space<vmem>>
      %dma_start3A_265 = arith.constant 0 : i32
      %dma_start3A_266 = arith.constant 0 : i32
      %dma_start3A_267 = tpu.memref_slice %arg8[%dma_start3A_265, %dma_start3A_266] : memref<10240x64xf32, #tpu.memory_space<vmem_shared>> -> memref<10240x64xf32, #tpu.memory_space<vmem_shared>>
      tpu.enqueue_indirect_dma source(%dma_start3A_261 : memref<1000x64xf32, #tpu.memory_space<vmem>>) target(%dma_start3A_267 : memref<10240x64xf32, #tpu.memory_space<vmem_shared>>) offsets(%dma_start3A_264 : memref<1000xi32, #tpu.memory_space<vmem>>) semaphore(%run_scoped3A_257 : memref<!tpu.dma_semaphore, #tpu.memory_space<semaphore_mem>>) {add = true}
      %dma_wait3A_268 = arith.constant 0 : i32
      %dma_wait3A_269 = arith.constant 0 : i32
      %dma_wait3A_270 = tpu.memref_slice %arg7[%run_scoped3A_154, %dma_wait3A_268, %dma_wait3A_269] : memref<1x1000x64xf32, #tpu.memory_space<vmem>> -> memref<1x1000x64xf32, #tpu.memory_space<vmem>>
      %dma_wait3A_271 = tpu.memref_squeeze %dma_wait3A_270 : memref<1x1000x64xf32, #tpu.memory_space<vmem>> -> memref<1000x64xf32, #tpu.memory_space<vmem>>
      %dma_wait3A_272 = arith.constant 0 : i32
      %dma_wait3A_273 = tpu.memref_slice %arg6[%run_scoped3A_155, %dma_wait3A_272] : memref<1x1000xi32, #tpu.memory_space<vmem>> -> memref<1x1000xi32, #tpu.memory_space<vmem>>
      %dma_wait3A_274 = tpu.memref_squeeze %dma_wait3A_273 : memref<1x1000xi32, #tpu.memory_space<vmem>> -> memref<1000xi32, #tpu.memory_space<vmem>>
      %dma_wait3A_275 = arith.constant 0 : i32
      %dma_wait3A_276 = arith.constant 0 : i32
      %dma_wait3A_277 = tpu.memref_slice %arg8[%dma_wait3A_275, %dma_wait3A_276] : memref<10240x64xf32, #tpu.memory_space<vmem_shared>> -> memref<10240x64xf32, #tpu.memory_space<vmem_shared>>
      tpu.wait_indirect_dma semaphore(%run_scoped3A_257 : memref<!tpu.dma_semaphore, #tpu.memory_space<semaphore_mem>>) src(%dma_wait3A_271 : memref<1000x64xf32, #tpu.memory_space<vmem>>) dst(%dma_wait3A_277 : memref<10240x64xf32, #tpu.memory_space<vmem_shared>>)
      tpu.yield
    }) : () -> ()
    %add3A_156 = arith.constant 3000 : i32
    %add3A_157 = arith.addi %mul3A_7, %add3A_156 : i32
    %dma_start3A_158 = arith.constant 0 : i32
    %dma_start3A_159 = arith.constant 0 : i32
    %dma_start3A_160 = tpu.memref_slice %arg6[%dma_start3A_158, %dma_start3A_159] : memref<1x1000xi32, #tpu.memory_space<vmem>> -> memref<1x1000xi32, #tpu.memory_space<vmem>>
    %dma_start3A_161 = tpu.memref_squeeze %dma_start3A_160 : memref<1x1000xi32, #tpu.memory_space<vmem>> -> memref<1000xi32, #tpu.memory_space<vmem>>
    %dma_start3A_162 = tpu.memref_slice %arg3[%add3A_157] : memref<160000xi32, #tpu.memory_space<hbm>> -> memref<1000xi32, #tpu.memory_space<hbm>>
    %dma_start3A_163 = arith.constant 0 : i32
    %dma_start3A_164 = tpu.memref_slice %arg6[%dma_start3A_158, %dma_start3A_163] : memref<1x1000xi32, #tpu.memory_space<vmem>> -> memref<1x1000xi32, #tpu.memory_space<vmem>>
    %dma_start3A_165 = tpu.memref_squeeze %dma_start3A_164 : memref<1x1000xi32, #tpu.memory_space<vmem>> -> memref<1000xi32, #tpu.memory_space<vmem>>
    %dma_start3A_166 = tpu.memref_slice %arg3[%add3A_157] : memref<160000xi32, #tpu.memory_space<hbm>> -> memref<1000xi32, #tpu.memory_space<hbm>>
    tpu.enqueue_dma source(%dma_start3A_166 : memref<1000xi32, #tpu.memory_space<hbm>>) target(%dma_start3A_165 : memref<1000xi32, #tpu.memory_space<vmem>>) target_semaphore(%arg10 : memref<!tpu.dma_semaphore, #tpu.memory_space<semaphore_mem>>)
    %add3A_167 = arith.constant 3000 : i32
    %add3A_168 = arith.addi %mul3A_7, %add3A_167 : i32
    %dma_start3A_169 = arith.constant 0 : i32
    %dma_start3A_170 = arith.constant 0 : i32
    %dma_start3A_171 = arith.constant 0 : i32
    %dma_start3A_172 = tpu.memref_slice %arg7[%dma_start3A_169, %dma_start3A_170, %dma_start3A_171] : memref<1x1000x64xf32, #tpu.memory_space<vmem>> -> memref<1x1000x64xf32, #tpu.memory_space<vmem>>
    %dma_start3A_173 = tpu.memref_squeeze %dma_start3A_172 : memref<1x1000x64xf32, #tpu.memory_space<vmem>> -> memref<1000x64xf32, #tpu.memory_space<vmem>>
    %dma_start3A_174 = arith.constant 0 : i32
    %dma_start3A_175 = tpu.memref_slice %arg2[%add3A_168, %dma_start3A_174] : memref<160000x64xf32, #tpu.memory_space<hbm>> -> memref<1000x64xf32, #tpu.memory_space<hbm>>
    %dma_start3A_176 = arith.constant 0 : i32
    %dma_start3A_177 = arith.constant 0 : i32
    %dma_start3A_178 = tpu.memref_slice %arg7[%dma_start3A_169, %dma_start3A_176, %dma_start3A_177] : memref<1x1000x64xf32, #tpu.memory_space<vmem>> -> memref<1x1000x64xf32, #tpu.memory_space<vmem>>
    %dma_start3A_179 = tpu.memref_squeeze %dma_start3A_178 : memref<1x1000x64xf32, #tpu.memory_space<vmem>> -> memref<1000x64xf32, #tpu.memory_space<vmem>>
    %dma_start3A_180 = arith.constant 0 : i32
    %dma_start3A_181 = tpu.memref_slice %arg2[%add3A_168, %dma_start3A_180] : memref<160000x64xf32, #tpu.memory_space<hbm>> -> memref<1000x64xf32, #tpu.memory_space<hbm>>
    tpu.enqueue_dma source(%dma_start3A_181 : memref<1000x64xf32, #tpu.memory_space<hbm>>) target(%dma_start3A_179 : memref<1000x64xf32, #tpu.memory_space<vmem>>) target_semaphore(%arg10 : memref<!tpu.dma_semaphore, #tpu.memory_space<semaphore_mem>>)
    %dma_wait3A_182 = arith.constant 0 : i32
    %dma_wait3A_183 = arith.constant 0 : i32
    %dma_wait3A_184 = tpu.memref_slice %arg6[%dma_wait3A_182, %dma_wait3A_183] : memref<1x1000xi32, #tpu.memory_space<vmem>> -> memref<1x1000xi32, #tpu.memory_space<vmem>>
    %dma_wait3A_185 = tpu.memref_squeeze %dma_wait3A_184 : memref<1x1000xi32, #tpu.memory_space<vmem>> -> memref<1000xi32, #tpu.memory_space<vmem>>
    %dma_wait3A_186 = tpu.memref_slice %arg3[%add3A_157] : memref<160000xi32, #tpu.memory_space<hbm>> -> memref<1000xi32, #tpu.memory_space<hbm>>
    %dma_wait3A_187 = arith.constant 0 : i32
    %dma_wait3A_188 = tpu.memref_slice %arg6[%dma_wait3A_182, %dma_wait3A_187] : memref<1x1000xi32, #tpu.memory_space<vmem>> -> memref<1x1000xi32, #tpu.memory_space<vmem>>
    %dma_wait3A_189 = tpu.memref_squeeze %dma_wait3A_188 : memref<1x1000xi32, #tpu.memory_space<vmem>> -> memref<1000xi32, #tpu.memory_space<vmem>>
    %dma_wait3A_190 = tpu.memref_slice %arg3[%add3A_157] : memref<160000xi32, #tpu.memory_space<hbm>> -> memref<1000xi32, #tpu.memory_space<hbm>>
    tpu.wait_dma2 semaphore(%arg10 : memref<!tpu.dma_semaphore, #tpu.memory_space<semaphore_mem>>) src(%dma_wait3A_190 : memref<1000xi32, #tpu.memory_space<hbm>>) dst(%dma_wait3A_189 : memref<1000xi32, #tpu.memory_space<vmem>>)
    %dma_wait3A_191 = arith.constant 0 : i32
    %dma_wait3A_192 = arith.constant 0 : i32
    %dma_wait3A_193 = arith.constant 0 : i32
    %dma_wait3A_194 = tpu.memref_slice %arg7[%dma_wait3A_191, %dma_wait3A_192, %dma_wait3A_193] : memref<1x1000x64xf32, #tpu.memory_space<vmem>> -> memref<1x1000x64xf32, #tpu.memory_space<vmem>>
    %dma_wait3A_195 = tpu.memref_squeeze %dma_wait3A_194 : memref<1x1000x64xf32, #tpu.memory_space<vmem>> -> memref<1000x64xf32, #tpu.memory_space<vmem>>
    %dma_wait3A_196 = arith.constant 0 : i32
    %dma_wait3A_197 = tpu.memref_slice %arg2[%add3A_168, %dma_wait3A_196] : memref<160000x64xf32, #tpu.memory_space<hbm>> -> memref<1000x64xf32, #tpu.memory_space<hbm>>
    %dma_wait3A_198 = arith.constant 0 : i32
    %dma_wait3A_199 = arith.constant 0 : i32
    %dma_wait3A_200 = tpu.memref_slice %arg7[%dma_wait3A_191, %dma_wait3A_198, %dma_wait3A_199] : memref<1x1000x64xf32, #tpu.memory_space<vmem>> -> memref<1x1000x64xf32, #tpu.memory_space<vmem>>
    %dma_wait3A_201 = tpu.memref_squeeze %dma_wait3A_200 : memref<1x1000x64xf32, #tpu.memory_space<vmem>> -> memref<1000x64xf32, #tpu.memory_space<vmem>>
    %dma_wait3A_202 = arith.constant 0 : i32
    %dma_wait3A_203 = tpu.memref_slice %arg2[%add3A_168, %dma_wait3A_202] : memref<160000x64xf32, #tpu.memory_space<hbm>> -> memref<1000x64xf32, #tpu.memory_space<hbm>>
    tpu.wait_dma2 semaphore(%arg10 : memref<!tpu.dma_semaphore, #tpu.memory_space<semaphore_mem>>) src(%dma_wait3A_203 : memref<1000x64xf32, #tpu.memory_space<hbm>>) dst(%dma_wait3A_201 : memref<1000x64xf32, #tpu.memory_space<vmem>>)
    %run_scoped3A_204 = arith.constant 0 : i32
    %run_scoped3A_205 = arith.constant 0 : i32
    "tpu.region"() ({
      %run_scoped3A_257 = tpu.sem_alloc : memref<!tpu.dma_semaphore, #tpu.memory_space<semaphore_mem>>
      %dma_start3A_258 = arith.constant 0 : i32
      %dma_start3A_259 = arith.constant 0 : i32
      %dma_start3A_260 = tpu.memref_slice %arg7[%run_scoped3A_204, %dma_start3A_258, %dma_start3A_259] : memref<1x1000x64xf32, #tpu.memory_space<vmem>> -> memref<1x1000x64xf32, #tpu.memory_space<vmem>>
      %dma_start3A_261 = tpu.memref_squeeze %dma_start3A_260 : memref<1x1000x64xf32, #tpu.memory_space<vmem>> -> memref<1000x64xf32, #tpu.memory_space<vmem>>
      %dma_start3A_262 = arith.constant 0 : i32
      %dma_start3A_263 = tpu.memref_slice %arg6[%run_scoped3A_205, %dma_start3A_262] : memref<1x1000xi32, #tpu.memory_space<vmem>> -> memref<1x1000xi32, #tpu.memory_space<vmem>>
      %dma_start3A_264 = tpu.memref_squeeze %dma_start3A_263 : memref<1x1000xi32, #tpu.memory_space<vmem>> -> memref<1000xi32, #tpu.memory_space<vmem>>
      %dma_start3A_265 = arith.constant 0 : i32
      %dma_start3A_266 = arith.constant 0 : i32
      %dma_start3A_267 = tpu.memref_slice %arg8[%dma_start3A_265, %dma_start3A_266] : memref<10240x64xf32, #tpu.memory_space<vmem_shared>> -> memref<10240x64xf32, #tpu.memory_space<vmem_shared>>
      tpu.enqueue_indirect_dma source(%dma_start3A_261 : memref<1000x64xf32, #tpu.memory_space<vmem>>) target(%dma_start3A_267 : memref<10240x64xf32, #tpu.memory_space<vmem_shared>>) offsets(%dma_start3A_264 : memref<1000xi32, #tpu.memory_space<vmem>>) semaphore(%run_scoped3A_257 : memref<!tpu.dma_semaphore, #tpu.memory_space<semaphore_mem>>) {add = true}
      %dma_wait3A_268 = arith.constant 0 : i32
      %dma_wait3A_269 = arith.constant 0 : i32
      %dma_wait3A_270 = tpu.memref_slice %arg7[%run_scoped3A_204, %dma_wait3A_268, %dma_wait3A_269] : memref<1x1000x64xf32, #tpu.memory_space<vmem>> -> memref<1x1000x64xf32, #tpu.memory_space<vmem>>
      %dma_wait3A_271 = tpu.memref_squeeze %dma_wait3A_270 : memref<1x1000x64xf32, #tpu.memory_space<vmem>> -> memref<1000x64xf32, #tpu.memory_space<vmem>>
      %dma_wait3A_272 = arith.constant 0 : i32
      %dma_wait3A_273 = tpu.memref_slice %arg6[%run_scoped3A_205, %dma_wait3A_272] : memref<1x1000xi32, #tpu.memory_space<vmem>> -> memref<1x1000xi32, #tpu.memory_space<vmem>>
      %dma_wait3A_274 = tpu.memref_squeeze %dma_wait3A_273 : memref<1x1000xi32, #tpu.memory_space<vmem>> -> memref<1000xi32, #tpu.memory_space<vmem>>
      %dma_wait3A_275 = arith.constant 0 : i32
      %dma_wait3A_276 = arith.constant 0 : i32
      %dma_wait3A_277 = tpu.memref_slice %arg8[%dma_wait3A_275, %dma_wait3A_276] : memref<10240x64xf32, #tpu.memory_space<vmem_shared>> -> memref<10240x64xf32, #tpu.memory_space<vmem_shared>>
      tpu.wait_indirect_dma semaphore(%run_scoped3A_257 : memref<!tpu.dma_semaphore, #tpu.memory_space<semaphore_mem>>) src(%dma_wait3A_271 : memref<1000x64xf32, #tpu.memory_space<vmem>>) dst(%dma_wait3A_277 : memref<10240x64xf32, #tpu.memory_space<vmem_shared>>)
      tpu.yield
    }) : () -> ()
    %add3A_206 = arith.constant 4000 : i32
    %add3A_207 = arith.addi %mul3A_7, %add3A_206 : i32
    %dma_start3A_208 = arith.constant 0 : i32
    %dma_start3A_209 = arith.constant 0 : i32
    %dma_start3A_210 = tpu.memref_slice %arg6[%dma_start3A_208, %dma_start3A_209] : memref<1x1000xi32, #tpu.memory_space<vmem>> -> memref<1x1000xi32, #tpu.memory_space<vmem>>
    %dma_start3A_211 = tpu.memref_squeeze %dma_start3A_210 : memref<1x1000xi32, #tpu.memory_space<vmem>> -> memref<1000xi32, #tpu.memory_space<vmem>>
    %dma_start3A_212 = tpu.memref_slice %arg3[%add3A_207] : memref<160000xi32, #tpu.memory_space<hbm>> -> memref<1000xi32, #tpu.memory_space<hbm>>
    %dma_start3A_213 = arith.constant 0 : i32
    %dma_start3A_214 = tpu.memref_slice %arg6[%dma_start3A_208, %dma_start3A_213] : memref<1x1000xi32, #tpu.memory_space<vmem>> -> memref<1x1000xi32, #tpu.memory_space<vmem>>
    %dma_start3A_215 = tpu.memref_squeeze %dma_start3A_214 : memref<1x1000xi32, #tpu.memory_space<vmem>> -> memref<1000xi32, #tpu.memory_space<vmem>>
    %dma_start3A_216 = tpu.memref_slice %arg3[%add3A_207] : memref<160000xi32, #tpu.memory_space<hbm>> -> memref<1000xi32, #tpu.memory_space<hbm>>
    tpu.enqueue_dma source(%dma_start3A_216 : memref<1000xi32, #tpu.memory_space<hbm>>) target(%dma_start3A_215 : memref<1000xi32, #tpu.memory_space<vmem>>) target_semaphore(%arg10 : memref<!tpu.dma_semaphore, #tpu.memory_space<semaphore_mem>>)
    %add3A_217 = arith.constant 4000 : i32
    %add3A_218 = arith.addi %mul3A_7, %add3A_217 : i32
    %dma_start3A_219 = arith.constant 0 : i32
    %dma_start3A_220 = arith.constant 0 : i32
    %dma_start3A_221 = arith.constant 0 : i32
    %dma_start3A_222 = tpu.memref_slice %arg7[%dma_start3A_219, %dma_start3A_220, %dma_start3A_221] : memref<1x1000x64xf32, #tpu.memory_space<vmem>> -> memref<1x1000x64xf32, #tpu.memory_space<vmem>>
    %dma_start3A_223 = tpu.memref_squeeze %dma_start3A_222 : memref<1x1000x64xf32, #tpu.memory_space<vmem>> -> memref<1000x64xf32, #tpu.memory_space<vmem>>
    %dma_start3A_224 = arith.constant 0 : i32
    %dma_start3A_225 = tpu.memref_slice %arg2[%add3A_218, %dma_start3A_224] : memref<160000x64xf32, #tpu.memory_space<hbm>> -> memref<1000x64xf32, #tpu.memory_space<hbm>>
    %dma_start3A_226 = arith.constant 0 : i32
    %dma_start3A_227 = arith.constant 0 : i32
    %dma_start3A_228 = tpu.memref_slice %arg7[%dma_start3A_219, %dma_start3A_226, %dma_start3A_227] : memref<1x1000x64xf32, #tpu.memory_space<vmem>> -> memref<1x1000x64xf32, #tpu.memory_space<vmem>>
    %dma_start3A_229 = tpu.memref_squeeze %dma_start3A_228 : memref<1x1000x64xf32, #tpu.memory_space<vmem>> -> memref<1000x64xf32, #tpu.memory_space<vmem>>
    %dma_start3A_230 = arith.constant 0 : i32
    %dma_start3A_231 = tpu.memref_slice %arg2[%add3A_218, %dma_start3A_230] : memref<160000x64xf32, #tpu.memory_space<hbm>> -> memref<1000x64xf32, #tpu.memory_space<hbm>>
    tpu.enqueue_dma source(%dma_start3A_231 : memref<1000x64xf32, #tpu.memory_space<hbm>>) target(%dma_start3A_229 : memref<1000x64xf32, #tpu.memory_space<vmem>>) target_semaphore(%arg10 : memref<!tpu.dma_semaphore, #tpu.memory_space<semaphore_mem>>)
    %dma_wait3A_232 = arith.constant 0 : i32
    %dma_wait3A_233 = arith.constant 0 : i32
    %dma_wait3A_234 = tpu.memref_slice %arg6[%dma_wait3A_232, %dma_wait3A_233] : memref<1x1000xi32, #tpu.memory_space<vmem>> -> memref<1x1000xi32, #tpu.memory_space<vmem>>
    %dma_wait3A_235 = tpu.memref_squeeze %dma_wait3A_234 : memref<1x1000xi32, #tpu.memory_space<vmem>> -> memref<1000xi32, #tpu.memory_space<vmem>>
    %dma_wait3A_236 = tpu.memref_slice %arg3[%add3A_207] : memref<160000xi32, #tpu.memory_space<hbm>> -> memref<1000xi32, #tpu.memory_space<hbm>>
    %dma_wait3A_237 = arith.constant 0 : i32
    %dma_wait3A_238 = tpu.memref_slice %arg6[%dma_wait3A_232, %dma_wait3A_237] : memref<1x1000xi32, #tpu.memory_space<vmem>> -> memref<1x1000xi32, #tpu.memory_space<vmem>>
    %dma_wait3A_239 = tpu.memref_squeeze %dma_wait3A_238 : memref<1x1000xi32, #tpu.memory_space<vmem>> -> memref<1000xi32, #tpu.memory_space<vmem>>
    %dma_wait3A_240 = tpu.memref_slice %arg3[%add3A_207] : memref<160000xi32, #tpu.memory_space<hbm>> -> memref<1000xi32, #tpu.memory_space<hbm>>
    tpu.wait_dma2 semaphore(%arg10 : memref<!tpu.dma_semaphore, #tpu.memory_space<semaphore_mem>>) src(%dma_wait3A_240 : memref<1000xi32, #tpu.memory_space<hbm>>) dst(%dma_wait3A_239 : memref<1000xi32, #tpu.memory_space<vmem>>)
    %dma_wait3A_241 = arith.constant 0 : i32
    %dma_wait3A_242 = arith.constant 0 : i32
    %dma_wait3A_243 = arith.constant 0 : i32
    %dma_wait3A_244 = tpu.memref_slice %arg7[%dma_wait3A_241, %dma_wait3A_242, %dma_wait3A_243] : memref<1x1000x64xf32, #tpu.memory_space<vmem>> -> memref<1x1000x64xf32, #tpu.memory_space<vmem>>
    %dma_wait3A_245 = tpu.memref_squeeze %dma_wait3A_244 : memref<1x1000x64xf32, #tpu.memory_space<vmem>> -> memref<1000x64xf32, #tpu.memory_space<vmem>>
    %dma_wait3A_246 = arith.constant 0 : i32
    %dma_wait3A_247 = tpu.memref_slice %arg2[%add3A_218, %dma_wait3A_246] : memref<160000x64xf32, #tpu.memory_space<hbm>> -> memref<1000x64xf32, #tpu.memory_space<hbm>>
    %dma_wait3A_248 = arith.constant 0 : i32
    %dma_wait3A_249 = arith.constant 0 : i32
    %dma_wait3A_250 = tpu.memref_slice %arg7[%dma_wait3A_241, %dma_wait3A_248, %dma_wait3A_249] : memref<1x1000x64xf32, #tpu.memory_space<vmem>> -> memref<1x1000x64xf32, #tpu.memory_space<vmem>>
    %dma_wait3A_251 = tpu.memref_squeeze %dma_wait3A_250 : memref<1x1000x64xf32, #tpu.memory_space<vmem>> -> memref<1000x64xf32, #tpu.memory_space<vmem>>
    %dma_wait3A_252 = arith.constant 0 : i32
    %dma_wait3A_253 = tpu.memref_slice %arg2[%add3A_218, %dma_wait3A_252] : memref<160000x64xf32, #tpu.memory_space<hbm>> -> memref<1000x64xf32, #tpu.memory_space<hbm>>
    tpu.wait_dma2 semaphore(%arg10 : memref<!tpu.dma_semaphore, #tpu.memory_space<semaphore_mem>>) src(%dma_wait3A_253 : memref<1000x64xf32, #tpu.memory_space<hbm>>) dst(%dma_wait3A_251 : memref<1000x64xf32, #tpu.memory_space<vmem>>)
    %run_scoped3A_254 = arith.constant 0 : i32
    %run_scoped3A_255 = arith.constant 0 : i32
    "tpu.region"() ({
      %run_scoped3A_257 = tpu.sem_alloc : memref<!tpu.dma_semaphore, #tpu.memory_space<semaphore_mem>>
      %dma_start3A_258 = arith.constant 0 : i32
      %dma_start3A_259 = arith.constant 0 : i32
      %dma_start3A_260 = tpu.memref_slice %arg7[%run_scoped3A_254, %dma_start3A_258, %dma_start3A_259] : memref<1x1000x64xf32, #tpu.memory_space<vmem>> -> memref<1x1000x64xf32, #tpu.memory_space<vmem>>
      %dma_start3A_261 = tpu.memref_squeeze %dma_start3A_260 : memref<1x1000x64xf32, #tpu.memory_space<vmem>> -> memref<1000x64xf32, #tpu.memory_space<vmem>>
      %dma_start3A_262 = arith.constant 0 : i32
      %dma_start3A_263 = tpu.memref_slice %arg6[%run_scoped3A_255, %dma_start3A_262] : memref<1x1000xi32, #tpu.memory_space<vmem>> -> memref<1x1000xi32, #tpu.memory_space<vmem>>
      %dma_start3A_264 = tpu.memref_squeeze %dma_start3A_263 : memref<1x1000xi32, #tpu.memory_space<vmem>> -> memref<1000xi32, #tpu.memory_space<vmem>>
      %dma_start3A_265 = arith.constant 0 : i32
      %dma_start3A_266 = arith.constant 0 : i32
      %dma_start3A_267 = tpu.memref_slice %arg8[%dma_start3A_265, %dma_start3A_266] : memref<10240x64xf32, #tpu.memory_space<vmem_shared>> -> memref<10240x64xf32, #tpu.memory_space<vmem_shared>>
      tpu.enqueue_indirect_dma source(%dma_start3A_261 : memref<1000x64xf32, #tpu.memory_space<vmem>>) target(%dma_start3A_267 : memref<10240x64xf32, #tpu.memory_space<vmem_shared>>) offsets(%dma_start3A_264 : memref<1000xi32, #tpu.memory_space<vmem>>) semaphore(%run_scoped3A_257 : memref<!tpu.dma_semaphore, #tpu.memory_space<semaphore_mem>>) {add = true}
      %dma_wait3A_268 = arith.constant 0 : i32
      %dma_wait3A_269 = arith.constant 0 : i32
      %dma_wait3A_270 = tpu.memref_slice %arg7[%run_scoped3A_254, %dma_wait3A_268, %dma_wait3A_269] : memref<1x1000x64xf32, #tpu.memory_space<vmem>> -> memref<1x1000x64xf32, #tpu.memory_space<vmem>>
      %dma_wait3A_271 = tpu.memref_squeeze %dma_wait3A_270 : memref<1x1000x64xf32, #tpu.memory_space<vmem>> -> memref<1000x64xf32, #tpu.memory_space<vmem>>
      %dma_wait3A_272 = arith.constant 0 : i32
      %dma_wait3A_273 = tpu.memref_slice %arg6[%run_scoped3A_255, %dma_wait3A_272] : memref<1x1000xi32, #tpu.memory_space<vmem>> -> memref<1x1000xi32, #tpu.memory_space<vmem>>
      %dma_wait3A_274 = tpu.memref_squeeze %dma_wait3A_273 : memref<1x1000xi32, #tpu.memory_space<vmem>> -> memref<1000xi32, #tpu.memory_space<vmem>>
      %dma_wait3A_275 = arith.constant 0 : i32
      %dma_wait3A_276 = arith.constant 0 : i32
      %dma_wait3A_277 = tpu.memref_slice %arg8[%dma_wait3A_275, %dma_wait3A_276] : memref<10240x64xf32, #tpu.memory_space<vmem_shared>> -> memref<10240x64xf32, #tpu.memory_space<vmem_shared>>
      tpu.wait_indirect_dma semaphore(%run_scoped3A_257 : memref<!tpu.dma_semaphore, #tpu.memory_space<semaphore_mem>>) src(%dma_wait3A_271 : memref<1000x64xf32, #tpu.memory_space<vmem>>) dst(%dma_wait3A_277 : memref<10240x64xf32, #tpu.memory_space<vmem_shared>>)
      tpu.yield
    }) : () -> ()
    %barrier3A_256 = arith.constant 0 : index
    tpu.barrier barrier_id(%barrier3A_256)
    "tpu.region"() ({
      %run_scoped3A_257 = tpu.sem_alloc : memref<!tpu.dma_semaphore, #tpu.memory_space<semaphore_mem>>
      %dma_start3A_258 = arith.constant 0 : i32
      %dma_start3A_259 = tpu.memref_slice %arg5[%arg0, %mul3A_0, %dma_start3A_258] : memref<2x10240x64xf32, #tpu.memory_space<hbm>> -> memref<1x640x64xf32, #tpu.memory_space<hbm>>
      %dma_start3A_260 = tpu.memref_squeeze %dma_start3A_259 : memref<1x640x64xf32, #tpu.memory_space<hbm>> -> memref<640x64xf32, #tpu.memory_space<hbm>>
      %dma_start3A_261 = arith.constant 0 : i32
      %dma_start3A_262 = tpu.memref_slice %arg8[%mul3A_0, %dma_start3A_261] : memref<10240x64xf32, #tpu.memory_space<vmem_shared>> -> memref<640x64xf32, #tpu.memory_space<vmem_shared>>
      tpu.enqueue_dma source(%dma_start3A_262 : memref<640x64xf32, #tpu.memory_space<vmem_shared>>) target(%dma_start3A_260 : memref<640x64xf32, #tpu.memory_space<hbm>>) target_semaphore(%run_scoped3A_257 : memref<!tpu.dma_semaphore, #tpu.memory_space<semaphore_mem>>)
      %dma_wait3A_263 = arith.constant 0 : i32
      %dma_wait3A_264 = tpu.memref_slice %arg5[%arg0, %mul3A_0, %dma_wait3A_263] : memref<2x10240x64xf32, #tpu.memory_space<hbm>> -> memref<1x640x64xf32, #tpu.memory_space<hbm>>
      %dma_wait3A_265 = tpu.memref_squeeze %dma_wait3A_264 : memref<1x640x64xf32, #tpu.memory_space<hbm>> -> memref<640x64xf32, #tpu.memory_space<hbm>>
      %dma_wait3A_266 = arith.constant 0 : i32
      %dma_wait3A_267 = tpu.memref_slice %arg8[%mul3A_0, %dma_wait3A_266] : memref<10240x64xf32, #tpu.memory_space<vmem_shared>> -> memref<640x64xf32, #tpu.memory_space<vmem_shared>>
      tpu.wait_dma2 semaphore(%run_scoped3A_257 : memref<!tpu.dma_semaphore, #tpu.memory_space<semaphore_mem>>) src(%dma_wait3A_267 : memref<640x64xf32, #tpu.memory_space<vmem_shared>>) dst(%dma_wait3A_265 : memref<640x64xf32, #tpu.memory_space<hbm>>)
      tpu.yield
    }) : () -> ()
    return
  }
}

#map = affine_map<(d0, d1) -> (0, 0)>
#map1 = affine_map<(d0, d1) -> (0)>
module attributes {stable_mosaic.version = 14 : i64} {
  func.func @k(%arg0: i32, %arg1: i32, %arg2: memref<10240x32xf32, #tpu.memory_space<hbm>>, %arg3: memref<160000xi32, #tpu.memory_space<hbm>>, %arg4: memref<160000x32xf32, #tpu.memory_space<hbm>>, %arg5: memref<5000xi32, #tpu.memory_space<vmem>>, %arg6: memref<2x1000x32xf32, #tpu.memory_space<vmem>>, %arg7: memref<!tpu.dma_semaphore, #tpu.memory_space<semaphore_mem>>, %arg8: memref<!tpu.dma_semaphore, #tpu.memory_space<semaphore_mem>>, %arg9: memref<!tpu.dma_semaphore, #tpu.memory_space<semaphore_mem>>, %arg10: memref<!tpu.dma_semaphore, #tpu.memory_space<semaphore_mem>>) attributes {dimension_semantics = [#tpu.dimension_semantics<core_parallel>, #tpu.dimension_semantics<subcore_parallel>], iteration_bounds = array<i64: 2, 16>, scalar_prefetch = 0 : i64, scratch_operands = 6 : i64, tpu.core_type = #tpu.core_type<sc_vector_subcore>, window_params = [{transform_indices = #map}, {transform_indices = #map1}, {transform_indices = #map}]} {
    %mul3A = arith.constant 2 : i32
    %mul3A_0 = arith.muli %arg1, %mul3A : i32
    %add3A = arith.addi %mul3A_0, %arg0 : i32
    %mul3A_1 = arith.constant 5000 : i32
    %mul3A_2 = arith.muli %add3A, %mul3A_1 : i32
    "tpu.region"() ({
      %run_scoped3A = tpu.sem_alloc : memref<!tpu.dma_semaphore, #tpu.memory_space<semaphore_mem>>
      %dma_start3A_241 = tpu.memref_slice %arg3[%mul3A_2] : memref<160000xi32, #tpu.memory_space<hbm>> -> memref<5000xi32, #tpu.memory_space<hbm>>
      %dma_start3A_242 = tpu.memref_slice %arg3[%mul3A_2] : memref<160000xi32, #tpu.memory_space<hbm>> -> memref<5000xi32, #tpu.memory_space<hbm>>
      tpu.enqueue_dma source(%dma_start3A_242 : memref<5000xi32, #tpu.memory_space<hbm>>) target(%arg5 : memref<5000xi32, #tpu.memory_space<vmem>>) target_semaphore(%run_scoped3A : memref<!tpu.dma_semaphore, #tpu.memory_space<semaphore_mem>>)
      %dma_wait3A_243 = tpu.memref_slice %arg3[%mul3A_2] : memref<160000xi32, #tpu.memory_space<hbm>> -> memref<5000xi32, #tpu.memory_space<hbm>>
      %dma_wait3A_244 = tpu.memref_slice %arg3[%mul3A_2] : memref<160000xi32, #tpu.memory_space<hbm>> -> memref<5000xi32, #tpu.memory_space<hbm>>
      tpu.wait_dma2 semaphore(%run_scoped3A : memref<!tpu.dma_semaphore, #tpu.memory_space<semaphore_mem>>) src(%dma_wait3A_244 : memref<5000xi32, #tpu.memory_space<hbm>>) dst(%arg5 : memref<5000xi32, #tpu.memory_space<vmem>>)
      tpu.yield
    }) : () -> ()
    %dma_start3A = arith.constant 0 : i32
    %dma_start3A_3 = arith.constant 0 : i32
    %dma_start3A_4 = arith.constant 0 : i32
    %dma_start3A_5 = tpu.memref_slice %arg6[%dma_start3A, %dma_start3A_3, %dma_start3A_4] : memref<2x1000x32xf32, #tpu.memory_space<vmem>> -> memref<1x1000x32xf32, #tpu.memory_space<vmem>>
    %dma_start3A_6 = tpu.memref_squeeze %dma_start3A_5 : memref<1x1000x32xf32, #tpu.memory_space<vmem>> -> memref<1000x32xf32, #tpu.memory_space<vmem>>
    %dma_start3A_7 = arith.constant 0 : i32
    %dma_start3A_8 = tpu.memref_slice %arg5[%dma_start3A_7] : memref<5000xi32, #tpu.memory_space<vmem>> -> memref<1000xi32, #tpu.memory_space<vmem>>
    %dma_start3A_9 = arith.constant 0 : i32
    %dma_start3A_10 = arith.constant 0 : i32
    %dma_start3A_11 = tpu.memref_slice %arg2[%dma_start3A_9, %dma_start3A_10] : memref<10240x32xf32, #tpu.memory_space<hbm>> -> memref<10240x32xf32, #tpu.memory_space<hbm>>
    tpu.enqueue_indirect_dma source(%dma_start3A_11 : memref<10240x32xf32, #tpu.memory_space<hbm>>) target(%dma_start3A_6 : memref<1000x32xf32, #tpu.memory_space<vmem>>) offsets(%dma_start3A_8 : memref<1000xi32, #tpu.memory_space<vmem>>) semaphore(%arg7 : memref<!tpu.dma_semaphore, #tpu.memory_space<semaphore_mem>>)
    %dma_wait3A = arith.constant 0 : i32
    %dma_wait3A_12 = arith.constant 0 : i32
    %dma_wait3A_13 = arith.constant 0 : i32
    %dma_wait3A_14 = tpu.memref_slice %arg6[%dma_wait3A, %dma_wait3A_12, %dma_wait3A_13] : memref<2x1000x32xf32, #tpu.memory_space<vmem>> -> memref<1x1000x32xf32, #tpu.memory_space<vmem>>
    %dma_wait3A_15 = tpu.memref_squeeze %dma_wait3A_14 : memref<1x1000x32xf32, #tpu.memory_space<vmem>> -> memref<1000x32xf32, #tpu.memory_space<vmem>>
    %dma_wait3A_16 = arith.constant 0 : i32
    %dma_wait3A_17 = tpu.memref_slice %arg5[%dma_wait3A_16] : memref<5000xi32, #tpu.memory_space<vmem>> -> memref<1000xi32, #tpu.memory_space<vmem>>
    %dma_wait3A_18 = arith.constant 0 : i32
    %dma_wait3A_19 = arith.constant 0 : i32
    %dma_wait3A_20 = tpu.memref_slice %arg2[%dma_wait3A_18, %dma_wait3A_19] : memref<10240x32xf32, #tpu.memory_space<hbm>> -> memref<10240x32xf32, #tpu.memory_space<hbm>>
    tpu.wait_indirect_dma semaphore(%arg7 : memref<!tpu.dma_semaphore, #tpu.memory_space<semaphore_mem>>) src(%dma_wait3A_20 : memref<10240x32xf32, #tpu.memory_space<hbm>>) dst(%dma_wait3A_15 : memref<1000x32xf32, #tpu.memory_space<vmem>>)
    %dma_start3A_21 = arith.constant 1 : i32
    %dma_start3A_22 = arith.constant 0 : i32
    %dma_start3A_23 = arith.constant 0 : i32
    %dma_start3A_24 = tpu.memref_slice %arg6[%dma_start3A_21, %dma_start3A_22, %dma_start3A_23] : memref<2x1000x32xf32, #tpu.memory_space<vmem>> -> memref<1x1000x32xf32, #tpu.memory_space<vmem>>
    %dma_start3A_25 = tpu.memref_squeeze %dma_start3A_24 : memref<1x1000x32xf32, #tpu.memory_space<vmem>> -> memref<1000x32xf32, #tpu.memory_space<vmem>>
    %dma_start3A_26 = arith.constant 1000 : i32
    %dma_start3A_27 = tpu.memref_slice %arg5[%dma_start3A_26] : memref<5000xi32, #tpu.memory_space<vmem>> -> memref<1000xi32, #tpu.memory_space<vmem>>
    %dma_start3A_28 = arith.constant 0 : i32
    %dma_start3A_29 = arith.constant 0 : i32
    %dma_start3A_30 = tpu.memref_slice %arg2[%dma_start3A_28, %dma_start3A_29] : memref<10240x32xf32, #tpu.memory_space<hbm>> -> memref<10240x32xf32, #tpu.memory_space<hbm>>
    tpu.enqueue_indirect_dma source(%dma_start3A_30 : memref<10240x32xf32, #tpu.memory_space<hbm>>) target(%dma_start3A_25 : memref<1000x32xf32, #tpu.memory_space<vmem>>) offsets(%dma_start3A_27 : memref<1000xi32, #tpu.memory_space<vmem>>) semaphore(%arg8 : memref<!tpu.dma_semaphore, #tpu.memory_space<semaphore_mem>>)
    %add3A_31 = arith.constant 0 : i32
    %add3A_32 = arith.addi %mul3A_2, %add3A_31 : i32
    %dma_start3A_33 = arith.constant 0 : i32
    %dma_start3A_34 = arith.constant 0 : i32
    %dma_start3A_35 = arith.constant 0 : i32
    %dma_start3A_36 = tpu.memref_slice %arg6[%dma_start3A_33, %dma_start3A_34, %dma_start3A_35] : memref<2x1000x32xf32, #tpu.memory_space<vmem>> -> memref<1x1000x32xf32, #tpu.memory_space<vmem>>
    %dma_start3A_37 = tpu.memref_squeeze %dma_start3A_36 : memref<1x1000x32xf32, #tpu.memory_space<vmem>> -> memref<1000x32xf32, #tpu.memory_space<vmem>>
    %dma_start3A_38 = arith.constant 0 : i32
    %dma_start3A_39 = tpu.memref_slice %arg4[%add3A_32, %dma_start3A_38] : memref<160000x32xf32, #tpu.memory_space<hbm>> -> memref<1000x32xf32, #tpu.memory_space<hbm>>
    %dma_start3A_40 = arith.constant 0 : i32
    %dma_start3A_41 = tpu.memref_slice %arg4[%add3A_32, %dma_start3A_40] : memref<160000x32xf32, #tpu.memory_space<hbm>> -> memref<1000x32xf32, #tpu.memory_space<hbm>>
    %dma_start3A_42 = arith.constant 0 : i32
    %dma_start3A_43 = arith.constant 0 : i32
    %dma_start3A_44 = tpu.memref_slice %arg6[%dma_start3A_33, %dma_start3A_42, %dma_start3A_43] : memref<2x1000x32xf32, #tpu.memory_space<vmem>> -> memref<1x1000x32xf32, #tpu.memory_space<vmem>>
    %dma_start3A_45 = tpu.memref_squeeze %dma_start3A_44 : memref<1x1000x32xf32, #tpu.memory_space<vmem>> -> memref<1000x32xf32, #tpu.memory_space<vmem>>
    tpu.enqueue_dma source(%dma_start3A_45 : memref<1000x32xf32, #tpu.memory_space<vmem>>) target(%dma_start3A_41 : memref<1000x32xf32, #tpu.memory_space<hbm>>) target_semaphore(%arg9 : memref<!tpu.dma_semaphore, #tpu.memory_space<semaphore_mem>>)
    %dma_wait3A_46 = arith.constant 1 : i32
    %dma_wait3A_47 = arith.constant 0 : i32
    %dma_wait3A_48 = arith.constant 0 : i32
    %dma_wait3A_49 = tpu.memref_slice %arg6[%dma_wait3A_46, %dma_wait3A_47, %dma_wait3A_48] : memref<2x1000x32xf32, #tpu.memory_space<vmem>> -> memref<1x1000x32xf32, #tpu.memory_space<vmem>>
    %dma_wait3A_50 = tpu.memref_squeeze %dma_wait3A_49 : memref<1x1000x32xf32, #tpu.memory_space<vmem>> -> memref<1000x32xf32, #tpu.memory_space<vmem>>
    %dma_wait3A_51 = arith.constant 1000 : i32
    %dma_wait3A_52 = tpu.memref_slice %arg5[%dma_wait3A_51] : memref<5000xi32, #tpu.memory_space<vmem>> -> memref<1000xi32, #tpu.memory_space<vmem>>
    %dma_wait3A_53 = arith.constant 0 : i32
    %dma_wait3A_54 = arith.constant 0 : i32
    %dma_wait3A_55 = tpu.memref_slice %arg2[%dma_wait3A_53, %dma_wait3A_54] : memref<10240x32xf32, #tpu.memory_space<hbm>> -> memref<10240x32xf32, #tpu.memory_space<hbm>>
    tpu.wait_indirect_dma semaphore(%arg8 : memref<!tpu.dma_semaphore, #tpu.memory_space<semaphore_mem>>) src(%dma_wait3A_55 : memref<10240x32xf32, #tpu.memory_space<hbm>>) dst(%dma_wait3A_50 : memref<1000x32xf32, #tpu.memory_space<vmem>>)
    %dma_wait3A_56 = arith.constant 0 : i32
    %dma_wait3A_57 = arith.constant 0 : i32
    %dma_wait3A_58 = arith.constant 0 : i32
    %dma_wait3A_59 = tpu.memref_slice %arg6[%dma_wait3A_56, %dma_wait3A_57, %dma_wait3A_58] : memref<2x1000x32xf32, #tpu.memory_space<vmem>> -> memref<1x1000x32xf32, #tpu.memory_space<vmem>>
    %dma_wait3A_60 = tpu.memref_squeeze %dma_wait3A_59 : memref<1x1000x32xf32, #tpu.memory_space<vmem>> -> memref<1000x32xf32, #tpu.memory_space<vmem>>
    %dma_wait3A_61 = arith.constant 0 : i32
    %dma_wait3A_62 = tpu.memref_slice %arg4[%add3A_32, %dma_wait3A_61] : memref<160000x32xf32, #tpu.memory_space<hbm>> -> memref<1000x32xf32, #tpu.memory_space<hbm>>
    %dma_wait3A_63 = arith.constant 0 : i32
    %dma_wait3A_64 = tpu.memref_slice %arg4[%add3A_32, %dma_wait3A_63] : memref<160000x32xf32, #tpu.memory_space<hbm>> -> memref<1000x32xf32, #tpu.memory_space<hbm>>
    %dma_wait3A_65 = arith.constant 0 : i32
    %dma_wait3A_66 = arith.constant 0 : i32
    %dma_wait3A_67 = tpu.memref_slice %arg6[%dma_wait3A_56, %dma_wait3A_65, %dma_wait3A_66] : memref<2x1000x32xf32, #tpu.memory_space<vmem>> -> memref<1x1000x32xf32, #tpu.memory_space<vmem>>
    %dma_wait3A_68 = tpu.memref_squeeze %dma_wait3A_67 : memref<1x1000x32xf32, #tpu.memory_space<vmem>> -> memref<1000x32xf32, #tpu.memory_space<vmem>>
    tpu.wait_dma2 semaphore(%arg9 : memref<!tpu.dma_semaphore, #tpu.memory_space<semaphore_mem>>) src(%dma_wait3A_68 : memref<1000x32xf32, #tpu.memory_space<vmem>>) dst(%dma_wait3A_64 : memref<1000x32xf32, #tpu.memory_space<hbm>>)
    %dma_start3A_69 = arith.constant 0 : i32
    %dma_start3A_70 = arith.constant 0 : i32
    %dma_start3A_71 = arith.constant 0 : i32
    %dma_start3A_72 = tpu.memref_slice %arg6[%dma_start3A_69, %dma_start3A_70, %dma_start3A_71] : memref<2x1000x32xf32, #tpu.memory_space<vmem>> -> memref<1x1000x32xf32, #tpu.memory_space<vmem>>
    %dma_start3A_73 = tpu.memref_squeeze %dma_start3A_72 : memref<1x1000x32xf32, #tpu.memory_space<vmem>> -> memref<1000x32xf32, #tpu.memory_space<vmem>>
    %dma_start3A_74 = arith.constant 2000 : i32
    %dma_start3A_75 = tpu.memref_slice %arg5[%dma_start3A_74] : memref<5000xi32, #tpu.memory_space<vmem>> -> memref<1000xi32, #tpu.memory_space<vmem>>
    %dma_start3A_76 = arith.constant 0 : i32
    %dma_start3A_77 = arith.constant 0 : i32
    %dma_start3A_78 = tpu.memref_slice %arg2[%dma_start3A_76, %dma_start3A_77] : memref<10240x32xf32, #tpu.memory_space<hbm>> -> memref<10240x32xf32, #tpu.memory_space<hbm>>
    tpu.enqueue_indirect_dma source(%dma_start3A_78 : memref<10240x32xf32, #tpu.memory_space<hbm>>) target(%dma_start3A_73 : memref<1000x32xf32, #tpu.memory_space<vmem>>) offsets(%dma_start3A_75 : memref<1000xi32, #tpu.memory_space<vmem>>) semaphore(%arg7 : memref<!tpu.dma_semaphore, #tpu.memory_space<semaphore_mem>>)
    %add3A_79 = arith.constant 1000 : i32
    %add3A_80 = arith.addi %mul3A_2, %add3A_79 : i32
    %dma_start3A_81 = arith.constant 1 : i32
    %dma_start3A_82 = arith.constant 0 : i32
    %dma_start3A_83 = arith.constant 0 : i32
    %dma_start3A_84 = tpu.memref_slice %arg6[%dma_start3A_81, %dma_start3A_82, %dma_start3A_83] : memref<2x1000x32xf32, #tpu.memory_space<vmem>> -> memref<1x1000x32xf32, #tpu.memory_space<vmem>>
    %dma_start3A_85 = tpu.memref_squeeze %dma_start3A_84 : memref<1x1000x32xf32, #tpu.memory_space<vmem>> -> memref<1000x32xf32, #tpu.memory_space<vmem>>
    %dma_start3A_86 = arith.constant 0 : i32
    %dma_start3A_87 = tpu.memref_slice %arg4[%add3A_80, %dma_start3A_86] : memref<160000x32xf32, #tpu.memory_space<hbm>> -> memref<1000x32xf32, #tpu.memory_space<hbm>>
    %dma_start3A_88 = arith.constant 0 : i32
    %dma_start3A_89 = tpu.memref_slice %arg4[%add3A_80, %dma_start3A_88] : memref<160000x32xf32, #tpu.memory_space<hbm>> -> memref<1000x32xf32, #tpu.memory_space<hbm>>
    %dma_start3A_90 = arith.constant 0 : i32
    %dma_start3A_91 = arith.constant 0 : i32
    %dma_start3A_92 = tpu.memref_slice %arg6[%dma_start3A_81, %dma_start3A_90, %dma_start3A_91] : memref<2x1000x32xf32, #tpu.memory_space<vmem>> -> memref<1x1000x32xf32, #tpu.memory_space<vmem>>
    %dma_start3A_93 = tpu.memref_squeeze %dma_start3A_92 : memref<1x1000x32xf32, #tpu.memory_space<vmem>> -> memref<1000x32xf32, #tpu.memory_space<vmem>>
    tpu.enqueue_dma source(%dma_start3A_93 : memref<1000x32xf32, #tpu.memory_space<vmem>>) target(%dma_start3A_89 : memref<1000x32xf32, #tpu.memory_space<hbm>>) target_semaphore(%arg10 : memref<!tpu.dma_semaphore, #tpu.memory_space<semaphore_mem>>)
    %dma_wait3A_94 = arith.constant 0 : i32
    %dma_wait3A_95 = arith.constant 0 : i32
    %dma_wait3A_96 = arith.constant 0 : i32
    %dma_wait3A_97 = tpu.memref_slice %arg6[%dma_wait3A_94, %dma_wait3A_95, %dma_wait3A_96] : memref<2x1000x32xf32, #tpu.memory_space<vmem>> -> memref<1x1000x32xf32, #tpu.memory_space<vmem>>
    %dma_wait3A_98 = tpu.memref_squeeze %dma_wait3A_97 : memref<1x1000x32xf32, #tpu.memory_space<vmem>> -> memref<1000x32xf32, #tpu.memory_space<vmem>>
    %dma_wait3A_99 = arith.constant 2000 : i32
    %dma_wait3A_100 = tpu.memref_slice %arg5[%dma_wait3A_99] : memref<5000xi32, #tpu.memory_space<vmem>> -> memref<1000xi32, #tpu.memory_space<vmem>>
    %dma_wait3A_101 = arith.constant 0 : i32
    %dma_wait3A_102 = arith.constant 0 : i32
    %dma_wait3A_103 = tpu.memref_slice %arg2[%dma_wait3A_101, %dma_wait3A_102] : memref<10240x32xf32, #tpu.memory_space<hbm>> -> memref<10240x32xf32, #tpu.memory_space<hbm>>
    tpu.wait_indirect_dma semaphore(%arg7 : memref<!tpu.dma_semaphore, #tpu.memory_space<semaphore_mem>>) src(%dma_wait3A_103 : memref<10240x32xf32, #tpu.memory_space<hbm>>) dst(%dma_wait3A_98 : memref<1000x32xf32, #tpu.memory_space<vmem>>)
    %dma_wait3A_104 = arith.constant 1 : i32
    %dma_wait3A_105 = arith.constant 0 : i32
    %dma_wait3A_106 = arith.constant 0 : i32
    %dma_wait3A_107 = tpu.memref_slice %arg6[%dma_wait3A_104, %dma_wait3A_105, %dma_wait3A_106] : memref<2x1000x32xf32, #tpu.memory_space<vmem>> -> memref<1x1000x32xf32, #tpu.memory_space<vmem>>
    %dma_wait3A_108 = tpu.memref_squeeze %dma_wait3A_107 : memref<1x1000x32xf32, #tpu.memory_space<vmem>> -> memref<1000x32xf32, #tpu.memory_space<vmem>>
    %dma_wait3A_109 = arith.constant 0 : i32
    %dma_wait3A_110 = tpu.memref_slice %arg4[%add3A_80, %dma_wait3A_109] : memref<160000x32xf32, #tpu.memory_space<hbm>> -> memref<1000x32xf32, #tpu.memory_space<hbm>>
    %dma_wait3A_111 = arith.constant 0 : i32
    %dma_wait3A_112 = tpu.memref_slice %arg4[%add3A_80, %dma_wait3A_111] : memref<160000x32xf32, #tpu.memory_space<hbm>> -> memref<1000x32xf32, #tpu.memory_space<hbm>>
    %dma_wait3A_113 = arith.constant 0 : i32
    %dma_wait3A_114 = arith.constant 0 : i32
    %dma_wait3A_115 = tpu.memref_slice %arg6[%dma_wait3A_104, %dma_wait3A_113, %dma_wait3A_114] : memref<2x1000x32xf32, #tpu.memory_space<vmem>> -> memref<1x1000x32xf32, #tpu.memory_space<vmem>>
    %dma_wait3A_116 = tpu.memref_squeeze %dma_wait3A_115 : memref<1x1000x32xf32, #tpu.memory_space<vmem>> -> memref<1000x32xf32, #tpu.memory_space<vmem>>
    tpu.wait_dma2 semaphore(%arg10 : memref<!tpu.dma_semaphore, #tpu.memory_space<semaphore_mem>>) src(%dma_wait3A_116 : memref<1000x32xf32, #tpu.memory_space<vmem>>) dst(%dma_wait3A_112 : memref<1000x32xf32, #tpu.memory_space<hbm>>)
    %dma_start3A_117 = arith.constant 1 : i32
    %dma_start3A_118 = arith.constant 0 : i32
    %dma_start3A_119 = arith.constant 0 : i32
    %dma_start3A_120 = tpu.memref_slice %arg6[%dma_start3A_117, %dma_start3A_118, %dma_start3A_119] : memref<2x1000x32xf32, #tpu.memory_space<vmem>> -> memref<1x1000x32xf32, #tpu.memory_space<vmem>>
    %dma_start3A_121 = tpu.memref_squeeze %dma_start3A_120 : memref<1x1000x32xf32, #tpu.memory_space<vmem>> -> memref<1000x32xf32, #tpu.memory_space<vmem>>
    %dma_start3A_122 = arith.constant 3000 : i32
    %dma_start3A_123 = tpu.memref_slice %arg5[%dma_start3A_122] : memref<5000xi32, #tpu.memory_space<vmem>> -> memref<1000xi32, #tpu.memory_space<vmem>>
    %dma_start3A_124 = arith.constant 0 : i32
    %dma_start3A_125 = arith.constant 0 : i32
    %dma_start3A_126 = tpu.memref_slice %arg2[%dma_start3A_124, %dma_start3A_125] : memref<10240x32xf32, #tpu.memory_space<hbm>> -> memref<10240x32xf32, #tpu.memory_space<hbm>>
    tpu.enqueue_indirect_dma source(%dma_start3A_126 : memref<10240x32xf32, #tpu.memory_space<hbm>>) target(%dma_start3A_121 : memref<1000x32xf32, #tpu.memory_space<vmem>>) offsets(%dma_start3A_123 : memref<1000xi32, #tpu.memory_space<vmem>>) semaphore(%arg8 : memref<!tpu.dma_semaphore, #tpu.memory_space<semaphore_mem>>)
    %add3A_127 = arith.constant 2000 : i32
    %add3A_128 = arith.addi %mul3A_2, %add3A_127 : i32
    %dma_start3A_129 = arith.constant 0 : i32
    %dma_start3A_130 = arith.constant 0 : i32
    %dma_start3A_131 = arith.constant 0 : i32
    %dma_start3A_132 = tpu.memref_slice %arg6[%dma_start3A_129, %dma_start3A_130, %dma_start3A_131] : memref<2x1000x32xf32, #tpu.memory_space<vmem>> -> memref<1x1000x32xf32, #tpu.memory_space<vmem>>
    %dma_start3A_133 = tpu.memref_squeeze %dma_start3A_132 : memref<1x1000x32xf32, #tpu.memory_space<vmem>> -> memref<1000x32xf32, #tpu.memory_space<vmem>>
    %dma_start3A_134 = arith.constant 0 : i32
    %dma_start3A_135 = tpu.memref_slice %arg4[%add3A_128, %dma_start3A_134] : memref<160000x32xf32, #tpu.memory_space<hbm>> -> memref<1000x32xf32, #tpu.memory_space<hbm>>
    %dma_start3A_136 = arith.constant 0 : i32
    %dma_start3A_137 = tpu.memref_slice %arg4[%add3A_128, %dma_start3A_136] : memref<160000x32xf32, #tpu.memory_space<hbm>> -> memref<1000x32xf32, #tpu.memory_space<hbm>>
    %dma_start3A_138 = arith.constant 0 : i32
    %dma_start3A_139 = arith.constant 0 : i32
    %dma_start3A_140 = tpu.memref_slice %arg6[%dma_start3A_129, %dma_start3A_138, %dma_start3A_139] : memref<2x1000x32xf32, #tpu.memory_space<vmem>> -> memref<1x1000x32xf32, #tpu.memory_space<vmem>>
    %dma_start3A_141 = tpu.memref_squeeze %dma_start3A_140 : memref<1x1000x32xf32, #tpu.memory_space<vmem>> -> memref<1000x32xf32, #tpu.memory_space<vmem>>
    tpu.enqueue_dma source(%dma_start3A_141 : memref<1000x32xf32, #tpu.memory_space<vmem>>) target(%dma_start3A_137 : memref<1000x32xf32, #tpu.memory_space<hbm>>) target_semaphore(%arg9 : memref<!tpu.dma_semaphore, #tpu.memory_space<semaphore_mem>>)
    %dma_wait3A_142 = arith.constant 1 : i32
    %dma_wait3A_143 = arith.constant 0 : i32
    %dma_wait3A_144 = arith.constant 0 : i32
    %dma_wait3A_145 = tpu.memref_slice %arg6[%dma_wait3A_142, %dma_wait3A_143, %dma_wait3A_144] : memref<2x1000x32xf32, #tpu.memory_space<vmem>> -> memref<1x1000x32xf32, #tpu.memory_space<vmem>>
    %dma_wait3A_146 = tpu.memref_squeeze %dma_wait3A_145 : memref<1x1000x32xf32, #tpu.memory_space<vmem>> -> memref<1000x32xf32, #tpu.memory_space<vmem>>
    %dma_wait3A_147 = arith.constant 3000 : i32
    %dma_wait3A_148 = tpu.memref_slice %arg5[%dma_wait3A_147] : memref<5000xi32, #tpu.memory_space<vmem>> -> memref<1000xi32, #tpu.memory_space<vmem>>
    %dma_wait3A_149 = arith.constant 0 : i32
    %dma_wait3A_150 = arith.constant 0 : i32
    %dma_wait3A_151 = tpu.memref_slice %arg2[%dma_wait3A_149, %dma_wait3A_150] : memref<10240x32xf32, #tpu.memory_space<hbm>> -> memref<10240x32xf32, #tpu.memory_space<hbm>>
    tpu.wait_indirect_dma semaphore(%arg8 : memref<!tpu.dma_semaphore, #tpu.memory_space<semaphore_mem>>) src(%dma_wait3A_151 : memref<10240x32xf32, #tpu.memory_space<hbm>>) dst(%dma_wait3A_146 : memref<1000x32xf32, #tpu.memory_space<vmem>>)
    %dma_wait3A_152 = arith.constant 0 : i32
    %dma_wait3A_153 = arith.constant 0 : i32
    %dma_wait3A_154 = arith.constant 0 : i32
    %dma_wait3A_155 = tpu.memref_slice %arg6[%dma_wait3A_152, %dma_wait3A_153, %dma_wait3A_154] : memref<2x1000x32xf32, #tpu.memory_space<vmem>> -> memref<1x1000x32xf32, #tpu.memory_space<vmem>>
    %dma_wait3A_156 = tpu.memref_squeeze %dma_wait3A_155 : memref<1x1000x32xf32, #tpu.memory_space<vmem>> -> memref<1000x32xf32, #tpu.memory_space<vmem>>
    %dma_wait3A_157 = arith.constant 0 : i32
    %dma_wait3A_158 = tpu.memref_slice %arg4[%add3A_128, %dma_wait3A_157] : memref<160000x32xf32, #tpu.memory_space<hbm>> -> memref<1000x32xf32, #tpu.memory_space<hbm>>
    %dma_wait3A_159 = arith.constant 0 : i32
    %dma_wait3A_160 = tpu.memref_slice %arg4[%add3A_128, %dma_wait3A_159] : memref<160000x32xf32, #tpu.memory_space<hbm>> -> memref<1000x32xf32, #tpu.memory_space<hbm>>
    %dma_wait3A_161 = arith.constant 0 : i32
    %dma_wait3A_162 = arith.constant 0 : i32
    %dma_wait3A_163 = tpu.memref_slice %arg6[%dma_wait3A_152, %dma_wait3A_161, %dma_wait3A_162] : memref<2x1000x32xf32, #tpu.memory_space<vmem>> -> memref<1x1000x32xf32, #tpu.memory_space<vmem>>
    %dma_wait3A_164 = tpu.memref_squeeze %dma_wait3A_163 : memref<1x1000x32xf32, #tpu.memory_space<vmem>> -> memref<1000x32xf32, #tpu.memory_space<vmem>>
    tpu.wait_dma2 semaphore(%arg9 : memref<!tpu.dma_semaphore, #tpu.memory_space<semaphore_mem>>) src(%dma_wait3A_164 : memref<1000x32xf32, #tpu.memory_space<vmem>>) dst(%dma_wait3A_160 : memref<1000x32xf32, #tpu.memory_space<hbm>>)
    %dma_start3A_165 = arith.constant 0 : i32
    %dma_start3A_166 = arith.constant 0 : i32
    %dma_start3A_167 = arith.constant 0 : i32
    %dma_start3A_168 = tpu.memref_slice %arg6[%dma_start3A_165, %dma_start3A_166, %dma_start3A_167] : memref<2x1000x32xf32, #tpu.memory_space<vmem>> -> memref<1x1000x32xf32, #tpu.memory_space<vmem>>
    %dma_start3A_169 = tpu.memref_squeeze %dma_start3A_168 : memref<1x1000x32xf32, #tpu.memory_space<vmem>> -> memref<1000x32xf32, #tpu.memory_space<vmem>>
    %dma_start3A_170 = arith.constant 4000 : i32
    %dma_start3A_171 = tpu.memref_slice %arg5[%dma_start3A_170] : memref<5000xi32, #tpu.memory_space<vmem>> -> memref<1000xi32, #tpu.memory_space<vmem>>
    %dma_start3A_172 = arith.constant 0 : i32
    %dma_start3A_173 = arith.constant 0 : i32
    %dma_start3A_174 = tpu.memref_slice %arg2[%dma_start3A_172, %dma_start3A_173] : memref<10240x32xf32, #tpu.memory_space<hbm>> -> memref<10240x32xf32, #tpu.memory_space<hbm>>
    tpu.enqueue_indirect_dma source(%dma_start3A_174 : memref<10240x32xf32, #tpu.memory_space<hbm>>) target(%dma_start3A_169 : memref<1000x32xf32, #tpu.memory_space<vmem>>) offsets(%dma_start3A_171 : memref<1000xi32, #tpu.memory_space<vmem>>) semaphore(%arg7 : memref<!tpu.dma_semaphore, #tpu.memory_space<semaphore_mem>>)
    %add3A_175 = arith.constant 3000 : i32
    %add3A_176 = arith.addi %mul3A_2, %add3A_175 : i32
    %dma_start3A_177 = arith.constant 1 : i32
    %dma_start3A_178 = arith.constant 0 : i32
    %dma_start3A_179 = arith.constant 0 : i32
    %dma_start3A_180 = tpu.memref_slice %arg6[%dma_start3A_177, %dma_start3A_178, %dma_start3A_179] : memref<2x1000x32xf32, #tpu.memory_space<vmem>> -> memref<1x1000x32xf32, #tpu.memory_space<vmem>>
    %dma_start3A_181 = tpu.memref_squeeze %dma_start3A_180 : memref<1x1000x32xf32, #tpu.memory_space<vmem>> -> memref<1000x32xf32, #tpu.memory_space<vmem>>
    %dma_start3A_182 = arith.constant 0 : i32
    %dma_start3A_183 = tpu.memref_slice %arg4[%add3A_176, %dma_start3A_182] : memref<160000x32xf32, #tpu.memory_space<hbm>> -> memref<1000x32xf32, #tpu.memory_space<hbm>>
    %dma_start3A_184 = arith.constant 0 : i32
    %dma_start3A_185 = tpu.memref_slice %arg4[%add3A_176, %dma_start3A_184] : memref<160000x32xf32, #tpu.memory_space<hbm>> -> memref<1000x32xf32, #tpu.memory_space<hbm>>
    %dma_start3A_186 = arith.constant 0 : i32
    %dma_start3A_187 = arith.constant 0 : i32
    %dma_start3A_188 = tpu.memref_slice %arg6[%dma_start3A_177, %dma_start3A_186, %dma_start3A_187] : memref<2x1000x32xf32, #tpu.memory_space<vmem>> -> memref<1x1000x32xf32, #tpu.memory_space<vmem>>
    %dma_start3A_189 = tpu.memref_squeeze %dma_start3A_188 : memref<1x1000x32xf32, #tpu.memory_space<vmem>> -> memref<1000x32xf32, #tpu.memory_space<vmem>>
    tpu.enqueue_dma source(%dma_start3A_189 : memref<1000x32xf32, #tpu.memory_space<vmem>>) target(%dma_start3A_185 : memref<1000x32xf32, #tpu.memory_space<hbm>>) target_semaphore(%arg10 : memref<!tpu.dma_semaphore, #tpu.memory_space<semaphore_mem>>)
    %dma_wait3A_190 = arith.constant 0 : i32
    %dma_wait3A_191 = arith.constant 0 : i32
    %dma_wait3A_192 = arith.constant 0 : i32
    %dma_wait3A_193 = tpu.memref_slice %arg6[%dma_wait3A_190, %dma_wait3A_191, %dma_wait3A_192] : memref<2x1000x32xf32, #tpu.memory_space<vmem>> -> memref<1x1000x32xf32, #tpu.memory_space<vmem>>
    %dma_wait3A_194 = tpu.memref_squeeze %dma_wait3A_193 : memref<1x1000x32xf32, #tpu.memory_space<vmem>> -> memref<1000x32xf32, #tpu.memory_space<vmem>>
    %dma_wait3A_195 = arith.constant 4000 : i32
    %dma_wait3A_196 = tpu.memref_slice %arg5[%dma_wait3A_195] : memref<5000xi32, #tpu.memory_space<vmem>> -> memref<1000xi32, #tpu.memory_space<vmem>>
    %dma_wait3A_197 = arith.constant 0 : i32
    %dma_wait3A_198 = arith.constant 0 : i32
    %dma_wait3A_199 = tpu.memref_slice %arg2[%dma_wait3A_197, %dma_wait3A_198] : memref<10240x32xf32, #tpu.memory_space<hbm>> -> memref<10240x32xf32, #tpu.memory_space<hbm>>
    tpu.wait_indirect_dma semaphore(%arg7 : memref<!tpu.dma_semaphore, #tpu.memory_space<semaphore_mem>>) src(%dma_wait3A_199 : memref<10240x32xf32, #tpu.memory_space<hbm>>) dst(%dma_wait3A_194 : memref<1000x32xf32, #tpu.memory_space<vmem>>)
    %dma_wait3A_200 = arith.constant 1 : i32
    %dma_wait3A_201 = arith.constant 0 : i32
    %dma_wait3A_202 = arith.constant 0 : i32
    %dma_wait3A_203 = tpu.memref_slice %arg6[%dma_wait3A_200, %dma_wait3A_201, %dma_wait3A_202] : memref<2x1000x32xf32, #tpu.memory_space<vmem>> -> memref<1x1000x32xf32, #tpu.memory_space<vmem>>
    %dma_wait3A_204 = tpu.memref_squeeze %dma_wait3A_203 : memref<1x1000x32xf32, #tpu.memory_space<vmem>> -> memref<1000x32xf32, #tpu.memory_space<vmem>>
    %dma_wait3A_205 = arith.constant 0 : i32
    %dma_wait3A_206 = tpu.memref_slice %arg4[%add3A_176, %dma_wait3A_205] : memref<160000x32xf32, #tpu.memory_space<hbm>> -> memref<1000x32xf32, #tpu.memory_space<hbm>>
    %dma_wait3A_207 = arith.constant 0 : i32
    %dma_wait3A_208 = tpu.memref_slice %arg4[%add3A_176, %dma_wait3A_207] : memref<160000x32xf32, #tpu.memory_space<hbm>> -> memref<1000x32xf32, #tpu.memory_space<hbm>>
    %dma_wait3A_209 = arith.constant 0 : i32
    %dma_wait3A_210 = arith.constant 0 : i32
    %dma_wait3A_211 = tpu.memref_slice %arg6[%dma_wait3A_200, %dma_wait3A_209, %dma_wait3A_210] : memref<2x1000x32xf32, #tpu.memory_space<vmem>> -> memref<1x1000x32xf32, #tpu.memory_space<vmem>>
    %dma_wait3A_212 = tpu.memref_squeeze %dma_wait3A_211 : memref<1x1000x32xf32, #tpu.memory_space<vmem>> -> memref<1000x32xf32, #tpu.memory_space<vmem>>
    tpu.wait_dma2 semaphore(%arg10 : memref<!tpu.dma_semaphore, #tpu.memory_space<semaphore_mem>>) src(%dma_wait3A_212 : memref<1000x32xf32, #tpu.memory_space<vmem>>) dst(%dma_wait3A_208 : memref<1000x32xf32, #tpu.memory_space<hbm>>)
    %add3A_213 = arith.constant 4000 : i32
    %add3A_214 = arith.addi %mul3A_2, %add3A_213 : i32
    %dma_start3A_215 = arith.constant 0 : i32
    %dma_start3A_216 = arith.constant 0 : i32
    %dma_start3A_217 = arith.constant 0 : i32
    %dma_start3A_218 = tpu.memref_slice %arg6[%dma_start3A_215, %dma_start3A_216, %dma_start3A_217] : memref<2x1000x32xf32, #tpu.memory_space<vmem>> -> memref<1x1000x32xf32, #tpu.memory_space<vmem>>
    %dma_start3A_219 = tpu.memref_squeeze %dma_start3A_218 : memref<1x1000x32xf32, #tpu.memory_space<vmem>> -> memref<1000x32xf32, #tpu.memory_space<vmem>>
    %dma_start3A_220 = arith.constant 0 : i32
    %dma_start3A_221 = tpu.memref_slice %arg4[%add3A_214, %dma_start3A_220] : memref<160000x32xf32, #tpu.memory_space<hbm>> -> memref<1000x32xf32, #tpu.memory_space<hbm>>
    %dma_start3A_222 = arith.constant 0 : i32
    %dma_start3A_223 = tpu.memref_slice %arg4[%add3A_214, %dma_start3A_222] : memref<160000x32xf32, #tpu.memory_space<hbm>> -> memref<1000x32xf32, #tpu.memory_space<hbm>>
    %dma_start3A_224 = arith.constant 0 : i32
    %dma_start3A_225 = arith.constant 0 : i32
    %dma_start3A_226 = tpu.memref_slice %arg6[%dma_start3A_215, %dma_start3A_224, %dma_start3A_225] : memref<2x1000x32xf32, #tpu.memory_space<vmem>> -> memref<1x1000x32xf32, #tpu.memory_space<vmem>>
    %dma_start3A_227 = tpu.memref_squeeze %dma_start3A_226 : memref<1x1000x32xf32, #tpu.memory_space<vmem>> -> memref<1000x32xf32, #tpu.memory_space<vmem>>
    tpu.enqueue_dma source(%dma_start3A_227 : memref<1000x32xf32, #tpu.memory_space<vmem>>) target(%dma_start3A_223 : memref<1000x32xf32, #tpu.memory_space<hbm>>) target_semaphore(%arg9 : memref<!tpu.dma_semaphore, #tpu.memory_space<semaphore_mem>>)
    %dma_wait3A_228 = arith.constant 0 : i32
    %dma_wait3A_229 = arith.constant 0 : i32
    %dma_wait3A_230 = arith.constant 0 : i32
    %dma_wait3A_231 = tpu.memref_slice %arg6[%dma_wait3A_228, %dma_wait3A_229, %dma_wait3A_230] : memref<2x1000x32xf32, #tpu.memory_space<vmem>> -> memref<1x1000x32xf32, #tpu.memory_space<vmem>>
    %dma_wait3A_232 = tpu.memref_squeeze %dma_wait3A_231 : memref<1x1000x32xf32, #tpu.memory_space<vmem>> -> memref<1000x32xf32, #tpu.memory_space<vmem>>
    %dma_wait3A_233 = arith.constant 0 : i32
    %dma_wait3A_234 = tpu.memref_slice %arg4[%add3A_214, %dma_wait3A_233] : memref<160000x32xf32, #tpu.memory_space<hbm>> -> memref<1000x32xf32, #tpu.memory_space<hbm>>
    %dma_wait3A_235 = arith.constant 0 : i32
    %dma_wait3A_236 = tpu.memref_slice %arg4[%add3A_214, %dma_wait3A_235] : memref<160000x32xf32, #tpu.memory_space<hbm>> -> memref<1000x32xf32, #tpu.memory_space<hbm>>
    %dma_wait3A_237 = arith.constant 0 : i32
    %dma_wait3A_238 = arith.constant 0 : i32
    %dma_wait3A_239 = tpu.memref_slice %arg6[%dma_wait3A_228, %dma_wait3A_237, %dma_wait3A_238] : memref<2x1000x32xf32, #tpu.memory_space<vmem>> -> memref<1x1000x32xf32, #tpu.memory_space<vmem>>
    %dma_wait3A_240 = tpu.memref_squeeze %dma_wait3A_239 : memref<1x1000x32xf32, #tpu.memory_space<vmem>> -> memref<1000x32xf32, #tpu.memory_space<vmem>>
    tpu.wait_dma2 semaphore(%arg9 : memref<!tpu.dma_semaphore, #tpu.memory_space<semaphore_mem>>) src(%dma_wait3A_240 : memref<1000x32xf32, #tpu.memory_space<vmem>>) dst(%dma_wait3A_236 : memref<1000x32xf32, #tpu.memory_space<hbm>>)
    return
  }
}

#map = affine_map<(d0, d1) -> (0, 0)>
#map1 = affine_map<(d0, d1) -> (0)>
#map2 = affine_map<(d0, d1) -> (0, 0, 0)>
module attributes {stable_mosaic.version = 14 : i64} {
  func.func @k(%arg0: i32, %arg1: i32, %arg2: memref<160000x32xf32, #tpu.memory_space<hbm>>, %arg3: memref<160000xi32, #tpu.memory_space<hbm>>, %arg4: memref<10240x32xf32, #tpu.memory_space<hbm>>, %arg5: memref<2x10240x32xf32, #tpu.memory_space<hbm>>, %arg6: memref<2x1000xi32, #tpu.memory_space<vmem>>, %arg7: memref<2x1000x32xf32, #tpu.memory_space<vmem>>, %arg8: memref<10240x32xf32, #tpu.memory_space<vmem_shared>>, %arg9: memref<!tpu.dma_semaphore, #tpu.memory_space<semaphore_mem>>, %arg10: memref<!tpu.dma_semaphore, #tpu.memory_space<semaphore_mem>>, %arg11: memref<!tpu.dma_semaphore, #tpu.memory_space<semaphore_mem>>) attributes {dimension_semantics = [#tpu.dimension_semantics<core_parallel>, #tpu.dimension_semantics<subcore_parallel>], iteration_bounds = array<i64: 2, 16>, scalar_prefetch = 0 : i64, scratch_operands = 6 : i64, tpu.core_type = #tpu.core_type<sc_vector_subcore>, window_params = [{transform_indices = #map}, {transform_indices = #map1}, {transform_indices = #map}, {transform_indices = #map2}]} {
    %mul3A = arith.constant 640 : i32
    %mul3A_0 = arith.muli %arg1, %mul3A : i32
    %dma_start3A = arith.constant 0 : i32
    %dma_start3A_1 = tpu.memref_slice %arg8[%mul3A_0, %dma_start3A] : memref<10240x32xf32, #tpu.memory_space<vmem_shared>> -> memref<640x32xf32, #tpu.memory_space<vmem_shared>>
    %dma_start3A_2 = arith.constant 0 : i32
    %dma_start3A_3 = tpu.memref_slice %arg4[%mul3A_0, %dma_start3A_2] : memref<10240x32xf32, #tpu.memory_space<hbm>> -> memref<640x32xf32, #tpu.memory_space<hbm>>
    tpu.enqueue_dma source(%dma_start3A_3 : memref<640x32xf32, #tpu.memory_space<hbm>>) target(%dma_start3A_1 : memref<640x32xf32, #tpu.memory_space<vmem_shared>>) target_semaphore(%arg9 : memref<!tpu.dma_semaphore, #tpu.memory_space<semaphore_mem>>)
    %mul3A_4 = arith.constant 2 : i32
    %mul3A_5 = arith.muli %arg1, %mul3A_4 : i32
    %add3A = arith.addi %mul3A_5, %arg0 : i32
    %mul3A_6 = arith.constant 5000 : i32
    %mul3A_7 = arith.muli %add3A, %mul3A_6 : i32
    %dma_start3A_8 = arith.constant 0 : i32
    %dma_start3A_9 = arith.constant 0 : i32
    %dma_start3A_10 = tpu.memref_slice %arg6[%dma_start3A_8, %dma_start3A_9] : memref<2x1000xi32, #tpu.memory_space<vmem>> -> memref<1x1000xi32, #tpu.memory_space<vmem>>
    %dma_start3A_11 = tpu.memref_squeeze %dma_start3A_10 : memref<1x1000xi32, #tpu.memory_space<vmem>> -> memref<1000xi32, #tpu.memory_space<vmem>>
    %dma_start3A_12 = tpu.memref_slice %arg3[%mul3A_7] : memref<160000xi32, #tpu.memory_space<hbm>> -> memref<1000xi32, #tpu.memory_space<hbm>>
    %dma_start3A_13 = arith.constant 0 : i32
    %dma_start3A_14 = tpu.memref_slice %arg6[%dma_start3A_8, %dma_start3A_13] : memref<2x1000xi32, #tpu.memory_space<vmem>> -> memref<1x1000xi32, #tpu.memory_space<vmem>>
    %dma_start3A_15 = tpu.memref_squeeze %dma_start3A_14 : memref<1x1000xi32, #tpu.memory_space<vmem>> -> memref<1000xi32, #tpu.memory_space<vmem>>
    %dma_start3A_16 = tpu.memref_slice %arg3[%mul3A_7] : memref<160000xi32, #tpu.memory_space<hbm>> -> memref<1000xi32, #tpu.memory_space<hbm>>
    tpu.enqueue_dma source(%dma_start3A_16 : memref<1000xi32, #tpu.memory_space<hbm>>) target(%dma_start3A_15 : memref<1000xi32, #tpu.memory_space<vmem>>) target_semaphore(%arg10 : memref<!tpu.dma_semaphore, #tpu.memory_space<semaphore_mem>>)
    %dma_start3A_17 = arith.constant 0 : i32
    %dma_start3A_18 = arith.constant 0 : i32
    %dma_start3A_19 = arith.constant 0 : i32
    %dma_start3A_20 = tpu.memref_slice %arg7[%dma_start3A_17, %dma_start3A_18, %dma_start3A_19] : memref<2x1000x32xf32, #tpu.memory_space<vmem>> -> memref<1x1000x32xf32, #tpu.memory_space<vmem>>
    %dma_start3A_21 = tpu.memref_squeeze %dma_start3A_20 : memref<1x1000x32xf32, #tpu.memory_space<vmem>> -> memref<1000x32xf32, #tpu.memory_space<vmem>>
    %dma_start3A_22 = arith.constant 0 : i32
    %dma_start3A_23 = tpu.memref_slice %arg2[%mul3A_7, %dma_start3A_22] : memref<160000x32xf32, #tpu.memory_space<hbm>> -> memref<1000x32xf32, #tpu.memory_space<hbm>>
    %dma_start3A_24 = arith.constant 0 : i32
    %dma_start3A_25 = arith.constant 0 : i32
    %dma_start3A_26 = tpu.memref_slice %arg7[%dma_start3A_17, %dma_start3A_24, %dma_start3A_25] : memref<2x1000x32xf32, #tpu.memory_space<vmem>> -> memref<1x1000x32xf32, #tpu.memory_space<vmem>>
    %dma_start3A_27 = tpu.memref_squeeze %dma_start3A_26 : memref<1x1000x32xf32, #tpu.memory_space<vmem>> -> memref<1000x32xf32, #tpu.memory_space<vmem>>
    %dma_start3A_28 = arith.constant 0 : i32
    %dma_start3A_29 = tpu.memref_slice %arg2[%mul3A_7, %dma_start3A_28] : memref<160000x32xf32, #tpu.memory_space<hbm>> -> memref<1000x32xf32, #tpu.memory_space<hbm>>
    tpu.enqueue_dma source(%dma_start3A_29 : memref<1000x32xf32, #tpu.memory_space<hbm>>) target(%dma_start3A_27 : memref<1000x32xf32, #tpu.memory_space<vmem>>) target_semaphore(%arg10 : memref<!tpu.dma_semaphore, #tpu.memory_space<semaphore_mem>>)
    %dma_wait3A = arith.constant 0 : i32
    %dma_wait3A_30 = tpu.memref_slice %arg8[%mul3A_0, %dma_wait3A] : memref<10240x32xf32, #tpu.memory_space<vmem_shared>> -> memref<640x32xf32, #tpu.memory_space<vmem_shared>>
    %dma_wait3A_31 = arith.constant 0 : i32
    %dma_wait3A_32 = tpu.memref_slice %arg4[%mul3A_0, %dma_wait3A_31] : memref<10240x32xf32, #tpu.memory_space<hbm>> -> memref<640x32xf32, #tpu.memory_space<hbm>>
    tpu.wait_dma2 semaphore(%arg9 : memref<!tpu.dma_semaphore, #tpu.memory_space<semaphore_mem>>) src(%dma_wait3A_32 : memref<640x32xf32, #tpu.memory_space<hbm>>) dst(%dma_wait3A_30 : memref<640x32xf32, #tpu.memory_space<vmem_shared>>)
    %barrier3A = arith.constant 0 : index
    tpu.barrier barrier_id(%barrier3A)
    %dma_wait3A_33 = arith.constant 0 : i32
    %dma_wait3A_34 = arith.constant 0 : i32
    %dma_wait3A_35 = tpu.memref_slice %arg6[%dma_wait3A_33, %dma_wait3A_34] : memref<2x1000xi32, #tpu.memory_space<vmem>> -> memref<1x1000xi32, #tpu.memory_space<vmem>>
    %dma_wait3A_36 = tpu.memref_squeeze %dma_wait3A_35 : memref<1x1000xi32, #tpu.memory_space<vmem>> -> memref<1000xi32, #tpu.memory_space<vmem>>
    %dma_wait3A_37 = tpu.memref_slice %arg3[%mul3A_7] : memref<160000xi32, #tpu.memory_space<hbm>> -> memref<1000xi32, #tpu.memory_space<hbm>>
    %dma_wait3A_38 = arith.constant 0 : i32
    %dma_wait3A_39 = tpu.memref_slice %arg6[%dma_wait3A_33, %dma_wait3A_38] : memref<2x1000xi32, #tpu.memory_space<vmem>> -> memref<1x1000xi32, #tpu.memory_space<vmem>>
    %dma_wait3A_40 = tpu.memref_squeeze %dma_wait3A_39 : memref<1x1000xi32, #tpu.memory_space<vmem>> -> memref<1000xi32, #tpu.memory_space<vmem>>
    %dma_wait3A_41 = tpu.memref_slice %arg3[%mul3A_7] : memref<160000xi32, #tpu.memory_space<hbm>> -> memref<1000xi32, #tpu.memory_space<hbm>>
    tpu.wait_dma2 semaphore(%arg10 : memref<!tpu.dma_semaphore, #tpu.memory_space<semaphore_mem>>) src(%dma_wait3A_41 : memref<1000xi32, #tpu.memory_space<hbm>>) dst(%dma_wait3A_40 : memref<1000xi32, #tpu.memory_space<vmem>>)
    %dma_wait3A_42 = arith.constant 0 : i32
    %dma_wait3A_43 = arith.constant 0 : i32
    %dma_wait3A_44 = arith.constant 0 : i32
    %dma_wait3A_45 = tpu.memref_slice %arg7[%dma_wait3A_42, %dma_wait3A_43, %dma_wait3A_44] : memref<2x1000x32xf32, #tpu.memory_space<vmem>> -> memref<1x1000x32xf32, #tpu.memory_space<vmem>>
    %dma_wait3A_46 = tpu.memref_squeeze %dma_wait3A_45 : memref<1x1000x32xf32, #tpu.memory_space<vmem>> -> memref<1000x32xf32, #tpu.memory_space<vmem>>
    %dma_wait3A_47 = arith.constant 0 : i32
    %dma_wait3A_48 = tpu.memref_slice %arg2[%mul3A_7, %dma_wait3A_47] : memref<160000x32xf32, #tpu.memory_space<hbm>> -> memref<1000x32xf32, #tpu.memory_space<hbm>>
    %dma_wait3A_49 = arith.constant 0 : i32
    %dma_wait3A_50 = arith.constant 0 : i32
    %dma_wait3A_51 = tpu.memref_slice %arg7[%dma_wait3A_42, %dma_wait3A_49, %dma_wait3A_50] : memref<2x1000x32xf32, #tpu.memory_space<vmem>> -> memref<1x1000x32xf32, #tpu.memory_space<vmem>>
    %dma_wait3A_52 = tpu.memref_squeeze %dma_wait3A_51 : memref<1x1000x32xf32, #tpu.memory_space<vmem>> -> memref<1000x32xf32, #tpu.memory_space<vmem>>
    %dma_wait3A_53 = arith.constant 0 : i32
    %dma_wait3A_54 = tpu.memref_slice %arg2[%mul3A_7, %dma_wait3A_53] : memref<160000x32xf32, #tpu.memory_space<hbm>> -> memref<1000x32xf32, #tpu.memory_space<hbm>>
    tpu.wait_dma2 semaphore(%arg10 : memref<!tpu.dma_semaphore, #tpu.memory_space<semaphore_mem>>) src(%dma_wait3A_54 : memref<1000x32xf32, #tpu.memory_space<hbm>>) dst(%dma_wait3A_52 : memref<1000x32xf32, #tpu.memory_space<vmem>>)
    %add3A_55 = arith.constant 1000 : i32
    %add3A_56 = arith.addi %mul3A_7, %add3A_55 : i32
    %dma_start3A_57 = arith.constant 1 : i32
    %dma_start3A_58 = arith.constant 0 : i32
    %dma_start3A_59 = tpu.memref_slice %arg6[%dma_start3A_57, %dma_start3A_58] : memref<2x1000xi32, #tpu.memory_space<vmem>> -> memref<1x1000xi32, #tpu.memory_space<vmem>>
    %dma_start3A_60 = tpu.memref_squeeze %dma_start3A_59 : memref<1x1000xi32, #tpu.memory_space<vmem>> -> memref<1000xi32, #tpu.memory_space<vmem>>
    %dma_start3A_61 = tpu.memref_slice %arg3[%add3A_56] : memref<160000xi32, #tpu.memory_space<hbm>> -> memref<1000xi32, #tpu.memory_space<hbm>>
    %dma_start3A_62 = arith.constant 0 : i32
    %dma_start3A_63 = tpu.memref_slice %arg6[%dma_start3A_57, %dma_start3A_62] : memref<2x1000xi32, #tpu.memory_space<vmem>> -> memref<1x1000xi32, #tpu.memory_space<vmem>>
    %dma_start3A_64 = tpu.memref_squeeze %dma_start3A_63 : memref<1x1000xi32, #tpu.memory_space<vmem>> -> memref<1000xi32, #tpu.memory_space<vmem>>
    %dma_start3A_65 = tpu.memref_slice %arg3[%add3A_56] : memref<160000xi32, #tpu.memory_space<hbm>> -> memref<1000xi32, #tpu.memory_space<hbm>>
    tpu.enqueue_dma source(%dma_start3A_65 : memref<1000xi32, #tpu.memory_space<hbm>>) target(%dma_start3A_64 : memref<1000xi32, #tpu.memory_space<vmem>>) target_semaphore(%arg11 : memref<!tpu.dma_semaphore, #tpu.memory_space<semaphore_mem>>)
    %add3A_66 = arith.constant 1000 : i32
    %add3A_67 = arith.addi %mul3A_7, %add3A_66 : i32
    %dma_start3A_68 = arith.constant 1 : i32
    %dma_start3A_69 = arith.constant 0 : i32
    %dma_start3A_70 = arith.constant 0 : i32
    %dma_start3A_71 = tpu.memref_slice %arg7[%dma_start3A_68, %dma_start3A_69, %dma_start3A_70] : memref<2x1000x32xf32, #tpu.memory_space<vmem>> -> memref<1x1000x32xf32, #tpu.memory_space<vmem>>
    %dma_start3A_72 = tpu.memref_squeeze %dma_start3A_71 : memref<1x1000x32xf32, #tpu.memory_space<vmem>> -> memref<1000x32xf32, #tpu.memory_space<vmem>>
    %dma_start3A_73 = arith.constant 0 : i32
    %dma_start3A_74 = tpu.memref_slice %arg2[%add3A_67, %dma_start3A_73] : memref<160000x32xf32, #tpu.memory_space<hbm>> -> memref<1000x32xf32, #tpu.memory_space<hbm>>
    %dma_start3A_75 = arith.constant 0 : i32
    %dma_start3A_76 = arith.constant 0 : i32
    %dma_start3A_77 = tpu.memref_slice %arg7[%dma_start3A_68, %dma_start3A_75, %dma_start3A_76] : memref<2x1000x32xf32, #tpu.memory_space<vmem>> -> memref<1x1000x32xf32, #tpu.memory_space<vmem>>
    %dma_start3A_78 = tpu.memref_squeeze %dma_start3A_77 : memref<1x1000x32xf32, #tpu.memory_space<vmem>> -> memref<1000x32xf32, #tpu.memory_space<vmem>>
    %dma_start3A_79 = arith.constant 0 : i32
    %dma_start3A_80 = tpu.memref_slice %arg2[%add3A_67, %dma_start3A_79] : memref<160000x32xf32, #tpu.memory_space<hbm>> -> memref<1000x32xf32, #tpu.memory_space<hbm>>
    tpu.enqueue_dma source(%dma_start3A_80 : memref<1000x32xf32, #tpu.memory_space<hbm>>) target(%dma_start3A_78 : memref<1000x32xf32, #tpu.memory_space<vmem>>) target_semaphore(%arg11 : memref<!tpu.dma_semaphore, #tpu.memory_space<semaphore_mem>>)
    %run_scoped3A = arith.constant 0 : i32
    %run_scoped3A_81 = arith.constant 0 : i32
    "tpu.region"() ({
      %run_scoped3A_257 = tpu.sem_alloc : memref<!tpu.dma_semaphore, #tpu.memory_space<semaphore_mem>>
      %dma_start3A_258 = arith.constant 0 : i32
      %dma_start3A_259 = arith.constant 0 : i32
      %dma_start3A_260 = tpu.memref_slice %arg7[%run_scoped3A, %dma_start3A_258, %dma_start3A_259] : memref<2x1000x32xf32, #tpu.memory_space<vmem>> -> memref<1x1000x32xf32, #tpu.memory_space<vmem>>
      %dma_start3A_261 = tpu.memref_squeeze %dma_start3A_260 : memref<1x1000x32xf32, #tpu.memory_space<vmem>> -> memref<1000x32xf32, #tpu.memory_space<vmem>>
      %dma_start3A_262 = arith.constant 0 : i32
      %dma_start3A_263 = tpu.memref_slice %arg6[%run_scoped3A_81, %dma_start3A_262] : memref<2x1000xi32, #tpu.memory_space<vmem>> -> memref<1x1000xi32, #tpu.memory_space<vmem>>
      %dma_start3A_264 = tpu.memref_squeeze %dma_start3A_263 : memref<1x1000xi32, #tpu.memory_space<vmem>> -> memref<1000xi32, #tpu.memory_space<vmem>>
      %dma_start3A_265 = arith.constant 0 : i32
      %dma_start3A_266 = arith.constant 0 : i32
      %dma_start3A_267 = tpu.memref_slice %arg8[%dma_start3A_265, %dma_start3A_266] : memref<10240x32xf32, #tpu.memory_space<vmem_shared>> -> memref<10240x32xf32, #tpu.memory_space<vmem_shared>>
      tpu.enqueue_indirect_dma source(%dma_start3A_261 : memref<1000x32xf32, #tpu.memory_space<vmem>>) target(%dma_start3A_267 : memref<10240x32xf32, #tpu.memory_space<vmem_shared>>) offsets(%dma_start3A_264 : memref<1000xi32, #tpu.memory_space<vmem>>) semaphore(%run_scoped3A_257 : memref<!tpu.dma_semaphore, #tpu.memory_space<semaphore_mem>>) {add = true}
      %dma_wait3A_268 = arith.constant 0 : i32
      %dma_wait3A_269 = arith.constant 0 : i32
      %dma_wait3A_270 = tpu.memref_slice %arg7[%run_scoped3A, %dma_wait3A_268, %dma_wait3A_269] : memref<2x1000x32xf32, #tpu.memory_space<vmem>> -> memref<1x1000x32xf32, #tpu.memory_space<vmem>>
      %dma_wait3A_271 = tpu.memref_squeeze %dma_wait3A_270 : memref<1x1000x32xf32, #tpu.memory_space<vmem>> -> memref<1000x32xf32, #tpu.memory_space<vmem>>
      %dma_wait3A_272 = arith.constant 0 : i32
      %dma_wait3A_273 = tpu.memref_slice %arg6[%run_scoped3A_81, %dma_wait3A_272] : memref<2x1000xi32, #tpu.memory_space<vmem>> -> memref<1x1000xi32, #tpu.memory_space<vmem>>
      %dma_wait3A_274 = tpu.memref_squeeze %dma_wait3A_273 : memref<1x1000xi32, #tpu.memory_space<vmem>> -> memref<1000xi32, #tpu.memory_space<vmem>>
      %dma_wait3A_275 = arith.constant 0 : i32
      %dma_wait3A_276 = arith.constant 0 : i32
      %dma_wait3A_277 = tpu.memref_slice %arg8[%dma_wait3A_275, %dma_wait3A_276] : memref<10240x32xf32, #tpu.memory_space<vmem_shared>> -> memref<10240x32xf32, #tpu.memory_space<vmem_shared>>
      tpu.wait_indirect_dma semaphore(%run_scoped3A_257 : memref<!tpu.dma_semaphore, #tpu.memory_space<semaphore_mem>>) src(%dma_wait3A_271 : memref<1000x32xf32, #tpu.memory_space<vmem>>) dst(%dma_wait3A_277 : memref<10240x32xf32, #tpu.memory_space<vmem_shared>>)
      tpu.yield
    }) : () -> ()
    %dma_wait3A_82 = arith.constant 1 : i32
    %dma_wait3A_83 = arith.constant 0 : i32
    %dma_wait3A_84 = tpu.memref_slice %arg6[%dma_wait3A_82, %dma_wait3A_83] : memref<2x1000xi32, #tpu.memory_space<vmem>> -> memref<1x1000xi32, #tpu.memory_space<vmem>>
    %dma_wait3A_85 = tpu.memref_squeeze %dma_wait3A_84 : memref<1x1000xi32, #tpu.memory_space<vmem>> -> memref<1000xi32, #tpu.memory_space<vmem>>
    %dma_wait3A_86 = tpu.memref_slice %arg3[%add3A_56] : memref<160000xi32, #tpu.memory_space<hbm>> -> memref<1000xi32, #tpu.memory_space<hbm>>
    %dma_wait3A_87 = arith.constant 0 : i32
    %dma_wait3A_88 = tpu.memref_slice %arg6[%dma_wait3A_82, %dma_wait3A_87] : memref<2x1000xi32, #tpu.memory_space<vmem>> -> memref<1x1000xi32, #tpu.memory_space<vmem>>
    %dma_wait3A_89 = tpu.memref_squeeze %dma_wait3A_88 : memref<1x1000xi32, #tpu.memory_space<vmem>> -> memref<1000xi32, #tpu.memory_space<vmem>>
    %dma_wait3A_90 = tpu.memref_slice %arg3[%add3A_56] : memref<160000xi32, #tpu.memory_space<hbm>> -> memref<1000xi32, #tpu.memory_space<hbm>>
    tpu.wait_dma2 semaphore(%arg11 : memref<!tpu.dma_semaphore, #tpu.memory_space<semaphore_mem>>) src(%dma_wait3A_90 : memref<1000xi32, #tpu.memory_space<hbm>>) dst(%dma_wait3A_89 : memref<1000xi32, #tpu.memory_space<vmem>>)
    %dma_wait3A_91 = arith.constant 1 : i32
    %dma_wait3A_92 = arith.constant 0 : i32
    %dma_wait3A_93 = arith.constant 0 : i32
    %dma_wait3A_94 = tpu.memref_slice %arg7[%dma_wait3A_91, %dma_wait3A_92, %dma_wait3A_93] : memref<2x1000x32xf32, #tpu.memory_space<vmem>> -> memref<1x1000x32xf32, #tpu.memory_space<vmem>>
    %dma_wait3A_95 = tpu.memref_squeeze %dma_wait3A_94 : memref<1x1000x32xf32, #tpu.memory_space<vmem>> -> memref<1000x32xf32, #tpu.memory_space<vmem>>
    %dma_wait3A_96 = arith.constant 0 : i32
    %dma_wait3A_97 = tpu.memref_slice %arg2[%add3A_67, %dma_wait3A_96] : memref<160000x32xf32, #tpu.memory_space<hbm>> -> memref<1000x32xf32, #tpu.memory_space<hbm>>
    %dma_wait3A_98 = arith.constant 0 : i32
    %dma_wait3A_99 = arith.constant 0 : i32
    %dma_wait3A_100 = tpu.memref_slice %arg7[%dma_wait3A_91, %dma_wait3A_98, %dma_wait3A_99] : memref<2x1000x32xf32, #tpu.memory_space<vmem>> -> memref<1x1000x32xf32, #tpu.memory_space<vmem>>
    %dma_wait3A_101 = tpu.memref_squeeze %dma_wait3A_100 : memref<1x1000x32xf32, #tpu.memory_space<vmem>> -> memref<1000x32xf32, #tpu.memory_space<vmem>>
    %dma_wait3A_102 = arith.constant 0 : i32
    %dma_wait3A_103 = tpu.memref_slice %arg2[%add3A_67, %dma_wait3A_102] : memref<160000x32xf32, #tpu.memory_space<hbm>> -> memref<1000x32xf32, #tpu.memory_space<hbm>>
    tpu.wait_dma2 semaphore(%arg11 : memref<!tpu.dma_semaphore, #tpu.memory_space<semaphore_mem>>) src(%dma_wait3A_103 : memref<1000x32xf32, #tpu.memory_space<hbm>>) dst(%dma_wait3A_101 : memref<1000x32xf32, #tpu.memory_space<vmem>>)
    %add3A_104 = arith.constant 2000 : i32
    %add3A_105 = arith.addi %mul3A_7, %add3A_104 : i32
    %dma_start3A_106 = arith.constant 0 : i32
    %dma_start3A_107 = arith.constant 0 : i32
    %dma_start3A_108 = tpu.memref_slice %arg6[%dma_start3A_106, %dma_start3A_107] : memref<2x1000xi32, #tpu.memory_space<vmem>> -> memref<1x1000xi32, #tpu.memory_space<vmem>>
    %dma_start3A_109 = tpu.memref_squeeze %dma_start3A_108 : memref<1x1000xi32, #tpu.memory_space<vmem>> -> memref<1000xi32, #tpu.memory_space<vmem>>
    %dma_start3A_110 = tpu.memref_slice %arg3[%add3A_105] : memref<160000xi32, #tpu.memory_space<hbm>> -> memref<1000xi32, #tpu.memory_space<hbm>>
    %dma_start3A_111 = arith.constant 0 : i32
    %dma_start3A_112 = tpu.memref_slice %arg6[%dma_start3A_106, %dma_start3A_111] : memref<2x1000xi32, #tpu.memory_space<vmem>> -> memref<1x1000xi32, #tpu.memory_space<vmem>>
    %dma_start3A_113 = tpu.memref_squeeze %dma_start3A_112 : memref<1x1000xi32, #tpu.memory_space<vmem>> -> memref<1000xi32, #tpu.memory_space<vmem>>
    %dma_start3A_114 = tpu.memref_slice %arg3[%add3A_105] : memref<160000xi32, #tpu.memory_space<hbm>> -> memref<1000xi32, #tpu.memory_space<hbm>>
    tpu.enqueue_dma source(%dma_start3A_114 : memref<1000xi32, #tpu.memory_space<hbm>>) target(%dma_start3A_113 : memref<1000xi32, #tpu.memory_space<vmem>>) target_semaphore(%arg10 : memref<!tpu.dma_semaphore, #tpu.memory_space<semaphore_mem>>)
    %add3A_115 = arith.constant 2000 : i32
    %add3A_116 = arith.addi %mul3A_7, %add3A_115 : i32
    %dma_start3A_117 = arith.constant 0 : i32
    %dma_start3A_118 = arith.constant 0 : i32
    %dma_start3A_119 = arith.constant 0 : i32
    %dma_start3A_120 = tpu.memref_slice %arg7[%dma_start3A_117, %dma_start3A_118, %dma_start3A_119] : memref<2x1000x32xf32, #tpu.memory_space<vmem>> -> memref<1x1000x32xf32, #tpu.memory_space<vmem>>
    %dma_start3A_121 = tpu.memref_squeeze %dma_start3A_120 : memref<1x1000x32xf32, #tpu.memory_space<vmem>> -> memref<1000x32xf32, #tpu.memory_space<vmem>>
    %dma_start3A_122 = arith.constant 0 : i32
    %dma_start3A_123 = tpu.memref_slice %arg2[%add3A_116, %dma_start3A_122] : memref<160000x32xf32, #tpu.memory_space<hbm>> -> memref<1000x32xf32, #tpu.memory_space<hbm>>
    %dma_start3A_124 = arith.constant 0 : i32
    %dma_start3A_125 = arith.constant 0 : i32
    %dma_start3A_126 = tpu.memref_slice %arg7[%dma_start3A_117, %dma_start3A_124, %dma_start3A_125] : memref<2x1000x32xf32, #tpu.memory_space<vmem>> -> memref<1x1000x32xf32, #tpu.memory_space<vmem>>
    %dma_start3A_127 = tpu.memref_squeeze %dma_start3A_126 : memref<1x1000x32xf32, #tpu.memory_space<vmem>> -> memref<1000x32xf32, #tpu.memory_space<vmem>>
    %dma_start3A_128 = arith.constant 0 : i32
    %dma_start3A_129 = tpu.memref_slice %arg2[%add3A_116, %dma_start3A_128] : memref<160000x32xf32, #tpu.memory_space<hbm>> -> memref<1000x32xf32, #tpu.memory_space<hbm>>
    tpu.enqueue_dma source(%dma_start3A_129 : memref<1000x32xf32, #tpu.memory_space<hbm>>) target(%dma_start3A_127 : memref<1000x32xf32, #tpu.memory_space<vmem>>) target_semaphore(%arg10 : memref<!tpu.dma_semaphore, #tpu.memory_space<semaphore_mem>>)
    %run_scoped3A_130 = arith.constant 1 : i32
    %run_scoped3A_131 = arith.constant 1 : i32
    "tpu.region"() ({
      %run_scoped3A_257 = tpu.sem_alloc : memref<!tpu.dma_semaphore, #tpu.memory_space<semaphore_mem>>
      %dma_start3A_258 = arith.constant 0 : i32
      %dma_start3A_259 = arith.constant 0 : i32
      %dma_start3A_260 = tpu.memref_slice %arg7[%run_scoped3A_130, %dma_start3A_258, %dma_start3A_259] : memref<2x1000x32xf32, #tpu.memory_space<vmem>> -> memref<1x1000x32xf32, #tpu.memory_space<vmem>>
      %dma_start3A_261 = tpu.memref_squeeze %dma_start3A_260 : memref<1x1000x32xf32, #tpu.memory_space<vmem>> -> memref<1000x32xf32, #tpu.memory_space<vmem>>
      %dma_start3A_262 = arith.constant 0 : i32
      %dma_start3A_263 = tpu.memref_slice %arg6[%run_scoped3A_131, %dma_start3A_262] : memref<2x1000xi32, #tpu.memory_space<vmem>> -> memref<1x1000xi32, #tpu.memory_space<vmem>>
      %dma_start3A_264 = tpu.memref_squeeze %dma_start3A_263 : memref<1x1000xi32, #tpu.memory_space<vmem>> -> memref<1000xi32, #tpu.memory_space<vmem>>
      %dma_start3A_265 = arith.constant 0 : i32
      %dma_start3A_266 = arith.constant 0 : i32
      %dma_start3A_267 = tpu.memref_slice %arg8[%dma_start3A_265, %dma_start3A_266] : memref<10240x32xf32, #tpu.memory_space<vmem_shared>> -> memref<10240x32xf32, #tpu.memory_space<vmem_shared>>
      tpu.enqueue_indirect_dma source(%dma_start3A_261 : memref<1000x32xf32, #tpu.memory_space<vmem>>) target(%dma_start3A_267 : memref<10240x32xf32, #tpu.memory_space<vmem_shared>>) offsets(%dma_start3A_264 : memref<1000xi32, #tpu.memory_space<vmem>>) semaphore(%run_scoped3A_257 : memref<!tpu.dma_semaphore, #tpu.memory_space<semaphore_mem>>) {add = true}
      %dma_wait3A_268 = arith.constant 0 : i32
      %dma_wait3A_269 = arith.constant 0 : i32
      %dma_wait3A_270 = tpu.memref_slice %arg7[%run_scoped3A_130, %dma_wait3A_268, %dma_wait3A_269] : memref<2x1000x32xf32, #tpu.memory_space<vmem>> -> memref<1x1000x32xf32, #tpu.memory_space<vmem>>
      %dma_wait3A_271 = tpu.memref_squeeze %dma_wait3A_270 : memref<1x1000x32xf32, #tpu.memory_space<vmem>> -> memref<1000x32xf32, #tpu.memory_space<vmem>>
      %dma_wait3A_272 = arith.constant 0 : i32
      %dma_wait3A_273 = tpu.memref_slice %arg6[%run_scoped3A_131, %dma_wait3A_272] : memref<2x1000xi32, #tpu.memory_space<vmem>> -> memref<1x1000xi32, #tpu.memory_space<vmem>>
      %dma_wait3A_274 = tpu.memref_squeeze %dma_wait3A_273 : memref<1x1000xi32, #tpu.memory_space<vmem>> -> memref<1000xi32, #tpu.memory_space<vmem>>
      %dma_wait3A_275 = arith.constant 0 : i32
      %dma_wait3A_276 = arith.constant 0 : i32
      %dma_wait3A_277 = tpu.memref_slice %arg8[%dma_wait3A_275, %dma_wait3A_276] : memref<10240x32xf32, #tpu.memory_space<vmem_shared>> -> memref<10240x32xf32, #tpu.memory_space<vmem_shared>>
      tpu.wait_indirect_dma semaphore(%run_scoped3A_257 : memref<!tpu.dma_semaphore, #tpu.memory_space<semaphore_mem>>) src(%dma_wait3A_271 : memref<1000x32xf32, #tpu.memory_space<vmem>>) dst(%dma_wait3A_277 : memref<10240x32xf32, #tpu.memory_space<vmem_shared>>)
      tpu.yield
    }) : () -> ()
    %dma_wait3A_132 = arith.constant 0 : i32
    %dma_wait3A_133 = arith.constant 0 : i32
    %dma_wait3A_134 = tpu.memref_slice %arg6[%dma_wait3A_132, %dma_wait3A_133] : memref<2x1000xi32, #tpu.memory_space<vmem>> -> memref<1x1000xi32, #tpu.memory_space<vmem>>
    %dma_wait3A_135 = tpu.memref_squeeze %dma_wait3A_134 : memref<1x1000xi32, #tpu.memory_space<vmem>> -> memref<1000xi32, #tpu.memory_space<vmem>>
    %dma_wait3A_136 = tpu.memref_slice %arg3[%add3A_105] : memref<160000xi32, #tpu.memory_space<hbm>> -> memref<1000xi32, #tpu.memory_space<hbm>>
    %dma_wait3A_137 = arith.constant 0 : i32
    %dma_wait3A_138 = tpu.memref_slice %arg6[%dma_wait3A_132, %dma_wait3A_137] : memref<2x1000xi32, #tpu.memory_space<vmem>> -> memref<1x1000xi32, #tpu.memory_space<vmem>>
    %dma_wait3A_139 = tpu.memref_squeeze %dma_wait3A_138 : memref<1x1000xi32, #tpu.memory_space<vmem>> -> memref<1000xi32, #tpu.memory_space<vmem>>
    %dma_wait3A_140 = tpu.memref_slice %arg3[%add3A_105] : memref<160000xi32, #tpu.memory_space<hbm>> -> memref<1000xi32, #tpu.memory_space<hbm>>
    tpu.wait_dma2 semaphore(%arg10 : memref<!tpu.dma_semaphore, #tpu.memory_space<semaphore_mem>>) src(%dma_wait3A_140 : memref<1000xi32, #tpu.memory_space<hbm>>) dst(%dma_wait3A_139 : memref<1000xi32, #tpu.memory_space<vmem>>)
    %dma_wait3A_141 = arith.constant 0 : i32
    %dma_wait3A_142 = arith.constant 0 : i32
    %dma_wait3A_143 = arith.constant 0 : i32
    %dma_wait3A_144 = tpu.memref_slice %arg7[%dma_wait3A_141, %dma_wait3A_142, %dma_wait3A_143] : memref<2x1000x32xf32, #tpu.memory_space<vmem>> -> memref<1x1000x32xf32, #tpu.memory_space<vmem>>
    %dma_wait3A_145 = tpu.memref_squeeze %dma_wait3A_144 : memref<1x1000x32xf32, #tpu.memory_space<vmem>> -> memref<1000x32xf32, #tpu.memory_space<vmem>>
    %dma_wait3A_146 = arith.constant 0 : i32
    %dma_wait3A_147 = tpu.memref_slice %arg2[%add3A_116, %dma_wait3A_146] : memref<160000x32xf32, #tpu.memory_space<hbm>> -> memref<1000x32xf32, #tpu.memory_space<hbm>>
    %dma_wait3A_148 = arith.constant 0 : i32
    %dma_wait3A_149 = arith.constant 0 : i32
    %dma_wait3A_150 = tpu.memref_slice %arg7[%dma_wait3A_141, %dma_wait3A_148, %dma_wait3A_149] : memref<2x1000x32xf32, #tpu.memory_space<vmem>> -> memref<1x1000x32xf32, #tpu.memory_space<vmem>>
    %dma_wait3A_151 = tpu.memref_squeeze %dma_wait3A_150 : memref<1x1000x32xf32, #tpu.memory_space<vmem>> -> memref<1000x32xf32, #tpu.memory_space<vmem>>
    %dma_wait3A_152 = arith.constant 0 : i32
    %dma_wait3A_153 = tpu.memref_slice %arg2[%add3A_116, %dma_wait3A_152] : memref<160000x32xf32, #tpu.memory_space<hbm>> -> memref<1000x32xf32, #tpu.memory_space<hbm>>
    tpu.wait_dma2 semaphore(%arg10 : memref<!tpu.dma_semaphore, #tpu.memory_space<semaphore_mem>>) src(%dma_wait3A_153 : memref<1000x32xf32, #tpu.memory_space<hbm>>) dst(%dma_wait3A_151 : memref<1000x32xf32, #tpu.memory_space<vmem>>)
    %add3A_154 = arith.constant 3000 : i32
    %add3A_155 = arith.addi %mul3A_7, %add3A_154 : i32
    %dma_start3A_156 = arith.constant 1 : i32
    %dma_start3A_157 = arith.constant 0 : i32
    %dma_start3A_158 = tpu.memref_slice %arg6[%dma_start3A_156, %dma_start3A_157] : memref<2x1000xi32, #tpu.memory_space<vmem>> -> memref<1x1000xi32, #tpu.memory_space<vmem>>
    %dma_start3A_159 = tpu.memref_squeeze %dma_start3A_158 : memref<1x1000xi32, #tpu.memory_space<vmem>> -> memref<1000xi32, #tpu.memory_space<vmem>>
    %dma_start3A_160 = tpu.memref_slice %arg3[%add3A_155] : memref<160000xi32, #tpu.memory_space<hbm>> -> memref<1000xi32, #tpu.memory_space<hbm>>
    %dma_start3A_161 = arith.constant 0 : i32
    %dma_start3A_162 = tpu.memref_slice %arg6[%dma_start3A_156, %dma_start3A_161] : memref<2x1000xi32, #tpu.memory_space<vmem>> -> memref<1x1000xi32, #tpu.memory_space<vmem>>
    %dma_start3A_163 = tpu.memref_squeeze %dma_start3A_162 : memref<1x1000xi32, #tpu.memory_space<vmem>> -> memref<1000xi32, #tpu.memory_space<vmem>>
    %dma_start3A_164 = tpu.memref_slice %arg3[%add3A_155] : memref<160000xi32, #tpu.memory_space<hbm>> -> memref<1000xi32, #tpu.memory_space<hbm>>
    tpu.enqueue_dma source(%dma_start3A_164 : memref<1000xi32, #tpu.memory_space<hbm>>) target(%dma_start3A_163 : memref<1000xi32, #tpu.memory_space<vmem>>) target_semaphore(%arg11 : memref<!tpu.dma_semaphore, #tpu.memory_space<semaphore_mem>>)
    %add3A_165 = arith.constant 3000 : i32
    %add3A_166 = arith.addi %mul3A_7, %add3A_165 : i32
    %dma_start3A_167 = arith.constant 1 : i32
    %dma_start3A_168 = arith.constant 0 : i32
    %dma_start3A_169 = arith.constant 0 : i32
    %dma_start3A_170 = tpu.memref_slice %arg7[%dma_start3A_167, %dma_start3A_168, %dma_start3A_169] : memref<2x1000x32xf32, #tpu.memory_space<vmem>> -> memref<1x1000x32xf32, #tpu.memory_space<vmem>>
    %dma_start3A_171 = tpu.memref_squeeze %dma_start3A_170 : memref<1x1000x32xf32, #tpu.memory_space<vmem>> -> memref<1000x32xf32, #tpu.memory_space<vmem>>
    %dma_start3A_172 = arith.constant 0 : i32
    %dma_start3A_173 = tpu.memref_slice %arg2[%add3A_166, %dma_start3A_172] : memref<160000x32xf32, #tpu.memory_space<hbm>> -> memref<1000x32xf32, #tpu.memory_space<hbm>>
    %dma_start3A_174 = arith.constant 0 : i32
    %dma_start3A_175 = arith.constant 0 : i32
    %dma_start3A_176 = tpu.memref_slice %arg7[%dma_start3A_167, %dma_start3A_174, %dma_start3A_175] : memref<2x1000x32xf32, #tpu.memory_space<vmem>> -> memref<1x1000x32xf32, #tpu.memory_space<vmem>>
    %dma_start3A_177 = tpu.memref_squeeze %dma_start3A_176 : memref<1x1000x32xf32, #tpu.memory_space<vmem>> -> memref<1000x32xf32, #tpu.memory_space<vmem>>
    %dma_start3A_178 = arith.constant 0 : i32
    %dma_start3A_179 = tpu.memref_slice %arg2[%add3A_166, %dma_start3A_178] : memref<160000x32xf32, #tpu.memory_space<hbm>> -> memref<1000x32xf32, #tpu.memory_space<hbm>>
    tpu.enqueue_dma source(%dma_start3A_179 : memref<1000x32xf32, #tpu.memory_space<hbm>>) target(%dma_start3A_177 : memref<1000x32xf32, #tpu.memory_space<vmem>>) target_semaphore(%arg11 : memref<!tpu.dma_semaphore, #tpu.memory_space<semaphore_mem>>)
    %run_scoped3A_180 = arith.constant 0 : i32
    %run_scoped3A_181 = arith.constant 0 : i32
    "tpu.region"() ({
      %run_scoped3A_257 = tpu.sem_alloc : memref<!tpu.dma_semaphore, #tpu.memory_space<semaphore_mem>>
      %dma_start3A_258 = arith.constant 0 : i32
      %dma_start3A_259 = arith.constant 0 : i32
      %dma_start3A_260 = tpu.memref_slice %arg7[%run_scoped3A_180, %dma_start3A_258, %dma_start3A_259] : memref<2x1000x32xf32, #tpu.memory_space<vmem>> -> memref<1x1000x32xf32, #tpu.memory_space<vmem>>
      %dma_start3A_261 = tpu.memref_squeeze %dma_start3A_260 : memref<1x1000x32xf32, #tpu.memory_space<vmem>> -> memref<1000x32xf32, #tpu.memory_space<vmem>>
      %dma_start3A_262 = arith.constant 0 : i32
      %dma_start3A_263 = tpu.memref_slice %arg6[%run_scoped3A_181, %dma_start3A_262] : memref<2x1000xi32, #tpu.memory_space<vmem>> -> memref<1x1000xi32, #tpu.memory_space<vmem>>
      %dma_start3A_264 = tpu.memref_squeeze %dma_start3A_263 : memref<1x1000xi32, #tpu.memory_space<vmem>> -> memref<1000xi32, #tpu.memory_space<vmem>>
      %dma_start3A_265 = arith.constant 0 : i32
      %dma_start3A_266 = arith.constant 0 : i32
      %dma_start3A_267 = tpu.memref_slice %arg8[%dma_start3A_265, %dma_start3A_266] : memref<10240x32xf32, #tpu.memory_space<vmem_shared>> -> memref<10240x32xf32, #tpu.memory_space<vmem_shared>>
      tpu.enqueue_indirect_dma source(%dma_start3A_261 : memref<1000x32xf32, #tpu.memory_space<vmem>>) target(%dma_start3A_267 : memref<10240x32xf32, #tpu.memory_space<vmem_shared>>) offsets(%dma_start3A_264 : memref<1000xi32, #tpu.memory_space<vmem>>) semaphore(%run_scoped3A_257 : memref<!tpu.dma_semaphore, #tpu.memory_space<semaphore_mem>>) {add = true}
      %dma_wait3A_268 = arith.constant 0 : i32
      %dma_wait3A_269 = arith.constant 0 : i32
      %dma_wait3A_270 = tpu.memref_slice %arg7[%run_scoped3A_180, %dma_wait3A_268, %dma_wait3A_269] : memref<2x1000x32xf32, #tpu.memory_space<vmem>> -> memref<1x1000x32xf32, #tpu.memory_space<vmem>>
      %dma_wait3A_271 = tpu.memref_squeeze %dma_wait3A_270 : memref<1x1000x32xf32, #tpu.memory_space<vmem>> -> memref<1000x32xf32, #tpu.memory_space<vmem>>
      %dma_wait3A_272 = arith.constant 0 : i32
      %dma_wait3A_273 = tpu.memref_slice %arg6[%run_scoped3A_181, %dma_wait3A_272] : memref<2x1000xi32, #tpu.memory_space<vmem>> -> memref<1x1000xi32, #tpu.memory_space<vmem>>
      %dma_wait3A_274 = tpu.memref_squeeze %dma_wait3A_273 : memref<1x1000xi32, #tpu.memory_space<vmem>> -> memref<1000xi32, #tpu.memory_space<vmem>>
      %dma_wait3A_275 = arith.constant 0 : i32
      %dma_wait3A_276 = arith.constant 0 : i32
      %dma_wait3A_277 = tpu.memref_slice %arg8[%dma_wait3A_275, %dma_wait3A_276] : memref<10240x32xf32, #tpu.memory_space<vmem_shared>> -> memref<10240x32xf32, #tpu.memory_space<vmem_shared>>
      tpu.wait_indirect_dma semaphore(%run_scoped3A_257 : memref<!tpu.dma_semaphore, #tpu.memory_space<semaphore_mem>>) src(%dma_wait3A_271 : memref<1000x32xf32, #tpu.memory_space<vmem>>) dst(%dma_wait3A_277 : memref<10240x32xf32, #tpu.memory_space<vmem_shared>>)
      tpu.yield
    }) : () -> ()
    %dma_wait3A_182 = arith.constant 1 : i32
    %dma_wait3A_183 = arith.constant 0 : i32
    %dma_wait3A_184 = tpu.memref_slice %arg6[%dma_wait3A_182, %dma_wait3A_183] : memref<2x1000xi32, #tpu.memory_space<vmem>> -> memref<1x1000xi32, #tpu.memory_space<vmem>>
    %dma_wait3A_185 = tpu.memref_squeeze %dma_wait3A_184 : memref<1x1000xi32, #tpu.memory_space<vmem>> -> memref<1000xi32, #tpu.memory_space<vmem>>
    %dma_wait3A_186 = tpu.memref_slice %arg3[%add3A_155] : memref<160000xi32, #tpu.memory_space<hbm>> -> memref<1000xi32, #tpu.memory_space<hbm>>
    %dma_wait3A_187 = arith.constant 0 : i32
    %dma_wait3A_188 = tpu.memref_slice %arg6[%dma_wait3A_182, %dma_wait3A_187] : memref<2x1000xi32, #tpu.memory_space<vmem>> -> memref<1x1000xi32, #tpu.memory_space<vmem>>
    %dma_wait3A_189 = tpu.memref_squeeze %dma_wait3A_188 : memref<1x1000xi32, #tpu.memory_space<vmem>> -> memref<1000xi32, #tpu.memory_space<vmem>>
    %dma_wait3A_190 = tpu.memref_slice %arg3[%add3A_155] : memref<160000xi32, #tpu.memory_space<hbm>> -> memref<1000xi32, #tpu.memory_space<hbm>>
    tpu.wait_dma2 semaphore(%arg11 : memref<!tpu.dma_semaphore, #tpu.memory_space<semaphore_mem>>) src(%dma_wait3A_190 : memref<1000xi32, #tpu.memory_space<hbm>>) dst(%dma_wait3A_189 : memref<1000xi32, #tpu.memory_space<vmem>>)
    %dma_wait3A_191 = arith.constant 1 : i32
    %dma_wait3A_192 = arith.constant 0 : i32
    %dma_wait3A_193 = arith.constant 0 : i32
    %dma_wait3A_194 = tpu.memref_slice %arg7[%dma_wait3A_191, %dma_wait3A_192, %dma_wait3A_193] : memref<2x1000x32xf32, #tpu.memory_space<vmem>> -> memref<1x1000x32xf32, #tpu.memory_space<vmem>>
    %dma_wait3A_195 = tpu.memref_squeeze %dma_wait3A_194 : memref<1x1000x32xf32, #tpu.memory_space<vmem>> -> memref<1000x32xf32, #tpu.memory_space<vmem>>
    %dma_wait3A_196 = arith.constant 0 : i32
    %dma_wait3A_197 = tpu.memref_slice %arg2[%add3A_166, %dma_wait3A_196] : memref<160000x32xf32, #tpu.memory_space<hbm>> -> memref<1000x32xf32, #tpu.memory_space<hbm>>
    %dma_wait3A_198 = arith.constant 0 : i32
    %dma_wait3A_199 = arith.constant 0 : i32
    %dma_wait3A_200 = tpu.memref_slice %arg7[%dma_wait3A_191, %dma_wait3A_198, %dma_wait3A_199] : memref<2x1000x32xf32, #tpu.memory_space<vmem>> -> memref<1x1000x32xf32, #tpu.memory_space<vmem>>
    %dma_wait3A_201 = tpu.memref_squeeze %dma_wait3A_200 : memref<1x1000x32xf32, #tpu.memory_space<vmem>> -> memref<1000x32xf32, #tpu.memory_space<vmem>>
    %dma_wait3A_202 = arith.constant 0 : i32
    %dma_wait3A_203 = tpu.memref_slice %arg2[%add3A_166, %dma_wait3A_202] : memref<160000x32xf32, #tpu.memory_space<hbm>> -> memref<1000x32xf32, #tpu.memory_space<hbm>>
    tpu.wait_dma2 semaphore(%arg11 : memref<!tpu.dma_semaphore, #tpu.memory_space<semaphore_mem>>) src(%dma_wait3A_203 : memref<1000x32xf32, #tpu.memory_space<hbm>>) dst(%dma_wait3A_201 : memref<1000x32xf32, #tpu.memory_space<vmem>>)
    %add3A_204 = arith.constant 4000 : i32
    %add3A_205 = arith.addi %mul3A_7, %add3A_204 : i32
    %dma_start3A_206 = arith.constant 0 : i32
    %dma_start3A_207 = arith.constant 0 : i32
    %dma_start3A_208 = tpu.memref_slice %arg6[%dma_start3A_206, %dma_start3A_207] : memref<2x1000xi32, #tpu.memory_space<vmem>> -> memref<1x1000xi32, #tpu.memory_space<vmem>>
    %dma_start3A_209 = tpu.memref_squeeze %dma_start3A_208 : memref<1x1000xi32, #tpu.memory_space<vmem>> -> memref<1000xi32, #tpu.memory_space<vmem>>
    %dma_start3A_210 = tpu.memref_slice %arg3[%add3A_205] : memref<160000xi32, #tpu.memory_space<hbm>> -> memref<1000xi32, #tpu.memory_space<hbm>>
    %dma_start3A_211 = arith.constant 0 : i32
    %dma_start3A_212 = tpu.memref_slice %arg6[%dma_start3A_206, %dma_start3A_211] : memref<2x1000xi32, #tpu.memory_space<vmem>> -> memref<1x1000xi32, #tpu.memory_space<vmem>>
    %dma_start3A_213 = tpu.memref_squeeze %dma_start3A_212 : memref<1x1000xi32, #tpu.memory_space<vmem>> -> memref<1000xi32, #tpu.memory_space<vmem>>
    %dma_start3A_214 = tpu.memref_slice %arg3[%add3A_205] : memref<160000xi32, #tpu.memory_space<hbm>> -> memref<1000xi32, #tpu.memory_space<hbm>>
    tpu.enqueue_dma source(%dma_start3A_214 : memref<1000xi32, #tpu.memory_space<hbm>>) target(%dma_start3A_213 : memref<1000xi32, #tpu.memory_space<vmem>>) target_semaphore(%arg10 : memref<!tpu.dma_semaphore, #tpu.memory_space<semaphore_mem>>)
    %add3A_215 = arith.constant 4000 : i32
    %add3A_216 = arith.addi %mul3A_7, %add3A_215 : i32
    %dma_start3A_217 = arith.constant 0 : i32
    %dma_start3A_218 = arith.constant 0 : i32
    %dma_start3A_219 = arith.constant 0 : i32
    %dma_start3A_220 = tpu.memref_slice %arg7[%dma_start3A_217, %dma_start3A_218, %dma_start3A_219] : memref<2x1000x32xf32, #tpu.memory_space<vmem>> -> memref<1x1000x32xf32, #tpu.memory_space<vmem>>
    %dma_start3A_221 = tpu.memref_squeeze %dma_start3A_220 : memref<1x1000x32xf32, #tpu.memory_space<vmem>> -> memref<1000x32xf32, #tpu.memory_space<vmem>>
    %dma_start3A_222 = arith.constant 0 : i32
    %dma_start3A_223 = tpu.memref_slice %arg2[%add3A_216, %dma_start3A_222] : memref<160000x32xf32, #tpu.memory_space<hbm>> -> memref<1000x32xf32, #tpu.memory_space<hbm>>
    %dma_start3A_224 = arith.constant 0 : i32
    %dma_start3A_225 = arith.constant 0 : i32
    %dma_start3A_226 = tpu.memref_slice %arg7[%dma_start3A_217, %dma_start3A_224, %dma_start3A_225] : memref<2x1000x32xf32, #tpu.memory_space<vmem>> -> memref<1x1000x32xf32, #tpu.memory_space<vmem>>
    %dma_start3A_227 = tpu.memref_squeeze %dma_start3A_226 : memref<1x1000x32xf32, #tpu.memory_space<vmem>> -> memref<1000x32xf32, #tpu.memory_space<vmem>>
    %dma_start3A_228 = arith.constant 0 : i32
    %dma_start3A_229 = tpu.memref_slice %arg2[%add3A_216, %dma_start3A_228] : memref<160000x32xf32, #tpu.memory_space<hbm>> -> memref<1000x32xf32, #tpu.memory_space<hbm>>
    tpu.enqueue_dma source(%dma_start3A_229 : memref<1000x32xf32, #tpu.memory_space<hbm>>) target(%dma_start3A_227 : memref<1000x32xf32, #tpu.memory_space<vmem>>) target_semaphore(%arg10 : memref<!tpu.dma_semaphore, #tpu.memory_space<semaphore_mem>>)
    %run_scoped3A_230 = arith.constant 1 : i32
    %run_scoped3A_231 = arith.constant 1 : i32
    "tpu.region"() ({
      %run_scoped3A_257 = tpu.sem_alloc : memref<!tpu.dma_semaphore, #tpu.memory_space<semaphore_mem>>
      %dma_start3A_258 = arith.constant 0 : i32
      %dma_start3A_259 = arith.constant 0 : i32
      %dma_start3A_260 = tpu.memref_slice %arg7[%run_scoped3A_230, %dma_start3A_258, %dma_start3A_259] : memref<2x1000x32xf32, #tpu.memory_space<vmem>> -> memref<1x1000x32xf32, #tpu.memory_space<vmem>>
      %dma_start3A_261 = tpu.memref_squeeze %dma_start3A_260 : memref<1x1000x32xf32, #tpu.memory_space<vmem>> -> memref<1000x32xf32, #tpu.memory_space<vmem>>
      %dma_start3A_262 = arith.constant 0 : i32
      %dma_start3A_263 = tpu.memref_slice %arg6[%run_scoped3A_231, %dma_start3A_262] : memref<2x1000xi32, #tpu.memory_space<vmem>> -> memref<1x1000xi32, #tpu.memory_space<vmem>>
      %dma_start3A_264 = tpu.memref_squeeze %dma_start3A_263 : memref<1x1000xi32, #tpu.memory_space<vmem>> -> memref<1000xi32, #tpu.memory_space<vmem>>
      %dma_start3A_265 = arith.constant 0 : i32
      %dma_start3A_266 = arith.constant 0 : i32
      %dma_start3A_267 = tpu.memref_slice %arg8[%dma_start3A_265, %dma_start3A_266] : memref<10240x32xf32, #tpu.memory_space<vmem_shared>> -> memref<10240x32xf32, #tpu.memory_space<vmem_shared>>
      tpu.enqueue_indirect_dma source(%dma_start3A_261 : memref<1000x32xf32, #tpu.memory_space<vmem>>) target(%dma_start3A_267 : memref<10240x32xf32, #tpu.memory_space<vmem_shared>>) offsets(%dma_start3A_264 : memref<1000xi32, #tpu.memory_space<vmem>>) semaphore(%run_scoped3A_257 : memref<!tpu.dma_semaphore, #tpu.memory_space<semaphore_mem>>) {add = true}
      %dma_wait3A_268 = arith.constant 0 : i32
      %dma_wait3A_269 = arith.constant 0 : i32
      %dma_wait3A_270 = tpu.memref_slice %arg7[%run_scoped3A_230, %dma_wait3A_268, %dma_wait3A_269] : memref<2x1000x32xf32, #tpu.memory_space<vmem>> -> memref<1x1000x32xf32, #tpu.memory_space<vmem>>
      %dma_wait3A_271 = tpu.memref_squeeze %dma_wait3A_270 : memref<1x1000x32xf32, #tpu.memory_space<vmem>> -> memref<1000x32xf32, #tpu.memory_space<vmem>>
      %dma_wait3A_272 = arith.constant 0 : i32
      %dma_wait3A_273 = tpu.memref_slice %arg6[%run_scoped3A_231, %dma_wait3A_272] : memref<2x1000xi32, #tpu.memory_space<vmem>> -> memref<1x1000xi32, #tpu.memory_space<vmem>>
      %dma_wait3A_274 = tpu.memref_squeeze %dma_wait3A_273 : memref<1x1000xi32, #tpu.memory_space<vmem>> -> memref<1000xi32, #tpu.memory_space<vmem>>
      %dma_wait3A_275 = arith.constant 0 : i32
      %dma_wait3A_276 = arith.constant 0 : i32
      %dma_wait3A_277 = tpu.memref_slice %arg8[%dma_wait3A_275, %dma_wait3A_276] : memref<10240x32xf32, #tpu.memory_space<vmem_shared>> -> memref<10240x32xf32, #tpu.memory_space<vmem_shared>>
      tpu.wait_indirect_dma semaphore(%run_scoped3A_257 : memref<!tpu.dma_semaphore, #tpu.memory_space<semaphore_mem>>) src(%dma_wait3A_271 : memref<1000x32xf32, #tpu.memory_space<vmem>>) dst(%dma_wait3A_277 : memref<10240x32xf32, #tpu.memory_space<vmem_shared>>)
      tpu.yield
    }) : () -> ()
    %dma_wait3A_232 = arith.constant 0 : i32
    %dma_wait3A_233 = arith.constant 0 : i32
    %dma_wait3A_234 = tpu.memref_slice %arg6[%dma_wait3A_232, %dma_wait3A_233] : memref<2x1000xi32, #tpu.memory_space<vmem>> -> memref<1x1000xi32, #tpu.memory_space<vmem>>
    %dma_wait3A_235 = tpu.memref_squeeze %dma_wait3A_234 : memref<1x1000xi32, #tpu.memory_space<vmem>> -> memref<1000xi32, #tpu.memory_space<vmem>>
    %dma_wait3A_236 = tpu.memref_slice %arg3[%add3A_205] : memref<160000xi32, #tpu.memory_space<hbm>> -> memref<1000xi32, #tpu.memory_space<hbm>>
    %dma_wait3A_237 = arith.constant 0 : i32
    %dma_wait3A_238 = tpu.memref_slice %arg6[%dma_wait3A_232, %dma_wait3A_237] : memref<2x1000xi32, #tpu.memory_space<vmem>> -> memref<1x1000xi32, #tpu.memory_space<vmem>>
    %dma_wait3A_239 = tpu.memref_squeeze %dma_wait3A_238 : memref<1x1000xi32, #tpu.memory_space<vmem>> -> memref<1000xi32, #tpu.memory_space<vmem>>
    %dma_wait3A_240 = tpu.memref_slice %arg3[%add3A_205] : memref<160000xi32, #tpu.memory_space<hbm>> -> memref<1000xi32, #tpu.memory_space<hbm>>
    tpu.wait_dma2 semaphore(%arg10 : memref<!tpu.dma_semaphore, #tpu.memory_space<semaphore_mem>>) src(%dma_wait3A_240 : memref<1000xi32, #tpu.memory_space<hbm>>) dst(%dma_wait3A_239 : memref<1000xi32, #tpu.memory_space<vmem>>)
    %dma_wait3A_241 = arith.constant 0 : i32
    %dma_wait3A_242 = arith.constant 0 : i32
    %dma_wait3A_243 = arith.constant 0 : i32
    %dma_wait3A_244 = tpu.memref_slice %arg7[%dma_wait3A_241, %dma_wait3A_242, %dma_wait3A_243] : memref<2x1000x32xf32, #tpu.memory_space<vmem>> -> memref<1x1000x32xf32, #tpu.memory_space<vmem>>
    %dma_wait3A_245 = tpu.memref_squeeze %dma_wait3A_244 : memref<1x1000x32xf32, #tpu.memory_space<vmem>> -> memref<1000x32xf32, #tpu.memory_space<vmem>>
    %dma_wait3A_246 = arith.constant 0 : i32
    %dma_wait3A_247 = tpu.memref_slice %arg2[%add3A_216, %dma_wait3A_246] : memref<160000x32xf32, #tpu.memory_space<hbm>> -> memref<1000x32xf32, #tpu.memory_space<hbm>>
    %dma_wait3A_248 = arith.constant 0 : i32
    %dma_wait3A_249 = arith.constant 0 : i32
    %dma_wait3A_250 = tpu.memref_slice %arg7[%dma_wait3A_241, %dma_wait3A_248, %dma_wait3A_249] : memref<2x1000x32xf32, #tpu.memory_space<vmem>> -> memref<1x1000x32xf32, #tpu.memory_space<vmem>>
    %dma_wait3A_251 = tpu.memref_squeeze %dma_wait3A_250 : memref<1x1000x32xf32, #tpu.memory_space<vmem>> -> memref<1000x32xf32, #tpu.memory_space<vmem>>
    %dma_wait3A_252 = arith.constant 0 : i32
    %dma_wait3A_253 = tpu.memref_slice %arg2[%add3A_216, %dma_wait3A_252] : memref<160000x32xf32, #tpu.memory_space<hbm>> -> memref<1000x32xf32, #tpu.memory_space<hbm>>
    tpu.wait_dma2 semaphore(%arg10 : memref<!tpu.dma_semaphore, #tpu.memory_space<semaphore_mem>>) src(%dma_wait3A_253 : memref<1000x32xf32, #tpu.memory_space<hbm>>) dst(%dma_wait3A_251 : memref<1000x32xf32, #tpu.memory_space<vmem>>)
    %run_scoped3A_254 = arith.constant 0 : i32
    %run_scoped3A_255 = arith.constant 0 : i32
    "tpu.region"() ({
      %run_scoped3A_257 = tpu.sem_alloc : memref<!tpu.dma_semaphore, #tpu.memory_space<semaphore_mem>>
      %dma_start3A_258 = arith.constant 0 : i32
      %dma_start3A_259 = arith.constant 0 : i32
      %dma_start3A_260 = tpu.memref_slice %arg7[%run_scoped3A_254, %dma_start3A_258, %dma_start3A_259] : memref<2x1000x32xf32, #tpu.memory_space<vmem>> -> memref<1x1000x32xf32, #tpu.memory_space<vmem>>
      %dma_start3A_261 = tpu.memref_squeeze %dma_start3A_260 : memref<1x1000x32xf32, #tpu.memory_space<vmem>> -> memref<1000x32xf32, #tpu.memory_space<vmem>>
      %dma_start3A_262 = arith.constant 0 : i32
      %dma_start3A_263 = tpu.memref_slice %arg6[%run_scoped3A_255, %dma_start3A_262] : memref<2x1000xi32, #tpu.memory_space<vmem>> -> memref<1x1000xi32, #tpu.memory_space<vmem>>
      %dma_start3A_264 = tpu.memref_squeeze %dma_start3A_263 : memref<1x1000xi32, #tpu.memory_space<vmem>> -> memref<1000xi32, #tpu.memory_space<vmem>>
      %dma_start3A_265 = arith.constant 0 : i32
      %dma_start3A_266 = arith.constant 0 : i32
      %dma_start3A_267 = tpu.memref_slice %arg8[%dma_start3A_265, %dma_start3A_266] : memref<10240x32xf32, #tpu.memory_space<vmem_shared>> -> memref<10240x32xf32, #tpu.memory_space<vmem_shared>>
      tpu.enqueue_indirect_dma source(%dma_start3A_261 : memref<1000x32xf32, #tpu.memory_space<vmem>>) target(%dma_start3A_267 : memref<10240x32xf32, #tpu.memory_space<vmem_shared>>) offsets(%dma_start3A_264 : memref<1000xi32, #tpu.memory_space<vmem>>) semaphore(%run_scoped3A_257 : memref<!tpu.dma_semaphore, #tpu.memory_space<semaphore_mem>>) {add = true}
      %dma_wait3A_268 = arith.constant 0 : i32
      %dma_wait3A_269 = arith.constant 0 : i32
      %dma_wait3A_270 = tpu.memref_slice %arg7[%run_scoped3A_254, %dma_wait3A_268, %dma_wait3A_269] : memref<2x1000x32xf32, #tpu.memory_space<vmem>> -> memref<1x1000x32xf32, #tpu.memory_space<vmem>>
      %dma_wait3A_271 = tpu.memref_squeeze %dma_wait3A_270 : memref<1x1000x32xf32, #tpu.memory_space<vmem>> -> memref<1000x32xf32, #tpu.memory_space<vmem>>
      %dma_wait3A_272 = arith.constant 0 : i32
      %dma_wait3A_273 = tpu.memref_slice %arg6[%run_scoped3A_255, %dma_wait3A_272] : memref<2x1000xi32, #tpu.memory_space<vmem>> -> memref<1x1000xi32, #tpu.memory_space<vmem>>
      %dma_wait3A_274 = tpu.memref_squeeze %dma_wait3A_273 : memref<1x1000xi32, #tpu.memory_space<vmem>> -> memref<1000xi32, #tpu.memory_space<vmem>>
      %dma_wait3A_275 = arith.constant 0 : i32
      %dma_wait3A_276 = arith.constant 0 : i32
      %dma_wait3A_277 = tpu.memref_slice %arg8[%dma_wait3A_275, %dma_wait3A_276] : memref<10240x32xf32, #tpu.memory_space<vmem_shared>> -> memref<10240x32xf32, #tpu.memory_space<vmem_shared>>
      tpu.wait_indirect_dma semaphore(%run_scoped3A_257 : memref<!tpu.dma_semaphore, #tpu.memory_space<semaphore_mem>>) src(%dma_wait3A_271 : memref<1000x32xf32, #tpu.memory_space<vmem>>) dst(%dma_wait3A_277 : memref<10240x32xf32, #tpu.memory_space<vmem_shared>>)
      tpu.yield
    }) : () -> ()
    %barrier3A_256 = arith.constant 0 : index
    tpu.barrier barrier_id(%barrier3A_256)
    "tpu.region"() ({
      %run_scoped3A_257 = tpu.sem_alloc : memref<!tpu.dma_semaphore, #tpu.memory_space<semaphore_mem>>
      %dma_start3A_258 = arith.constant 0 : i32
      %dma_start3A_259 = tpu.memref_slice %arg5[%arg0, %mul3A_0, %dma_start3A_258] : memref<2x10240x32xf32, #tpu.memory_space<hbm>> -> memref<1x640x32xf32, #tpu.memory_space<hbm>>
      %dma_start3A_260 = tpu.memref_squeeze %dma_start3A_259 : memref<1x640x32xf32, #tpu.memory_space<hbm>> -> memref<640x32xf32, #tpu.memory_space<hbm>>
      %dma_start3A_261 = arith.constant 0 : i32
      %dma_start3A_262 = tpu.memref_slice %arg8[%mul3A_0, %dma_start3A_261] : memref<10240x32xf32, #tpu.memory_space<vmem_shared>> -> memref<640x32xf32, #tpu.memory_space<vmem_shared>>
      tpu.enqueue_dma source(%dma_start3A_262 : memref<640x32xf32, #tpu.memory_space<vmem_shared>>) target(%dma_start3A_260 : memref<640x32xf32, #tpu.memory_space<hbm>>) target_semaphore(%run_scoped3A_257 : memref<!tpu.dma_semaphore, #tpu.memory_space<semaphore_mem>>)
      %dma_wait3A_263 = arith.constant 0 : i32
      %dma_wait3A_264 = tpu.memref_slice %arg5[%arg0, %mul3A_0, %dma_wait3A_263] : memref<2x10240x32xf32, #tpu.memory_space<hbm>> -> memref<1x640x32xf32, #tpu.memory_space<hbm>>
      %dma_wait3A_265 = tpu.memref_squeeze %dma_wait3A_264 : memref<1x640x32xf32, #tpu.memory_space<hbm>> -> memref<640x32xf32, #tpu.memory_space<hbm>>
      %dma_wait3A_266 = arith.constant 0 : i32
      %dma_wait3A_267 = tpu.memref_slice %arg8[%mul3A_0, %dma_wait3A_266] : memref<10240x32xf32, #tpu.memory_space<vmem_shared>> -> memref<640x32xf32, #tpu.memory_space<vmem_shared>>
      tpu.wait_dma2 semaphore(%run_scoped3A_257 : memref<!tpu.dma_semaphore, #tpu.memory_space<semaphore_mem>>) src(%dma_wait3A_267 : memref<640x32xf32, #tpu.memory_space<vmem_shared>>) dst(%dma_wait3A_265 : memref<640x32xf32, #tpu.memory_space<hbm>>)
      tpu.yield
    }) : () -> ()
    return
  }
}

module attributes {stable_mosaic.version = 14 : i64} {
  func.func @_msg_body(%arg0: i32, %arg1: memref<6x6400xf32, #tpu.memory_space<vmem>>, %arg2: memref<6400x16xf32, #tpu.memory_space<vmem>>, %arg3: memref<128x6xf32, #tpu.memory_space<vmem>>, %arg4: memref<160x128xbf16, #tpu.memory_space<vmem>>, %arg5: memref<32x5xf32, #tpu.memory_space<vmem>>, %arg6: memref<6400x32xf32, #tpu.memory_space<vmem>>) attributes {dimension_semantics = [#tpu.dimension_semantics<arbitrary>], iteration_bounds = array<i64: 25>, scalar_prefetch = 0 : i64, scratch_operands = 0 : i64, tpu.core_type = #tpu.core_type<tc>, window_params = [{transform_indices = @transform_0, window_bounds = array<i64: 6, 6400>}, {transform_indices = @transform_1, window_bounds = array<i64: 6400, 16>}, {pipeline_mode = #tpu.pipeline_mode<synchronous>, transform_indices = @transform_2, window_bounds = array<i64: 128, 6>}, {pipeline_mode = #tpu.pipeline_mode<synchronous>, transform_indices = @transform_3, window_bounds = array<i64: 160, 128>}, {pipeline_mode = #tpu.pipeline_mode<synchronous>, transform_indices = @transform_4, window_bounds = array<i64: 32, 5>}, {transform_indices = @transform_5, window_bounds = array<i64: 6400, 32>}]} {
    %get3A = arith.constant 0 : index
    %get3A_0 = arith.constant 0 : index
    %get3A_1 = vector.load %arg3[%get3A, %get3A_0] : memref<128x6xf32, #tpu.memory_space<vmem>>, vector<128x6xf32>
    %get3A_2 = arith.constant 0 : index
    %get3A_3 = arith.constant 0 : index
    %get3A_4 = vector.load %arg1[%get3A_2, %get3A_3] : memref<6x6400xf32, #tpu.memory_space<vmem>>, vector<6x6400xf32>
    %dot_general3A = arith.constant dense<0.000000e+00> : vector<128x6400xf32>
    %dot_general3A_5 = tpu.matmul %get3A_1, %get3A_4, %dot_general3A {dimension_numbers = #tpu.dot_dimension_numbers<[1], [0], [0], [1], [0, 0, 1, 1], [], []>, transpose_lhs_hint = false} : vector<128x6xf32>, vector<6x6400xf32>, vector<128x6400xf32> -> vector<128x6400xf32>
    %max3A = arith.constant 0.000000e+00 : f32
    %max3A_6 = vector.broadcast %max3A : f32 to vector<128x6400xf32>
    %max3A_7 = arith.maximumf %dot_general3A_5, %max3A_6 : vector<128x6400xf32>
    %get3A_8 = arith.constant 0 : index
    %get3A_9 = arith.constant 0 : index
    %get3A_10 = vector.load %arg4[%get3A_8, %get3A_9] : memref<160x128xbf16, #tpu.memory_space<vmem>>, vector<160x128xbf16>
    %convert_element_type3A = arith.truncf %max3A_7 : vector<128x6400xf32> to vector<128x6400xbf16>
    %dot_general3A_11 = arith.constant dense<0.000000e+00> : vector<160x6400xf32>
    %dot_general3A_12 = tpu.matmul %get3A_10, %convert_element_type3A, %dot_general3A_11 {dimension_numbers = #tpu.dot_dimension_numbers<[1], [0], [0], [1], [0, 0, 1, 1], [], []>, transpose_lhs_hint = false} : vector<160x128xbf16>, vector<128x6400xbf16>, vector<160x6400xf32> -> vector<160x6400xf32>
    %get3A_13 = arith.constant 0 : index
    %get3A_14 = arith.constant 0 : index
    %get3A_15 = vector.load %arg2[%get3A_13, %get3A_14] : memref<6400x16xf32, #tpu.memory_space<vmem>>, vector<6400x16xf32>
    %transpose3A = tpu.transpose %get3A_15, [1, 0] : vector<6400x16xf32> -> vector<16x6400xf32>
    %slice3A = vector.extract_strided_slice %transpose3A {offsets = [0, 0], sizes = [5, 6400], strides = [1, 1]} : vector<16x6400xf32> to vector<5x6400xf32>
    %get3A_16 = arith.constant 0 : index
    %get3A_17 = arith.constant 0 : index
    %get3A_18 = vector.load %arg5[%get3A_16, %get3A_17] : memref<32x5xf32, #tpu.memory_space<vmem>>, vector<32x5xf32>
    %dot_general3A_19 = arith.constant dense<0.000000e+00> : vector<32x6400xf32>
    %dot_general3A_20 = tpu.matmul %get3A_18, %slice3A, %dot_general3A_19 {dimension_numbers = #tpu.dot_dimension_numbers<[1], [0], [0], [1], [0, 0, 1, 1], [], []>, transpose_lhs_hint = false} : vector<32x5xf32>, vector<5x6400xf32>, vector<32x6400xf32> -> vector<32x6400xf32>
    %slice3A_21 = vector.extract_strided_slice %slice3A {offsets = [0, 0], sizes = [1, 6400], strides = [1, 1]} : vector<5x6400xf32> to vector<1x6400xf32>
    %slice3A_22 = vector.extract_strided_slice %dot_general3A_12 {offsets = [0, 0], sizes = [32, 6400], strides = [1, 1]} : vector<160x6400xf32> to vector<32x6400xf32>
    %mul3A = vector.broadcast %slice3A_21 : vector<1x6400xf32> to vector<32x6400xf32>
    %mul3A_23 = arith.mulf %mul3A, %slice3A_22 : vector<32x6400xf32>
    %add3A = arith.addf %dot_general3A_20, %mul3A_23 : vector<32x6400xf32>
    %slice3A_24 = vector.extract_strided_slice %slice3A {offsets = [1, 0], sizes = [1, 6400], strides = [1, 1]} : vector<5x6400xf32> to vector<1x6400xf32>
    %slice3A_25 = vector.extract_strided_slice %dot_general3A_12 {offsets = [32, 0], sizes = [32, 6400], strides = [1, 1]} : vector<160x6400xf32> to vector<32x6400xf32>
    %mul3A_26 = vector.broadcast %slice3A_24 : vector<1x6400xf32> to vector<32x6400xf32>
    %mul3A_27 = arith.mulf %mul3A_26, %slice3A_25 : vector<32x6400xf32>
    %add3A_28 = arith.addf %add3A, %mul3A_27 : vector<32x6400xf32>
    %slice3A_29 = vector.extract_strided_slice %slice3A {offsets = [2, 0], sizes = [1, 6400], strides = [1, 1]} : vector<5x6400xf32> to vector<1x6400xf32>
    %slice3A_30 = vector.extract_strided_slice %dot_general3A_12 {offsets = [64, 0], sizes = [32, 6400], strides = [1, 1]} : vector<160x6400xf32> to vector<32x6400xf32>
    %mul3A_31 = vector.broadcast %slice3A_29 : vector<1x6400xf32> to vector<32x6400xf32>
    %mul3A_32 = arith.mulf %mul3A_31, %slice3A_30 : vector<32x6400xf32>
    %add3A_33 = arith.addf %add3A_28, %mul3A_32 : vector<32x6400xf32>
    %slice3A_34 = vector.extract_strided_slice %slice3A {offsets = [3, 0], sizes = [1, 6400], strides = [1, 1]} : vector<5x6400xf32> to vector<1x6400xf32>
    %slice3A_35 = vector.extract_strided_slice %dot_general3A_12 {offsets = [96, 0], sizes = [32, 6400], strides = [1, 1]} : vector<160x6400xf32> to vector<32x6400xf32>
    %mul3A_36 = vector.broadcast %slice3A_34 : vector<1x6400xf32> to vector<32x6400xf32>
    %mul3A_37 = arith.mulf %mul3A_36, %slice3A_35 : vector<32x6400xf32>
    %add3A_38 = arith.addf %add3A_33, %mul3A_37 : vector<32x6400xf32>
    %slice3A_39 = vector.extract_strided_slice %slice3A {offsets = [4, 0], sizes = [1, 6400], strides = [1, 1]} : vector<5x6400xf32> to vector<1x6400xf32>
    %slice3A_40 = vector.extract_strided_slice %dot_general3A_12 {offsets = [128, 0], sizes = [32, 6400], strides = [1, 1]} : vector<160x6400xf32> to vector<32x6400xf32>
    %mul3A_41 = vector.broadcast %slice3A_39 : vector<1x6400xf32> to vector<32x6400xf32>
    %mul3A_42 = arith.mulf %mul3A_41, %slice3A_40 : vector<32x6400xf32>
    %add3A_43 = arith.addf %add3A_38, %mul3A_42 : vector<32x6400xf32>
    %transpose3A_44 = tpu.transpose %add3A_43, [1, 0] : vector<32x6400xf32> -> vector<6400x32xf32>
    %swap3A = arith.constant 0 : index
    %swap3A_45 = arith.constant 0 : index
    %swap3A_46 = vector.load %arg6[%swap3A, %swap3A_45] : memref<6400x32xf32, #tpu.memory_space<vmem>>, vector<6400x32xf32>
    tpu.vector_store %arg6[%swap3A, %swap3A_45], %transpose3A_44 {strides = array<i32>} : memref<6400x32xf32, #tpu.memory_space<vmem>>, vector<6400x32xf32>,
    return
  }
  func.func @transform_0(%arg0: i32) -> (i32, i32) {
    %c0_i32 = arith.constant 0 : i32
    %c0_i32_0 = arith.constant 0 : i32
    return %c0_i32, %arg0 : i32, i32
  }
  func.func @transform_1(%arg0: i32) -> (i32, i32) {
    %c0_i32 = arith.constant 0 : i32
    %c0_i32_0 = arith.constant 0 : i32
    return %arg0, %c0_i32 : i32, i32
  }
  func.func @transform_2(%arg0: i32) -> (i32, i32) {
    %c0_i32 = arith.constant 0 : i32
    %c0_i32_0 = arith.constant 0 : i32
    %c0_i32_1 = arith.constant 0 : i32
    return %c0_i32, %c0_i32_0 : i32, i32
  }
  func.func @transform_3(%arg0: i32) -> (i32, i32) {
    %c0_i32 = arith.constant 0 : i32
    %c0_i32_0 = arith.constant 0 : i32
    %c0_i32_1 = arith.constant 0 : i32
    return %c0_i32, %c0_i32_0 : i32, i32
  }
  func.func @transform_4(%arg0: i32) -> (i32, i32) {
    %c0_i32 = arith.constant 0 : i32
    %c0_i32_0 = arith.constant 0 : i32
    %c0_i32_1 = arith.constant 0 : i32
    return %c0_i32, %c0_i32_0 : i32, i32
  }
  func.func @transform_5(%arg0: i32) -> (i32, i32) {
    %c0_i32 = arith.constant 0 : i32
    %c0_i32_0 = arith.constant 0 : i32
    return %arg0, %c0_i32 : i32, i32
  }
}

module attributes {stable_mosaic.version = 14 : i64} {
  func.func @_h1_body(%arg0: i32, %arg1: memref<2x1024x32xf32, #tpu.memory_space<vmem>>, %arg2: memref<1024x5xf32, #tpu.memory_space<vmem>>, %arg3: memref<5x32xf32, #tpu.memory_space<vmem>>, %arg4: memref<1x32xf32, #tpu.memory_space<vmem>>, %arg5: memref<1024x32xf32, #tpu.memory_space<vmem>>) attributes {dimension_semantics = [#tpu.dimension_semantics<arbitrary>], iteration_bounds = array<i64: 10>, scalar_prefetch = 0 : i64, scratch_operands = 0 : i64, tpu.core_type = #tpu.core_type<tc>, window_params = [{transform_indices = @transform_0, window_bounds = array<i64: 2, 1024, 32>}, {transform_indices = @transform_1, window_bounds = array<i64: 1024, 5>}, {pipeline_mode = #tpu.pipeline_mode<synchronous>, transform_indices = @transform_2, window_bounds = array<i64: 5, 32>}, {pipeline_mode = #tpu.pipeline_mode<synchronous>, transform_indices = @transform_3, window_bounds = array<i64: 1, 32>}, {transform_indices = @transform_4, window_bounds = array<i64: 1024, 32>}]} {
    %get3A = arith.constant 0 : index
    %get3A_0 = arith.constant 0 : index
    %get3A_1 = arith.constant 0 : index
    %get3A_2 = vector.load %arg1[%get3A, %get3A_0, %get3A_1] : memref<2x1024x32xf32, #tpu.memory_space<vmem>>, vector<1x1024x32xf32>
    %get3A_3 = vector.shape_cast %get3A_2 : vector<1x1024x32xf32> to vector<1024x32xf32>
    %get3A_4 = arith.constant 1 : index
    %get3A_5 = arith.constant 0 : index
    %get3A_6 = arith.constant 0 : index
    %get3A_7 = vector.load %arg1[%get3A_4, %get3A_5, %get3A_6] : memref<2x1024x32xf32, #tpu.memory_space<vmem>>, vector<1x1024x32xf32>
    %get3A_8 = vector.shape_cast %get3A_7 : vector<1x1024x32xf32> to vector<1024x32xf32>
    %add3A = arith.addf %get3A_3, %get3A_8 : vector<1024x32xf32>
    %get3A_9 = arith.constant 0 : index
    %get3A_10 = arith.constant 0 : index
    %get3A_11 = vector.load %arg2[%get3A_9, %get3A_10] : memref<1024x5xf32, #tpu.memory_space<vmem>>, vector<1024x5xf32>
    %get3A_12 = arith.constant 0 : index
    %get3A_13 = arith.constant 0 : index
    %get3A_14 = vector.load %arg3[%get3A_12, %get3A_13] : memref<5x32xf32, #tpu.memory_space<vmem>>, vector<5x32xf32>
    %dot_general3A = arith.constant dense<0.000000e+00> : vector<1024x32xf32>
    %dot_general3A_15 = tpu.matmul %get3A_11, %get3A_14, %dot_general3A {dimension_numbers = #tpu.dot_dimension_numbers<[1], [0], [0], [1], [0, 0, 1, 1], [], []>, transpose_lhs_hint = false} : vector<1024x5xf32>, vector<5x32xf32>, vector<1024x32xf32> -> vector<1024x32xf32>
    %add3A_16 = arith.addf %add3A, %dot_general3A_15 : vector<1024x32xf32>
    %get3A_17 = arith.constant 0 : index
    %get3A_18 = arith.constant 0 : index
    %get3A_19 = vector.load %arg4[%get3A_17, %get3A_18] : memref<1x32xf32, #tpu.memory_space<vmem>>, vector<1x32xf32>
    %add3A_20 = vector.broadcast %get3A_19 : vector<1x32xf32> to vector<1024x32xf32>
    %add3A_21 = arith.addf %add3A_16, %add3A_20 : vector<1024x32xf32>
    %gt3A = arith.constant 0.000000e+00 : f32
    %gt3A_22 = vector.broadcast %gt3A : f32 to vector<1024x32xf32>
    %gt3A_23 = arith.cmpf ogt, %add3A_21, %gt3A_22 : vector<1024x32xf32>
    %exp3A = math.exp %add3A_21 : vector<1024x32xf32>
    %sub3A = arith.constant 1.000000e+00 : f32
    %sub3A_24 = vector.broadcast %sub3A : f32 to vector<1024x32xf32>
    %sub3A_25 = arith.subf %exp3A, %sub3A_24 : vector<1024x32xf32>
    %select_n3A = arith.select %gt3A_23, %add3A_21, %sub3A_25 : vector<1024x32xi1>, vector<1024x32xf32>
    %swap3A = arith.constant 0 : index
    %swap3A_26 = arith.constant 0 : index
    %swap3A_27 = vector.load %arg5[%swap3A, %swap3A_26] : memref<1024x32xf32, #tpu.memory_space<vmem>>, vector<1024x32xf32>
    tpu.vector_store %arg5[%swap3A, %swap3A_26], %select_n3A {strides = array<i32>} : memref<1024x32xf32, #tpu.memory_space<vmem>>, vector<1024x32xf32>,
    return
  }
  func.func @transform_0(%arg0: i32) -> (i32, i32, i32) {
    %c0_i32 = arith.constant 0 : i32
    %c0_i32_0 = arith.constant 0 : i32
    %c0_i32_1 = arith.constant 0 : i32
    return %c0_i32, %arg0, %c0_i32_0 : i32, i32, i32
  }
  func.func @transform_1(%arg0: i32) -> (i32, i32) {
    %c0_i32 = arith.constant 0 : i32
    %c0_i32_0 = arith.constant 0 : i32
    return %arg0, %c0_i32 : i32, i32
  }
  func.func @transform_2(%arg0: i32) -> (i32, i32) {
    %c0_i32 = arith.constant 0 : i32
    %c0_i32_0 = arith.constant 0 : i32
    %c0_i32_1 = arith.constant 0 : i32
    return %c0_i32, %c0_i32_0 : i32, i32
  }
  func.func @transform_3(%arg0: i32) -> (i32, i32) {
    %c0_i32 = arith.constant 0 : i32
    %c0_i32_0 = arith.constant 0 : i32
    %c0_i32_1 = arith.constant 0 : i32
    return %c0_i32, %c0_i32_0 : i32, i32
  }
  func.func @transform_4(%arg0: i32) -> (i32, i32) {
    %c0_i32 = arith.constant 0 : i32
    %c0_i32_0 = arith.constant 0 : i32
    return %arg0, %c0_i32 : i32, i32
  }
}

module attributes {stable_mosaic.version = 14 : i64} {
  func.func @_msg_body(%arg0: i32, %arg1: memref<6x3200xf32, #tpu.memory_space<vmem>>, %arg2: memref<3200x32xf32, #tpu.memory_space<vmem>>, %arg3: memref<128x6xf32, #tpu.memory_space<vmem>>, %arg4: memref<2048x128xbf16, #tpu.memory_space<vmem>>, %arg5: memref<64x32xf32, #tpu.memory_space<vmem>>, %arg6: memref<3200x64xf32, #tpu.memory_space<vmem>>) attributes {dimension_semantics = [#tpu.dimension_semantics<arbitrary>], iteration_bounds = array<i64: 50>, scalar_prefetch = 0 : i64, scratch_operands = 0 : i64, tpu.core_type = #tpu.core_type<tc>, window_params = [{transform_indices = @transform_0, window_bounds = array<i64: 6, 3200>}, {transform_indices = @transform_1, window_bounds = array<i64: 3200, 32>}, {pipeline_mode = #tpu.pipeline_mode<synchronous>, transform_indices = @transform_2, window_bounds = array<i64: 128, 6>}, {pipeline_mode = #tpu.pipeline_mode<synchronous>, transform_indices = @transform_3, window_bounds = array<i64: 2048, 128>}, {pipeline_mode = #tpu.pipeline_mode<synchronous>, transform_indices = @transform_4, window_bounds = array<i64: 64, 32>}, {transform_indices = @transform_5, window_bounds = array<i64: 3200, 64>}]} {
    %get3A = arith.constant 0 : index
    %get3A_0 = arith.constant 0 : index
    %get3A_1 = vector.load %arg3[%get3A, %get3A_0] : memref<128x6xf32, #tpu.memory_space<vmem>>, vector<128x6xf32>
    %get3A_2 = arith.constant 0 : index
    %get3A_3 = arith.constant 0 : index
    %get3A_4 = vector.load %arg1[%get3A_2, %get3A_3] : memref<6x3200xf32, #tpu.memory_space<vmem>>, vector<6x3200xf32>
    %dot_general3A = arith.constant dense<0.000000e+00> : vector<128x3200xf32>
    %dot_general3A_5 = tpu.matmul %get3A_1, %get3A_4, %dot_general3A {dimension_numbers = #tpu.dot_dimension_numbers<[1], [0], [0], [1], [0, 0, 1, 1], [], []>, transpose_lhs_hint = false} : vector<128x6xf32>, vector<6x3200xf32>, vector<128x3200xf32> -> vector<128x3200xf32>
    %max3A = arith.constant 0.000000e+00 : f32
    %max3A_6 = vector.broadcast %max3A : f32 to vector<128x3200xf32>
    %max3A_7 = arith.maximumf %dot_general3A_5, %max3A_6 : vector<128x3200xf32>
    %get3A_8 = arith.constant 0 : index
    %get3A_9 = arith.constant 0 : index
    %get3A_10 = vector.load %arg4[%get3A_8, %get3A_9] : memref<2048x128xbf16, #tpu.memory_space<vmem>>, vector<2048x128xbf16>
    %convert_element_type3A = arith.truncf %max3A_7 : vector<128x3200xf32> to vector<128x3200xbf16>
    %dot_general3A_11 = arith.constant dense<0.000000e+00> : vector<2048x3200xf32>
    %dot_general3A_12 = tpu.matmul %get3A_10, %convert_element_type3A, %dot_general3A_11 {dimension_numbers = #tpu.dot_dimension_numbers<[1], [0], [0], [1], [0, 0, 1, 1], [], []>, transpose_lhs_hint = false} : vector<2048x128xbf16>, vector<128x3200xbf16>, vector<2048x3200xf32> -> vector<2048x3200xf32>
    %get3A_13 = arith.constant 0 : index
    %get3A_14 = arith.constant 0 : index
    %get3A_15 = vector.load %arg2[%get3A_13, %get3A_14] : memref<3200x32xf32, #tpu.memory_space<vmem>>, vector<3200x32xf32>
    %transpose3A = tpu.transpose %get3A_15, [1, 0] : vector<3200x32xf32> -> vector<32x3200xf32>
    %get3A_16 = arith.constant 0 : index
    %get3A_17 = arith.constant 0 : index
    %get3A_18 = vector.load %arg5[%get3A_16, %get3A_17] : memref<64x32xf32, #tpu.memory_space<vmem>>, vector<64x32xf32>
    %dot_general3A_19 = arith.constant dense<0.000000e+00> : vector<64x3200xf32>
    %dot_general3A_20 = tpu.matmul %get3A_18, %transpose3A, %dot_general3A_19 {dimension_numbers = #tpu.dot_dimension_numbers<[1], [0], [0], [1], [0, 0, 1, 1], [], []>, transpose_lhs_hint = false} : vector<64x32xf32>, vector<32x3200xf32>, vector<64x3200xf32> -> vector<64x3200xf32>
    %slice3A = vector.extract_strided_slice %transpose3A {offsets = [0, 0], sizes = [1, 3200], strides = [1, 1]} : vector<32x3200xf32> to vector<1x3200xf32>
    %slice3A_21 = vector.extract_strided_slice %dot_general3A_12 {offsets = [0, 0], sizes = [64, 3200], strides = [1, 1]} : vector<2048x3200xf32> to vector<64x3200xf32>
    %mul3A = vector.broadcast %slice3A : vector<1x3200xf32> to vector<64x3200xf32>
    %mul3A_22 = arith.mulf %mul3A, %slice3A_21 : vector<64x3200xf32>
    %add3A = arith.addf %dot_general3A_20, %mul3A_22 : vector<64x3200xf32>
    %slice3A_23 = vector.extract_strided_slice %transpose3A {offsets = [1, 0], sizes = [1, 3200], strides = [1, 1]} : vector<32x3200xf32> to vector<1x3200xf32>
    %slice3A_24 = vector.extract_strided_slice %dot_general3A_12 {offsets = [64, 0], sizes = [64, 3200], strides = [1, 1]} : vector<2048x3200xf32> to vector<64x3200xf32>
    %mul3A_25 = vector.broadcast %slice3A_23 : vector<1x3200xf32> to vector<64x3200xf32>
    %mul3A_26 = arith.mulf %mul3A_25, %slice3A_24 : vector<64x3200xf32>
    %add3A_27 = arith.addf %add3A, %mul3A_26 : vector<64x3200xf32>
    %slice3A_28 = vector.extract_strided_slice %transpose3A {offsets = [2, 0], sizes = [1, 3200], strides = [1, 1]} : vector<32x3200xf32> to vector<1x3200xf32>
    %slice3A_29 = vector.extract_strided_slice %dot_general3A_12 {offsets = [128, 0], sizes = [64, 3200], strides = [1, 1]} : vector<2048x3200xf32> to vector<64x3200xf32>
    %mul3A_30 = vector.broadcast %slice3A_28 : vector<1x3200xf32> to vector<64x3200xf32>
    %mul3A_31 = arith.mulf %mul3A_30, %slice3A_29 : vector<64x3200xf32>
    %add3A_32 = arith.addf %add3A_27, %mul3A_31 : vector<64x3200xf32>
    %slice3A_33 = vector.extract_strided_slice %transpose3A {offsets = [3, 0], sizes = [1, 3200], strides = [1, 1]} : vector<32x3200xf32> to vector<1x3200xf32>
    %slice3A_34 = vector.extract_strided_slice %dot_general3A_12 {offsets = [192, 0], sizes = [64, 3200], strides = [1, 1]} : vector<2048x3200xf32> to vector<64x3200xf32>
    %mul3A_35 = vector.broadcast %slice3A_33 : vector<1x3200xf32> to vector<64x3200xf32>
    %mul3A_36 = arith.mulf %mul3A_35, %slice3A_34 : vector<64x3200xf32>
    %add3A_37 = arith.addf %add3A_32, %mul3A_36 : vector<64x3200xf32>
    %slice3A_38 = vector.extract_strided_slice %transpose3A {offsets = [4, 0], sizes = [1, 3200], strides = [1, 1]} : vector<32x3200xf32> to vector<1x3200xf32>
    %slice3A_39 = vector.extract_strided_slice %dot_general3A_12 {offsets = [256, 0], sizes = [64, 3200], strides = [1, 1]} : vector<2048x3200xf32> to vector<64x3200xf32>
    %mul3A_40 = vector.broadcast %slice3A_38 : vector<1x3200xf32> to vector<64x3200xf32>
    %mul3A_41 = arith.mulf %mul3A_40, %slice3A_39 : vector<64x3200xf32>
    %add3A_42 = arith.addf %add3A_37, %mul3A_41 : vector<64x3200xf32>
    %slice3A_43 = vector.extract_strided_slice %transpose3A {offsets = [5, 0], sizes = [1, 3200], strides = [1, 1]} : vector<32x3200xf32> to vector<1x3200xf32>
    %slice3A_44 = vector.extract_strided_slice %dot_general3A_12 {offsets = [320, 0], sizes = [64, 3200], strides = [1, 1]} : vector<2048x3200xf32> to vector<64x3200xf32>
    %mul3A_45 = vector.broadcast %slice3A_43 : vector<1x3200xf32> to vector<64x3200xf32>
    %mul3A_46 = arith.mulf %mul3A_45, %slice3A_44 : vector<64x3200xf32>
    %add3A_47 = arith.addf %add3A_42, %mul3A_46 : vector<64x3200xf32>
    %slice3A_48 = vector.extract_strided_slice %transpose3A {offsets = [6, 0], sizes = [1, 3200], strides = [1, 1]} : vector<32x3200xf32> to vector<1x3200xf32>
    %slice3A_49 = vector.extract_strided_slice %dot_general3A_12 {offsets = [384, 0], sizes = [64, 3200], strides = [1, 1]} : vector<2048x3200xf32> to vector<64x3200xf32>
    %mul3A_50 = vector.broadcast %slice3A_48 : vector<1x3200xf32> to vector<64x3200xf32>
    %mul3A_51 = arith.mulf %mul3A_50, %slice3A_49 : vector<64x3200xf32>
    %add3A_52 = arith.addf %add3A_47, %mul3A_51 : vector<64x3200xf32>
    %slice3A_53 = vector.extract_strided_slice %transpose3A {offsets = [7, 0], sizes = [1, 3200], strides = [1, 1]} : vector<32x3200xf32> to vector<1x3200xf32>
    %slice3A_54 = vector.extract_strided_slice %dot_general3A_12 {offsets = [448, 0], sizes = [64, 3200], strides = [1, 1]} : vector<2048x3200xf32> to vector<64x3200xf32>
    %mul3A_55 = vector.broadcast %slice3A_53 : vector<1x3200xf32> to vector<64x3200xf32>
    %mul3A_56 = arith.mulf %mul3A_55, %slice3A_54 : vector<64x3200xf32>
    %add3A_57 = arith.addf %add3A_52, %mul3A_56 : vector<64x3200xf32>
    %slice3A_58 = vector.extract_strided_slice %transpose3A {offsets = [8, 0], sizes = [1, 3200], strides = [1, 1]} : vector<32x3200xf32> to vector<1x3200xf32>
    %slice3A_59 = vector.extract_strided_slice %dot_general3A_12 {offsets = [512, 0], sizes = [64, 3200], strides = [1, 1]} : vector<2048x3200xf32> to vector<64x3200xf32>
    %mul3A_60 = vector.broadcast %slice3A_58 : vector<1x3200xf32> to vector<64x3200xf32>
    %mul3A_61 = arith.mulf %mul3A_60, %slice3A_59 : vector<64x3200xf32>
    %add3A_62 = arith.addf %add3A_57, %mul3A_61 : vector<64x3200xf32>
    %slice3A_63 = vector.extract_strided_slice %transpose3A {offsets = [9, 0], sizes = [1, 3200], strides = [1, 1]} : vector<32x3200xf32> to vector<1x3200xf32>
    %slice3A_64 = vector.extract_strided_slice %dot_general3A_12 {offsets = [576, 0], sizes = [64, 3200], strides = [1, 1]} : vector<2048x3200xf32> to vector<64x3200xf32>
    %mul3A_65 = vector.broadcast %slice3A_63 : vector<1x3200xf32> to vector<64x3200xf32>
    %mul3A_66 = arith.mulf %mul3A_65, %slice3A_64 : vector<64x3200xf32>
    %add3A_67 = arith.addf %add3A_62, %mul3A_66 : vector<64x3200xf32>
    %slice3A_68 = vector.extract_strided_slice %transpose3A {offsets = [10, 0], sizes = [1, 3200], strides = [1, 1]} : vector<32x3200xf32> to vector<1x3200xf32>
    %slice3A_69 = vector.extract_strided_slice %dot_general3A_12 {offsets = [640, 0], sizes = [64, 3200], strides = [1, 1]} : vector<2048x3200xf32> to vector<64x3200xf32>
    %mul3A_70 = vector.broadcast %slice3A_68 : vector<1x3200xf32> to vector<64x3200xf32>
    %mul3A_71 = arith.mulf %mul3A_70, %slice3A_69 : vector<64x3200xf32>
    %add3A_72 = arith.addf %add3A_67, %mul3A_71 : vector<64x3200xf32>
    %slice3A_73 = vector.extract_strided_slice %transpose3A {offsets = [11, 0], sizes = [1, 3200], strides = [1, 1]} : vector<32x3200xf32> to vector<1x3200xf32>
    %slice3A_74 = vector.extract_strided_slice %dot_general3A_12 {offsets = [704, 0], sizes = [64, 3200], strides = [1, 1]} : vector<2048x3200xf32> to vector<64x3200xf32>
    %mul3A_75 = vector.broadcast %slice3A_73 : vector<1x3200xf32> to vector<64x3200xf32>
    %mul3A_76 = arith.mulf %mul3A_75, %slice3A_74 : vector<64x3200xf32>
    %add3A_77 = arith.addf %add3A_72, %mul3A_76 : vector<64x3200xf32>
    %slice3A_78 = vector.extract_strided_slice %transpose3A {offsets = [12, 0], sizes = [1, 3200], strides = [1, 1]} : vector<32x3200xf32> to vector<1x3200xf32>
    %slice3A_79 = vector.extract_strided_slice %dot_general3A_12 {offsets = [768, 0], sizes = [64, 3200], strides = [1, 1]} : vector<2048x3200xf32> to vector<64x3200xf32>
    %mul3A_80 = vector.broadcast %slice3A_78 : vector<1x3200xf32> to vector<64x3200xf32>
    %mul3A_81 = arith.mulf %mul3A_80, %slice3A_79 : vector<64x3200xf32>
    %add3A_82 = arith.addf %add3A_77, %mul3A_81 : vector<64x3200xf32>
    %slice3A_83 = vector.extract_strided_slice %transpose3A {offsets = [13, 0], sizes = [1, 3200], strides = [1, 1]} : vector<32x3200xf32> to vector<1x3200xf32>
    %slice3A_84 = vector.extract_strided_slice %dot_general3A_12 {offsets = [832, 0], sizes = [64, 3200], strides = [1, 1]} : vector<2048x3200xf32> to vector<64x3200xf32>
    %mul3A_85 = vector.broadcast %slice3A_83 : vector<1x3200xf32> to vector<64x3200xf32>
    %mul3A_86 = arith.mulf %mul3A_85, %slice3A_84 : vector<64x3200xf32>
    %add3A_87 = arith.addf %add3A_82, %mul3A_86 : vector<64x3200xf32>
    %slice3A_88 = vector.extract_strided_slice %transpose3A {offsets = [14, 0], sizes = [1, 3200], strides = [1, 1]} : vector<32x3200xf32> to vector<1x3200xf32>
    %slice3A_89 = vector.extract_strided_slice %dot_general3A_12 {offsets = [896, 0], sizes = [64, 3200], strides = [1, 1]} : vector<2048x3200xf32> to vector<64x3200xf32>
    %mul3A_90 = vector.broadcast %slice3A_88 : vector<1x3200xf32> to vector<64x3200xf32>
    %mul3A_91 = arith.mulf %mul3A_90, %slice3A_89 : vector<64x3200xf32>
    %add3A_92 = arith.addf %add3A_87, %mul3A_91 : vector<64x3200xf32>
    %slice3A_93 = vector.extract_strided_slice %transpose3A {offsets = [15, 0], sizes = [1, 3200], strides = [1, 1]} : vector<32x3200xf32> to vector<1x3200xf32>
    %slice3A_94 = vector.extract_strided_slice %dot_general3A_12 {offsets = [960, 0], sizes = [64, 3200], strides = [1, 1]} : vector<2048x3200xf32> to vector<64x3200xf32>
    %mul3A_95 = vector.broadcast %slice3A_93 : vector<1x3200xf32> to vector<64x3200xf32>
    %mul3A_96 = arith.mulf %mul3A_95, %slice3A_94 : vector<64x3200xf32>
    %add3A_97 = arith.addf %add3A_92, %mul3A_96 : vector<64x3200xf32>
    %slice3A_98 = vector.extract_strided_slice %transpose3A {offsets = [16, 0], sizes = [1, 3200], strides = [1, 1]} : vector<32x3200xf32> to vector<1x3200xf32>
    %slice3A_99 = vector.extract_strided_slice %dot_general3A_12 {offsets = [1024, 0], sizes = [64, 3200], strides = [1, 1]} : vector<2048x3200xf32> to vector<64x3200xf32>
    %mul3A_100 = vector.broadcast %slice3A_98 : vector<1x3200xf32> to vector<64x3200xf32>
    %mul3A_101 = arith.mulf %mul3A_100, %slice3A_99 : vector<64x3200xf32>
    %add3A_102 = arith.addf %add3A_97, %mul3A_101 : vector<64x3200xf32>
    %slice3A_103 = vector.extract_strided_slice %transpose3A {offsets = [17, 0], sizes = [1, 3200], strides = [1, 1]} : vector<32x3200xf32> to vector<1x3200xf32>
    %slice3A_104 = vector.extract_strided_slice %dot_general3A_12 {offsets = [1088, 0], sizes = [64, 3200], strides = [1, 1]} : vector<2048x3200xf32> to vector<64x3200xf32>
    %mul3A_105 = vector.broadcast %slice3A_103 : vector<1x3200xf32> to vector<64x3200xf32>
    %mul3A_106 = arith.mulf %mul3A_105, %slice3A_104 : vector<64x3200xf32>
    %add3A_107 = arith.addf %add3A_102, %mul3A_106 : vector<64x3200xf32>
    %slice3A_108 = vector.extract_strided_slice %transpose3A {offsets = [18, 0], sizes = [1, 3200], strides = [1, 1]} : vector<32x3200xf32> to vector<1x3200xf32>
    %slice3A_109 = vector.extract_strided_slice %dot_general3A_12 {offsets = [1152, 0], sizes = [64, 3200], strides = [1, 1]} : vector<2048x3200xf32> to vector<64x3200xf32>
    %mul3A_110 = vector.broadcast %slice3A_108 : vector<1x3200xf32> to vector<64x3200xf32>
    %mul3A_111 = arith.mulf %mul3A_110, %slice3A_109 : vector<64x3200xf32>
    %add3A_112 = arith.addf %add3A_107, %mul3A_111 : vector<64x3200xf32>
    %slice3A_113 = vector.extract_strided_slice %transpose3A {offsets = [19, 0], sizes = [1, 3200], strides = [1, 1]} : vector<32x3200xf32> to vector<1x3200xf32>
    %slice3A_114 = vector.extract_strided_slice %dot_general3A_12 {offsets = [1216, 0], sizes = [64, 3200], strides = [1, 1]} : vector<2048x3200xf32> to vector<64x3200xf32>
    %mul3A_115 = vector.broadcast %slice3A_113 : vector<1x3200xf32> to vector<64x3200xf32>
    %mul3A_116 = arith.mulf %mul3A_115, %slice3A_114 : vector<64x3200xf32>
    %add3A_117 = arith.addf %add3A_112, %mul3A_116 : vector<64x3200xf32>
    %slice3A_118 = vector.extract_strided_slice %transpose3A {offsets = [20, 0], sizes = [1, 3200], strides = [1, 1]} : vector<32x3200xf32> to vector<1x3200xf32>
    %slice3A_119 = vector.extract_strided_slice %dot_general3A_12 {offsets = [1280, 0], sizes = [64, 3200], strides = [1, 1]} : vector<2048x3200xf32> to vector<64x3200xf32>
    %mul3A_120 = vector.broadcast %slice3A_118 : vector<1x3200xf32> to vector<64x3200xf32>
    %mul3A_121 = arith.mulf %mul3A_120, %slice3A_119 : vector<64x3200xf32>
    %add3A_122 = arith.addf %add3A_117, %mul3A_121 : vector<64x3200xf32>
    %slice3A_123 = vector.extract_strided_slice %transpose3A {offsets = [21, 0], sizes = [1, 3200], strides = [1, 1]} : vector<32x3200xf32> to vector<1x3200xf32>
    %slice3A_124 = vector.extract_strided_slice %dot_general3A_12 {offsets = [1344, 0], sizes = [64, 3200], strides = [1, 1]} : vector<2048x3200xf32> to vector<64x3200xf32>
    %mul3A_125 = vector.broadcast %slice3A_123 : vector<1x3200xf32> to vector<64x3200xf32>
    %mul3A_126 = arith.mulf %mul3A_125, %slice3A_124 : vector<64x3200xf32>
    %add3A_127 = arith.addf %add3A_122, %mul3A_126 : vector<64x3200xf32>
    %slice3A_128 = vector.extract_strided_slice %transpose3A {offsets = [22, 0], sizes = [1, 3200], strides = [1, 1]} : vector<32x3200xf32> to vector<1x3200xf32>
    %slice3A_129 = vector.extract_strided_slice %dot_general3A_12 {offsets = [1408, 0], sizes = [64, 3200], strides = [1, 1]} : vector<2048x3200xf32> to vector<64x3200xf32>
    %mul3A_130 = vector.broadcast %slice3A_128 : vector<1x3200xf32> to vector<64x3200xf32>
    %mul3A_131 = arith.mulf %mul3A_130, %slice3A_129 : vector<64x3200xf32>
    %add3A_132 = arith.addf %add3A_127, %mul3A_131 : vector<64x3200xf32>
    %slice3A_133 = vector.extract_strided_slice %transpose3A {offsets = [23, 0], sizes = [1, 3200], strides = [1, 1]} : vector<32x3200xf32> to vector<1x3200xf32>
    %slice3A_134 = vector.extract_strided_slice %dot_general3A_12 {offsets = [1472, 0], sizes = [64, 3200], strides = [1, 1]} : vector<2048x3200xf32> to vector<64x3200xf32>
    %mul3A_135 = vector.broadcast %slice3A_133 : vector<1x3200xf32> to vector<64x3200xf32>
    %mul3A_136 = arith.mulf %mul3A_135, %slice3A_134 : vector<64x3200xf32>
    %add3A_137 = arith.addf %add3A_132, %mul3A_136 : vector<64x3200xf32>
    %slice3A_138 = vector.extract_strided_slice %transpose3A {offsets = [24, 0], sizes = [1, 3200], strides = [1, 1]} : vector<32x3200xf32> to vector<1x3200xf32>
    %slice3A_139 = vector.extract_strided_slice %dot_general3A_12 {offsets = [1536, 0], sizes = [64, 3200], strides = [1, 1]} : vector<2048x3200xf32> to vector<64x3200xf32>
    %mul3A_140 = vector.broadcast %slice3A_138 : vector<1x3200xf32> to vector<64x3200xf32>
    %mul3A_141 = arith.mulf %mul3A_140, %slice3A_139 : vector<64x3200xf32>
    %add3A_142 = arith.addf %add3A_137, %mul3A_141 : vector<64x3200xf32>
    %slice3A_143 = vector.extract_strided_slice %transpose3A {offsets = [25, 0], sizes = [1, 3200], strides = [1, 1]} : vector<32x3200xf32> to vector<1x3200xf32>
    %slice3A_144 = vector.extract_strided_slice %dot_general3A_12 {offsets = [1600, 0], sizes = [64, 3200], strides = [1, 1]} : vector<2048x3200xf32> to vector<64x3200xf32>
    %mul3A_145 = vector.broadcast %slice3A_143 : vector<1x3200xf32> to vector<64x3200xf32>
    %mul3A_146 = arith.mulf %mul3A_145, %slice3A_144 : vector<64x3200xf32>
    %add3A_147 = arith.addf %add3A_142, %mul3A_146 : vector<64x3200xf32>
    %slice3A_148 = vector.extract_strided_slice %transpose3A {offsets = [26, 0], sizes = [1, 3200], strides = [1, 1]} : vector<32x3200xf32> to vector<1x3200xf32>
    %slice3A_149 = vector.extract_strided_slice %dot_general3A_12 {offsets = [1664, 0], sizes = [64, 3200], strides = [1, 1]} : vector<2048x3200xf32> to vector<64x3200xf32>
    %mul3A_150 = vector.broadcast %slice3A_148 : vector<1x3200xf32> to vector<64x3200xf32>
    %mul3A_151 = arith.mulf %mul3A_150, %slice3A_149 : vector<64x3200xf32>
    %add3A_152 = arith.addf %add3A_147, %mul3A_151 : vector<64x3200xf32>
    %slice3A_153 = vector.extract_strided_slice %transpose3A {offsets = [27, 0], sizes = [1, 3200], strides = [1, 1]} : vector<32x3200xf32> to vector<1x3200xf32>
    %slice3A_154 = vector.extract_strided_slice %dot_general3A_12 {offsets = [1728, 0], sizes = [64, 3200], strides = [1, 1]} : vector<2048x3200xf32> to vector<64x3200xf32>
    %mul3A_155 = vector.broadcast %slice3A_153 : vector<1x3200xf32> to vector<64x3200xf32>
    %mul3A_156 = arith.mulf %mul3A_155, %slice3A_154 : vector<64x3200xf32>
    %add3A_157 = arith.addf %add3A_152, %mul3A_156 : vector<64x3200xf32>
    %slice3A_158 = vector.extract_strided_slice %transpose3A {offsets = [28, 0], sizes = [1, 3200], strides = [1, 1]} : vector<32x3200xf32> to vector<1x3200xf32>
    %slice3A_159 = vector.extract_strided_slice %dot_general3A_12 {offsets = [1792, 0], sizes = [64, 3200], strides = [1, 1]} : vector<2048x3200xf32> to vector<64x3200xf32>
    %mul3A_160 = vector.broadcast %slice3A_158 : vector<1x3200xf32> to vector<64x3200xf32>
    %mul3A_161 = arith.mulf %mul3A_160, %slice3A_159 : vector<64x3200xf32>
    %add3A_162 = arith.addf %add3A_157, %mul3A_161 : vector<64x3200xf32>
    %slice3A_163 = vector.extract_strided_slice %transpose3A {offsets = [29, 0], sizes = [1, 3200], strides = [1, 1]} : vector<32x3200xf32> to vector<1x3200xf32>
    %slice3A_164 = vector.extract_strided_slice %dot_general3A_12 {offsets = [1856, 0], sizes = [64, 3200], strides = [1, 1]} : vector<2048x3200xf32> to vector<64x3200xf32>
    %mul3A_165 = vector.broadcast %slice3A_163 : vector<1x3200xf32> to vector<64x3200xf32>
    %mul3A_166 = arith.mulf %mul3A_165, %slice3A_164 : vector<64x3200xf32>
    %add3A_167 = arith.addf %add3A_162, %mul3A_166 : vector<64x3200xf32>
    %slice3A_168 = vector.extract_strided_slice %transpose3A {offsets = [30, 0], sizes = [1, 3200], strides = [1, 1]} : vector<32x3200xf32> to vector<1x3200xf32>
    %slice3A_169 = vector.extract_strided_slice %dot_general3A_12 {offsets = [1920, 0], sizes = [64, 3200], strides = [1, 1]} : vector<2048x3200xf32> to vector<64x3200xf32>
    %mul3A_170 = vector.broadcast %slice3A_168 : vector<1x3200xf32> to vector<64x3200xf32>
    %mul3A_171 = arith.mulf %mul3A_170, %slice3A_169 : vector<64x3200xf32>
    %add3A_172 = arith.addf %add3A_167, %mul3A_171 : vector<64x3200xf32>
    %slice3A_173 = vector.extract_strided_slice %transpose3A {offsets = [31, 0], sizes = [1, 3200], strides = [1, 1]} : vector<32x3200xf32> to vector<1x3200xf32>
    %slice3A_174 = vector.extract_strided_slice %dot_general3A_12 {offsets = [1984, 0], sizes = [64, 3200], strides = [1, 1]} : vector<2048x3200xf32> to vector<64x3200xf32>
    %mul3A_175 = vector.broadcast %slice3A_173 : vector<1x3200xf32> to vector<64x3200xf32>
    %mul3A_176 = arith.mulf %mul3A_175, %slice3A_174 : vector<64x3200xf32>
    %add3A_177 = arith.addf %add3A_172, %mul3A_176 : vector<64x3200xf32>
    %transpose3A_178 = tpu.transpose %add3A_177, [1, 0] : vector<64x3200xf32> -> vector<3200x64xf32>
    %swap3A = arith.constant 0 : index
    %swap3A_179 = arith.constant 0 : index
    %swap3A_180 = vector.load %arg6[%swap3A, %swap3A_179] : memref<3200x64xf32, #tpu.memory_space<vmem>>, vector<3200x64xf32>
    tpu.vector_store %arg6[%swap3A, %swap3A_179], %transpose3A_178 {strides = array<i32>} : memref<3200x64xf32, #tpu.memory_space<vmem>>, vector<3200x64xf32>,
    return
  }
  func.func @transform_0(%arg0: i32) -> (i32, i32) {
    %c0_i32 = arith.constant 0 : i32
    %c0_i32_0 = arith.constant 0 : i32
    return %c0_i32, %arg0 : i32, i32
  }
  func.func @transform_1(%arg0: i32) -> (i32, i32) {
    %c0_i32 = arith.constant 0 : i32
    %c0_i32_0 = arith.constant 0 : i32
    return %arg0, %c0_i32 : i32, i32
  }
  func.func @transform_2(%arg0: i32) -> (i32, i32) {
    %c0_i32 = arith.constant 0 : i32
    %c0_i32_0 = arith.constant 0 : i32
    %c0_i32_1 = arith.constant 0 : i32
    return %c0_i32, %c0_i32_0 : i32, i32
  }
  func.func @transform_3(%arg0: i32) -> (i32, i32) {
    %c0_i32 = arith.constant 0 : i32
    %c0_i32_0 = arith.constant 0 : i32
    %c0_i32_1 = arith.constant 0 : i32
    return %c0_i32, %c0_i32_0 : i32, i32
  }
  func.func @transform_4(%arg0: i32) -> (i32, i32) {
    %c0_i32 = arith.constant 0 : i32
    %c0_i32_0 = arith.constant 0 : i32
    %c0_i32_1 = arith.constant 0 : i32
    return %c0_i32, %c0_i32_0 : i32, i32
  }
  func.func @transform_5(%arg0: i32) -> (i32, i32) {
    %c0_i32 = arith.constant 0 : i32
    %c0_i32_0 = arith.constant 0 : i32
    return %arg0, %c0_i32 : i32, i32
  }
}

module attributes {stable_mosaic.version = 14 : i64} {
  func.func @_pool1_body(%arg0: i32, %arg1: memref<2x1024x64xf32, #tpu.memory_space<vmem>>, %arg2: memref<1024x32xf32, #tpu.memory_space<vmem>>, %arg3: memref<32x64xf32, #tpu.memory_space<vmem>>, %arg4: memref<1x64xf32, #tpu.memory_space<vmem>>, %arg5: memref<1024x11xf32, #tpu.memory_space<vmem>>, %arg6: memref<1x1x1024xi32, #tpu.memory_space<vmem>>, %arg7: memref<1000x76xf32, #tpu.memory_space<vmem>>) attributes {dimension_semantics = [#tpu.dimension_semantics<arbitrary>], iteration_bounds = array<i64: 10>, scalar_prefetch = 0 : i64, scratch_operands = 0 : i64, tpu.core_type = #tpu.core_type<tc>, window_params = [{transform_indices = @transform_0, window_bounds = array<i64: 2, 1024, 64>}, {transform_indices = @transform_1, window_bounds = array<i64: 1024, 32>}, {pipeline_mode = #tpu.pipeline_mode<synchronous>, transform_indices = @transform_2, window_bounds = array<i64: 32, 64>}, {pipeline_mode = #tpu.pipeline_mode<synchronous>, transform_indices = @transform_3, window_bounds = array<i64: 1, 64>}, {transform_indices = @transform_4, window_bounds = array<i64: 1024, 11>}, {transform_indices = @transform_5, window_bounds = array<i64: 1, 1, 1024>}, {pipeline_mode = #tpu.pipeline_mode<synchronous>, transform_indices = @transform_6, window_bounds = array<i64: 1000, 76>}]} {
    %get3A = arith.constant 0 : index
    %get3A_0 = arith.constant 0 : index
    %get3A_1 = arith.constant 0 : index
    %get3A_2 = vector.load %arg1[%get3A, %get3A_0, %get3A_1] : memref<2x1024x64xf32, #tpu.memory_space<vmem>>, vector<1x1024x64xf32>
    %get3A_3 = vector.shape_cast %get3A_2 : vector<1x1024x64xf32> to vector<1024x64xf32>
    %get3A_4 = arith.constant 1 : index
    %get3A_5 = arith.constant 0 : index
    %get3A_6 = arith.constant 0 : index
    %get3A_7 = vector.load %arg1[%get3A_4, %get3A_5, %get3A_6] : memref<2x1024x64xf32, #tpu.memory_space<vmem>>, vector<1x1024x64xf32>
    %get3A_8 = vector.shape_cast %get3A_7 : vector<1x1024x64xf32> to vector<1024x64xf32>
    %add3A = arith.addf %get3A_3, %get3A_8 : vector<1024x64xf32>
    %get3A_9 = arith.constant 0 : index
    %get3A_10 = arith.constant 0 : index
    %get3A_11 = vector.load %arg2[%get3A_9, %get3A_10] : memref<1024x32xf32, #tpu.memory_space<vmem>>, vector<1024x32xf32>
    %get3A_12 = arith.constant 0 : index
    %get3A_13 = arith.constant 0 : index
    %get3A_14 = vector.load %arg3[%get3A_12, %get3A_13] : memref<32x64xf32, #tpu.memory_space<vmem>>, vector<32x64xf32>
    %dot_general3A = arith.constant dense<0.000000e+00> : vector<1024x64xf32>
    %dot_general3A_15 = tpu.matmul %get3A_11, %get3A_14, %dot_general3A {dimension_numbers = #tpu.dot_dimension_numbers<[1], [0], [0], [1], [0, 0, 1, 1], [], []>, transpose_lhs_hint = false} : vector<1024x32xf32>, vector<32x64xf32>, vector<1024x64xf32> -> vector<1024x64xf32>
    %add3A_16 = arith.addf %add3A, %dot_general3A_15 : vector<1024x64xf32>
    %get3A_17 = arith.constant 0 : index
    %get3A_18 = arith.constant 0 : index
    %get3A_19 = vector.load %arg4[%get3A_17, %get3A_18] : memref<1x64xf32, #tpu.memory_space<vmem>>, vector<1x64xf32>
    %add3A_20 = vector.broadcast %get3A_19 : vector<1x64xf32> to vector<1024x64xf32>
    %add3A_21 = arith.addf %add3A_16, %add3A_20 : vector<1024x64xf32>
    %gt3A = arith.constant 0.000000e+00 : f32
    %gt3A_22 = vector.broadcast %gt3A : f32 to vector<1024x64xf32>
    %gt3A_23 = arith.cmpf ogt, %add3A_21, %gt3A_22 : vector<1024x64xf32>
    %exp3A = math.exp %add3A_21 : vector<1024x64xf32>
    %sub3A = arith.constant 1.000000e+00 : f32
    %sub3A_24 = vector.broadcast %sub3A : f32 to vector<1024x64xf32>
    %sub3A_25 = arith.subf %exp3A, %sub3A_24 : vector<1024x64xf32>
    %select_n3A = arith.select %gt3A_23, %add3A_21, %sub3A_25 : vector<1024x64xi1>, vector<1024x64xf32>
    %broadcast_in_dim3A = arith.constant 1.000000e+00 : f32
    %broadcast_in_dim3A_26 = vector.broadcast %broadcast_in_dim3A : f32 to vector<1024x1xf32>
    %get3A_27 = arith.constant 0 : index
    %get3A_28 = arith.constant 0 : index
    %get3A_29 = vector.load %arg5[%get3A_27, %get3A_28] : memref<1024x11xf32, #tpu.memory_space<vmem>>, vector<1024x11xf32>
    %concatenate3A = tpu.concatenate %select_n3A, %get3A_29, %broadcast_in_dim3A_26 in 1 : vector<1024x64xf32>, vector<1024x11xf32>, vector<1024x1xf32> -> vector<1024x76xf32>
    %get3A_30 = arith.constant 0 : index
    %get3A_31 = arith.constant 0 : index
    %get3A_32 = arith.constant 0 : index
    %get3A_33 = vector.load %arg6[%get3A_30, %get3A_31, %get3A_32] : memref<1x1x1024xi32, #tpu.memory_space<vmem>>, vector<1x1x1024xi32>
    %get3A_34 = vector.shape_cast %get3A_33 : vector<1x1x1024xi32> to vector<1x1024xi32>
    %iota3A = tpu.iota {dimensions = array<i32: 0>} : vector<1000x1024xi32>
    %eq3A = vector.broadcast %get3A_34 : vector<1x1024xi32> to vector<1000x1024xi32>
    %eq3A_35 = arith.cmpi eq, %iota3A, %eq3A : vector<1000x1024xi32>
    %convert_element_type3A = arith.extui %eq3A_35 : vector<1000x1024xi1> to vector<1000x1024xi32>
    %convert_element_type3A_36 = arith.sitofp %convert_element_type3A : vector<1000x1024xi32> to vector<1000x1024xf32>
    %eq3A_37 = arith.constant 0 : i32
    %eq3A_38 = arith.cmpi eq, %arg0, %eq3A_37 : i32
    %convert_element_type3A_39 = arith.extui %eq3A_38 : i1 to i32
    %cond3A = arith.constant 0 : i32
    %cond3A_40 = arith.cmpi ne, %convert_element_type3A_39, %cond3A : i32
    scf.if %cond3A_40 {
      %broadcast_in_dim3A_49 = arith.constant 0.000000e+00 : f32
      %broadcast_in_dim3A_50 = vector.broadcast %broadcast_in_dim3A_49 : f32 to vector<1000x76xf32>
      %swap3A_51 = arith.constant 0 : index
      %swap3A_52 = arith.constant 0 : index
      %swap3A_53 = vector.load %arg7[%swap3A_51, %swap3A_52] : memref<1000x76xf32, #tpu.memory_space<vmem>>, vector<1000x76xf32>
      tpu.vector_store %arg7[%swap3A_51, %swap3A_52], %broadcast_in_dim3A_50 {strides = array<i32>} : memref<1000x76xf32, #tpu.memory_space<vmem>>, vector<1000x76xf32>,
    } else {
    }
    %get3A_41 = arith.constant 0 : index
    %get3A_42 = arith.constant 0 : index
    %get3A_43 = vector.load %arg7[%get3A_41, %get3A_42] : memref<1000x76xf32, #tpu.memory_space<vmem>>, vector<1000x76xf32>
    %dot_general3A_44 = arith.constant dense<0.000000e+00> : vector<1000x76xf32>
    %dot_general3A_45 = tpu.matmul %convert_element_type3A_36, %concatenate3A, %dot_general3A_44 {dimension_numbers = #tpu.dot_dimension_numbers<[1], [0], [0], [1], [0, 0, 1, 1], [], []>, transpose_lhs_hint = false} : vector<1000x1024xf32>, vector<1024x76xf32>, vector<1000x76xf32> -> vector<1000x76xf32>
    %add3A_46 = arith.addf %get3A_43, %dot_general3A_45 : vector<1000x76xf32>
    %swap3A = arith.constant 0 : index
    %swap3A_47 = arith.constant 0 : index
    %swap3A_48 = vector.load %arg7[%swap3A, %swap3A_47] : memref<1000x76xf32, #tpu.memory_space<vmem>>, vector<1000x76xf32>
    tpu.vector_store %arg7[%swap3A, %swap3A_47], %add3A_46 {strides = array<i32>} : memref<1000x76xf32, #tpu.memory_space<vmem>>, vector<1000x76xf32>,
    return
  }
  func.func @transform_0(%arg0: i32) -> (i32, i32, i32) {
    %c0_i32 = arith.constant 0 : i32
    %c0_i32_0 = arith.constant 0 : i32
    %c0_i32_1 = arith.constant 0 : i32
    return %c0_i32, %arg0, %c0_i32_0 : i32, i32, i32
  }
  func.func @transform_1(%arg0: i32) -> (i32, i32) {
    %c0_i32 = arith.constant 0 : i32
    %c0_i32_0 = arith.constant 0 : i32
    return %arg0, %c0_i32 : i32, i32
  }
  func.func @transform_2(%arg0: i32) -> (i32, i32) {
    %c0_i32 = arith.constant 0 : i32
    %c0_i32_0 = arith.constant 0 : i32
    %c0_i32_1 = arith.constant 0 : i32
    return %c0_i32, %c0_i32_0 : i32, i32
  }
  func.func @transform_3(%arg0: i32) -> (i32, i32) {
    %c0_i32 = arith.constant 0 : i32
    %c0_i32_0 = arith.constant 0 : i32
    %c0_i32_1 = arith.constant 0 : i32
    return %c0_i32, %c0_i32_0 : i32, i32
  }
  func.func @transform_4(%arg0: i32) -> (i32, i32) {
    %c0_i32 = arith.constant 0 : i32
    %c0_i32_0 = arith.constant 0 : i32
    return %arg0, %c0_i32 : i32, i32
  }
  func.func @transform_5(%arg0: i32) -> (i32, i32, i32) {
    %c0_i32 = arith.constant 0 : i32
    %c0_i32_0 = arith.constant 0 : i32
    %c0_i32_1 = arith.constant 0 : i32
    return %arg0, %c0_i32, %c0_i32_0 : i32, i32, i32
  }
  func.func @transform_6(%arg0: i32) -> (i32, i32) {
    %c0_i32 = arith.constant 0 : i32
    %c0_i32_0 = arith.constant 0 : i32
    %c0_i32_1 = arith.constant 0 : i32
    return %c0_i32, %c0_i32_0 : i32, i32
  }
}

module attributes {stable_mosaic.version = 14 : i64} {
  func.func @_final_body(%arg0: memref<1000x76xf32, #tpu.memory_space<vmem>>, %arg1: memref<1x1000xi32, #tpu.memory_space<vmem>>, %arg2: memref<75x32xf32, #tpu.memory_space<vmem>>, %arg3: memref<1x32xf32, #tpu.memory_space<vmem>>, %arg4: memref<32x16xf32, #tpu.memory_space<vmem>>, %arg5: memref<1x16xf32, #tpu.memory_space<vmem>>, %arg6: memref<16x1xf32, #tpu.memory_space<vmem>>, %arg7: memref<1x1xf32, #tpu.memory_space<vmem>>, %arg8: memref<64x1xf32, #tpu.memory_space<vmem>>) attributes {dimension_semantics = [], scalar_prefetch = 0 : i64, scratch_operands = 0 : i64, tpu.core_type = #tpu.core_type<tc>} {
    %get3A = arith.constant 0 : index
    %get3A_0 = arith.constant 0 : index
    %get3A_1 = vector.load %arg0[%get3A, %get3A_0] : memref<1000x76xf32, #tpu.memory_space<vmem>>, vector<1000x76xf32>
    %slice3A = vector.extract_strided_slice %get3A_1 {offsets = [0, 75], sizes = [1000, 1], strides = [1, 1]} : vector<1000x76xf32> to vector<1000x1xf32>
    %max3A = arith.constant 1.000000e+00 : f32
    %max3A_2 = vector.broadcast %max3A : f32 to vector<1000x1xf32>
    %max3A_3 = arith.maximumf %slice3A, %max3A_2 : vector<1000x1xf32>
    %div3A = vector.broadcast %max3A_3 : vector<1000x1xf32> to vector<1000x76xf32>
    %div3A_4 = arith.divf %get3A_1, %div3A : vector<1000x76xf32>
    %get3A_5 = arith.constant 0 : index
    %get3A_6 = arith.constant 0 : index
    %get3A_7 = vector.load %arg1[%get3A_5, %get3A_6] : memref<1x1000xi32, #tpu.memory_space<vmem>>, vector<1x1000xi32>
    %iota3A = tpu.iota {dimensions = array<i32: 0>} : vector<64x1000xi32>
    %eq3A = vector.broadcast %get3A_7 : vector<1x1000xi32> to vector<64x1000xi32>
    %eq3A_8 = arith.cmpi eq, %iota3A, %eq3A : vector<64x1000xi32>
    %convert_element_type3A = arith.extui %eq3A_8 : vector<64x1000xi1> to vector<64x1000xi32>
    %convert_element_type3A_9 = arith.sitofp %convert_element_type3A : vector<64x1000xi32> to vector<64x1000xf32>
    %dot_general3A = arith.constant dense<0.000000e+00> : vector<64x76xf32>
    %dot_general3A_10 = tpu.matmul %convert_element_type3A_9, %div3A_4, %dot_general3A {dimension_numbers = #tpu.dot_dimension_numbers<[1], [0], [0], [1], [0, 0, 1, 1], [], []>, transpose_lhs_hint = false} : vector<64x1000xf32>, vector<1000x76xf32>, vector<64x76xf32> -> vector<64x76xf32>
    %reduce_sum3A = arith.constant dense<0.000000e+00> : vector<64xf32>
    %reduce_sum3A_11 = vector.multi_reduction <add>, %convert_element_type3A_9, %reduce_sum3A [1] : vector<64x1000xf32> to vector<64xf32>
    %broadcast_in_dim3A = vector.shape_cast %reduce_sum3A_11 : vector<64xf32> to vector<64x1xf32>
    %max3A_12 = arith.constant 1.000000e+00 : f32
    %max3A_13 = vector.broadcast %max3A_12 : f32 to vector<64x1xf32>
    %max3A_14 = arith.maximumf %broadcast_in_dim3A, %max3A_13 : vector<64x1xf32>
    %div3A_15 = vector.broadcast %max3A_14 : vector<64x1xf32> to vector<64x76xf32>
    %div3A_16 = arith.divf %dot_general3A_10, %div3A_15 : vector<64x76xf32>
    %slice3A_17 = vector.extract_strided_slice %div3A_16 {offsets = [0, 0], sizes = [64, 75], strides = [1, 1]} : vector<64x76xf32> to vector<64x75xf32>
    %get3A_18 = arith.constant 0 : index
    %get3A_19 = arith.constant 0 : index
    %get3A_20 = vector.load %arg2[%get3A_18, %get3A_19] : memref<75x32xf32, #tpu.memory_space<vmem>>, vector<75x32xf32>
    %dot_general3A_21 = arith.constant dense<0.000000e+00> : vector<64x32xf32>
    %dot_general3A_22 = tpu.matmul %slice3A_17, %get3A_20, %dot_general3A_21 {dimension_numbers = #tpu.dot_dimension_numbers<[1], [0], [0], [1], [0, 0, 1, 1], [], []>, transpose_lhs_hint = false} : vector<64x75xf32>, vector<75x32xf32>, vector<64x32xf32> -> vector<64x32xf32>
    %get3A_23 = arith.constant 0 : index
    %get3A_24 = arith.constant 0 : index
    %get3A_25 = vector.load %arg3[%get3A_23, %get3A_24] : memref<1x32xf32, #tpu.memory_space<vmem>>, vector<1x32xf32>
    %add3A = vector.broadcast %get3A_25 : vector<1x32xf32> to vector<64x32xf32>
    %add3A_26 = arith.addf %dot_general3A_22, %add3A : vector<64x32xf32>
    %gt3A = arith.constant 0.000000e+00 : f32
    %gt3A_27 = vector.broadcast %gt3A : f32 to vector<64x32xf32>
    %gt3A_28 = arith.cmpf ogt, %add3A_26, %gt3A_27 : vector<64x32xf32>
    %exp3A = math.exp %add3A_26 : vector<64x32xf32>
    %sub3A = arith.constant 1.000000e+00 : f32
    %sub3A_29 = vector.broadcast %sub3A : f32 to vector<64x32xf32>
    %sub3A_30 = arith.subf %exp3A, %sub3A_29 : vector<64x32xf32>
    %select_n3A = arith.select %gt3A_28, %add3A_26, %sub3A_30 : vector<64x32xi1>, vector<64x32xf32>
    %get3A_31 = arith.constant 0 : index
    %get3A_32 = arith.constant 0 : index
    %get3A_33 = vector.load %arg4[%get3A_31, %get3A_32] : memref<32x16xf32, #tpu.memory_space<vmem>>, vector<32x16xf32>
    %dot_general3A_34 = arith.constant dense<0.000000e+00> : vector<64x16xf32>
    %dot_general3A_35 = tpu.matmul %select_n3A, %get3A_33, %dot_general3A_34 {dimension_numbers = #tpu.dot_dimension_numbers<[1], [0], [0], [1], [0, 0, 1, 1], [], []>, transpose_lhs_hint = false} : vector<64x32xf32>, vector<32x16xf32>, vector<64x16xf32> -> vector<64x16xf32>
    %get3A_36 = arith.constant 0 : index
    %get3A_37 = arith.constant 0 : index
    %get3A_38 = vector.load %arg5[%get3A_36, %get3A_37] : memref<1x16xf32, #tpu.memory_space<vmem>>, vector<1x16xf32>
    %add3A_39 = vector.broadcast %get3A_38 : vector<1x16xf32> to vector<64x16xf32>
    %add3A_40 = arith.addf %dot_general3A_35, %add3A_39 : vector<64x16xf32>
    %gt3A_41 = arith.constant 0.000000e+00 : f32
    %gt3A_42 = vector.broadcast %gt3A_41 : f32 to vector<64x16xf32>
    %gt3A_43 = arith.cmpf ogt, %add3A_40, %gt3A_42 : vector<64x16xf32>
    %exp3A_44 = math.exp %add3A_40 : vector<64x16xf32>
    %sub3A_45 = arith.constant 1.000000e+00 : f32
    %sub3A_46 = vector.broadcast %sub3A_45 : f32 to vector<64x16xf32>
    %sub3A_47 = arith.subf %exp3A_44, %sub3A_46 : vector<64x16xf32>
    %select_n3A_48 = arith.select %gt3A_43, %add3A_40, %sub3A_47 : vector<64x16xi1>, vector<64x16xf32>
    %get3A_49 = arith.constant 0 : index
    %get3A_50 = arith.constant 0 : index
    %get3A_51 = vector.load %arg6[%get3A_49, %get3A_50] : memref<16x1xf32, #tpu.memory_space<vmem>>, vector<16x1xf32>
    %dot_general3A_52 = arith.constant dense<0.000000e+00> : vector<64x1xf32>
    %dot_general3A_53 = tpu.matmul %select_n3A_48, %get3A_51, %dot_general3A_52 {dimension_numbers = #tpu.dot_dimension_numbers<[1], [0], [0], [1], [0, 0, 1, 1], [], []>, transpose_lhs_hint = false} : vector<64x16xf32>, vector<16x1xf32>, vector<64x1xf32> -> vector<64x1xf32>
    %get3A_54 = arith.constant 0 : index
    %get3A_55 = arith.constant 0 : index
    %get3A_56 = vector.load %arg7[%get3A_54, %get3A_55] : memref<1x1xf32, #tpu.memory_space<vmem>>, vector<1x1xf32>
    %add3A_57 = vector.broadcast %get3A_56 : vector<1x1xf32> to vector<64x1xf32>
    %add3A_58 = arith.addf %dot_general3A_53, %add3A_57 : vector<64x1xf32>
    %swap3A = arith.constant 0 : index
    %swap3A_59 = arith.constant 0 : index
    %swap3A_60 = vector.load %arg8[%swap3A, %swap3A_59] : memref<64x1xf32, #tpu.memory_space<vmem>>, vector<64x1xf32>
    tpu.vector_store %arg8[%swap3A, %swap3A_59], %add3A_58 {strides = array<i32>} : memref<64x1xf32, #tpu.memory_space<vmem>>, vector<64x1xf32>,
    return
  }
}

</mosaic_0001>

<sc_bundles>
// kernel: kernel.11.cloned.1.call-start
scs
__scs_entry_jumppad:
0x0: {  	(pc) =	sbr.rel $0x88, $3  }
0x1: {  	(tag) =	ssettag $0x0;
	lr =	simm.s32 $0x1  }
0x2: {  	[smem:$0x3F8A] =	sst lr;
	_ =	strace $0xD0000000  }
0x3: {  	_ = 	snop  }
0x4: {  	_ = 	snop  }
0x5: {  	_ = 	snop  }
0x6: {  	_ = 	snop  }
0x7: {  	_ = 	snop  }
__scs_overlays_trampoline_lowered:
0x8: {  	[smem:$0x3F99] =	sst s0  }
0x9: {  	[smem:$0x3F9A] =	sst s1  }
0xa: {  	[smem:$0x3F9B] =	sst s2  }
0xb: {  	[smem:$0x3F9C] =	sst s3  }
0xc: {  	[smem:$0x3F9D] =	sst s4  }
0xd: {  	[smem:$0x3F9E] =	sst s5  }
0xe: {  	[smem:$0x3F9F] =	sst s6  }
0xf: {  	[smem:$0x3FA0] =	sst s7  }
0x10: {  	[smem:$0x3FA1] =	sst s8  }
0x11: {  	[smem:$0x3FA2] =	sst s9;
	s0 =	simm.s32 @!p0 $0x0  }
0x12: {  	s1 =	sld [smem:$0x3F88];
	s0 =	simm.s32 @p0 $0x1  }
0x13: {  	[smem:$0x3FA3] =	sst s0;
	s0 =	simm.s32 @!p1 $0x0  }
0x14: {  	s2 =	sld [smem:$0x3F87];
	s0 =	simm.s32 @p1 $0x1  }
0x15: {  	[smem:$0x3FA4] =	sst s0;
	s0 =	simm.s32 @!p2 $0x0  }
0x16: {  	s3 =	sld [smem:$0x3FDB];
	s0 =	simm.s32 @p2 $0x1  }
0x17: {  	s4 =	simm.s32 $0x1BF5;
	[smem:$0x3FA6] =	sst s0  }
0x18: {  	s0 =	sld [smem:$0x3F89];
	_ =	swait.ge [sflag:s4], $0x0  }
0x19: {  	s7 =	sld [smem:$0x3F8A]  }
0x1a: {  	s8 =	sadd.s32 $0xFFFFE003, lr  }
0x1b: {  	s9 =	sadd.s32 $0xFFFFFEF7, lr;
	s5 =	simm.s32 $0xFFFFFFFF;
	p2 =	slt.u32 s8, $0xFFFFF086  }
0x1c: {  	p1 =	slt.u32 s9, $0xF7A;
	s5 =	simm.s32 @!p2 $0x0  }
0x1d: {  	s5 =	simm.s32 @p1 $0x1;
	p0 =	seq.s32 s7, s2  }
0x1e: {  	s7 =	smul.u32 @!p0 $0xF7A, s2;
	p2 =	seq.s32 @!p0 s5, $0x0  }
0x1f: {  	s9 =	smul.u32 $0xF7A, s1;
	s8 =	simm.s32 @!p0 $0x1BF5;
	p2 =	por !p2, p0  }
0x20: {  	[sflag:s8] =	ssyncset.s32 @!p0 $0xFFFFF086;
	s6 =	sadd.s32 @!p0 s3, s7;
	s7 =	simm.s32 @!p0 $0x108  }
0x21: {  	s3 =	sadd.s32 s3, s9;
	s6 =	sadd.s32 @!p0 $0x88, s6;
	s7 =	simm.s32 @p2 $0x1082  }
0x22: {  	[simem:s7], [sflag:s8] =	dma.local @!p0 [hbm:s6], $0xF7A  }
0x23: {  	s9 =	sor.u32 $0xD0000000, s2;
	s6 =	simm.s32 $0x108;
	_ =	swait.ge @!p0 [sflag:s8], $0x0  }
0x24: {  	s3 =	sadd.s32 $0x88, s3;
	s6 =	simm.s32 @!p1 $0x1082;
	[sflag:s4] =	ssyncset.s32 $0xFFFFF086  }
0x25: {  	[simem:s6], [sflag:s4] =	dma.local [hbm:s3], $0xF7A  }
0x26: {  	[smem:$0x3F8A] =	sst s1;
	(tag) =	ssettag s2;
	_ =	strace s9  }
0x27: {  	s1 =	sld [smem:$0x3F9A]  }
0x28: {  	s2 =	sld [smem:$0x3F9B]  }
0x29: {  	s4 =	sld [smem:$0x3F9D]  }
0x2a: {  	p0 =	seq.s32 s5, $0x0;
	s5 =	sld [smem:$0x3F9E]  }
0x2b: {  	s6 =	sld [smem:$0x3F9F]  }
0x2c: {  	s7 =	sld [smem:$0x3FA0]  }
0x2d: {  	s3 =	simm.s32 $0x108;
	s8 =	sld [smem:$0x3FA1]  }
0x2e: {  	s3 =	simm.s32 @!p0 $0x1082;
	s9 =	sld [smem:$0x3FA2]  }
0x2f: {  	lr =	sadd.s32 s0, s3;
	s0 =	sld [smem:$0x3F99]  }
0x30: {  	s3 =	sld [smem:$0x3F9C]  }
0x31: {  	[smem:$0x3FA5] =	sst s10  }
0x32: {  	s10 =	sld [smem:$0x3FA3];
	_ =	sdelay $0x3  }
0x33: {  	p0 =	seq.s32 s10, $0x1;
	s10 =	sld [smem:$0x3FA5];
	_ =	sdelay $0x3  }
0x34: {  	[smem:$0x3FA5] =	sst s10  }
0x35: {  	s10 =	sld [smem:$0x3FA4];
	_ =	sdelay $0x3  }
0x36: {  	p1 =	seq.s32 s10, $0x1;
	s10 =	sld [smem:$0x3FA5];
	_ =	sdelay $0x3  }
0x37: {  	[smem:$0x3FA5] =	sst s10  }
0x38: {  	s10 =	sld [smem:$0x3FA6]  }
0x39: {  	_ = 	snop;
	(pc) =	sbr.ind lr, $3  }
0x3a: {  	_ = 	snop  }
0x3b: {  	_ = 	snop  }
0x3c: {  	p2 =	seq.s32 s10, $0x1;
	s10 =	sld [smem:$0x3FA5]  }
0x3d: {  	_ =	shalt  }
0x3e: {  	_ =	shalt  }
0x3f: {  	_ =	shalt  }
0x40: {  	_ =	shalt  }
0x41: {  	_ =	shalt  }
0x42: {  	_ =	shalt  }
0x43: {  	_ =	shalt  }
0x44: {  	_ =	shalt  }
0x45: {  	_ =	shalt  }
0x46: {  	_ =	shalt  }
0x47: {  	_ =	shalt  }
0x48: {  	_ =	shalt  }
0x49: {  	_ =	shalt  }
0x4a: {  	_ =	shalt  }
0x4b: {  	_ =	shalt  }
0x4c: {  	_ =	shalt  }
0x4d: {  	_ =	shalt  }
0x4e: {  	_ =	shalt  }
0x4f: {  	_ =	shalt  }
0x50: {  	_ =	shalt  }
0x51: {  	_ =	shalt  }
0x52: {  	_ =	shalt  }
0x53: {  	_ =	shalt  }
0x54: {  	_ =	shalt  }
0x55: {  	_ =	shalt  }
0x56: {  	_ =	shalt  }
0x57: {  	_ =	shalt  }
0x58: {  	_ =	shalt  }
0x59: {  	_ =	shalt  }
0x5a: {  	_ =	shalt  }
0x5b: {  	_ =	shalt  }
0x5c: {  	_ =	shalt  }
0x5d: {  	_ =	shalt  }
0x5e: {  	_ =	shalt  }
0x5f: {  	_ =	shalt  }
0x60: {  	_ =	shalt  }
0x61: {  	_ =	shalt  }
0x62: {  	_ =	shalt  }
0x63: {  	_ =	shalt  }
0x64: {  	_ =	shalt  }
0x65: {  	_ =	shalt  }
0x66: {  	_ =	shalt  }
0x67: {  	_ =	shalt  }
0x68: {  	_ =	shalt  }
0x69: {  	_ =	shalt  }
0x6a: {  	_ =	shalt  }
0x6b: {  	_ =	shalt  }
0x6c: {  	_ =	shalt  }
0x6d: {  	_ =	shalt  }
0x6e: {  	_ =	shalt  }
0x6f: {  	_ =	shalt  }
0x70: {  	_ =	shalt  }
0x71: {  	_ =	shalt  }
0x72: {  	_ =	shalt  }
0x73: {  	_ =	shalt  }
0x74: {  	_ =	shalt  }
0x75: {  	_ =	shalt  }
0x76: {  	_ =	shalt  }
0x77: {  	_ =	shalt  }
0x78: {  	_ =	shalt  }
0x79: {  	_ =	shalt  }
0x7a: {  	_ =	shalt  }
0x7b: {  	_ =	shalt  }
0x7c: {  	_ =	shalt  }
0x7d: {  	_ =	shalt  }
0x7e: {  	_ =	shalt  }
0x7f: {  	_ =	shalt  }
0x80: {  	_ =	shalt  }
0x81: {  	_ =	shalt  }
0x82: {  	_ =	shalt  }
0x83: {  	_ =	shalt  }
0x84: {  	_ =	shalt  }
0x85: {  	_ =	shalt  }
0x86: {  	_ =	shalt  }
0x87: {  	_ =	shalt  }
.Lfunc_end0:
.L_simem_size_0:
called_computation_lowered:
.L_overlay_start_0:
0x88: {  	s2 =	sld [smem:$0x3FD9]  }
0x89: {  	s3 =	sld [smem:$0x3FFE];
	_ =	sdelay $0x1  }
0x8a: {  	s1 =	srdreg.scid  }
0x8b: {  	s0 =	sand.u32 $0x1, s1  }
0x8c: {  	s16 =	sshll.u32 s0, $0xA;
	s2 =	sadd.s32 s3, s2  }
0x8d: {  	s2 =	sadd.s32 s2, s16  }
0x8e: {  	[smem:$0x3FB1] =	sst s2  }
0x8f: {  	_ = 	snop  }
0x90: {  	(tm) =	ssettm $0x1  }
0x91: {  	s17 =	sld [smem:$0x3FFB];
	_ =	sdelay $0x3  }
0x92: {  	_ =	strace s17  }
0x93: {  	s2 =	sld [smem:$0x3FFC];
	_ =	sdelay $0x3  }
0x94: {  	_ =	strace s2  }
0x95: {  	s2 =	sld [smem:$0x3FFD];
	_ =	sdelay $0x3  }
0x96: {  	_ =	strace s2  }
0x97: {  	_ =	strace $0x8FFFFFFF  }
0x98: {  	s18 =	sld [smem:$0x3FDB];
	_ =	sdelay $0x1  }
0x99: {  	s19 =	simm.s32 $_scs_section_size  }
0x9a: {  	s4 =	simm.s32 $_size__tile_overlayer_lowered;
	s5 =	simm.s32 $_tile_overlayer_lowered  }
0x9b: {  	s22 =	simm.s32 $0x1BFF;
	s21 =	sshll.u32 s5, $0x1;
	s2 =	sadd.s32 s19, s18  }
0x9c: {  	s6 =	simm.s32 $0x0;
	s20 =	sshll.u32 s4, $0x1;
	s4 =	sadd.s32 s21, s2  }
0x9d: {  	[timem:s6], [sflag:s22] =	dma.local [hbm:s4], s20  }
0x9e: {  	_ =	swait.ge [sflag:s22], s20  }
0x9f: {  	s3 =	ssub.s32 $0x0, s20;
	[sflag:s22] =	ssyncset.done $0x0  }
0xa0: {  	[sflag:s22] =	ssyncadd.s32 s3;
	_ =	sdelay $0x1  }
0xa1: {  	s23 =	simm.s32 $0x1B8B  }
0xa2: {  	_ =	swait.ge [sflag:s23], $0x1  }
0xa3: {  	[sflag:s23] =	ssyncset.done $0x0  }
0xa4: {  	s25 =	simm.s32 $0x1B8E;
	s24 =	sld [smem:$0x3FFE];
	[sflag:s23] =	ssyncadd.s32 $0xFFFFFFFF  }
0xa5: {  	s26 =	simm.s32 $execute0_lowered;
	[smem:$0x3FD2] =	sst s25  }
0xa6: {  	s4 =	sshll.u32 s26, $0x1;
	_ =	strace $0x80000046;
	[dreg:$0x1] =	wrdreg $0xFFFFFFFF  }
0xa7: {  	s28 =	simm.s32 $_size_execute0_lowered;
	s2 =	sadd.s32 s2, s4;
	[dreg:$0x0] =	wrdreg $0x0  }
0xa8: {  	s4 =	sshll.u32 s28, $0x1;
	[dreg:$0x2] =	wrdreg s2  }
0xa9: {  	[dreg:$0x3] =	wrdreg s4  }
0xaa: {  	[dreg:$0x4] =	wrdreg $0xC0  }
0xab: {  	_ =	task [dreg:s6], $0x5FFFF  }
0xac: {  	[dreg:$0x1] =	wrdreg $0xFFFFFFFF  }
0xad: {  	[dreg:$0x0] =	wrdreg $0x60  }
0xae: {  	[dreg:$0x2] =	wrdreg s24  }
0xaf: {  	[dreg:$0x3] =	wrdreg $0x9  }
0xb0: {  	_ =	task.clear_ibuf [dreg:s6], $0x4FFFF;
	_ =	strace $0x90000046  }
0xb1: {  	s29 =	simm.s32 $0x9;
	_ =	strace $0x80000048  }
0xb2: {  	_ =	swait.ge [sflag:s29], $0x1  }
0xb3: {  	[sflag:s29] =	ssyncadd.s32 $0xFFFFFFFF  }
0xb4: {  	_ =	strace $0x90000048  }
0xb5: {  	_ =	sfence  }
0xb6: {  	s30 =	sld [smem:$0x0];
	_ =	sdelay $0x2  }
0xb7: {  	s31 =	sshll.u32 s1, $0xD;
	s1 =	sshrl.u32 s1, $0x2  }
0xb8: {  	s3 =	sand.u32 $0x4000, s31;
	s1 =	sadd.s32 s1, s30  }
0xb9: {  	s0 =	sor.u32 s3, s0;
	s1 =	sshll.u32 s1, $0x11  }
0xba: {  	s0 =	sor.u32 s1, s0  }
0xbb: {  	s0 =	sadd.s32 $0x8F2B, s0  }
0xbc: {  	[sflag:s0] =	ssyncadd.remote.s32 $0x1  }
0xbd: {  	_ =	sfence.sel $0xFFFF  }
0xbe: {  	[dreg:$0x0] =	wrdreg $0xFFFFFFFF;
	(pc) =	sbr.abs _section_cstart, $3  }
0xbf: {  	[dreg:$0x1] =	wrdreg $0xFFFFFFFF  }
0xc0: {  	_ =	task.clear_ibuf [dreg:s6], $0x2FFFF;
	_ =	strace $0x9FFFFFFF  }
0xc1: {  	(tm) =	ssettm $0x7FFFFFFF  }
tec
execute0_lowered:
.L_overlay_start_1:
0x0: {  	(tag) =	ssettag $0x1  }
0x1: {  	s1 =	srdreg.scid;
	s0 =	stileid.u32  }
0x2: {  	s20 =	sand.u32 $0x1, s1;
	s30 =	sshll.u32 s0, $0x1  }
0x3: {  	s12 =	sor.u32 s20, s30  }
0x4: {  	s3 =	smul.u32 $0x271, s12  }
0x5: {  	s9 =	rddreg [dreg:$0x0];
	s2 =	simm.s32 $0x0  }
0x6: {  	s4 =	simm.s32 $0x5;
	[smem:$0x7FF] =	sst s2;
	s3 =	sadd.s32 s3, s9  }
0x7: {  	s1 =	rddreg [dreg:$0x1];
	_ =	strace $0x80000047;
	s3 =	sadd.s32 $0x30800, s3  }
0x8: {  	[tilespmem:s2], [sflag:$0x5] =	stream.linear.gather [hbm4b:s3+s2], $0x1388, $0x38;
	[tilespmem:$0x9088] =	vst v63  }
0x9: {  	_ =	swait.ge [sflag:s4], $0x1388  }
0xa: {  	s6 =	simm.s32 $0x3E8;
	s7 =	simm.s32 $0x1388;
	[sflag:s4] =	ssyncset.done $0x0  }
0xb: {  	s8 =	simm.s32 $0x1;
	s5 =	sadd.s32 $0x2B800, s9;
	[sflag:s4] =	ssyncadd.s32 $0xFFFFEC78  }
0xc: {  	[tilespmem:s7], [sflag:$0x1] =	stream.indirect.gather [hbm4b:s5+s6], $0x10, s2, s6, $0xb8;
	[tilespmem:$0x9088] =	vst v63  }
0xd: {  	_ =	swait.ge [sflag:s8], $0x3E80  }
0xe: {  	s13 =	sadd.s32 $0x3A800, s9;
	[sflag:s8] =	ssyncset.done $0x0  }
0xf: {  	s10 =	smul.u32 $0x2710, s12;
	s9 =	simm.s32 $0x5208;
	[sflag:s8] =	ssyncadd.s32 $0xFFFFC180  }
0x10: {  	[tilespmem:s9], [sflag:$0x2] =	stream.indirect.gather [hbm4b:s5+s6], $0x10, s6, s6, $0xb8;
	[tilespmem:$0x9088] =	vst v63  }
0x11: {  	s11 =	simm.s32 $0x2;
	s10 =	sadd.s32 s13, s10  }
0x12: {  	[hbm4b:s10+s2] =	stream.linear.scatter [tilespmem:s7], [sflag:$0x3], $0x3E80, $0x38;
	[tilespmem:$0x9088] =	vst v63  }
0x13: {  	_ =	swait.ge [sflag:s11], $0x3E80  }
0x14: {  	[sflag:s11] =	ssyncset.done $0x0  }
0x15: {  	s14 =	smul.u32 $0x13880, s12;
	s12 =	simm.s32 $0x3;
	[sflag:s11] =	ssyncadd.s32 $0xFFFFC180  }
0x16: {  	_ =	swait.ge [sflag:s12], $0x3E80  }
0x17: {  	s14 =	sshrl.u32 s14, $0x3;
	[sflag:s12] =	ssyncset.done $0x0  }
0x18: {  	s21 =	sadd.s32 s13, s14;
	s13 =	simm.s32 $0x7D0;
	[sflag:s12] =	ssyncadd.s32 $0xFFFFC180  }
0x19: {  	[tilespmem:s7], [sflag:$0x1] =	stream.indirect.gather [hbm4b:s5+s6], $0x10, s13, s6, $0xb8;
	[tilespmem:$0x9088] =	vst v63  }
0x1a: {  	s14 =	sadd.s32 $0x7D0, s21  }
0x1b: {  	[hbm4b:s14+s2] =	stream.linear.scatter [tilespmem:s9], [sflag:$0x4], $0x3E80, $0x38;
	[tilespmem:$0x9088] =	vst v63  }
0x1c: {  	_ =	swait.ge [sflag:s8], $0x3E80  }
0x1d: {  	[sflag:s8] =	ssyncset.done $0x0  }
0x1e: {  	s15 =	simm.s32 $0x4;
	[sflag:s8] =	ssyncadd.s32 $0xFFFFC180  }
0x1f: {  	_ =	swait.ge [sflag:s15], $0x3E80  }
0x20: {  	[sflag:s15] =	ssyncset.done $0x0  }
0x21: {  	s16 =	simm.s32 $0xBB8;
	[sflag:s15] =	ssyncadd.s32 $0xFFFFC180  }
0x22: {  	[tilespmem:s9], [sflag:$0x2] =	stream.indirect.gather [hbm4b:s5+s6], $0x10, s16, s6, $0xb8;
	[tilespmem:$0x9088] =	vst v63  }
0x23: {  	s17 =	sadd.s32 $0xFA0, s21  }
0x24: {  	[hbm4b:s17+s2] =	stream.linear.scatter [tilespmem:s7], [sflag:$0x3], $0x3E80, $0x38;
	[tilespmem:$0x9088] =	vst v63  }
0x25: {  	_ =	swait.ge [sflag:s11], $0x3E80  }
0x26: {  	[sflag:s11] =	ssyncset.done $0x0  }
0x27: {  	[sflag:s11] =	ssyncadd.s32 $0xFFFFC180  }
0x28: {  	_ =	swait.ge [sflag:s12], $0x3E80  }
0x29: {  	[sflag:s12] =	ssyncset.done $0x0  }
0x2a: {  	s18 =	simm.s32 $0xFA0;
	[sflag:s12] =	ssyncadd.s32 $0xFFFFC180  }
0x2b: {  	[tilespmem:s7], [sflag:$0x1] =	stream.indirect.gather [hbm4b:s5+s6], $0x10, s18, s6, $0xb8;
	[tilespmem:$0x9088] =	vst v63  }
0x2c: {  	s20 =	ssub.s32 $0x2, s20;
	s19 =	sadd.s32 $0x1770, s21  }
0x2d: {  	[hbm4b:s19+s2] =	stream.linear.scatter [tilespmem:s9], [sflag:$0x4], $0x3E80, $0x38;
	[tilespmem:$0x9088] =	vst v63  }
0x2e: {  	s22 =	sshrl.u32 s20, $0x1;
	_ =	swait.ge [sflag:s8], $0x3E80  }
0x2f: {  	s22 =	ssub.s32 s20, s22;
	[sflag:s8] =	ssyncset.done $0x0  }
0x30: {  	s31 =	smax.u32 s22, $0x1;
	[sflag:s8] =	ssyncadd.s32 $0xFFFFC180  }
0x31: {  	p0 =	sne.s32 s31, $0x1;
	_ =	swait.ge [sflag:s15], $0x3E80  }
.Ltmp0:
0x32: {  	[sflag:s15] =	ssyncset.done $0x0;
	(pc) =	sbr.rel @!p0 .LBB2_2-.Ltmp0, $4  }
0x33: {  	s20 =	sadd.s32 $0x1F40, s21;
	[sflag:s15] =	ssyncadd.s32 $0xFFFFC180  }
0x34: {  	[hbm4b:s20+s2] =	stream.linear.scatter [tilespmem:s7], [sflag:$0x3], $0x3E80, $0x38;
	[tilespmem:$0x9088] =	vst v63  }
0x35: {  	_ =	swait.ge [sflag:s12], $0x3E80  }
0x36: {  	s21 =	sadd.s32 $0xFFFFFFFF, s31;
	[sflag:s12] =	ssyncset.done $0x0  }
.LBB2_1:
0x37: {  	p0 =	sne.s32 s21, $0x1;
	s21 =	sadd.s32 $0xFFFFFFFF, s21;
	[sflag:s12] =	ssyncadd.s32 $0xFFFFC180  }
0x38: {  	[tilespmem:s2], [sflag:$0x5] =	stream.linear.gather [hbm4b:s3+s2], $0x1388, $0x38;
	[tilespmem:$0x9088] =	vst v63  }
0x39: {  	_ =	swait.ge [sflag:s4], $0x1388  }
0x3a: {  	[sflag:s4] =	ssyncset.done $0x0  }
0x3b: {  	[sflag:s4] =	ssyncadd.s32 $0xFFFFEC78  }
0x3c: {  	[tilespmem:s7], [sflag:$0x1] =	stream.indirect.gather [hbm4b:s5+s6], $0x10, s2, s6, $0xb8;
	[tilespmem:$0x9088] =	vst v63  }
0x3d: {  	_ =	swait.ge [sflag:s8], $0x3E80  }
0x3e: {  	[sflag:s8] =	ssyncset.done $0x0  }
0x3f: {  	[sflag:s8] =	ssyncadd.s32 $0xFFFFC180  }
0x40: {  	[tilespmem:s9], [sflag:$0x2] =	stream.indirect.gather [hbm4b:s5+s6], $0x10, s6, s6, $0xb8;
	[tilespmem:$0x9088] =	vst v63  }
0x41: {  	_ = 	snop  }
0x42: {  	[hbm4b:s10+s2] =	stream.linear.scatter [tilespmem:s7], [sflag:$0x3], $0x3E80, $0x38;
	[tilespmem:$0x9088] =	vst v63  }
0x43: {  	_ =	swait.ge [sflag:s11], $0x3E80  }
0x44: {  	[sflag:s11] =	ssyncset.done $0x0  }
0x45: {  	[sflag:s11] =	ssyncadd.s32 $0xFFFFC180  }
0x46: {  	_ =	swait.ge [sflag:s12], $0x3E80  }
0x47: {  	[sflag:s12] =	ssyncset.done $0x0  }
0x48: {  	[sflag:s12] =	ssyncadd.s32 $0xFFFFC180  }
0x49: {  	[tilespmem:s7], [sflag:$0x1] =	stream.indirect.gather [hbm4b:s5+s6], $0x10, s13, s6, $0xb8;
	[tilespmem:$0x9088] =	vst v63  }
0x4a: {  	_ = 	snop  }
0x4b: {  	[hbm4b:s14+s2] =	stream.linear.scatter [tilespmem:s9], [sflag:$0x4], $0x3E80, $0x38;
	[tilespmem:$0x9088] =	vst v63  }
0x4c: {  	_ =	swait.ge [sflag:s8], $0x3E80  }
0x4d: {  	[sflag:s8] =	ssyncset.done $0x0  }
0x4e: {  	[sflag:s8] =	ssyncadd.s32 $0xFFFFC180  }
0x4f: {  	_ =	swait.ge [sflag:s15], $0x3E80  }
0x50: {  	[sflag:s15] =	ssyncset.done $0x0  }
0x51: {  	[sflag:s15] =	ssyncadd.s32 $0xFFFFC180  }
0x52: {  	[tilespmem:s9], [sflag:$0x2] =	stream.indirect.gather [hbm4b:s5+s6], $0x10, s16, s6, $0xb8;
	[tilespmem:$0x9088] =	vst v63  }
0x53: {  	_ = 	snop  }
0x54: {  	[hbm4b:s17+s2] =	stream.linear.scatter [tilespmem:s7], [sflag:$0x3], $0x3E80, $0x38;
	[tilespmem:$0x9088] =	vst v63  }
0x55: {  	_ =	swait.ge [sflag:s11], $0x3E80  }
0x56: {  	[sflag:s11] =	ssyncset.done $0x0  }
0x57: {  	[sflag:s11] =	ssyncadd.s32 $0xFFFFC180  }
0x58: {  	_ =	swait.ge [sflag:s12], $0x3E80  }
0x59: {  	[sflag:s12] =	ssyncset.done $0x0  }
0x5a: {  	[sflag:s12] =	ssyncadd.s32 $0xFFFFC180  }
0x5b: {  	[tilespmem:s7], [sflag:$0x1] =	stream.indirect.gather [hbm4b:s5+s6], $0x10, s18, s6, $0xb8;
	[tilespmem:$0x9088] =	vst v63  }
0x5c: {  	_ = 	snop  }
0x5d: {  	[hbm4b:s19+s2] =	stream.linear.scatter [tilespmem:s9], [sflag:$0x4], $0x3E80, $0x38;
	[tilespmem:$0x9088] =	vst v63  }
0x5e: {  	_ =	swait.ge [sflag:s8], $0x3E80  }
0x5f: {  	[sflag:s8] =	ssyncset.done $0x0  }
0x60: {  	[sflag:s8] =	ssyncadd.s32 $0xFFFFC180  }
0x61: {  	_ =	swait.ge [sflag:s15], $0x3E80  }
.Ltmp1:
0x62: {  	[sflag:s15] =	ssyncset.done $0x0;
	(pc) =	sbr.rel @p0 .LBB2_1-.Ltmp1, $4  }
0x63: {  	[sflag:s15] =	ssyncadd.s32 $0xFFFFC180  }
0x64: {  	[hbm4b:s20+s2] =	stream.linear.scatter [tilespmem:s7], [sflag:$0x3], $0x3E80, $0x38;
	[tilespmem:$0x9088] =	vst v63  }
0x65: {  	_ =	swait.ge [sflag:s12], $0x3E80  }
0x66: {  	[sflag:s12] =	ssyncset.done $0x0  }
.LBB2_2:
0x67: {  	[sflag:s12] =	ssyncadd.s32 $0xFFFFC180  }
0x68: {  	_ =	sfence.sel $0x180000  }
0x69: {  	[bflag:$0x0] =	sbarrier.arrive $0xFFFF  }
0x6a: {  	p0 =	sne.s32 s0, $0x0;
	_ =	strace $0x90000047  }
0x6b: {  	s0 =	sadd.s32 @!p0 $0x100000, s1;
	[bflag:$0x2] =	sbarrier.arrive $0xFFFF  }
0x6c: {  	[sflag:s0] =	ssyncadd.tile.s32 @!p0 $0x1;
	_ =	shalt  }
.Lfunc_end2:
_tile_overlayer_lowered:
.L_overlay_start_2:
0x6d: {  	(tag) =	ssettag $0x2  }
0x6e: {  	s0 =	rddreg [dreg:$0x0];
	s2 =	stileid.u32  }
0x6f: {  	s1 =	rddreg [dreg:$0x1];
	p0 =	sne.s32 s2, $0x0  }
0x70: {  	s3 =	rddreg [dreg:$0x2];
	[bflag:$0x3] =	sbarrier.arrive $0xFFFF;
	s2 =	simm.s32 @!p0 $0x1C05  }
0x71: {  	[timem:s3], [sflag:s2] =	dma.local @!p0 [hbm:s0], s1  }
0x72: {  	s0 =	simm.s32 @!p0 $0x5  }
0x73: {  	_ =	swait.ge @!p0 [sflag:s0], s1  }
0x74: {  	s1 =	ssub.s32 @!p0 $0x0, s1;
	[sflag:s0] =	ssyncset.done @!p0 $0x0  }
0x75: {  	[sflag:s0] =	ssyncadd.s32 @!p0 s1  }
0x76: {  	[bflag:$0x3] =	sbarrier.arrive $0xFFFF  }
0x77: {  	_ =	shalt  }

// kernel: kernel.14.cloned.1.call-start
scs
__scs_entry_jumppad:
0x0: {  	(pc) =	sbr.rel $0x88, $3  }
0x1: {  	(tag) =	ssettag $0x0;
	lr =	simm.s32 $0x1  }
0x2: {  	[smem:$0x3F8A] =	sst lr;
	_ =	strace $0xD0000000  }
0x3: {  	_ = 	snop  }
0x4: {  	_ = 	snop  }
0x5: {  	_ = 	snop  }
0x6: {  	_ = 	snop  }
0x7: {  	_ = 	snop  }
__scs_overlays_trampoline_lowered:
0x8: {  	[smem:$0x3F99] =	sst s0  }
0x9: {  	[smem:$0x3F9A] =	sst s1  }
0xa: {  	[smem:$0x3F9B] =	sst s2  }
0xb: {  	[smem:$0x3F9C] =	sst s3  }
0xc: {  	[smem:$0x3F9D] =	sst s4  }
0xd: {  	[smem:$0x3F9E] =	sst s5  }
0xe: {  	[smem:$0x3F9F] =	sst s6  }
0xf: {  	[smem:$0x3FA0] =	sst s7  }
0x10: {  	[smem:$0x3FA1] =	sst s8  }
0x11: {  	[smem:$0x3FA2] =	sst s9;
	s0 =	simm.s32 @!p0 $0x0  }
0x12: {  	s1 =	sld [smem:$0x3F88];
	s0 =	simm.s32 @p0 $0x1  }
0x13: {  	[smem:$0x3FA3] =	sst s0;
	s0 =	simm.s32 @!p1 $0x0  }
0x14: {  	s2 =	sld [smem:$0x3F87];
	s0 =	simm.s32 @p1 $0x1  }
0x15: {  	[smem:$0x3FA4] =	sst s0;
	s0 =	simm.s32 @!p2 $0x0  }
0x16: {  	s3 =	sld [smem:$0x3FDB];
	s0 =	simm.s32 @p2 $0x1  }
0x17: {  	s4 =	simm.s32 $0x1BF5;
	[smem:$0x3FA6] =	sst s0  }
0x18: {  	s0 =	sld [smem:$0x3F89];
	_ =	swait.ge [sflag:s4], $0x0  }
0x19: {  	s7 =	sld [smem:$0x3F8A]  }
0x1a: {  	s8 =	sadd.s32 $0xFFFFE003, lr  }
0x1b: {  	s9 =	sadd.s32 $0xFFFFFEF7, lr;
	s5 =	simm.s32 $0xFFFFFFFF;
	p2 =	slt.u32 s8, $0xFFFFF086  }
0x1c: {  	p1 =	slt.u32 s9, $0xF7A;
	s5 =	simm.s32 @!p2 $0x0  }
0x1d: {  	s5 =	simm.s32 @p1 $0x1;
	p0 =	seq.s32 s7, s2  }
0x1e: {  	s7 =	smul.u32 @!p0 $0xF7A, s2;
	p2 =	seq.s32 @!p0 s5, $0x0  }
0x1f: {  	s9 =	smul.u32 $0xF7A, s1;
	s8 =	simm.s32 @!p0 $0x1BF5;
	p2 =	por !p2, p0  }
0x20: {  	[sflag:s8] =	ssyncset.s32 @!p0 $0xFFFFF086;
	s6 =	sadd.s32 @!p0 s3, s7;
	s7 =	simm.s32 @!p0 $0x108  }
0x21: {  	s3 =	sadd.s32 s3, s9;
	s6 =	sadd.s32 @!p0 $0x88, s6;
	s7 =	simm.s32 @p2 $0x1082  }
0x22: {  	[simem:s7], [sflag:s8] =	dma.local @!p0 [hbm:s6], $0xF7A  }
0x23: {  	s9 =	sor.u32 $0xD0000000, s2;
	s6 =	simm.s32 $0x108;
	_ =	swait.ge @!p0 [sflag:s8], $0x0  }
0x24: {  	s3 =	sadd.s32 $0x88, s3;
	s6 =	simm.s32 @!p1 $0x1082;
	[sflag:s4] =	ssyncset.s32 $0xFFFFF086  }
0x25: {  	[simem:s6], [sflag:s4] =	dma.local [hbm:s3], $0xF7A  }
0x26: {  	[smem:$0x3F8A] =	sst s1;
	(tag) =	ssettag s2;
	_ =	strace s9  }
0x27: {  	s1 =	sld [smem:$0x3F9A]  }
0x28: {  	s2 =	sld [smem:$0x3F9B]  }
0x29: {  	s4 =	sld [smem:$0x3F9D]  }
0x2a: {  	p0 =	seq.s32 s5, $0x0;
	s5 =	sld [smem:$0x3F9E]  }
0x2b: {  	s6 =	sld [smem:$0x3F9F]  }
0x2c: {  	s7 =	sld [smem:$0x3FA0]  }
0x2d: {  	s3 =	simm.s32 $0x108;
	s8 =	sld [smem:$0x3FA1]  }
0x2e: {  	s3 =	simm.s32 @!p0 $0x1082;
	s9 =	sld [smem:$0x3FA2]  }
0x2f: {  	lr =	sadd.s32 s0, s3;
	s0 =	sld [smem:$0x3F99]  }
0x30: {  	s3 =	sld [smem:$0x3F9C]  }
0x31: {  	[smem:$0x3FA5] =	sst s10  }
0x32: {  	s10 =	sld [smem:$0x3FA3];
	_ =	sdelay $0x3  }
0x33: {  	p0 =	seq.s32 s10, $0x1;
	s10 =	sld [smem:$0x3FA5];
	_ =	sdelay $0x3  }
0x34: {  	[smem:$0x3FA5] =	sst s10  }
0x35: {  	s10 =	sld [smem:$0x3FA4];
	_ =	sdelay $0x3  }
0x36: {  	p1 =	seq.s32 s10, $0x1;
	s10 =	sld [smem:$0x3FA5];
	_ =	sdelay $0x3  }
0x37: {  	[smem:$0x3FA5] =	sst s10  }
0x38: {  	s10 =	sld [smem:$0x3FA6]  }
0x39: {  	_ = 	snop;
	(pc) =	sbr.ind lr, $3  }
0x3a: {  	_ = 	snop  }
0x3b: {  	_ = 	snop  }
0x3c: {  	p2 =	seq.s32 s10, $0x1;
	s10 =	sld [smem:$0x3FA5]  }
0x3d: {  	_ =	shalt  }
0x3e: {  	_ =	shalt  }
0x3f: {  	_ =	shalt  }
0x40: {  	_ =	shalt  }
0x41: {  	_ =	shalt  }
0x42: {  	_ =	shalt  }
0x43: {  	_ =	shalt  }
0x44: {  	_ =	shalt  }
0x45: {  	_ =	shalt  }
0x46: {  	_ =	shalt  }
0x47: {  	_ =	shalt  }
0x48: {  	_ =	shalt  }
0x49: {  	_ =	shalt  }
0x4a: {  	_ =	shalt  }
0x4b: {  	_ =	shalt  }
0x4c: {  	_ =	shalt  }
0x4d: {  	_ =	shalt  }
0x4e: {  	_ =	shalt  }
0x4f: {  	_ =	shalt  }
0x50: {  	_ =	shalt  }
0x51: {  	_ =	shalt  }
0x52: {  	_ =	shalt  }
0x53: {  	_ =	shalt  }
0x54: {  	_ =	shalt  }
0x55: {  	_ =	shalt  }
0x56: {  	_ =	shalt  }
0x57: {  	_ =	shalt  }
0x58: {  	_ =	shalt  }
0x59: {  	_ =	shalt  }
0x5a: {  	_ =	shalt  }
0x5b: {  	_ =	shalt  }
0x5c: {  	_ =	shalt  }
0x5d: {  	_ =	shalt  }
0x5e: {  	_ =	shalt  }
0x5f: {  	_ =	shalt  }
0x60: {  	_ =	shalt  }
0x61: {  	_ =	shalt  }
0x62: {  	_ =	shalt  }
0x63: {  	_ =	shalt  }
0x64: {  	_ =	shalt  }
0x65: {  	_ =	shalt  }
0x66: {  	_ =	shalt  }
0x67: {  	_ =	shalt  }
0x68: {  	_ =	shalt  }
0x69: {  	_ =	shalt  }
0x6a: {  	_ =	shalt  }
0x6b: {  	_ =	shalt  }
0x6c: {  	_ =	shalt  }
0x6d: {  	_ =	shalt  }
0x6e: {  	_ =	shalt  }
0x6f: {  	_ =	shalt  }
0x70: {  	_ =	shalt  }
0x71: {  	_ =	shalt  }
0x72: {  	_ =	shalt  }
0x73: {  	_ =	shalt  }
0x74: {  	_ =	shalt  }
0x75: {  	_ =	shalt  }
0x76: {  	_ =	shalt  }
0x77: {  	_ =	shalt  }
0x78: {  	_ =	shalt  }
0x79: {  	_ =	shalt  }
0x7a: {  	_ =	shalt  }
0x7b: {  	_ =	shalt  }
0x7c: {  	_ =	shalt  }
0x7d: {  	_ =	shalt  }
0x7e: {  	_ =	shalt  }
0x7f: {  	_ =	shalt  }
0x80: {  	_ =	shalt  }
0x81: {  	_ =	shalt  }
0x82: {  	_ =	shalt  }
0x83: {  	_ =	shalt  }
0x84: {  	_ =	shalt  }
0x85: {  	_ =	shalt  }
0x86: {  	_ =	shalt  }
0x87: {  	_ =	shalt  }
.Lfunc_end0:
.L_simem_size_0:
called_computation.1_lowered:
.L_overlay_start_0:
0x88: {  	s2 =	sld [smem:$0x3FD9]  }
0x89: {  	s3 =	sld [smem:$0x3FFE];
	_ =	sdelay $0x1  }
0x8a: {  	s1 =	srdreg.scid  }
0x8b: {  	s0 =	sand.u32 $0x1, s1  }
0x8c: {  	s16 =	sshll.u32 s0, $0xA;
	s2 =	sadd.s32 s3, s2  }
0x8d: {  	s2 =	sadd.s32 s2, s16  }
0x8e: {  	[smem:$0x3FB1] =	sst s2  }
0x8f: {  	_ = 	snop  }
0x90: {  	(tm) =	ssettm $0x1  }
0x91: {  	s17 =	sld [smem:$0x3FFB];
	_ =	sdelay $0x3  }
0x92: {  	_ =	strace s17  }
0x93: {  	s2 =	sld [smem:$0x3FFC];
	_ =	sdelay $0x3  }
0x94: {  	_ =	strace s2  }
0x95: {  	s2 =	sld [smem:$0x3FFD];
	_ =	sdelay $0x3  }
0x96: {  	_ =	strace s2  }
0x97: {  	_ =	strace $0x8FFFFFFF  }
0x98: {  	s18 =	sld [smem:$0x3FDB];
	_ =	sdelay $0x1  }
0x99: {  	s19 =	simm.s32 $_scs_section_size  }
0x9a: {  	s4 =	simm.s32 $_size__tile_overlayer_lowered;
	s5 =	simm.s32 $_tile_overlayer_lowered  }
0x9b: {  	s22 =	simm.s32 $0x1BFF;
	s21 =	sshll.u32 s5, $0x1;
	s2 =	sadd.s32 s19, s18  }
0x9c: {  	s6 =	simm.s32 $0x0;
	s20 =	sshll.u32 s4, $0x1;
	s4 =	sadd.s32 s21, s2  }
0x9d: {  	[timem:s6], [sflag:s22] =	dma.local [hbm:s4], s20  }
0x9e: {  	_ =	swait.ge [sflag:s22], s20  }
0x9f: {  	s3 =	ssub.s32 $0x0, s20;
	[sflag:s22] =	ssyncset.done $0x0  }
0xa0: {  	[sflag:s22] =	ssyncadd.s32 s3;
	_ =	sdelay $0x1  }
0xa1: {  	s23 =	simm.s32 $0x1B8B  }
0xa2: {  	_ =	swait.ge [sflag:s23], $0x1  }
0xa3: {  	[sflag:s23] =	ssyncset.done $0x0  }
0xa4: {  	s25 =	simm.s32 $0x1B8E;
	s24 =	sld [smem:$0x3FFE];
	[sflag:s23] =	ssyncadd.s32 $0xFFFFFFFF  }
0xa5: {  	s26 =	simm.s32 $execute0_lowered;
	[smem:$0x3FD2] =	sst s25  }
0xa6: {  	s4 =	sshll.u32 s26, $0x1;
	_ =	strace $0x80000049;
	[dreg:$0x1] =	wrdreg $0xFFFFFFFF  }
0xa7: {  	s28 =	simm.s32 $_size_execute0_lowered;
	s2 =	sadd.s32 s2, s4;
	[dreg:$0x0] =	wrdreg $0x0  }
0xa8: {  	s4 =	sshll.u32 s28, $0x1;
	[dreg:$0x2] =	wrdreg s2  }
0xa9: {  	[dreg:$0x3] =	wrdreg s4  }
0xaa: {  	[dreg:$0x4] =	wrdreg $0xC0  }
0xab: {  	_ =	task [dreg:s6], $0x5FFFF  }
0xac: {  	[dreg:$0x1] =	wrdreg $0xFFFFFFFF  }
0xad: {  	[dreg:$0x0] =	wrdreg $0x60  }
0xae: {  	[dreg:$0x2] =	wrdreg s24  }
0xaf: {  	[dreg:$0x3] =	wrdreg $0x101D00  }
0xb0: {  	[dreg:$0x4] =	wrdreg $0x9  }
0xb1: {  	_ =	task.clear_ibuf [dreg:s6], $0x5FFFF;
	_ =	strace $0x90000049  }
0xb2: {  	s29 =	simm.s32 $0x9;
	_ =	strace $0x8000004B  }
0xb3: {  	_ =	swait.ge [sflag:s29], $0x1  }
0xb4: {  	[sflag:s29] =	ssyncadd.s32 $0xFFFFFFFF  }
0xb5: {  	_ =	strace $0x9000004B  }
0xb6: {  	_ =	sfence  }
0xb7: {  	s30 =	sld [smem:$0x0];
	_ =	sdelay $0x2  }
0xb8: {  	s31 =	sshll.u32 s1, $0xD;
	s1 =	sshrl.u32 s1, $0x2  }
0xb9: {  	s3 =	sand.u32 $0x4000, s31;
	s1 =	sadd.s32 s1, s30  }
0xba: {  	s0 =	sor.u32 s3, s0;
	s1 =	sshll.u32 s1, $0x11  }
0xbb: {  	s0 =	sor.u32 s1, s0  }
0xbc: {  	s0 =	sadd.s32 $0x8F2B, s0  }
0xbd: {  	[sflag:s0] =	ssyncadd.remote.s32 $0x1  }
0xbe: {  	_ =	sfence.sel $0xFFFF  }
0xbf: {  	[dreg:$0x0] =	wrdreg $0xFFFFFFFF;
	(pc) =	sbr.abs _section_cstart, $3  }
0xc0: {  	[dreg:$0x1] =	wrdreg $0xFFFFFFFF  }
0xc1: {  	_ =	task.clear_ibuf [dreg:s6], $0x2FFFF;
	_ =	strace $0x9FFFFFFF  }
0xc2: {  	(tm) =	ssettm $0x7FFFFFFF  }
0xc3: {  	_ =	shalt  }
tec
execute0_lowered:
.L_overlay_start_1:
0x0: {  	(tag) =	ssettag $0x1  }
0x1: {  	s24 =	rddreg [dreg:$0x0]  }
0x2: {  	s2 =	rddreg [dreg:$0x1]  }
0x3: {  	s0 =	rddreg [dreg:$0x2];
	s3 =	simm.s32 $0x0;
	s1 =	stileid.u32  }
0x4: {  	s4 =	srdreg.scid;
	[smem:$0x7FF] =	sst s3  }
0x5: {  	s28 =	smul.u32 $0x5000, s1;
	s25 =	sand.u32 $0x1, s4;
	s22 =	sshll.u32 s1, $0x1  }
0x6: {  	s23 =	sadd.s32 $0x3A800, s24;
	_ =	strace $0x8000004A;
	s7 =	sor.u32 s25, s22  }
0x7: {  	s22 =	sadd.s32 $0x35800, s24;
	s26 =	sshrl.u32 s28, $0x3;
	s29 =	smul.u32 $0x1388, s7  }
0x8: {  	s8 =	sadd.s32 s28, s2;
	s9 =	smul.u32 $0x4E20, s7;
	s4 =	sadd.s32 s26, s24  }
0x9: {  	s26 =	sshll.u32 s1, $0x6;
	s7 =	sshrl.u32 s8, $0x3;
	s6 =	sshrl.u32 s29, $0x3  }
0xa: {  	s4 =	sadd.s32 $0xD6C00, s4;
	s5 =	sor.u32 $0x1C01, s26;
	s6 =	sadd.s32 s22, s6  }
0xb: {  	[spmem:s7], [sflag:s5] =	dma.local [hbm:s4], $0xA00  }
0xc: {  	[tilespmem:s3], [sflag:$0x2] =	stream.linear.gather [hbm4b:s6+s3], $0x3E8, $0x38;
	[tilespmem:$0x151D0] =	vst v63  }
0xd: {  	s10 =	simm.s32 $0x1;
	s8 =	sadd.s32 s23, s9;
	s9 =	simm.s32 $0x7D0  }
0xe: {  	[tilespmem:s9], [sflag:$0x2] =	stream.linear.gather [hbm4b:s8+s3], $0x7D00, $0x38;
	[tilespmem:$0x151D0] =	vst v63  }
0xf: {  	_ =	swait.ge [sflag:s10], $0xA00  }
0x10: {  	[sflag:s10] =	ssyncset.done $0x0  }
0x11: {  	[sflag:s10] =	ssyncadd.s32 $0xFFFFF600  }
0x12: {  	s11 =	simm.s32 $0x2;
	[bflag:$0x0] =	sbarrier.arrive $0xFFFF  }
0x13: {  	_ =	swait.ge [sflag:s11], $0x3E8  }
0x14: {  	[sflag:s11] =	ssyncset.done $0x0  }
0x15: {  	[sflag:s11] =	ssyncadd.s32 $0xFFFFFC18  }
0x16: {  	s13 =	sadd.s32 $0x3E8, s29;
	_ =	swait.ge [sflag:s11], $0x7D00  }
0x17: {  	s12 =	sshrl.u32 s13, $0x3;
	s14 =	sshll.u32 s13, $0x2;
	[sflag:s11] =	ssyncset.done $0x0  }
0x18: {  	s13 =	simm.s32 $0x3E8;
	s12 =	sadd.s32 s22, s12;
	[sflag:s11] =	ssyncadd.s32 $0xFFFF8300  }
0x19: {  	[tilespmem:s13], [sflag:$0x3] =	stream.linear.gather [hbm4b:s12+s3], $0x3E8, $0x38;
	[tilespmem:$0x151D0] =	vst v63  }
0x1a: {  	s15 =	simm.s32 $0x84D0;
	s14 =	sadd.s32 s23, s14  }
0x1b: {  	[tilespmem:s15], [sflag:$0x3] =	stream.linear.gather [hbm4b:s14+s3], $0x7D00, $0x38;
	[tilespmem:$0x151D0] =	vst v63  }
0x1c: {  	s16 =	simm.s32 $0x4  }
0x1d: {  	[spmem:s2] =	stream.indirect.scatter.add.f32 [tilespmem:s9], [sflag:$0x4], $0x20, s3, s13, $0xb8;
	[tilespmem:$0x151D0] =	vst v63  }
0x1e: {  	_ =	swait.ge [sflag:s16], $0x7D00  }
0x1f: {  	[sflag:s16] =	ssyncset.done $0x0  }
0x20: {  	s17 =	simm.s32 $0x3;
	[sflag:s16] =	ssyncadd.s32 $0xFFFF8300  }
0x21: {  	_ =	swait.ge [sflag:s17], $0x3E8  }
0x22: {  	[sflag:s17] =	ssyncset.done $0x0  }
0x23: {  	[sflag:s17] =	ssyncadd.s32 $0xFFFFFC18  }
0x24: {  	s19 =	sadd.s32 $0x7D0, s29;
	_ =	swait.ge [sflag:s17], $0x7D00  }
0x25: {  	s18 =	sshrl.u32 s19, $0x3;
	[sflag:s17] =	ssyncset.done $0x0  }
0x26: {  	s19 =	sshll.u32 s19, $0x2;
	s18 =	sadd.s32 s22, s18;
	[sflag:s17] =	ssyncadd.s32 $0xFFFF8300  }
0x27: {  	[tilespmem:s3], [sflag:$0x2] =	stream.linear.gather [hbm4b:s18+s3], $0x3E8, $0x38;
	[tilespmem:$0x151D0] =	vst v63  }
0x28: {  	s19 =	sadd.s32 s23, s19  }
0x29: {  	[tilespmem:s9], [sflag:$0x2] =	stream.linear.gather [hbm4b:s19+s3], $0x7D00, $0x38;
	[tilespmem:$0x151D0] =	vst v63  }
0x2a: {  	_ = 	snop  }
0x2b: {  	[spmem:s2] =	stream.indirect.scatter.add.f32 [tilespmem:s15], [sflag:$0x4], $0x20, s13, s13, $0xb8;
	[tilespmem:$0x151D0] =	vst v63  }
0x2c: {  	_ =	swait.ge [sflag:s16], $0x7D00  }
0x2d: {  	[sflag:s16] =	ssyncset.done $0x0  }
0x2e: {  	[sflag:s16] =	ssyncadd.s32 $0xFFFF8300  }
0x2f: {  	_ =	swait.ge [sflag:s11], $0x3E8  }
0x30: {  	[sflag:s11] =	ssyncset.done $0x0  }
0x31: {  	[sflag:s11] =	ssyncadd.s32 $0xFFFFFC18  }
0x32: {  	s21 =	sadd.s32 $0xBB8, s29;
	_ =	swait.ge [sflag:s11], $0x7D00  }
0x33: {  	s20 =	sshrl.u32 s21, $0x3;
	[sflag:s11] =	ssyncset.done $0x0  }
0x34: {  	s21 =	sshll.u32 s21, $0x2;
	s20 =	sadd.s32 s22, s20;
	[sflag:s11] =	ssyncadd.s32 $0xFFFF8300  }
0x35: {  	[tilespmem:s13], [sflag:$0x3] =	stream.linear.gather [hbm4b:s20+s3], $0x3E8, $0x38;
	[tilespmem:$0x151D0] =	vst v63  }
0x36: {  	s21 =	sadd.s32 s23, s21  }
0x37: {  	[tilespmem:s15], [sflag:$0x3] =	stream.linear.gather [hbm4b:s21+s3], $0x7D00, $0x38;
	[tilespmem:$0x151D0] =	vst v63  }
0x38: {  	_ = 	snop  }
0x39: {  	[spmem:s2] =	stream.indirect.scatter.add.f32 [tilespmem:s9], [sflag:$0x4], $0x20, s3, s13, $0xb8;
	[tilespmem:$0x151D0] =	vst v63  }
0x3a: {  	_ =	swait.ge [sflag:s16], $0x7D00  }
0x3b: {  	[sflag:s16] =	ssyncset.done $0x0  }
0x3c: {  	[sflag:s16] =	ssyncadd.s32 $0xFFFF8300  }
0x3d: {  	_ =	swait.ge [sflag:s17], $0x3E8  }
0x3e: {  	[sflag:s17] =	ssyncset.done $0x0  }
0x3f: {  	[sflag:s17] =	ssyncadd.s32 $0xFFFFFC18  }
0x40: {  	s29 =	sadd.s32 $0xFA0, s29;
	_ =	swait.ge [sflag:s17], $0x7D00  }
0x41: {  	s30 =	sshrl.u32 s29, $0x3;
	[sflag:s17] =	ssyncset.done $0x0  }
0x42: {  	s29 =	sshll.u32 s29, $0x2;
	s22 =	sadd.s32 s22, s30;
	[sflag:s17] =	ssyncadd.s32 $0xFFFF8300  }
0x43: {  	[tilespmem:s3], [sflag:$0x2] =	stream.linear.gather [hbm4b:s22+s3], $0x3E8, $0x38;
	[tilespmem:$0x151D0] =	vst v63  }
0x44: {  	s23 =	sadd.s32 s23, s29  }
0x45: {  	[tilespmem:s9], [sflag:$0x2] =	stream.linear.gather [hbm4b:s23+s3], $0x7D00, $0x38;
	[tilespmem:$0x151D0] =	vst v63  }
0x46: {  	_ = 	snop  }
0x47: {  	[spmem:s2] =	stream.indirect.scatter.add.f32 [tilespmem:s15], [sflag:$0x4], $0x20, s13, s13, $0xb8;
	[tilespmem:$0x151D0] =	vst v63  }
0x48: {  	_ =	swait.ge [sflag:s16], $0x7D00  }
0x49: {  	[sflag:s16] =	ssyncset.done $0x0  }
0x4a: {  	[sflag:s16] =	ssyncadd.s32 $0xFFFF8300  }
0x4b: {  	_ =	swait.ge [sflag:s11], $0x3E8  }
0x4c: {  	[sflag:s11] =	ssyncset.done $0x0  }
0x4d: {  	s30 =	smul.u32 $0x50000, s25;
	[sflag:s11] =	ssyncadd.s32 $0xFFFFFC18  }
0x4e: {  	s25 =	ssub.s32 $0x2, s25;
	_ =	swait.ge [sflag:s11], $0x7D00  }
0x4f: {  	s31 =	sshrl.u32 s25, $0x1;
	s28 =	sadd.s32 s28, s30;
	[sflag:s11] =	ssyncset.done $0x0  }
0x50: {  	s25 =	ssub.s32 s25, s31;
	s28 =	sshrl.u32 s28, $0x3;
	[sflag:s11] =	ssyncadd.s32 $0xFFFF8300  }
0x51: {  	[spmem:s2] =	stream.indirect.scatter.add.f32 [tilespmem:s9], [sflag:$0x4], $0x20, s3, s13, $0xb8;
	[tilespmem:$0x151D0] =	vst v63  }
0x52: {  	s24 =	sadd.s32 s28, s24;
	s28 =	smax.u32 s25, $0x1;
	_ =	swait.ge [sflag:s16], $0x7D00  }
0x53: {  	p0 =	sne.s32 s28, $0x1;
	[sflag:s16] =	ssyncset.done $0x0  }
.Ltmp0:
0x54: {  	[sflag:s16] =	ssyncadd.s32 $0xFFFF8300;
	(pc) =	sbr.rel @!p0 .LBB2_2-.Ltmp0, $4  }
0x55: {  	s25 =	sor.u32 $0x1C04, s26;
	s24 =	sadd.s32 $0xE0C00, s24;
	[bflag:$0x0] =	sbarrier.arrive $0xFFFF  }
0x56: {  	[hbm:s24], [sflag:s25] =	dma.local [spmem:s7], $0xA00  }
0x57: {  	_ =	swait.ge [sflag:s16], $0xA00  }
0x58: {  	s26 =	sadd.s32 $0xFFFFFFFF, s28;
	[sflag:s16] =	ssyncset.done $0x0  }
.LBB2_1:
0x59: {  	p0 =	sne.s32 s26, $0x1;
	s26 =	sadd.s32 $0xFFFFFFFF, s26;
	[sflag:s16] =	ssyncadd.s32 $0xFFFFF600  }
0x5a: {  	[spmem:s7], [sflag:s5] =	dma.local [hbm:s4], $0xA00  }
0x5b: {  	[tilespmem:s3], [sflag:$0x2] =	stream.linear.gather [hbm4b:s6+s3], $0x3E8, $0x38;
	[tilespmem:$0x151D0] =	vst v63  }
0x5c: {  	_ = 	snop  }
0x5d: {  	[tilespmem:s9], [sflag:$0x2] =	stream.linear.gather [hbm4b:s8+s3], $0x7D00, $0x38;
	[tilespmem:$0x151D0] =	vst v63  }
0x5e: {  	_ =	swait.ge [sflag:s10], $0xA00  }
0x5f: {  	[sflag:s10] =	ssyncset.done $0x0  }
0x60: {  	[sflag:s10] =	ssyncadd.s32 $0xFFFFF600  }
0x61: {  	[bflag:$0x0] =	sbarrier.arrive $0xFFFF  }
0x62: {  	_ =	swait.ge [sflag:s11], $0x3E8  }
0x63: {  	[sflag:s11] =	ssyncset.done $0x0  }
0x64: {  	[sflag:s11] =	ssyncadd.s32 $0xFFFFFC18  }
0x65: {  	_ =	swait.ge [sflag:s11], $0x7D00  }
0x66: {  	[sflag:s11] =	ssyncset.done $0x0  }
0x67: {  	[sflag:s11] =	ssyncadd.s32 $0xFFFF8300  }
0x68: {  	[tilespmem:s13], [sflag:$0x3] =	stream.linear.gather [hbm4b:s12+s3], $0x3E8, $0x38;
	[tilespmem:$0x151D0] =	vst v63  }
0x69: {  	_ = 	snop  }
0x6a: {  	[tilespmem:s15], [sflag:$0x3] =	stream.linear.gather [hbm4b:s14+s3], $0x7D00, $0x38;
	[tilespmem:$0x151D0] =	vst v63  }
0x6b: {  	_ = 	snop  }
0x6c: {  	[spmem:s2] =	stream.indirect.scatter.add.f32 [tilespmem:s9], [sflag:$0x4], $0x20, s3, s13, $0xb8;
	[tilespmem:$0x151D0] =	vst v63  }
0x6d: {  	_ =	swait.ge [sflag:s16], $0x7D00  }
0x6e: {  	[sflag:s16] =	ssyncset.done $0x0  }
0x6f: {  	[sflag:s16] =	ssyncadd.s32 $0xFFFF8300  }
0x70: {  	_ =	swait.ge [sflag:s17], $0x3E8  }
0x71: {  	[sflag:s17] =	ssyncset.done $0x0  }
0x72: {  	[sflag:s17] =	ssyncadd.s32 $0xFFFFFC18  }
0x73: {  	_ =	swait.ge [sflag:s17], $0x7D00  }
0x74: {  	[sflag:s17] =	ssyncset.done $0x0  }
0x75: {  	[sflag:s17] =	ssyncadd.s32 $0xFFFF8300  }
0x76: {  	[tilespmem:s3], [sflag:$0x2] =	stream.linear.gather [hbm4b:s18+s3], $0x3E8, $0x38;
	[tilespmem:$0x151D0] =	vst v63  }
0x77: {  	_ = 	snop  }
0x78: {  	[tilespmem:s9], [sflag:$0x2] =	stream.linear.gather [hbm4b:s19+s3], $0x7D00, $0x38;
	[tilespmem:$0x151D0] =	vst v63  }
0x79: {  	_ = 	snop  }
0x7a: {  	[spmem:s2] =	stream.indirect.scatter.add.f32 [tilespmem:s15], [sflag:$0x4], $0x20, s13, s13, $0xb8;
	[tilespmem:$0x151D0] =	vst v63  }
0x7b: {  	_ =	swait.ge [sflag:s16], $0x7D00  }
0x7c: {  	[sflag:s16] =	ssyncset.done $0x0  }
0x7d: {  	[sflag:s16] =	ssyncadd.s32 $0xFFFF8300  }
0x7e: {  	_ =	swait.ge [sflag:s11], $0x3E8  }
0x7f: {  	[sflag:s11] =	ssyncset.done $0x0  }
0x80: {  	[sflag:s11] =	ssyncadd.s32 $0xFFFFFC18  }
0x81: {  	_ =	swait.ge [sflag:s11], $0x7D00  }
0x82: {  	[sflag:s11] =	ssyncset.done $0x0  }
0x83: {  	[sflag:s11] =	ssyncadd.s32 $0xFFFF8300  }
0x84: {  	[tilespmem:s13], [sflag:$0x3] =	stream.linear.gather [hbm4b:s20+s3], $0x3E8, $0x38;
	[tilespmem:$0x151D0] =	vst v63  }
0x85: {  	_ = 	snop  }
0x86: {  	[tilespmem:s15], [sflag:$0x3] =	stream.linear.gather [hbm4b:s21+s3], $0x7D00, $0x38;
	[tilespmem:$0x151D0] =	vst v63  }
0x87: {  	_ = 	snop  }
0x88: {  	[spmem:s2] =	stream.indirect.scatter.add.f32 [tilespmem:s9], [sflag:$0x4], $0x20, s3, s13, $0xb8;
	[tilespmem:$0x151D0] =	vst v63  }
0x89: {  	_ =	swait.ge [sflag:s16], $0x7D00  }
0x8a: {  	[sflag:s16] =	ssyncset.done $0x0  }
0x8b: {  	[sflag:s16] =	ssyncadd.s32 $0xFFFF8300  }
0x8c: {  	_ =	swait.ge [sflag:s17], $0x3E8  }
0x8d: {  	[sflag:s17] =	ssyncset.done $0x0  }
0x8e: {  	[sflag:s17] =	ssyncadd.s32 $0xFFFFFC18  }
0x8f: {  	_ =	swait.ge [sflag:s17], $0x7D00  }
0x90: {  	[sflag:s17] =	ssyncset.done $0x0  }
0x91: {  	[sflag:s17] =	ssyncadd.s32 $0xFFFF8300  }
0x92: {  	[tilespmem:s3], [sflag:$0x2] =	stream.linear.gather [hbm4b:s22+s3], $0x3E8, $0x38;
	[tilespmem:$0x151D0] =	vst v63  }
0x93: {  	_ = 	snop  }
0x94: {  	[tilespmem:s9], [sflag:$0x2] =	stream.linear.gather [hbm4b:s23+s3], $0x7D00, $0x38;
	[tilespmem:$0x151D0] =	vst v63  }
0x95: {  	_ = 	snop  }
0x96: {  	[spmem:s2] =	stream.indirect.scatter.add.f32 [tilespmem:s15], [sflag:$0x4], $0x20, s13, s13, $0xb8;
	[tilespmem:$0x151D0] =	vst v63  }
0x97: {  	_ =	swait.ge [sflag:s16], $0x7D00  }
0x98: {  	[sflag:s16] =	ssyncset.done $0x0  }
0x99: {  	[sflag:s16] =	ssyncadd.s32 $0xFFFF8300  }
0x9a: {  	_ =	swait.ge [sflag:s11], $0x3E8  }
0x9b: {  	[sflag:s11] =	ssyncset.done $0x0  }
0x9c: {  	[sflag:s11] =	ssyncadd.s32 $0xFFFFFC18  }
0x9d: {  	_ =	swait.ge [sflag:s11], $0x7D00  }
0x9e: {  	[sflag:s11] =	ssyncset.done $0x0  }
0x9f: {  	[sflag:s11] =	ssyncadd.s32 $0xFFFF8300  }
0xa0: {  	[spmem:s2] =	stream.indirect.scatter.add.f32 [tilespmem:s9], [sflag:$0x4], $0x20, s3, s13, $0xb8;
	[tilespmem:$0x151D0] =	vst v63  }
0xa1: {  	_ =	swait.ge [sflag:s16], $0x7D00  }
0xa2: {  	[sflag:s16] =	ssyncset.done $0x0  }
.Ltmp1:
0xa3: {  	[sflag:s16] =	ssyncadd.s32 $0xFFFF8300;
	(pc) =	sbr.rel @p0 .LBB2_1-.Ltmp1, $4  }
0xa4: {  	[bflag:$0x0] =	sbarrier.arrive $0xFFFF  }
0xa5: {  	[hbm:s24], [sflag:s25] =	dma.local [spmem:s7], $0xA00  }
0xa6: {  	_ =	swait.ge [sflag:s16], $0xA00  }
0xa7: {  	[sflag:s16] =	ssyncset.done $0x0  }
.LBB2_2:
0xa8: {  	[sflag:s16] =	ssyncadd.s32 $0xFFFFF600  }
0xa9: {  	_ =	sfence.sel $0x180000  }
0xaa: {  	[bflag:$0x0] =	sbarrier.arrive $0xFFFF  }
0xab: {  	p0 =	sne.s32 s1, $0x0;
	_ =	strace $0x9000004A  }
0xac: {  	s0 =	sadd.s32 @!p0 $0x100000, s0;
	[bflag:$0x2] =	sbarrier.arrive $0xFFFF  }
0xad: {  	[sflag:s0] =	ssyncadd.tile.s32 @!p0 $0x1;
	_ =	shalt  }
.Lfunc_end2:
_tile_overlayer_lowered:
.L_overlay_start_2:
0xae: {  	(tag) =	ssettag $0x2  }
0xaf: {  	s0 =	rddreg [dreg:$0x0];
	s2 =	stileid.u32  }
0xb0: {  	s1 =	rddreg [dreg:$0x1];
	p0 =	sne.s32 s2, $0x0  }
0xb1: {  	s3 =	rddreg [dreg:$0x2];
	[bflag:$0x3] =	sbarrier.arrive $0xFFFF;
	s2 =	simm.s32 @!p0 $0x1C04  }
0xb2: {  	[timem:s3], [sflag:s2] =	dma.local @!p0 [hbm:s0], s1  }
0xb3: {  	s0 =	simm.s32 @!p0 $0x4  }
0xb4: {  	_ =	swait.ge @!p0 [sflag:s0], s1  }
0xb5: {  	s1 =	ssub.s32 @!p0 $0x0, s1;
	[sflag:s0] =	ssyncset.done @!p0 $0x0  }
0xb6: {  	[sflag:s0] =	ssyncadd.s32 @!p0 s1  }
0xb7: {  	[bflag:$0x3] =	sbarrier.arrive $0xFFFF  }
0xb8: {  	_ =	shalt  }

// kernel: kernel.17.cloned.1.call-start
scs
__scs_entry_jumppad:
0x0: {  	(pc) =	sbr.rel $0x88, $3  }
0x1: {  	(tag) =	ssettag $0x0;
	lr =	simm.s32 $0x1  }
0x2: {  	[smem:$0x3F8A] =	sst lr;
	_ =	strace $0xD0000000  }
0x3: {  	_ = 	snop  }
0x4: {  	_ = 	snop  }
0x5: {  	_ = 	snop  }
0x6: {  	_ = 	snop  }
0x7: {  	_ = 	snop  }
__scs_overlays_trampoline_lowered:
0x8: {  	[smem:$0x3F99] =	sst s0  }
0x9: {  	[smem:$0x3F9A] =	sst s1  }
0xa: {  	[smem:$0x3F9B] =	sst s2  }
0xb: {  	[smem:$0x3F9C] =	sst s3  }
0xc: {  	[smem:$0x3F9D] =	sst s4  }
0xd: {  	[smem:$0x3F9E] =	sst s5  }
0xe: {  	[smem:$0x3F9F] =	sst s6  }
0xf: {  	[smem:$0x3FA0] =	sst s7  }
0x10: {  	[smem:$0x3FA1] =	sst s8  }
0x11: {  	[smem:$0x3FA2] =	sst s9;
	s0 =	simm.s32 @!p0 $0x0  }
0x12: {  	s1 =	sld [smem:$0x3F88];
	s0 =	simm.s32 @p0 $0x1  }
0x13: {  	[smem:$0x3FA3] =	sst s0;
	s0 =	simm.s32 @!p1 $0x0  }
0x14: {  	s2 =	sld [smem:$0x3F87];
	s0 =	simm.s32 @p1 $0x1  }
0x15: {  	[smem:$0x3FA4] =	sst s0;
	s0 =	simm.s32 @!p2 $0x0  }
0x16: {  	s3 =	sld [smem:$0x3FDB];
	s0 =	simm.s32 @p2 $0x1  }
0x17: {  	s4 =	simm.s32 $0x1BF5;
	[smem:$0x3FA6] =	sst s0  }
0x18: {  	s0 =	sld [smem:$0x3F89];
	_ =	swait.ge [sflag:s4], $0x0  }
0x19: {  	s7 =	sld [smem:$0x3F8A]  }
0x1a: {  	s8 =	sadd.s32 $0xFFFFE003, lr  }
0x1b: {  	s9 =	sadd.s32 $0xFFFFFEF7, lr;
	s5 =	simm.s32 $0xFFFFFFFF;
	p2 =	slt.u32 s8, $0xFFFFF086  }
0x1c: {  	p1 =	slt.u32 s9, $0xF7A;
	s5 =	simm.s32 @!p2 $0x0  }
0x1d: {  	s5 =	simm.s32 @p1 $0x1;
	p0 =	seq.s32 s7, s2  }
0x1e: {  	s7 =	smul.u32 @!p0 $0xF7A, s2;
	p2 =	seq.s32 @!p0 s5, $0x0  }
0x1f: {  	s9 =	smul.u32 $0xF7A, s1;
	s8 =	simm.s32 @!p0 $0x1BF5;
	p2 =	por !p2, p0  }
0x20: {  	[sflag:s8] =	ssyncset.s32 @!p0 $0xFFFFF086;
	s6 =	sadd.s32 @!p0 s3, s7;
	s7 =	simm.s32 @!p0 $0x108  }
0x21: {  	s3 =	sadd.s32 s3, s9;
	s6 =	sadd.s32 @!p0 $0x88, s6;
	s7 =	simm.s32 @p2 $0x1082  }
0x22: {  	[simem:s7], [sflag:s8] =	dma.local @!p0 [hbm:s6], $0xF7A  }
0x23: {  	s9 =	sor.u32 $0xD0000000, s2;
	s6 =	simm.s32 $0x108;
	_ =	swait.ge @!p0 [sflag:s8], $0x0  }
0x24: {  	s3 =	sadd.s32 $0x88, s3;
	s6 =	simm.s32 @!p1 $0x1082;
	[sflag:s4] =	ssyncset.s32 $0xFFFFF086  }
0x25: {  	[simem:s6], [sflag:s4] =	dma.local [hbm:s3], $0xF7A  }
0x26: {  	[smem:$0x3F8A] =	sst s1;
	(tag) =	ssettag s2;
	_ =	strace s9  }
0x27: {  	s1 =	sld [smem:$0x3F9A]  }
0x28: {  	s2 =	sld [smem:$0x3F9B]  }
0x29: {  	s4 =	sld [smem:$0x3F9D]  }
0x2a: {  	p0 =	seq.s32 s5, $0x0;
	s5 =	sld [smem:$0x3F9E]  }
0x2b: {  	s6 =	sld [smem:$0x3F9F]  }
0x2c: {  	s7 =	sld [smem:$0x3FA0]  }
0x2d: {  	s3 =	simm.s32 $0x108;
	s8 =	sld [smem:$0x3FA1]  }
0x2e: {  	s3 =	simm.s32 @!p0 $0x1082;
	s9 =	sld [smem:$0x3FA2]  }
0x2f: {  	lr =	sadd.s32 s0, s3;
	s0 =	sld [smem:$0x3F99]  }
0x30: {  	s3 =	sld [smem:$0x3F9C]  }
0x31: {  	[smem:$0x3FA5] =	sst s10  }
0x32: {  	s10 =	sld [smem:$0x3FA3];
	_ =	sdelay $0x3  }
0x33: {  	p0 =	seq.s32 s10, $0x1;
	s10 =	sld [smem:$0x3FA5];
	_ =	sdelay $0x3  }
0x34: {  	[smem:$0x3FA5] =	sst s10  }
0x35: {  	s10 =	sld [smem:$0x3FA4];
	_ =	sdelay $0x3  }
0x36: {  	p1 =	seq.s32 s10, $0x1;
	s10 =	sld [smem:$0x3FA5];
	_ =	sdelay $0x3  }
0x37: {  	[smem:$0x3FA5] =	sst s10  }
0x38: {  	s10 =	sld [smem:$0x3FA6]  }
0x39: {  	_ = 	snop;
	(pc) =	sbr.ind lr, $3  }
0x3a: {  	_ = 	snop  }
0x3b: {  	_ = 	snop  }
0x3c: {  	p2 =	seq.s32 s10, $0x1;
	s10 =	sld [smem:$0x3FA5]  }
0x3d: {  	_ =	shalt  }
0x3e: {  	_ =	shalt  }
0x3f: {  	_ =	shalt  }
0x40: {  	_ =	shalt  }
0x41: {  	_ =	shalt  }
0x42: {  	_ =	shalt  }
0x43: {  	_ =	shalt  }
0x44: {  	_ =	shalt  }
0x45: {  	_ =	shalt  }
0x46: {  	_ =	shalt  }
0x47: {  	_ =	shalt  }
0x48: {  	_ =	shalt  }
0x49: {  	_ =	shalt  }
0x4a: {  	_ =	shalt  }
0x4b: {  	_ =	shalt  }
0x4c: {  	_ =	shalt  }
0x4d: {  	_ =	shalt  }
0x4e: {  	_ =	shalt  }
0x4f: {  	_ =	shalt  }
0x50: {  	_ =	shalt  }
0x51: {  	_ =	shalt  }
0x52: {  	_ =	shalt  }
0x53: {  	_ =	shalt  }
0x54: {  	_ =	shalt  }
0x55: {  	_ =	shalt  }
0x56: {  	_ =	shalt  }
0x57: {  	_ =	shalt  }
0x58: {  	_ =	shalt  }
0x59: {  	_ =	shalt  }
0x5a: {  	_ =	shalt  }
0x5b: {  	_ =	shalt  }
0x5c: {  	_ =	shalt  }
0x5d: {  	_ =	shalt  }
0x5e: {  	_ =	shalt  }
0x5f: {  	_ =	shalt  }
0x60: {  	_ =	shalt  }
0x61: {  	_ =	shalt  }
0x62: {  	_ =	shalt  }
0x63: {  	_ =	shalt  }
0x64: {  	_ =	shalt  }
0x65: {  	_ =	shalt  }
0x66: {  	_ =	shalt  }
0x67: {  	_ =	shalt  }
0x68: {  	_ =	shalt  }
0x69: {  	_ =	shalt  }
0x6a: {  	_ =	shalt  }
0x6b: {  	_ =	shalt  }
0x6c: {  	_ =	shalt  }
0x6d: {  	_ =	shalt  }
0x6e: {  	_ =	shalt  }
0x6f: {  	_ =	shalt  }
0x70: {  	_ =	shalt  }
0x71: {  	_ =	shalt  }
0x72: {  	_ =	shalt  }
0x73: {  	_ =	shalt  }
0x74: {  	_ =	shalt  }
0x75: {  	_ =	shalt  }
0x76: {  	_ =	shalt  }
0x77: {  	_ =	shalt  }
0x78: {  	_ =	shalt  }
0x79: {  	_ =	shalt  }
0x7a: {  	_ =	shalt  }
0x7b: {  	_ =	shalt  }
0x7c: {  	_ =	shalt  }
0x7d: {  	_ =	shalt  }
0x7e: {  	_ =	shalt  }
0x7f: {  	_ =	shalt  }
0x80: {  	_ =	shalt  }
0x81: {  	_ =	shalt  }
0x82: {  	_ =	shalt  }
0x83: {  	_ =	shalt  }
0x84: {  	_ =	shalt  }
0x85: {  	_ =	shalt  }
0x86: {  	_ =	shalt  }
0x87: {  	_ =	shalt  }
.Lfunc_end0:
.L_simem_size_0:
called_computation.2_lowered:
.L_overlay_start_0:
0x88: {  	s2 =	sld [smem:$0x3FD9]  }
0x89: {  	s3 =	sld [smem:$0x3FFE];
	_ =	sdelay $0x1  }
0x8a: {  	s1 =	srdreg.scid  }
0x8b: {  	s0 =	sand.u32 $0x1, s1  }
0x8c: {  	s16 =	sshll.u32 s0, $0xA;
	s2 =	sadd.s32 s3, s2  }
0x8d: {  	s2 =	sadd.s32 s2, s16  }
0x8e: {  	[smem:$0x3FB1] =	sst s2  }
0x8f: {  	_ = 	snop  }
0x90: {  	(tm) =	ssettm $0x1  }
0x91: {  	s17 =	sld [smem:$0x3FFB];
	_ =	sdelay $0x3  }
0x92: {  	_ =	strace s17  }
0x93: {  	s2 =	sld [smem:$0x3FFC];
	_ =	sdelay $0x3  }
0x94: {  	_ =	strace s2  }
0x95: {  	s2 =	sld [smem:$0x3FFD];
	_ =	sdelay $0x3  }
0x96: {  	_ =	strace s2  }
0x97: {  	_ =	strace $0x8FFFFFFF  }
0x98: {  	s18 =	sld [smem:$0x3FDB];
	_ =	sdelay $0x1  }
0x99: {  	s19 =	simm.s32 $_scs_section_size  }
0x9a: {  	s4 =	simm.s32 $_size__tile_overlayer_lowered;
	s5 =	simm.s32 $_tile_overlayer_lowered  }
0x9b: {  	s22 =	simm.s32 $0x1BFF;
	s21 =	sshll.u32 s5, $0x1;
	s2 =	sadd.s32 s19, s18  }
0x9c: {  	s6 =	simm.s32 $0x0;
	s20 =	sshll.u32 s4, $0x1;
	s4 =	sadd.s32 s21, s2  }
0x9d: {  	[timem:s6], [sflag:s22] =	dma.local [hbm:s4], s20  }
0x9e: {  	_ =	swait.ge [sflag:s22], s20  }
0x9f: {  	s3 =	ssub.s32 $0x0, s20;
	[sflag:s22] =	ssyncset.done $0x0  }
0xa0: {  	[sflag:s22] =	ssyncadd.s32 s3;
	_ =	sdelay $0x1  }
0xa1: {  	s23 =	simm.s32 $0x1B8B  }
0xa2: {  	_ =	swait.ge [sflag:s23], $0x1  }
0xa3: {  	[sflag:s23] =	ssyncset.done $0x0  }
0xa4: {  	s25 =	simm.s32 $0x1B8E;
	s24 =	sld [smem:$0x3FFE];
	[sflag:s23] =	ssyncadd.s32 $0xFFFFFFFF  }
0xa5: {  	s26 =	simm.s32 $execute0_lowered;
	[smem:$0x3FD2] =	sst s25  }
0xa6: {  	s4 =	sshll.u32 s26, $0x1;
	_ =	strace $0x8000004C;
	[dreg:$0x1] =	wrdreg $0xFFFFFFFF  }
0xa7: {  	s28 =	simm.s32 $_size_execute0_lowered;
	s2 =	sadd.s32 s2, s4;
	[dreg:$0x0] =	wrdreg $0x0  }
0xa8: {  	s4 =	sshll.u32 s28, $0x1;
	[dreg:$0x2] =	wrdreg s2  }
0xa9: {  	[dreg:$0x3] =	wrdreg s4  }
0xaa: {  	[dreg:$0x4] =	wrdreg $0xC0  }
0xab: {  	_ =	task [dreg:s6], $0x5FFFF  }
0xac: {  	[dreg:$0x1] =	wrdreg $0xFFFFFFFF  }
0xad: {  	[dreg:$0x0] =	wrdreg $0x60  }
0xae: {  	[dreg:$0x2] =	wrdreg s24  }
0xaf: {  	[dreg:$0x3] =	wrdreg $0x9  }
0xb0: {  	_ =	task.clear_ibuf [dreg:s6], $0x4FFFF;
	_ =	strace $0x9000004C  }
0xb1: {  	s29 =	simm.s32 $0x9;
	_ =	strace $0x8000004E  }
0xb2: {  	_ =	swait.ge [sflag:s29], $0x1  }
0xb3: {  	[sflag:s29] =	ssyncadd.s32 $0xFFFFFFFF  }
0xb4: {  	_ =	strace $0x9000004E  }
0xb5: {  	_ =	sfence  }
0xb6: {  	s30 =	sld [smem:$0x0];
	_ =	sdelay $0x2  }
0xb7: {  	s31 =	sshll.u32 s1, $0xD;
	s1 =	sshrl.u32 s1, $0x2  }
0xb8: {  	s3 =	sand.u32 $0x4000, s31;
	s1 =	sadd.s32 s1, s30  }
0xb9: {  	s0 =	sor.u32 s3, s0;
	s1 =	sshll.u32 s1, $0x11  }
0xba: {  	s0 =	sor.u32 s1, s0  }
0xbb: {  	s0 =	sadd.s32 $0x8F2B, s0  }
0xbc: {  	[sflag:s0] =	ssyncadd.remote.s32 $0x1  }
0xbd: {  	_ =	sfence.sel $0xFFFF  }
0xbe: {  	[dreg:$0x0] =	wrdreg $0xFFFFFFFF;
	(pc) =	sbr.abs _section_cstart, $3  }
0xbf: {  	[dreg:$0x1] =	wrdreg $0xFFFFFFFF  }
0xc0: {  	_ =	task.clear_ibuf [dreg:s6], $0x2FFFF;
	_ =	strace $0x9FFFFFFF  }
0xc1: {  	(tm) =	ssettm $0x7FFFFFFF  }
tec
execute0_lowered:
.L_overlay_start_1:
0x0: {  	(tag) =	ssettag $0x1  }
0x1: {  	s1 =	srdreg.scid;
	s0 =	stileid.u32  }
0x2: {  	s20 =	sand.u32 $0x1, s1;
	s30 =	sshll.u32 s0, $0x1  }
0x3: {  	s12 =	sor.u32 s20, s30  }
0x4: {  	s3 =	smul.u32 $0x271, s12  }
0x5: {  	s9 =	rddreg [dreg:$0x0];
	s2 =	simm.s32 $0x0  }
0x6: {  	s4 =	simm.s32 $0x5;
	[smem:$0x7FF] =	sst s2;
	s3 =	sadd.s32 s3, s9  }
0x7: {  	s1 =	rddreg [dreg:$0x1];
	_ =	strace $0x8000004D;
	s3 =	sadd.s32 $0x30800, s3  }
0x8: {  	[tilespmem:s2], [sflag:$0x5] =	stream.linear.gather [hbm4b:s3+s2], $0x1388, $0x38;
	[tilespmem:$0x10D88] =	vst v63  }
0x9: {  	_ =	swait.ge [sflag:s4], $0x1388  }
0xa: {  	s6 =	simm.s32 $0x3E8;
	s7 =	simm.s32 $0x1388;
	[sflag:s4] =	ssyncset.done $0x0  }
0xb: {  	s8 =	simm.s32 $0x1;
	s5 =	sadd.s32 $0x62800, s9;
	[sflag:s4] =	ssyncadd.s32 $0xFFFFEC78  }
0xc: {  	[tilespmem:s7], [sflag:$0x1] =	stream.indirect.gather [hbm4b:s5+s6], $0x20, s2, s6, $0xb8;
	[tilespmem:$0x10D88] =	vst v63  }
0xd: {  	_ =	swait.ge [sflag:s8], $0x7D00  }
0xe: {  	s13 =	sadd.s32 $0x6C800, s9;
	[sflag:s8] =	ssyncset.done $0x0  }
0xf: {  	s10 =	smul.u32 $0x4E20, s12;
	s9 =	simm.s32 $0x9088;
	[sflag:s8] =	ssyncadd.s32 $0xFFFF8300  }
0x10: {  	[tilespmem:s9], [sflag:$0x2] =	stream.indirect.gather [hbm4b:s5+s6], $0x20, s6, s6, $0xb8;
	[tilespmem:$0x10D88] =	vst v63  }
0x11: {  	s11 =	simm.s32 $0x2;
	s10 =	sadd.s32 s13, s10  }
0x12: {  	[hbm4b:s10+s2] =	stream.linear.scatter [tilespmem:s7], [sflag:$0x3], $0x7D00, $0x38;
	[tilespmem:$0x10D88] =	vst v63  }
0x13: {  	_ =	swait.ge [sflag:s11], $0x7D00  }
0x14: {  	[sflag:s11] =	ssyncset.done $0x0  }
0x15: {  	s14 =	smul.u32 $0x27100, s12;
	s12 =	simm.s32 $0x3;
	[sflag:s11] =	ssyncadd.s32 $0xFFFF8300  }
0x16: {  	_ =	swait.ge [sflag:s12], $0x7D00  }
0x17: {  	s14 =	sshrl.u32 s14, $0x3;
	[sflag:s12] =	ssyncset.done $0x0  }
0x18: {  	s21 =	sadd.s32 s13, s14;
	s13 =	simm.s32 $0x7D0;
	[sflag:s12] =	ssyncadd.s32 $0xFFFF8300  }
0x19: {  	[tilespmem:s7], [sflag:$0x1] =	stream.indirect.gather [hbm4b:s5+s6], $0x20, s13, s6, $0xb8;
	[tilespmem:$0x10D88] =	vst v63  }
0x1a: {  	s14 =	sadd.s32 $0xFA0, s21  }
0x1b: {  	[hbm4b:s14+s2] =	stream.linear.scatter [tilespmem:s9], [sflag:$0x4], $0x7D00, $0x38;
	[tilespmem:$0x10D88] =	vst v63  }
0x1c: {  	_ =	swait.ge [sflag:s8], $0x7D00  }
0x1d: {  	[sflag:s8] =	ssyncset.done $0x0  }
0x1e: {  	s15 =	simm.s32 $0x4;
	[sflag:s8] =	ssyncadd.s32 $0xFFFF8300  }
0x1f: {  	_ =	swait.ge [sflag:s15], $0x7D00  }
0x20: {  	[sflag:s15] =	ssyncset.done $0x0  }
0x21: {  	s16 =	simm.s32 $0xBB8;
	[sflag:s15] =	ssyncadd.s32 $0xFFFF8300  }
0x22: {  	[tilespmem:s9], [sflag:$0x2] =	stream.indirect.gather [hbm4b:s5+s6], $0x20, s16, s6, $0xb8;
	[tilespmem:$0x10D88] =	vst v63  }
0x23: {  	s17 =	sadd.s32 $0x1F40, s21  }
0x24: {  	[hbm4b:s17+s2] =	stream.linear.scatter [tilespmem:s7], [sflag:$0x3], $0x7D00, $0x38;
	[tilespmem:$0x10D88] =	vst v63  }
0x25: {  	_ =	swait.ge [sflag:s11], $0x7D00  }
0x26: {  	[sflag:s11] =	ssyncset.done $0x0  }
0x27: {  	[sflag:s11] =	ssyncadd.s32 $0xFFFF8300  }
0x28: {  	_ =	swait.ge [sflag:s12], $0x7D00  }
0x29: {  	[sflag:s12] =	ssyncset.done $0x0  }
0x2a: {  	s18 =	simm.s32 $0xFA0;
	[sflag:s12] =	ssyncadd.s32 $0xFFFF8300  }
0x2b: {  	[tilespmem:s7], [sflag:$0x1] =	stream.indirect.gather [hbm4b:s5+s6], $0x20, s18, s6, $0xb8;
	[tilespmem:$0x10D88] =	vst v63  }
0x2c: {  	s20 =	ssub.s32 $0x2, s20;
	s19 =	sadd.s32 $0x2EE0, s21  }
0x2d: {  	[hbm4b:s19+s2] =	stream.linear.scatter [tilespmem:s9], [sflag:$0x4], $0x7D00, $0x38;
	[tilespmem:$0x10D88] =	vst v63  }
0x2e: {  	s22 =	sshrl.u32 s20, $0x1;
	_ =	swait.ge [sflag:s8], $0x7D00  }
0x2f: {  	s22 =	ssub.s32 s20, s22;
	[sflag:s8] =	ssyncset.done $0x0  }
0x30: {  	s31 =	smax.u32 s22, $0x1;
	[sflag:s8] =	ssyncadd.s32 $0xFFFF8300  }
0x31: {  	p0 =	sne.s32 s31, $0x1;
	_ =	swait.ge [sflag:s15], $0x7D00  }
.Ltmp0:
0x32: {  	[sflag:s15] =	ssyncset.done $0x0;
	(pc) =	sbr.rel @!p0 .LBB2_2-.Ltmp0, $4  }
0x33: {  	s20 =	sadd.s32 $0x3E80, s21;
	[sflag:s15] =	ssyncadd.s32 $0xFFFF8300  }
0x34: {  	[hbm4b:s20+s2] =	stream.linear.scatter [tilespmem:s7], [sflag:$0x3], $0x7D00, $0x38;
	[tilespmem:$0x10D88] =	vst v63  }
0x35: {  	_ =	swait.ge [sflag:s12], $0x7D00  }
0x36: {  	s21 =	sadd.s32 $0xFFFFFFFF, s31;
	[sflag:s12] =	ssyncset.done $0x0  }
.LBB2_1:
0x37: {  	p0 =	sne.s32 s21, $0x1;
	s21 =	sadd.s32 $0xFFFFFFFF, s21;
	[sflag:s12] =	ssyncadd.s32 $0xFFFF8300  }
0x38: {  	[tilespmem:s2], [sflag:$0x5] =	stream.linear.gather [hbm4b:s3+s2], $0x1388, $0x38;
	[tilespmem:$0x10D88] =	vst v63  }
0x39: {  	_ =	swait.ge [sflag:s4], $0x1388  }
0x3a: {  	[sflag:s4] =	ssyncset.done $0x0  }
0x3b: {  	[sflag:s4] =	ssyncadd.s32 $0xFFFFEC78  }
0x3c: {  	[tilespmem:s7], [sflag:$0x1] =	stream.indirect.gather [hbm4b:s5+s6], $0x20, s2, s6, $0xb8;
	[tilespmem:$0x10D88] =	vst v63  }
0x3d: {  	_ =	swait.ge [sflag:s8], $0x7D00  }
0x3e: {  	[sflag:s8] =	ssyncset.done $0x0  }
0x3f: {  	[sflag:s8] =	ssyncadd.s32 $0xFFFF8300  }
0x40: {  	[tilespmem:s9], [sflag:$0x2] =	stream.indirect.gather [hbm4b:s5+s6], $0x20, s6, s6, $0xb8;
	[tilespmem:$0x10D88] =	vst v63  }
0x41: {  	_ = 	snop  }
0x42: {  	[hbm4b:s10+s2] =	stream.linear.scatter [tilespmem:s7], [sflag:$0x3], $0x7D00, $0x38;
	[tilespmem:$0x10D88] =	vst v63  }
0x43: {  	_ =	swait.ge [sflag:s11], $0x7D00  }
0x44: {  	[sflag:s11] =	ssyncset.done $0x0  }
0x45: {  	[sflag:s11] =	ssyncadd.s32 $0xFFFF8300  }
0x46: {  	_ =	swait.ge [sflag:s12], $0x7D00  }
0x47: {  	[sflag:s12] =	ssyncset.done $0x0  }
0x48: {  	[sflag:s12] =	ssyncadd.s32 $0xFFFF8300  }
0x49: {  	[tilespmem:s7], [sflag:$0x1] =	stream.indirect.gather [hbm4b:s5+s6], $0x20, s13, s6, $0xb8;
	[tilespmem:$0x10D88] =	vst v63  }
0x4a: {  	_ = 	snop  }
0x4b: {  	[hbm4b:s14+s2] =	stream.linear.scatter [tilespmem:s9], [sflag:$0x4], $0x7D00, $0x38;
	[tilespmem:$0x10D88] =	vst v63  }
0x4c: {  	_ =	swait.ge [sflag:s8], $0x7D00  }
0x4d: {  	[sflag:s8] =	ssyncset.done $0x0  }
0x4e: {  	[sflag:s8] =	ssyncadd.s32 $0xFFFF8300  }
0x4f: {  	_ =	swait.ge [sflag:s15], $0x7D00  }
0x50: {  	[sflag:s15] =	ssyncset.done $0x0  }
0x51: {  	[sflag:s15] =	ssyncadd.s32 $0xFFFF8300  }
0x52: {  	[tilespmem:s9], [sflag:$0x2] =	stream.indirect.gather [hbm4b:s5+s6], $0x20, s16, s6, $0xb8;
	[tilespmem:$0x10D88] =	vst v63  }
0x53: {  	_ = 	snop  }
0x54: {  	[hbm4b:s17+s2] =	stream.linear.scatter [tilespmem:s7], [sflag:$0x3], $0x7D00, $0x38;
	[tilespmem:$0x10D88] =	vst v63  }
0x55: {  	_ =	swait.ge [sflag:s11], $0x7D00  }
0x56: {  	[sflag:s11] =	ssyncset.done $0x0  }
0x57: {  	[sflag:s11] =	ssyncadd.s32 $0xFFFF8300  }
0x58: {  	_ =	swait.ge [sflag:s12], $0x7D00  }
0x59: {  	[sflag:s12] =	ssyncset.done $0x0  }
0x5a: {  	[sflag:s12] =	ssyncadd.s32 $0xFFFF8300  }
0x5b: {  	[tilespmem:s7], [sflag:$0x1] =	stream.indirect.gather [hbm4b:s5+s6], $0x20, s18, s6, $0xb8;
	[tilespmem:$0x10D88] =	vst v63  }
0x5c: {  	_ = 	snop  }
0x5d: {  	[hbm4b:s19+s2] =	stream.linear.scatter [tilespmem:s9], [sflag:$0x4], $0x7D00, $0x38;
	[tilespmem:$0x10D88] =	vst v63  }
0x5e: {  	_ =	swait.ge [sflag:s8], $0x7D00  }
0x5f: {  	[sflag:s8] =	ssyncset.done $0x0  }
0x60: {  	[sflag:s8] =	ssyncadd.s32 $0xFFFF8300  }
0x61: {  	_ =	swait.ge [sflag:s15], $0x7D00  }
.Ltmp1:
0x62: {  	[sflag:s15] =	ssyncset.done $0x0;
	(pc) =	sbr.rel @p0 .LBB2_1-.Ltmp1, $4  }
0x63: {  	[sflag:s15] =	ssyncadd.s32 $0xFFFF8300  }
0x64: {  	[hbm4b:s20+s2] =	stream.linear.scatter [tilespmem:s7], [sflag:$0x3], $0x7D00, $0x38;
	[tilespmem:$0x10D88] =	vst v63  }
0x65: {  	_ =	swait.ge [sflag:s12], $0x7D00  }
0x66: {  	[sflag:s12] =	ssyncset.done $0x0  }
.LBB2_2:
0x67: {  	[sflag:s12] =	ssyncadd.s32 $0xFFFF8300  }
0x68: {  	_ =	sfence.sel $0x180000  }
0x69: {  	[bflag:$0x0] =	sbarrier.arrive $0xFFFF  }
0x6a: {  	p0 =	sne.s32 s0, $0x0;
	_ =	strace $0x9000004D  }
0x6b: {  	s0 =	sadd.s32 @!p0 $0x100000, s1;
	[bflag:$0x2] =	sbarrier.arrive $0xFFFF  }
0x6c: {  	[sflag:s0] =	ssyncadd.tile.s32 @!p0 $0x1;
	_ =	shalt  }
.Lfunc_end2:
_tile_overlayer_lowered:
.L_overlay_start_2:
0x6d: {  	(tag) =	ssettag $0x2  }
0x6e: {  	s0 =	rddreg [dreg:$0x0];
	s2 =	stileid.u32  }
0x6f: {  	s1 =	rddreg [dreg:$0x1];
	p0 =	sne.s32 s2, $0x0  }
0x70: {  	s3 =	rddreg [dreg:$0x2];
	[bflag:$0x3] =	sbarrier.arrive $0xFFFF;
	s2 =	simm.s32 @!p0 $0x1C05  }
0x71: {  	[timem:s3], [sflag:s2] =	dma.local @!p0 [hbm:s0], s1  }
0x72: {  	s0 =	simm.s32 @!p0 $0x5  }
0x73: {  	_ =	swait.ge @!p0 [sflag:s0], s1  }
0x74: {  	s1 =	ssub.s32 @!p0 $0x0, s1;
	[sflag:s0] =	ssyncset.done @!p0 $0x0  }
0x75: {  	[sflag:s0] =	ssyncadd.s32 @!p0 s1  }
0x76: {  	[bflag:$0x3] =	sbarrier.arrive $0xFFFF  }
0x77: {  	_ =	shalt  }

// kernel: kernel.20.cloned.1.call-start
scs
__scs_entry_jumppad:
0x0: {  	(pc) =	sbr.rel $0x88, $3  }
0x1: {  	(tag) =	ssettag $0x0;
	lr =	simm.s32 $0x1  }
0x2: {  	[smem:$0x3F8A] =	sst lr;
	_ =	strace $0xD0000000  }
0x3: {  	_ = 	snop  }
0x4: {  	_ = 	snop  }
0x5: {  	_ = 	snop  }
0x6: {  	_ = 	snop  }
0x7: {  	_ = 	snop  }
__scs_overlays_trampoline_lowered:
0x8: {  	[smem:$0x3F99] =	sst s0  }
0x9: {  	[smem:$0x3F9A] =	sst s1  }
0xa: {  	[smem:$0x3F9B] =	sst s2  }
0xb: {  	[smem:$0x3F9C] =	sst s3  }
0xc: {  	[smem:$0x3F9D] =	sst s4  }
0xd: {  	[smem:$0x3F9E] =	sst s5  }
0xe: {  	[smem:$0x3F9F] =	sst s6  }
0xf: {  	[smem:$0x3FA0] =	sst s7  }
0x10: {  	[smem:$0x3FA1] =	sst s8  }
0x11: {  	[smem:$0x3FA2] =	sst s9;
	s0 =	simm.s32 @!p0 $0x0  }
0x12: {  	s1 =	sld [smem:$0x3F88];
	s0 =	simm.s32 @p0 $0x1  }
0x13: {  	[smem:$0x3FA3] =	sst s0;
	s0 =	simm.s32 @!p1 $0x0  }
0x14: {  	s2 =	sld [smem:$0x3F87];
	s0 =	simm.s32 @p1 $0x1  }
0x15: {  	[smem:$0x3FA4] =	sst s0;
	s0 =	simm.s32 @!p2 $0x0  }
0x16: {  	s3 =	sld [smem:$0x3FDB];
	s0 =	simm.s32 @p2 $0x1  }
0x17: {  	s4 =	simm.s32 $0x1BF5;
	[smem:$0x3FA6] =	sst s0  }
0x18: {  	s0 =	sld [smem:$0x3F89];
	_ =	swait.ge [sflag:s4], $0x0  }
0x19: {  	s7 =	sld [smem:$0x3F8A]  }
0x1a: {  	s8 =	sadd.s32 $0xFFFFE003, lr  }
0x1b: {  	s9 =	sadd.s32 $0xFFFFFEF7, lr;
	s5 =	simm.s32 $0xFFFFFFFF;
	p2 =	slt.u32 s8, $0xFFFFF086  }
0x1c: {  	p1 =	slt.u32 s9, $0xF7A;
	s5 =	simm.s32 @!p2 $0x0  }
0x1d: {  	s5 =	simm.s32 @p1 $0x1;
	p0 =	seq.s32 s7, s2  }
0x1e: {  	s7 =	smul.u32 @!p0 $0xF7A, s2;
	p2 =	seq.s32 @!p0 s5, $0x0  }
0x1f: {  	s9 =	smul.u32 $0xF7A, s1;
	s8 =	simm.s32 @!p0 $0x1BF5;
	p2 =	por !p2, p0  }
0x20: {  	[sflag:s8] =	ssyncset.s32 @!p0 $0xFFFFF086;
	s6 =	sadd.s32 @!p0 s3, s7;
	s7 =	simm.s32 @!p0 $0x108  }
0x21: {  	s3 =	sadd.s32 s3, s9;
	s6 =	sadd.s32 @!p0 $0x88, s6;
	s7 =	simm.s32 @p2 $0x1082  }
0x22: {  	[simem:s7], [sflag:s8] =	dma.local @!p0 [hbm:s6], $0xF7A  }
0x23: {  	s9 =	sor.u32 $0xD0000000, s2;
	s6 =	simm.s32 $0x108;
	_ =	swait.ge @!p0 [sflag:s8], $0x0  }
0x24: {  	s3 =	sadd.s32 $0x88, s3;
	s6 =	simm.s32 @!p1 $0x1082;
	[sflag:s4] =	ssyncset.s32 $0xFFFFF086  }
0x25: {  	[simem:s6], [sflag:s4] =	dma.local [hbm:s3], $0xF7A  }
0x26: {  	[smem:$0x3F8A] =	sst s1;
	(tag) =	ssettag s2;
	_ =	strace s9  }
0x27: {  	s1 =	sld [smem:$0x3F9A]  }
0x28: {  	s2 =	sld [smem:$0x3F9B]  }
0x29: {  	s4 =	sld [smem:$0x3F9D]  }
0x2a: {  	p0 =	seq.s32 s5, $0x0;
	s5 =	sld [smem:$0x3F9E]  }
0x2b: {  	s6 =	sld [smem:$0x3F9F]  }
0x2c: {  	s7 =	sld [smem:$0x3FA0]  }
0x2d: {  	s3 =	simm.s32 $0x108;
	s8 =	sld [smem:$0x3FA1]  }
0x2e: {  	s3 =	simm.s32 @!p0 $0x1082;
	s9 =	sld [smem:$0x3FA2]  }
0x2f: {  	lr =	sadd.s32 s0, s3;
	s0 =	sld [smem:$0x3F99]  }
0x30: {  	s3 =	sld [smem:$0x3F9C]  }
0x31: {  	[smem:$0x3FA5] =	sst s10  }
0x32: {  	s10 =	sld [smem:$0x3FA3];
	_ =	sdelay $0x3  }
0x33: {  	p0 =	seq.s32 s10, $0x1;
	s10 =	sld [smem:$0x3FA5];
	_ =	sdelay $0x3  }
0x34: {  	[smem:$0x3FA5] =	sst s10  }
0x35: {  	s10 =	sld [smem:$0x3FA4];
	_ =	sdelay $0x3  }
0x36: {  	p1 =	seq.s32 s10, $0x1;
	s10 =	sld [smem:$0x3FA5];
	_ =	sdelay $0x3  }
0x37: {  	[smem:$0x3FA5] =	sst s10  }
0x38: {  	s10 =	sld [smem:$0x3FA6]  }
0x39: {  	_ = 	snop;
	(pc) =	sbr.ind lr, $3  }
0x3a: {  	_ = 	snop  }
0x3b: {  	_ = 	snop  }
0x3c: {  	p2 =	seq.s32 s10, $0x1;
	s10 =	sld [smem:$0x3FA5]  }
0x3d: {  	_ =	shalt  }
0x3e: {  	_ =	shalt  }
0x3f: {  	_ =	shalt  }
0x40: {  	_ =	shalt  }
0x41: {  	_ =	shalt  }
0x42: {  	_ =	shalt  }
0x43: {  	_ =	shalt  }
0x44: {  	_ =	shalt  }
0x45: {  	_ =	shalt  }
0x46: {  	_ =	shalt  }
0x47: {  	_ =	shalt  }
0x48: {  	_ =	shalt  }
0x49: {  	_ =	shalt  }
0x4a: {  	_ =	shalt  }
0x4b: {  	_ =	shalt  }
0x4c: {  	_ =	shalt  }
0x4d: {  	_ =	shalt  }
0x4e: {  	_ =	shalt  }
0x4f: {  	_ =	shalt  }
0x50: {  	_ =	shalt  }
0x51: {  	_ =	shalt  }
0x52: {  	_ =	shalt  }
0x53: {  	_ =	shalt  }
0x54: {  	_ =	shalt  }
0x55: {  	_ =	shalt  }
0x56: {  	_ =	shalt  }
0x57: {  	_ =	shalt  }
0x58: {  	_ =	shalt  }
0x59: {  	_ =	shalt  }
0x5a: {  	_ =	shalt  }
0x5b: {  	_ =	shalt  }
0x5c: {  	_ =	shalt  }
0x5d: {  	_ =	shalt  }
0x5e: {  	_ =	shalt  }
0x5f: {  	_ =	shalt  }
0x60: {  	_ =	shalt  }
0x61: {  	_ =	shalt  }
0x62: {  	_ =	shalt  }
0x63: {  	_ =	shalt  }
0x64: {  	_ =	shalt  }
0x65: {  	_ =	shalt  }
0x66: {  	_ =	shalt  }
0x67: {  	_ =	shalt  }
0x68: {  	_ =	shalt  }
0x69: {  	_ =	shalt  }
0x6a: {  	_ =	shalt  }
0x6b: {  	_ =	shalt  }
0x6c: {  	_ =	shalt  }
0x6d: {  	_ =	shalt  }
0x6e: {  	_ =	shalt  }
0x6f: {  	_ =	shalt  }
0x70: {  	_ =	shalt  }
0x71: {  	_ =	shalt  }
0x72: {  	_ =	shalt  }
0x73: {  	_ =	shalt  }
0x74: {  	_ =	shalt  }
0x75: {  	_ =	shalt  }
0x76: {  	_ =	shalt  }
0x77: {  	_ =	shalt  }
0x78: {  	_ =	shalt  }
0x79: {  	_ =	shalt  }
0x7a: {  	_ =	shalt  }
0x7b: {  	_ =	shalt  }
0x7c: {  	_ =	shalt  }
0x7d: {  	_ =	shalt  }
0x7e: {  	_ =	shalt  }
0x7f: {  	_ =	shalt  }
0x80: {  	_ =	shalt  }
0x81: {  	_ =	shalt  }
0x82: {  	_ =	shalt  }
0x83: {  	_ =	shalt  }
0x84: {  	_ =	shalt  }
0x85: {  	_ =	shalt  }
0x86: {  	_ =	shalt  }
0x87: {  	_ =	shalt  }
.Lfunc_end0:
.L_simem_size_0:
called_computation.3_lowered:
.L_overlay_start_0:
0x88: {  	s2 =	sld [smem:$0x3FD9]  }
0x89: {  	s3 =	sld [smem:$0x3FFE];
	_ =	sdelay $0x1  }
0x8a: {  	s1 =	srdreg.scid  }
0x8b: {  	s0 =	sand.u32 $0x1, s1  }
0x8c: {  	s16 =	sshll.u32 s0, $0xA;
	s2 =	sadd.s32 s3, s2  }
0x8d: {  	s2 =	sadd.s32 s2, s16  }
0x8e: {  	[smem:$0x3FB1] =	sst s2  }
0x8f: {  	_ = 	snop  }
0x90: {  	(tm) =	ssettm $0x1  }
0x91: {  	s17 =	sld [smem:$0x3FFB];
	_ =	sdelay $0x3  }
0x92: {  	_ =	strace s17  }
0x93: {  	s2 =	sld [smem:$0x3FFC];
	_ =	sdelay $0x3  }
0x94: {  	_ =	strace s2  }
0x95: {  	s2 =	sld [smem:$0x3FFD];
	_ =	sdelay $0x3  }
0x96: {  	_ =	strace s2  }
0x97: {  	_ =	strace $0x8FFFFFFF  }
0x98: {  	s18 =	sld [smem:$0x3FDB];
	_ =	sdelay $0x1  }
0x99: {  	s19 =	simm.s32 $_scs_section_size  }
0x9a: {  	s4 =	simm.s32 $_size__tile_overlayer_lowered;
	s5 =	simm.s32 $_tile_overlayer_lowered  }
0x9b: {  	s22 =	simm.s32 $0x1BFF;
	s21 =	sshll.u32 s5, $0x1;
	s2 =	sadd.s32 s19, s18  }
0x9c: {  	s6 =	simm.s32 $0x0;
	s20 =	sshll.u32 s4, $0x1;
	s4 =	sadd.s32 s21, s2  }
0x9d: {  	[timem:s6], [sflag:s22] =	dma.local [hbm:s4], s20  }
0x9e: {  	_ =	swait.ge [sflag:s22], s20  }
0x9f: {  	s3 =	ssub.s32 $0x0, s20;
	[sflag:s22] =	ssyncset.done $0x0  }
0xa0: {  	[sflag:s22] =	ssyncadd.s32 s3;
	_ =	sdelay $0x1  }
0xa1: {  	s23 =	simm.s32 $0x1B8B  }
0xa2: {  	_ =	swait.ge [sflag:s23], $0x1  }
0xa3: {  	[sflag:s23] =	ssyncset.done $0x0  }
0xa4: {  	s25 =	simm.s32 $0x1B8E;
	s24 =	sld [smem:$0x3FFE];
	[sflag:s23] =	ssyncadd.s32 $0xFFFFFFFF  }
0xa5: {  	s26 =	simm.s32 $execute0_lowered;
	[smem:$0x3FD2] =	sst s25  }
0xa6: {  	s4 =	sshll.u32 s26, $0x1;
	_ =	strace $0x8000004F;
	[dreg:$0x1] =	wrdreg $0xFFFFFFFF  }
0xa7: {  	s28 =	simm.s32 $_size_execute0_lowered;
	s2 =	sadd.s32 s2, s4;
	[dreg:$0x0] =	wrdreg $0x0  }
0xa8: {  	s4 =	sshll.u32 s28, $0x1;
	[dreg:$0x2] =	wrdreg s2  }
0xa9: {  	[dreg:$0x3] =	wrdreg s4  }
0xaa: {  	[dreg:$0x4] =	wrdreg $0xC0  }
0xab: {  	_ =	task [dreg:s6], $0x5FFFF  }
0xac: {  	[dreg:$0x1] =	wrdreg $0xFFFFFFFF  }
0xad: {  	[dreg:$0x0] =	wrdreg $0x60  }
0xae: {  	[dreg:$0x2] =	wrdreg s24  }
0xaf: {  	[dreg:$0x3] =	wrdreg $0xFDE80  }
0xb0: {  	[dreg:$0x4] =	wrdreg $0x9  }
0xb1: {  	_ =	task.clear_ibuf [dreg:s6], $0x5FFFF;
	_ =	strace $0x9000004F  }
0xb2: {  	s29 =	simm.s32 $0x9;
	_ =	strace $0x80000051  }
0xb3: {  	_ =	swait.ge [sflag:s29], $0x1  }
0xb4: {  	[sflag:s29] =	ssyncadd.s32 $0xFFFFFFFF  }
0xb5: {  	_ =	strace $0x90000051  }
0xb6: {  	_ =	sfence  }
0xb7: {  	s30 =	sld [smem:$0x0];
	_ =	sdelay $0x2  }
0xb8: {  	s31 =	sshll.u32 s1, $0xD;
	s1 =	sshrl.u32 s1, $0x2  }
0xb9: {  	s3 =	sand.u32 $0x4000, s31;
	s1 =	sadd.s32 s1, s30  }
0xba: {  	s0 =	sor.u32 s3, s0;
	s1 =	sshll.u32 s1, $0x11  }
0xbb: {  	s0 =	sor.u32 s1, s0  }
0xbc: {  	s0 =	sadd.s32 $0x8F2B, s0  }
0xbd: {  	[sflag:s0] =	ssyncadd.remote.s32 $0x1  }
0xbe: {  	_ =	sfence.sel $0xFFFF  }
0xbf: {  	[dreg:$0x0] =	wrdreg $0xFFFFFFFF;
	(pc) =	sbr.abs _section_cstart, $3  }
0xc0: {  	[dreg:$0x1] =	wrdreg $0xFFFFFFFF  }
0xc1: {  	_ =	task.clear_ibuf [dreg:s6], $0x2FFFF;
	_ =	strace $0x9FFFFFFF  }
0xc2: {  	(tm) =	ssettm $0x7FFFFFFF  }
0xc3: {  	_ =	shalt  }
tec
execute0_lowered:
.L_overlay_start_1:
0x0: {  	(tag) =	ssettag $0x1  }
0x1: {  	s21 =	rddreg [dreg:$0x0]  }
0x2: {  	s2 =	rddreg [dreg:$0x1]  }
0x3: {  	s0 =	rddreg [dreg:$0x2];
	s3 =	simm.s32 $0x0;
	s1 =	stileid.u32  }
0x4: {  	s4 =	srdreg.scid;
	[smem:$0x7FF] =	sst s3  }
0x5: {  	s24 =	smul.u32 $0xA000, s1;
	s22 =	sand.u32 $0x1, s4;
	s28 =	sshll.u32 s1, $0x1  }
0x6: {  	s20 =	sadd.s32 $0x62800, s21;
	s19 =	sadd.s32 $0x35800, s21;
	s7 =	sor.u32 s22, s28  }
0x7: {  	s23 =	sshll.u32 s1, $0x6;
	_ =	strace $0x80000050;
	s25 =	smul.u32 $0x1388, s7  }
0x8: {  	s5 =	sor.u32 $0x1C01, s23;
	s29 =	sshrl.u32 s24, $0x3;
	s8 =	sadd.s32 s24, s2  }
0x9: {  	s9 =	smul.u32 $0x9C40, s7;
	s4 =	sadd.s32 s29, s21;
	s6 =	sshrl.u32 s25, $0x3  }
0xa: {  	s7 =	sshrl.u32 s8, $0x3;
	s4 =	sadd.s32 $0x19B000, s4;
	s6 =	sadd.s32 s19, s6  }
0xb: {  	[spmem:s7], [sflag:s5] =	dma.local [hbm:s4], $0x1400  }
0xc: {  	[tilespmem:s3], [sflag:$0x2] =	stream.linear.gather [hbm4b:s6+s3], $0x3E8, $0x38;
	[tilespmem:$0x19DE8] =	vst v63  }
0xd: {  	s10 =	simm.s32 $0x1;
	s8 =	sadd.s32 s20, s9;
	s9 =	simm.s32 $0x3E8  }
0xe: {  	[tilespmem:s9], [sflag:$0x2] =	stream.linear.gather [hbm4b:s8+s3], $0xFA00, $0x38;
	[tilespmem:$0x19DE8] =	vst v63  }
0xf: {  	_ =	swait.ge [sflag:s10], $0x1400  }
0x10: {  	[sflag:s10] =	ssyncset.done $0x0  }
0x11: {  	[sflag:s10] =	ssyncadd.s32 $0xFFFFEC00  }
0x12: {  	s11 =	simm.s32 $0x2;
	[bflag:$0x0] =	sbarrier.arrive $0xFFFF  }
0x13: {  	_ =	swait.ge [sflag:s11], $0x3E8  }
0x14: {  	[sflag:s11] =	ssyncset.done $0x0  }
0x15: {  	[sflag:s11] =	ssyncadd.s32 $0xFFFFFC18  }
0x16: {  	_ =	swait.ge [sflag:s11], $0xFA00  }
0x17: {  	[sflag:s11] =	ssyncset.done $0x0  }
0x18: {  	s12 =	simm.s32 $0x3;
	[sflag:s11] =	ssyncadd.s32 $0xFFFF0600  }
0x19: {  	[spmem:s2] =	stream.indirect.scatter.add.f32 [tilespmem:s9], [sflag:$0x3], $0x40, s3, s9, $0xb8;
	[tilespmem:$0x19DE8] =	vst v63  }
0x1a: {  	s14 =	sadd.s32 $0x3E8, s25;
	_ =	swait.ge [sflag:s12], $0xFA00  }
0x1b: {  	s13 =	sshrl.u32 s14, $0x3;
	[sflag:s12] =	ssyncset.done $0x0  }
0x1c: {  	s14 =	sshll.u32 s14, $0x3;
	s13 =	sadd.s32 s19, s13;
	[sflag:s12] =	ssyncadd.s32 $0xFFFF0600  }
0x1d: {  	[tilespmem:s3], [sflag:$0x2] =	stream.linear.gather [hbm4b:s13+s3], $0x3E8, $0x38;
	[tilespmem:$0x19DE8] =	vst v63  }
0x1e: {  	s14 =	sadd.s32 s20, s14  }
0x1f: {  	[tilespmem:s9], [sflag:$0x2] =	stream.linear.gather [hbm4b:s14+s3], $0xFA00, $0x38;
	[tilespmem:$0x19DE8] =	vst v63  }
0x20: {  	_ =	swait.ge [sflag:s11], $0x3E8  }
0x21: {  	[sflag:s11] =	ssyncset.done $0x0  }
0x22: {  	[sflag:s11] =	ssyncadd.s32 $0xFFFFFC18  }
0x23: {  	_ =	swait.ge [sflag:s11], $0xFA00  }
0x24: {  	[sflag:s11] =	ssyncset.done $0x0  }
0x25: {  	[sflag:s11] =	ssyncadd.s32 $0xFFFF0600  }
0x26: {  	[spmem:s2] =	stream.indirect.scatter.add.f32 [tilespmem:s9], [sflag:$0x3], $0x40, s3, s9, $0xb8;
	[tilespmem:$0x19DE8] =	vst v63  }
0x27: {  	s16 =	sadd.s32 $0x7D0, s25;
	_ =	swait.ge [sflag:s12], $0xFA00  }
0x28: {  	s15 =	sshrl.u32 s16, $0x3;
	[sflag:s12] =	ssyncset.done $0x0  }
0x29: {  	s16 =	sshll.u32 s16, $0x3;
	s15 =	sadd.s32 s19, s15;
	[sflag:s12] =	ssyncadd.s32 $0xFFFF0600  }
0x2a: {  	[tilespmem:s3], [sflag:$0x2] =	stream.linear.gather [hbm4b:s15+s3], $0x3E8, $0x38;
	[tilespmem:$0x19DE8] =	vst v63  }
0x2b: {  	s16 =	sadd.s32 s20, s16  }
0x2c: {  	[tilespmem:s9], [sflag:$0x2] =	stream.linear.gather [hbm4b:s16+s3], $0xFA00, $0x38;
	[tilespmem:$0x19DE8] =	vst v63  }
0x2d: {  	_ =	swait.ge [sflag:s11], $0x3E8  }
0x2e: {  	[sflag:s11] =	ssyncset.done $0x0  }
0x2f: {  	[sflag:s11] =	ssyncadd.s32 $0xFFFFFC18  }
0x30: {  	_ =	swait.ge [sflag:s11], $0xFA00  }
0x31: {  	[sflag:s11] =	ssyncset.done $0x0  }
0x32: {  	[sflag:s11] =	ssyncadd.s32 $0xFFFF0600  }
0x33: {  	[spmem:s2] =	stream.indirect.scatter.add.f32 [tilespmem:s9], [sflag:$0x3], $0x40, s3, s9, $0xb8;
	[tilespmem:$0x19DE8] =	vst v63  }
0x34: {  	s18 =	sadd.s32 $0xBB8, s25;
	_ =	swait.ge [sflag:s12], $0xFA00  }
0x35: {  	s17 =	sshrl.u32 s18, $0x3;
	[sflag:s12] =	ssyncset.done $0x0  }
0x36: {  	s18 =	sshll.u32 s18, $0x3;
	s17 =	sadd.s32 s19, s17;
	[sflag:s12] =	ssyncadd.s32 $0xFFFF0600  }
0x37: {  	[tilespmem:s3], [sflag:$0x2] =	stream.linear.gather [hbm4b:s17+s3], $0x3E8, $0x38;
	[tilespmem:$0x19DE8] =	vst v63  }
0x38: {  	s18 =	sadd.s32 s20, s18  }
0x39: {  	[tilespmem:s9], [sflag:$0x2] =	stream.linear.gather [hbm4b:s18+s3], $0xFA00, $0x38;
	[tilespmem:$0x19DE8] =	vst v63  }
0x3a: {  	_ =	swait.ge [sflag:s11], $0x3E8  }
0x3b: {  	[sflag:s11] =	ssyncset.done $0x0  }
0x3c: {  	[sflag:s11] =	ssyncadd.s32 $0xFFFFFC18  }
0x3d: {  	_ =	swait.ge [sflag:s11], $0xFA00  }
0x3e: {  	[sflag:s11] =	ssyncset.done $0x0  }
0x3f: {  	[sflag:s11] =	ssyncadd.s32 $0xFFFF0600  }
0x40: {  	[spmem:s2] =	stream.indirect.scatter.add.f32 [tilespmem:s9], [sflag:$0x3], $0x40, s3, s9, $0xb8;
	[tilespmem:$0x19DE8] =	vst v63  }
0x41: {  	s25 =	sadd.s32 $0xFA0, s25;
	_ =	swait.ge [sflag:s12], $0xFA00  }
0x42: {  	s26 =	sshrl.u32 s25, $0x3;
	[sflag:s12] =	ssyncset.done $0x0  }
0x43: {  	s25 =	sshll.u32 s25, $0x3;
	s19 =	sadd.s32 s19, s26;
	[sflag:s12] =	ssyncadd.s32 $0xFFFF0600  }
0x44: {  	[tilespmem:s3], [sflag:$0x2] =	stream.linear.gather [hbm4b:s19+s3], $0x3E8, $0x38;
	[tilespmem:$0x19DE8] =	vst v63  }
0x45: {  	s20 =	sadd.s32 s20, s25  }
0x46: {  	[tilespmem:s9], [sflag:$0x2] =	stream.linear.gather [hbm4b:s20+s3], $0xFA00, $0x38;
	[tilespmem:$0x19DE8] =	vst v63  }
0x47: {  	_ =	swait.ge [sflag:s11], $0x3E8  }
0x48: {  	[sflag:s11] =	ssyncset.done $0x0  }
0x49: {  	s30 =	smul.u32 $0xA0000, s22;
	[sflag:s11] =	ssyncadd.s32 $0xFFFFFC18  }
0x4a: {  	s22 =	ssub.s32 $0x2, s22;
	_ =	swait.ge [sflag:s11], $0xFA00  }
0x4b: {  	s31 =	sshrl.u32 s22, $0x1;
	s24 =	sadd.s32 s24, s30;
	[sflag:s11] =	ssyncset.done $0x0  }
0x4c: {  	s22 =	ssub.s32 s22, s31;
	s24 =	sshrl.u32 s24, $0x3;
	[sflag:s11] =	ssyncadd.s32 $0xFFFF0600  }
0x4d: {  	[spmem:s2] =	stream.indirect.scatter.add.f32 [tilespmem:s9], [sflag:$0x3], $0x40, s3, s9, $0xb8;
	[tilespmem:$0x19DE8] =	vst v63  }
0x4e: {  	s21 =	sadd.s32 s24, s21;
	s24 =	smax.u32 s22, $0x1;
	_ =	swait.ge [sflag:s12], $0xFA00  }
0x4f: {  	p0 =	sne.s32 s24, $0x1;
	[sflag:s12] =	ssyncset.done $0x0  }
.Ltmp0:
0x50: {  	[sflag:s12] =	ssyncadd.s32 $0xFFFF0600;
	(pc) =	sbr.rel @!p0 .LBB2_2-.Ltmp0, $4  }
0x51: {  	s22 =	sor.u32 $0x1C03, s23;
	s21 =	sadd.s32 $0x1AF000, s21;
	[bflag:$0x0] =	sbarrier.arrive $0xFFFF  }
0x52: {  	[hbm:s21], [sflag:s22] =	dma.local [spmem:s7], $0x1400  }
0x53: {  	_ =	swait.ge [sflag:s12], $0x1400  }
0x54: {  	s23 =	sadd.s32 $0xFFFFFFFF, s24;
	[sflag:s12] =	ssyncset.done $0x0  }
.LBB2_1:
0x55: {  	p0 =	sne.s32 s23, $0x1;
	s23 =	sadd.s32 $0xFFFFFFFF, s23;
	[sflag:s12] =	ssyncadd.s32 $0xFFFFEC00  }
0x56: {  	[spmem:s7], [sflag:s5] =	dma.local [hbm:s4], $0x1400  }
0x57: {  	[tilespmem:s3], [sflag:$0x2] =	stream.linear.gather [hbm4b:s6+s3], $0x3E8, $0x38;
	[tilespmem:$0x19DE8] =	vst v63  }
0x58: {  	_ = 	snop  }
0x59: {  	[tilespmem:s9], [sflag:$0x2] =	stream.linear.gather [hbm4b:s8+s3], $0xFA00, $0x38;
	[tilespmem:$0x19DE8] =	vst v63  }
0x5a: {  	_ =	swait.ge [sflag:s10], $0x1400  }
0x5b: {  	[sflag:s10] =	ssyncset.done $0x0  }
0x5c: {  	[sflag:s10] =	ssyncadd.s32 $0xFFFFEC00  }
0x5d: {  	[bflag:$0x0] =	sbarrier.arrive $0xFFFF  }
0x5e: {  	_ =	swait.ge [sflag:s11], $0x3E8  }
0x5f: {  	[sflag:s11] =	ssyncset.done $0x0  }
0x60: {  	[sflag:s11] =	ssyncadd.s32 $0xFFFFFC18  }
0x61: {  	_ =	swait.ge [sflag:s11], $0xFA00  }
0x62: {  	[sflag:s11] =	ssyncset.done $0x0  }
0x63: {  	[sflag:s11] =	ssyncadd.s32 $0xFFFF0600  }
0x64: {  	[spmem:s2] =	stream.indirect.scatter.add.f32 [tilespmem:s9], [sflag:$0x3], $0x40, s3, s9, $0xb8;
	[tilespmem:$0x19DE8] =	vst v63  }
0x65: {  	_ =	swait.ge [sflag:s12], $0xFA00  }
0x66: {  	[sflag:s12] =	ssyncset.done $0x0  }
0x67: {  	[sflag:s12] =	ssyncadd.s32 $0xFFFF0600  }
0x68: {  	[tilespmem:s3], [sflag:$0x2] =	stream.linear.gather [hbm4b:s13+s3], $0x3E8, $0x38;
	[tilespmem:$0x19DE8] =	vst v63  }
0x69: {  	_ = 	snop  }
0x6a: {  	[tilespmem:s9], [sflag:$0x2] =	stream.linear.gather [hbm4b:s14+s3], $0xFA00, $0x38;
	[tilespmem:$0x19DE8] =	vst v63  }
0x6b: {  	_ =	swait.ge [sflag:s11], $0x3E8  }
0x6c: {  	[sflag:s11] =	ssyncset.done $0x0  }
0x6d: {  	[sflag:s11] =	ssyncadd.s32 $0xFFFFFC18  }
0x6e: {  	_ =	swait.ge [sflag:s11], $0xFA00  }
0x6f: {  	[sflag:s11] =	ssyncset.done $0x0  }
0x70: {  	[sflag:s11] =	ssyncadd.s32 $0xFFFF0600  }
0x71: {  	[spmem:s2] =	stream.indirect.scatter.add.f32 [tilespmem:s9], [sflag:$0x3], $0x40, s3, s9, $0xb8;
	[tilespmem:$0x19DE8] =	vst v63  }
0x72: {  	_ =	swait.ge [sflag:s12], $0xFA00  }
0x73: {  	[sflag:s12] =	ssyncset.done $0x0  }
0x74: {  	[sflag:s12] =	ssyncadd.s32 $0xFFFF0600  }
0x75: {  	[tilespmem:s3], [sflag:$0x2] =	stream.linear.gather [hbm4b:s15+s3], $0x3E8, $0x38;
	[tilespmem:$0x19DE8] =	vst v63  }
0x76: {  	_ = 	snop  }
0x77: {  	[tilespmem:s9], [sflag:$0x2] =	stream.linear.gather [hbm4b:s16+s3], $0xFA00, $0x38;
	[tilespmem:$0x19DE8] =	vst v63  }
0x78: {  	_ =	swait.ge [sflag:s11], $0x3E8  }
0x79: {  	[sflag:s11] =	ssyncset.done $0x0  }
0x7a: {  	[sflag:s11] =	ssyncadd.s32 $0xFFFFFC18  }
0x7b: {  	_ =	swait.ge [sflag:s11], $0xFA00  }
0x7c: {  	[sflag:s11] =	ssyncset.done $0x0  }
0x7d: {  	[sflag:s11] =	ssyncadd.s32 $0xFFFF0600  }
0x7e: {  	[spmem:s2] =	stream.indirect.scatter.add.f32 [tilespmem:s9], [sflag:$0x3], $0x40, s3, s9, $0xb8;
	[tilespmem:$0x19DE8] =	vst v63  }
0x7f: {  	_ =	swait.ge [sflag:s12], $0xFA00  }
0x80: {  	[sflag:s12] =	ssyncset.done $0x0  }
0x81: {  	[sflag:s12] =	ssyncadd.s32 $0xFFFF0600  }
0x82: {  	[tilespmem:s3], [sflag:$0x2] =	stream.linear.gather [hbm4b:s17+s3], $0x3E8, $0x38;
	[tilespmem:$0x19DE8] =	vst v63  }
0x83: {  	_ = 	snop  }
0x84: {  	[tilespmem:s9], [sflag:$0x2] =	stream.linear.gather [hbm4b:s18+s3], $0xFA00, $0x38;
	[tilespmem:$0x19DE8] =	vst v63  }
0x85: {  	_ =	swait.ge [sflag:s11], $0x3E8  }
0x86: {  	[sflag:s11] =	ssyncset.done $0x0  }
0x87: {  	[sflag:s11] =	ssyncadd.s32 $0xFFFFFC18  }
0x88: {  	_ =	swait.ge [sflag:s11], $0xFA00  }
0x89: {  	[sflag:s11] =	ssyncset.done $0x0  }
0x8a: {  	[sflag:s11] =	ssyncadd.s32 $0xFFFF0600  }
0x8b: {  	[spmem:s2] =	stream.indirect.scatter.add.f32 [tilespmem:s9], [sflag:$0x3], $0x40, s3, s9, $0xb8;
	[tilespmem:$0x19DE8] =	vst v63  }
0x8c: {  	_ =	swait.ge [sflag:s12], $0xFA00  }
0x8d: {  	[sflag:s12] =	ssyncset.done $0x0  }
0x8e: {  	[sflag:s12] =	ssyncadd.s32 $0xFFFF0600  }
0x8f: {  	[tilespmem:s3], [sflag:$0x2] =	stream.linear.gather [hbm4b:s19+s3], $0x3E8, $0x38;
	[tilespmem:$0x19DE8] =	vst v63  }
0x90: {  	_ = 	snop  }
0x91: {  	[tilespmem:s9], [sflag:$0x2] =	stream.linear.gather [hbm4b:s20+s3], $0xFA00, $0x38;
	[tilespmem:$0x19DE8] =	vst v63  }
0x92: {  	_ =	swait.ge [sflag:s11], $0x3E8  }
0x93: {  	[sflag:s11] =	ssyncset.done $0x0  }
0x94: {  	[sflag:s11] =	ssyncadd.s32 $0xFFFFFC18  }
0x95: {  	_ =	swait.ge [sflag:s11], $0xFA00  }
0x96: {  	[sflag:s11] =	ssyncset.done $0x0  }
0x97: {  	[sflag:s11] =	ssyncadd.s32 $0xFFFF0600  }
0x98: {  	[spmem:s2] =	stream.indirect.scatter.add.f32 [tilespmem:s9], [sflag:$0x3], $0x40, s3, s9, $0xb8;
	[tilespmem:$0x19DE8] =	vst v63  }
0x99: {  	_ =	swait.ge [sflag:s12], $0xFA00  }
0x9a: {  	[sflag:s12] =	ssyncset.done $0x0  }
.Ltmp1:
0x9b: {  	[sflag:s12] =	ssyncadd.s32 $0xFFFF0600;
	(pc) =	sbr.rel @p0 .LBB2_1-.Ltmp1, $4  }
0x9c: {  	[bflag:$0x0] =	sbarrier.arrive $0xFFFF  }
0x9d: {  	[hbm:s21], [sflag:s22] =	dma.local [spmem:s7], $0x1400  }
0x9e: {  	_ =	swait.ge [sflag:s12], $0x1400  }
0x9f: {  	[sflag:s12] =	ssyncset.done $0x0  }
.LBB2_2:
0xa0: {  	[sflag:s12] =	ssyncadd.s32 $0xFFFFEC00  }
0xa1: {  	_ =	sfence.sel $0x180000  }
0xa2: {  	[bflag:$0x0] =	sbarrier.arrive $0xFFFF  }
0xa3: {  	p0 =	sne.s32 s1, $0x0;
	_ =	strace $0x90000050  }
0xa4: {  	s0 =	sadd.s32 @!p0 $0x100000, s0;
	[bflag:$0x2] =	sbarrier.arrive $0xFFFF  }
0xa5: {  	[sflag:s0] =	ssyncadd.tile.s32 @!p0 $0x1;
	_ =	shalt  }
.Lfunc_end2:
_tile_overlayer_lowered:
.L_overlay_start_2:
0xa6: {  	(tag) =	ssettag $0x2  }
0xa7: {  	s0 =	rddreg [dreg:$0x0];
	s2 =	stileid.u32  }
0xa8: {  	s1 =	rddreg [dreg:$0x1];
	p0 =	sne.s32 s2, $0x0  }
0xa9: {  	s3 =	rddreg [dreg:$0x2];
	[bflag:$0x3] =	sbarrier.arrive $0xFFFF;
	s2 =	simm.s32 @!p0 $0x1C03  }
0xaa: {  	[timem:s3], [sflag:s2] =	dma.local @!p0 [hbm:s0], s1  }
0xab: {  	s0 =	simm.s32 @!p0 $0x3  }
0xac: {  	_ =	swait.ge @!p0 [sflag:s0], s1  }
0xad: {  	s1 =	ssub.s32 @!p0 $0x0, s1;
	[sflag:s0] =	ssyncset.done @!p0 $0x0  }
0xae: {  	[sflag:s0] =	ssyncadd.s32 @!p0 s1  }
0xaf: {  	[bflag:$0x3] =	sbarrier.arrive $0xFFFF  }
0xb0: {  	_ =	shalt  }

</sc_bundles>
